<compile_context>
chip_gen: v7x
topology: tpu7x:2x2x1
jax: 0.10.2.dev20260603
libtpu: 0.0.44.dev20260713+nightly
codegen_flags: <defaults>
</compile_context>

<pallas_src>
import functools

import jax
import jax.numpy as jnp
from jax import lax
from jax.experimental import pallas as pl
from jax.experimental.pallas import tpu as pltpu
from jax.experimental.pallas import tpu_sc as plsc

N = 10000
E = 320000
H = 128
EPS = 1e-5

NC = 2
NS = 16
CH = 128
EPAD = 327680
EPC = EPAD // NC
EPT = EPC // NS
NCHUNK = EPT // CH
NPAD = 10240
RPT = NPAD // NS
ZR = 32
CPT = NPAD // NS

ROWBLK = 1000
GRID = N // ROWBLK



def _deg_partials(dst):
    mesh = plsc.VectorSubcoreMesh(core_axis_name="c", subcore_axis_name="s")

    @functools.partial(
        pl.kernel,
        mesh=mesh,
        out_type=jax.ShapeDtypeStruct((NC * NPAD,), jnp.float32),
        scratch_types=[
            pltpu.VMEM((CH,), jnp.int32),
            pltpu.VMEM((CH,), jnp.int32),
            pltpu.VMEM((CH,), jnp.float32),
            pltpu.VMEM((CPT,), jnp.float32),
            pltpu.VMEM_SHARED((NPAD,), jnp.float32),
            pltpu.SemaphoreType.DMA,
        ],
    )
    def deg_kernel(dst_hbm, out_hbm, idx0, idx1, ones_v, zbuf, cnt, isem):
        core = lax.axis_index("c")
        sid = lax.axis_index("s")
        for k in range(CPT // 16):
            zbuf[pl.ds(16 * k, 16)] = jnp.zeros((16,), jnp.float32)
        for k in range(CH // 16):
            ones_v[pl.ds(16 * k, 16)] = jnp.ones((16,), jnp.float32)
        base_c = pl.multiple_of(sid * CPT, 8)
        pltpu.sync_copy(zbuf, cnt.at[pl.ds(base_c, CPT)])
        ebase = pl.multiple_of(core * EPC + sid * EPT, 8)
        plsc.subcore_barrier()

        def idx_dma(j, ibuf):
            b = pl.multiple_of(ebase + j * CH, 8)
            return pltpu.make_async_copy(dst_hbm.at[pl.ds(b, CH)], ibuf, isem)

        def step(j, icur, ioth):
            idx_dma(j, icur).wait()

            @pl.when(j < NCHUNK - 1)
            def _():
                idx_dma(j + 1, ioth).start()

            pltpu.sync_copy(ones_v, cnt.at[icur], add=True)

        idx_dma(0, idx0).start()

        def body(t, carry):
            step(2 * t, idx0, idx1)
            step(2 * t + 1, idx1, idx0)
            return carry

        lax.fori_loop(0, NCHUNK // 2 - 1, body, 0)
        step(NCHUNK - 2, idx0, idx1)
        step(NCHUNK - 1, idx1, idx0)
        plsc.subcore_barrier()
        obase = pl.multiple_of(core * NPAD + sid * CPT, 8)
        pltpu.sync_copy(cnt.at[pl.ds(base_c, CPT)], zbuf)
        pltpu.sync_copy(zbuf, out_hbm.at[pl.ds(obase, CPT)])

    return deg_kernel(dst).reshape(NC, NPAD)


def _scatter_partials(u, src, dst):
    mesh = plsc.VectorSubcoreMesh(core_axis_name="c", subcore_axis_name="s")

    CH3 = 80
    NCH3 = EPT // CH3

    @functools.partial(
        pl.kernel,
        mesh=mesh,
        out_type=jax.ShapeDtypeStruct((NC, NPAD, H), jnp.float32),
        scratch_types=[
            pltpu.VMEM((EPT,), jnp.int32),
            pltpu.VMEM((CH3,), jnp.int32),
            pltpu.VMEM((CH3,), jnp.int32),
            pltpu.VMEM((CH3,), jnp.int32),
            pltpu.VMEM((CH3, H), jnp.float32),
            pltpu.VMEM((CH3, H), jnp.float32),
            pltpu.VMEM((CH3, H), jnp.float32),
            pltpu.VMEM((ZR, H), jnp.float32),
            pltpu.VMEM_SHARED((NPAD, H), jnp.float32),
            pltpu.SemaphoreType.DMA,
            pltpu.SemaphoreType.DMA,
            pltpu.SemaphoreType.DMA,
        ],
    )
    def scatter_kernel(u_hbm, src_hbm, dst_hbm, out_hbm, sidx, i0, i1, i2,
                       r0, r1, r2, zbuf, acc, gsem, isem, ssem):
        core = lax.axis_index("c")
        sid = lax.axis_index("s")
        rb = [r0, r1, r2]
        ib = [i0, i1, i2]

        def zrow(i, carry):
            for k in range(H // 16):
                zbuf[i, pl.ds(16 * k, 16)] = jnp.zeros((16,), jnp.float32)
            return carry

        lax.fori_loop(0, ZR, zrow, 0)
        row0 = pl.multiple_of(sid * RPT, 8)
        for k in range(RPT // ZR):
            pltpu.sync_copy(zbuf, acc.at[pl.ds(row0 + k * ZR, ZR)])
        ebase = pl.multiple_of(core * EPC + sid * EPT, 8)
        pltpu.sync_copy(src_hbm.at[pl.ds(ebase, EPT)], sidx)
        plsc.subcore_barrier()

        def gather_of(j, rbuf):
            b = pl.multiple_of(j * CH3, 8)
            return pltpu.make_async_copy(u_hbm.at[sidx.at[pl.ds(b, CH3)]],
                                         rbuf, gsem)

        def idx_dma(j, ibuf):
            b = pl.multiple_of(ebase + j * CH3, 8)
            return pltpu.make_async_copy(dst_hbm.at[pl.ds(b, CH3)], ibuf, isem)

        def scat_wait(rbuf, ibuf):
            pltpu.make_async_copy(rbuf, acc.at[ibuf], ssem).wait()

        def step(j, s):
            s2 = (s + 2) % 3
            gather_of(j, rb[s]).wait()

            @pl.when(j >= 1)
            def _():
                scat_wait(rb[s2], ib[s2])

            @pl.when(j + 2 < NCH3)
            def _():
                gather_of(j + 2, rb[s2]).start()
                idx_dma(j + 2, ib[s2]).start()

            idx_dma(j, ib[s]).wait()
            pltpu.async_copy(rb[s], acc.at[ib[s]], ssem, add=True)

        for j in range(2):
            idx_dma(j, ib[j]).start()
            gather_of(j, rb[j]).start()

        def trip(t, carry):
            step(3 * t, 0)
            step(3 * t + 1, 1)
            step(3 * t + 2, 2)
            return carry

        lax.fori_loop(0, NCH3 // 3, trip, 0)
        step(NCH3 - 2, 0)
        step(NCH3 - 1, 1)
        scat_wait(rb[1], ib[1])
        plsc.subcore_barrier()
        for k in range(RPT // ZR):
            pltpu.sync_copy(acc.at[pl.ds(row0 + k * ZR, ZR)], zbuf)
            pltpu.sync_copy(zbuf, out_hbm.at[core, pl.ds(row0 + k * ZR, ZR)])

    return scatter_kernel(u, src, dst)[:, :N, :]



def _dscale(c_ref):
    deg = c_ref[:, 0] + c_ref[:, 1] + 1.0
    return lax.rsqrt(deg)


def _mm_body(x_ref, w_ref, o_ref):
    o_ref[...] = jnp.dot(x_ref[...], w_ref[...],
                         preferred_element_type=jnp.float32,
                         precision=lax.Precision.HIGHEST)


def _matmul(x, W):
    return pl.pallas_call(
        _mm_body,
        grid=(GRID,),
        in_specs=[
            pl.BlockSpec((ROWBLK, H), lambda i: (i, 0)),
            pl.BlockSpec((H, H), lambda i: (0, 0)),
        ],
        out_specs=pl.BlockSpec((ROWBLK, H), lambda i: (i, 0)),
        out_shape=jax.ShapeDtypeStruct((N, H), jnp.float32),
    )(x, W)


def _scale_body(h_ref, c_ref, o_ref):
    o_ref[...] = h_ref[...] * _dscale(c_ref)[:, None]


def _scale(h, counts):
    return pl.pallas_call(
        _scale_body,
        grid=(GRID,),
        in_specs=[
            pl.BlockSpec((ROWBLK, H), lambda i: (i, 0)),
            pl.BlockSpec((ROWBLK, NC), lambda i: (i, 0)),
        ],
        out_specs=pl.BlockSpec((ROWBLK, H), lambda i: (i, 0)),
        out_shape=jax.ShapeDtypeStruct((N, H), jnp.float32),
    )(h, counts)


def _combine_body(s_ref, u_ref, c_ref, b_ref, a_ref, st_ref):
    i = pl.program_id(0)
    d = _dscale(c_ref)
    s = s_ref[0] + s_ref[1] + u_ref[...]
    a = s * d[:, None] + b_ref[...]
    a_ref[...] = a
    cs = jnp.sum(a, axis=0, keepdims=True)
    cq = jnp.sum(a * a, axis=0, keepdims=True)
    st = jnp.concatenate([cs, cq], axis=0)

    @pl.when(i == 0)
    def _():
        st_ref[...] = st

    @pl.when(i > 0)
    def _():
        st_ref[...] = st_ref[...] + st


def _combine(S, u, counts, b):
    return pl.pallas_call(
        _combine_body,
        grid=(GRID,),
        in_specs=[
            pl.BlockSpec((NC, ROWBLK, H), lambda i: (0, i, 0)),
            pl.BlockSpec((ROWBLK, H), lambda i: (i, 0)),
            pl.BlockSpec((ROWBLK, NC), lambda i: (i, 0)),
            pl.BlockSpec((1, H), lambda i: (0, 0)),
        ],
        out_specs=[
            pl.BlockSpec((ROWBLK, H), lambda i: (i, 0)),
            pl.BlockSpec((2, H), lambda i: (0, 0)),
        ],
        out_shape=[
            jax.ShapeDtypeStruct((N, H), jnp.float32),
            jax.ShapeDtypeStruct((2, H), jnp.float32),
        ],
    )(S, u, counts, b)


def _bn_relu(a_ref, st_ref, g_ref, bt_ref):
    mean = st_ref[0, :] * (1.0 / N)
    var = st_ref[1, :] * (1.0 / N) - mean * mean
    inv = lax.rsqrt(var + EPS)
    y = (a_ref[...] - mean[None, :]) * (inv[None, :] * g_ref[...]) + bt_ref[...]
    return jnp.maximum(y, 0.0)


def _normmm_body(a_ref, st_ref, g_ref, bt_ref, w_ref, c_ref, o_ref):
    y = _bn_relu(a_ref, st_ref, g_ref, bt_ref)
    hh = jnp.dot(y, w_ref[...], preferred_element_type=jnp.float32,
                 precision=lax.Precision.HIGHEST)
    o_ref[...] = hh * _dscale(c_ref)[:, None]


def _norm_matmul_scale(a, st, g, bt, W, counts):
    return pl.pallas_call(
        _normmm_body,
        grid=(GRID,),
        in_specs=[
            pl.BlockSpec((ROWBLK, H), lambda i: (i, 0)),
            pl.BlockSpec((2, H), lambda i: (0, 0)),
            pl.BlockSpec((1, H), lambda i: (0, 0)),
            pl.BlockSpec((1, H), lambda i: (0, 0)),
            pl.BlockSpec((H, H), lambda i: (0, 0)),
            pl.BlockSpec((ROWBLK, NC), lambda i: (i, 0)),
        ],
        out_specs=pl.BlockSpec((ROWBLK, H), lambda i: (i, 0)),
        out_shape=jax.ShapeDtypeStruct((N, H), jnp.float32),
    )(a, st, g, bt, W, counts)


def _final_body(a_ref, st_ref, g_ref, bt_ref, o_ref):
    o_ref[...] = _bn_relu(a_ref, st_ref, g_ref, bt_ref)


def _final_norm(a, st, g, bt):
    return pl.pallas_call(
        _final_body,
        grid=(GRID,),
        in_specs=[
            pl.BlockSpec((ROWBLK, H), lambda i: (i, 0)),
            pl.BlockSpec((2, H), lambda i: (0, 0)),
            pl.BlockSpec((1, H), lambda i: (0, 0)),
            pl.BlockSpec((1, H), lambda i: (0, 0)),
        ],
        out_specs=pl.BlockSpec((ROWBLK, H), lambda i: (i, 0)),
        out_shape=jax.ShapeDtypeStruct((N, H), jnp.float32),
    )(a, st, g, bt)



def kernel(x, edge_index, W1, b1, g1, bt1, W2, b2, g2, bt2):
    pad = EPAD - E
    src = jnp.concatenate([edge_index[0],
                           jnp.zeros((pad,), edge_index.dtype)])
    dst = jnp.concatenate([edge_index[1],
                           jnp.full((pad,), NPAD - 1, edge_index.dtype)])
    counts = _deg_partials(dst)[:, :N].T

    h1 = _matmul(x, W1)
    u1 = _scale(h1, counts)
    S1 = _scatter_partials(u1, src, dst)
    a1, st1 = _combine(S1, u1, counts, b1.reshape(1, H))

    u2 = _norm_matmul_scale(a1, st1, g1.reshape(1, H), bt1.reshape(1, H), W2,
                            counts)
    S2 = _scatter_partials(u2, src, dst)
    a2, st2 = _combine(S2, u2, counts, b2.reshape(1, H))

    return _final_norm(a2, st2, g2.reshape(1, H), bt2.reshape(1, H))

# --- scband reference (transcript-rebuilt; emitter-appended) ---
"""Pipeline reference for scband-temporal-gnn-34600256537208 (READ-ONLY COPY).

The authoritative reference and input builder live on the scoring server;
editing this copy changes nothing except your own understanding.
"""

import jax, jax.numpy as jnp
import numpy as np

N = 10000
E = 320000
F_IN = 128
H = 128
EPS = 1e-5


def setup_inputs(seed: int = 0) -> dict:
    key = jax.random.key(seed)
    ks = jax.random.split(key, 12)
    x = jax.random.normal(ks[0], (N, F_IN), dtype=jnp.float32)
    edge_index = jax.random.randint(ks[1], (2, E), 0, N, dtype=jnp.int32)
    W1 = jax.random.normal(ks[2], (F_IN, H), dtype=jnp.float32) / np.sqrt(F_IN)
    b1 = jnp.zeros((H,), dtype=jnp.float32)
    g1 = jnp.ones((H,), dtype=jnp.float32)
    bt1 = jnp.zeros((H,), dtype=jnp.float32)
    W2 = jax.random.normal(ks[3], (H, H), dtype=jnp.float32) / np.sqrt(H)
    b2 = jnp.zeros((H,), dtype=jnp.float32)
    g2 = jnp.ones((H,), dtype=jnp.float32)
    bt2 = jnp.zeros((H,), dtype=jnp.float32)
    return {"x": x, "edge_index": edge_index, "W1": W1, "b1": b1, "g1": g1, "bt1": bt1, "W2": W2, "b2": b2, "g2": g2, "bt2": bt2}


def gcn_conv(x, edge_index, W, b):
    # PyG-style GCNConv: linear transform, add self-loops, symmetric normalization, scatter-add aggregation, bias.
    n = x.shape[0]
    loop = jnp.arange(n, dtype=edge_index.dtype)
    src = jnp.concatenate([edge_index[0], loop])
    dst = jnp.concatenate([edge_index[1], loop])
    deg = jnp.zeros((n,), dtype=x.dtype).at[dst].add(1.0)
    d_inv_sqrt = jnp.where(deg > 0, deg ** -0.5, 0.0)
    norm = d_inv_sqrt[src] * d_inv_sqrt[dst]
    h = x @ W
    msg = h[src] * norm[:, None]
    out = jnp.zeros_like(h).at[dst].add(msg)
    return out + b


def batch_norm(x, gamma, beta):
    mean = jnp.mean(x, axis=0)
    var = jnp.var(x, axis=0)
    return (x - mean) / jnp.sqrt(var + EPS) * gamma + beta


def reference(x, edge_index, W1, b1, g1, bt1, W2, b2, g2, bt2):
    h = gcn_conv(x, edge_index, W1, b1)
    h = batch_norm(h, g1, bt1)
    h = jax.nn.relu(h)
    # dropout: eval mode -> identity
    h = gcn_conv(h, edge_index, W2, b2)
    h = batch_norm(h, g2, bt2)
    h = jax.nn.relu(h)
    return h

if __name__ == "__main__":
    import jax
    _d = setup_inputs()
    print(jax.jit(kernel)(*tuple(_d.values())))

</pallas_src>

<mosaic_0001>
#map = affine_map<(d0, d1) -> (0)>
module attributes {stable_mosaic.version = 14 : i64} {
  func.func @deg_kernel(%arg0: i32, %arg1: i32, %arg2: memref<327680xi32, #tpu.memory_space<hbm>>, %arg3: memref<20480xf32, #tpu.memory_space<hbm>>, %arg4: memref<128xi32, #tpu.memory_space<vmem>>, %arg5: memref<128xi32, #tpu.memory_space<vmem>>, %arg6: memref<128xf32, #tpu.memory_space<vmem>>, %arg7: memref<640xf32, #tpu.memory_space<vmem>>, %arg8: memref<10240xf32, #tpu.memory_space<vmem_shared>>, %arg9: memref<!tpu.dma_semaphore, #tpu.memory_space<semaphore_mem>>) attributes {dimension_semantics = [#tpu.dimension_semantics<core_parallel>, #tpu.dimension_semantics<subcore_parallel>], iteration_bounds = array<i64: 2, 16>, scalar_prefetch = 0 : i64, scratch_operands = 6 : i64, tpu.core_type = #tpu.core_type<sc_vector_subcore>, window_params = [{transform_indices = #map}, {transform_indices = #map}]} {
    %broadcast_in_dim3A = arith.constant 0.000000e+00 : f32
    %broadcast_in_dim3A_0 = vector.broadcast %broadcast_in_dim3A : f32 to vector<16xf32>
    %swap3A = arith.constant 0 : index
    %swap3A_1 = tpu.vector_load %arg7[%swap3A] {strides = array<i32>} : memref<640xf32, #tpu.memory_space<vmem>>, vector<16xf32>,
    %swap3A_2 = vector.shape_cast %swap3A_1 : vector<16xf32> to vector<16xf32>
    %swap3A_3 = vector.shape_cast %broadcast_in_dim3A_0 : vector<16xf32> to vector<16xf32>
    tpu.vector_store %arg7[%swap3A], %swap3A_3 {strides = array<i32>} : memref<640xf32, #tpu.memory_space<vmem>>, vector<16xf32>,
    %broadcast_in_dim3A_4 = arith.constant 0.000000e+00 : f32
    %broadcast_in_dim3A_5 = vector.broadcast %broadcast_in_dim3A_4 : f32 to vector<16xf32>
    %swap3A_6 = arith.constant 16 : index
    %swap3A_7 = tpu.vector_load %arg7[%swap3A_6] {strides = array<i32>} : memref<640xf32, #tpu.memory_space<vmem>>, vector<16xf32>,
    %swap3A_8 = vector.shape_cast %swap3A_7 : vector<16xf32> to vector<16xf32>
    %swap3A_9 = vector.shape_cast %broadcast_in_dim3A_5 : vector<16xf32> to vector<16xf32>
    tpu.vector_store %arg7[%swap3A_6], %swap3A_9 {strides = array<i32>} : memref<640xf32, #tpu.memory_space<vmem>>, vector<16xf32>,
    %broadcast_in_dim3A_10 = arith.constant 0.000000e+00 : f32
    %broadcast_in_dim3A_11 = vector.broadcast %broadcast_in_dim3A_10 : f32 to vector<16xf32>
    %swap3A_12 = arith.constant 32 : index
    %swap3A_13 = tpu.vector_load %arg7[%swap3A_12] {strides = array<i32>} : memref<640xf32, #tpu.memory_space<vmem>>, vector<16xf32>,
    %swap3A_14 = vector.shape_cast %swap3A_13 : vector<16xf32> to vector<16xf32>
    %swap3A_15 = vector.shape_cast %broadcast_in_dim3A_11 : vector<16xf32> to vector<16xf32>
    tpu.vector_store %arg7[%swap3A_12], %swap3A_15 {strides = array<i32>} : memref<640xf32, #tpu.memory_space<vmem>>, vector<16xf32>,
    %broadcast_in_dim3A_16 = arith.constant 0.000000e+00 : f32
    %broadcast_in_dim3A_17 = vector.broadcast %broadcast_in_dim3A_16 : f32 to vector<16xf32>
    %swap3A_18 = arith.constant 48 : index
    %swap3A_19 = tpu.vector_load %arg7[%swap3A_18] {strides = array<i32>} : memref<640xf32, #tpu.memory_space<vmem>>, vector<16xf32>,
    %swap3A_20 = vector.shape_cast %swap3A_19 : vector<16xf32> to vector<16xf32>
    %swap3A_21 = vector.shape_cast %broadcast_in_dim3A_17 : vector<16xf32> to vector<16xf32>
    tpu.vector_store %arg7[%swap3A_18], %swap3A_21 {strides = array<i32>} : memref<640xf32, #tpu.memory_space<vmem>>, vector<16xf32>,
    %broadcast_in_dim3A_22 = arith.constant 0.000000e+00 : f32
    %broadcast_in_dim3A_23 = vector.broadcast %broadcast_in_dim3A_22 : f32 to vector<16xf32>
    %swap3A_24 = arith.constant 64 : index
    %swap3A_25 = tpu.vector_load %arg7[%swap3A_24] {strides = array<i32>} : memref<640xf32, #tpu.memory_space<vmem>>, vector<16xf32>,
    %swap3A_26 = vector.shape_cast %swap3A_25 : vector<16xf32> to vector<16xf32>
    %swap3A_27 = vector.shape_cast %broadcast_in_dim3A_23 : vector<16xf32> to vector<16xf32>
    tpu.vector_store %arg7[%swap3A_24], %swap3A_27 {strides = array<i32>} : memref<640xf32, #tpu.memory_space<vmem>>, vector<16xf32>,
    %broadcast_in_dim3A_28 = arith.constant 0.000000e+00 : f32
    %broadcast_in_dim3A_29 = vector.broadcast %broadcast_in_dim3A_28 : f32 to vector<16xf32>
    %swap3A_30 = arith.constant 80 : index
    %swap3A_31 = tpu.vector_load %arg7[%swap3A_30] {strides = array<i32>} : memref<640xf32, #tpu.memory_space<vmem>>, vector<16xf32>,
    %swap3A_32 = vector.shape_cast %swap3A_31 : vector<16xf32> to vector<16xf32>
    %swap3A_33 = vector.shape_cast %broadcast_in_dim3A_29 : vector<16xf32> to vector<16xf32>
    tpu.vector_store %arg7[%swap3A_30], %swap3A_33 {strides = array<i32>} : memref<640xf32, #tpu.memory_space<vmem>>, vector<16xf32>,
    %broadcast_in_dim3A_34 = arith.constant 0.000000e+00 : f32
    %broadcast_in_dim3A_35 = vector.broadcast %broadcast_in_dim3A_34 : f32 to vector<16xf32>
    %swap3A_36 = arith.constant 96 : index
    %swap3A_37 = tpu.vector_load %arg7[%swap3A_36] {strides = array<i32>} : memref<640xf32, #tpu.memory_space<vmem>>, vector<16xf32>,
    %swap3A_38 = vector.shape_cast %swap3A_37 : vector<16xf32> to vector<16xf32>
    %swap3A_39 = vector.shape_cast %broadcast_in_dim3A_35 : vector<16xf32> to vector<16xf32>
    tpu.vector_store %arg7[%swap3A_36], %swap3A_39 {strides = array<i32>} : memref<640xf32, #tpu.memory_space<vmem>>, vector<16xf32>,
    %broadcast_in_dim3A_40 = arith.constant 0.000000e+00 : f32
    %broadcast_in_dim3A_41 = vector.broadcast %broadcast_in_dim3A_40 : f32 to vector<16xf32>
    %swap3A_42 = arith.constant 112 : index
    %swap3A_43 = tpu.vector_load %arg7[%swap3A_42] {strides = array<i32>} : memref<640xf32, #tpu.memory_space<vmem>>, vector<16xf32>,
    %swap3A_44 = vector.shape_cast %swap3A_43 : vector<16xf32> to vector<16xf32>
    %swap3A_45 = vector.shape_cast %broadcast_in_dim3A_41 : vector<16xf32> to vector<16xf32>
    tpu.vector_store %arg7[%swap3A_42], %swap3A_45 {strides = array<i32>} : memref<640xf32, #tpu.memory_space<vmem>>, vector<16xf32>,
    %broadcast_in_dim3A_46 = arith.constant 0.000000e+00 : f32
    %broadcast_in_dim3A_47 = vector.broadcast %broadcast_in_dim3A_46 : f32 to vector<16xf32>
    %swap3A_48 = arith.constant 128 : index
    %swap3A_49 = tpu.vector_load %arg7[%swap3A_48] {strides = array<i32>} : memref<640xf32, #tpu.memory_space<vmem>>, vector<16xf32>,
    %swap3A_50 = vector.shape_cast %swap3A_49 : vector<16xf32> to vector<16xf32>
    %swap3A_51 = vector.shape_cast %broadcast_in_dim3A_47 : vector<16xf32> to vector<16xf32>
    tpu.vector_store %arg7[%swap3A_48], %swap3A_51 {strides = array<i32>} : memref<640xf32, #tpu.memory_space<vmem>>, vector<16xf32>,
    %broadcast_in_dim3A_52 = arith.constant 0.000000e+00 : f32
    %broadcast_in_dim3A_53 = vector.broadcast %broadcast_in_dim3A_52 : f32 to vector<16xf32>
    %swap3A_54 = arith.constant 144 : index
    %swap3A_55 = tpu.vector_load %arg7[%swap3A_54] {strides = array<i32>} : memref<640xf32, #tpu.memory_space<vmem>>, vector<16xf32>,
    %swap3A_56 = vector.shape_cast %swap3A_55 : vector<16xf32> to vector<16xf32>
    %swap3A_57 = vector.shape_cast %broadcast_in_dim3A_53 : vector<16xf32> to vector<16xf32>
    tpu.vector_store %arg7[%swap3A_54], %swap3A_57 {strides = array<i32>} : memref<640xf32, #tpu.memory_space<vmem>>, vector<16xf32>,
    %broadcast_in_dim3A_58 = arith.constant 0.000000e+00 : f32
    %broadcast_in_dim3A_59 = vector.broadcast %broadcast_in_dim3A_58 : f32 to vector<16xf32>
    %swap3A_60 = arith.constant 160 : index
    %swap3A_61 = tpu.vector_load %arg7[%swap3A_60] {strides = array<i32>} : memref<640xf32, #tpu.memory_space<vmem>>, vector<16xf32>,
    %swap3A_62 = vector.shape_cast %swap3A_61 : vector<16xf32> to vector<16xf32>
    %swap3A_63 = vector.shape_cast %broadcast_in_dim3A_59 : vector<16xf32> to vector<16xf32>
    tpu.vector_store %arg7[%swap3A_60], %swap3A_63 {strides = array<i32>} : memref<640xf32, #tpu.memory_space<vmem>>, vector<16xf32>,
    %broadcast_in_dim3A_64 = arith.constant 0.000000e+00 : f32
    %broadcast_in_dim3A_65 = vector.broadcast %broadcast_in_dim3A_64 : f32 to vector<16xf32>
    %swap3A_66 = arith.constant 176 : index
    %swap3A_67 = tpu.vector_load %arg7[%swap3A_66] {strides = array<i32>} : memref<640xf32, #tpu.memory_space<vmem>>, vector<16xf32>,
    %swap3A_68 = vector.shape_cast %swap3A_67 : vector<16xf32> to vector<16xf32>
    %swap3A_69 = vector.shape_cast %broadcast_in_dim3A_65 : vector<16xf32> to vector<16xf32>
    tpu.vector_store %arg7[%swap3A_66], %swap3A_69 {strides = array<i32>} : memref<640xf32, #tpu.memory_space<vmem>>, vector<16xf32>,
    %broadcast_in_dim3A_70 = arith.constant 0.000000e+00 : f32
    %broadcast_in_dim3A_71 = vector.broadcast %broadcast_in_dim3A_70 : f32 to vector<16xf32>
    %swap3A_72 = arith.constant 192 : index
    %swap3A_73 = tpu.vector_load %arg7[%swap3A_72] {strides = array<i32>} : memref<640xf32, #tpu.memory_space<vmem>>, vector<16xf32>,
    %swap3A_74 = vector.shape_cast %swap3A_73 : vector<16xf32> to vector<16xf32>
    %swap3A_75 = vector.shape_cast %broadcast_in_dim3A_71 : vector<16xf32> to vector<16xf32>
    tpu.vector_store %arg7[%swap3A_72], %swap3A_75 {strides = array<i32>} : memref<640xf32, #tpu.memory_space<vmem>>, vector<16xf32>,
    %broadcast_in_dim3A_76 = arith.constant 0.000000e+00 : f32
    %broadcast_in_dim3A_77 = vector.broadcast %broadcast_in_dim3A_76 : f32 to vector<16xf32>
    %swap3A_78 = arith.constant 208 : index
    %swap3A_79 = tpu.vector_load %arg7[%swap3A_78] {strides = array<i32>} : memref<640xf32, #tpu.memory_space<vmem>>, vector<16xf32>,
    %swap3A_80 = vector.shape_cast %swap3A_79 : vector<16xf32> to vector<16xf32>
    %swap3A_81 = vector.shape_cast %broadcast_in_dim3A_77 : vector<16xf32> to vector<16xf32>
    tpu.vector_store %arg7[%swap3A_78], %swap3A_81 {strides = array<i32>} : memref<640xf32, #tpu.memory_space<vmem>>, vector<16xf32>,
    %broadcast_in_dim3A_82 = arith.constant 0.000000e+00 : f32
    %broadcast_in_dim3A_83 = vector.broadcast %broadcast_in_dim3A_82 : f32 to vector<16xf32>
    %swap3A_84 = arith.constant 224 : index
    %swap3A_85 = tpu.vector_load %arg7[%swap3A_84] {strides = array<i32>} : memref<640xf32, #tpu.memory_space<vmem>>, vector<16xf32>,
    %swap3A_86 = vector.shape_cast %swap3A_85 : vector<16xf32> to vector<16xf32>
    %swap3A_87 = vector.shape_cast %broadcast_in_dim3A_83 : vector<16xf32> to vector<16xf32>
    tpu.vector_store %arg7[%swap3A_84], %swap3A_87 {strides = array<i32>} : memref<640xf32, #tpu.memory_space<vmem>>, vector<16xf32>,
    %broadcast_in_dim3A_88 = arith.constant 0.000000e+00 : f32
    %broadcast_in_dim3A_89 = vector.broadcast %broadcast_in_dim3A_88 : f32 to vector<16xf32>
    %swap3A_90 = arith.constant 240 : index
    %swap3A_91 = tpu.vector_load %arg7[%swap3A_90] {strides = array<i32>} : memref<640xf32, #tpu.memory_space<vmem>>, vector<16xf32>,
    %swap3A_92 = vector.shape_cast %swap3A_91 : vector<16xf32> to vector<16xf32>
    %swap3A_93 = vector.shape_cast %broadcast_in_dim3A_89 : vector<16xf32> to vector<16xf32>
    tpu.vector_store %arg7[%swap3A_90], %swap3A_93 {strides = array<i32>} : memref<640xf32, #tpu.memory_space<vmem>>, vector<16xf32>,
    %broadcast_in_dim3A_94 = arith.constant 0.000000e+00 : f32
    %broadcast_in_dim3A_95 = vector.broadcast %broadcast_in_dim3A_94 : f32 to vector<16xf32>
    %swap3A_96 = arith.constant 256 : index
    %swap3A_97 = tpu.vector_load %arg7[%swap3A_96] {strides = array<i32>} : memref<640xf32, #tpu.memory_space<vmem>>, vector<16xf32>,
    %swap3A_98 = vector.shape_cast %swap3A_97 : vector<16xf32> to vector<16xf32>
    %swap3A_99 = vector.shape_cast %broadcast_in_dim3A_95 : vector<16xf32> to vector<16xf32>
    tpu.vector_store %arg7[%swap3A_96], %swap3A_99 {strides = array<i32>} : memref<640xf32, #tpu.memory_space<vmem>>, vector<16xf32>,
    %broadcast_in_dim3A_100 = arith.constant 0.000000e+00 : f32
    %broadcast_in_dim3A_101 = vector.broadcast %broadcast_in_dim3A_100 : f32 to vector<16xf32>
    %swap3A_102 = arith.constant 272 : index
    %swap3A_103 = tpu.vector_load %arg7[%swap3A_102] {strides = array<i32>} : memref<640xf32, #tpu.memory_space<vmem>>, vector<16xf32>,
    %swap3A_104 = vector.shape_cast %swap3A_103 : vector<16xf32> to vector<16xf32>
    %swap3A_105 = vector.shape_cast %broadcast_in_dim3A_101 : vector<16xf32> to vector<16xf32>
    tpu.vector_store %arg7[%swap3A_102], %swap3A_105 {strides = array<i32>} : memref<640xf32, #tpu.memory_space<vmem>>, vector<16xf32>,
    %broadcast_in_dim3A_106 = arith.constant 0.000000e+00 : f32
    %broadcast_in_dim3A_107 = vector.broadcast %broadcast_in_dim3A_106 : f32 to vector<16xf32>
    %swap3A_108 = arith.constant 288 : index
    %swap3A_109 = tpu.vector_load %arg7[%swap3A_108] {strides = array<i32>} : memref<640xf32, #tpu.memory_space<vmem>>, vector<16xf32>,
    %swap3A_110 = vector.shape_cast %swap3A_109 : vector<16xf32> to vector<16xf32>
    %swap3A_111 = vector.shape_cast %broadcast_in_dim3A_107 : vector<16xf32> to vector<16xf32>
    tpu.vector_store %arg7[%swap3A_108], %swap3A_111 {strides = array<i32>} : memref<640xf32, #tpu.memory_space<vmem>>, vector<16xf32>,
    %broadcast_in_dim3A_112 = arith.constant 0.000000e+00 : f32
    %broadcast_in_dim3A_113 = vector.broadcast %broadcast_in_dim3A_112 : f32 to vector<16xf32>
    %swap3A_114 = arith.constant 304 : index
    %swap3A_115 = tpu.vector_load %arg7[%swap3A_114] {strides = array<i32>} : memref<640xf32, #tpu.memory_space<vmem>>, vector<16xf32>,
    %swap3A_116 = vector.shape_cast %swap3A_115 : vector<16xf32> to vector<16xf32>
    %swap3A_117 = vector.shape_cast %broadcast_in_dim3A_113 : vector<16xf32> to vector<16xf32>
    tpu.vector_store %arg7[%swap3A_114], %swap3A_117 {strides = array<i32>} : memref<640xf32, #tpu.memory_space<vmem>>, vector<16xf32>,
    %broadcast_in_dim3A_118 = arith.constant 0.000000e+00 : f32
    %broadcast_in_dim3A_119 = vector.broadcast %broadcast_in_dim3A_118 : f32 to vector<16xf32>
    %swap3A_120 = arith.constant 320 : index
    %swap3A_121 = tpu.vector_load %arg7[%swap3A_120] {strides = array<i32>} : memref<640xf32, #tpu.memory_space<vmem>>, vector<16xf32>,
    %swap3A_122 = vector.shape_cast %swap3A_121 : vector<16xf32> to vector<16xf32>
    %swap3A_123 = vector.shape_cast %broadcast_in_dim3A_119 : vector<16xf32> to vector<16xf32>
    tpu.vector_store %arg7[%swap3A_120], %swap3A_123 {strides = array<i32>} : memref<640xf32, #tpu.memory_space<vmem>>, vector<16xf32>,
    %broadcast_in_dim3A_124 = arith.constant 0.000000e+00 : f32
    %broadcast_in_dim3A_125 = vector.broadcast %broadcast_in_dim3A_124 : f32 to vector<16xf32>
    %swap3A_126 = arith.constant 336 : index
    %swap3A_127 = tpu.vector_load %arg7[%swap3A_126] {strides = array<i32>} : memref<640xf32, #tpu.memory_space<vmem>>, vector<16xf32>,
    %swap3A_128 = vector.shape_cast %swap3A_127 : vector<16xf32> to vector<16xf32>
    %swap3A_129 = vector.shape_cast %broadcast_in_dim3A_125 : vector<16xf32> to vector<16xf32>
    tpu.vector_store %arg7[%swap3A_126], %swap3A_129 {strides = array<i32>} : memref<640xf32, #tpu.memory_space<vmem>>, vector<16xf32>,
    %broadcast_in_dim3A_130 = arith.constant 0.000000e+00 : f32
    %broadcast_in_dim3A_131 = vector.broadcast %broadcast_in_dim3A_130 : f32 to vector<16xf32>
    %swap3A_132 = arith.constant 352 : index
    %swap3A_133 = tpu.vector_load %arg7[%swap3A_132] {strides = array<i32>} : memref<640xf32, #tpu.memory_space<vmem>>, vector<16xf32>,
    %swap3A_134 = vector.shape_cast %swap3A_133 : vector<16xf32> to vector<16xf32>
    %swap3A_135 = vector.shape_cast %broadcast_in_dim3A_131 : vector<16xf32> to vector<16xf32>
    tpu.vector_store %arg7[%swap3A_132], %swap3A_135 {strides = array<i32>} : memref<640xf32, #tpu.memory_space<vmem>>, vector<16xf32>,
    %broadcast_in_dim3A_136 = arith.constant 0.000000e+00 : f32
    %broadcast_in_dim3A_137 = vector.broadcast %broadcast_in_dim3A_136 : f32 to vector<16xf32>
    %swap3A_138 = arith.constant 368 : index
    %swap3A_139 = tpu.vector_load %arg7[%swap3A_138] {strides = array<i32>} : memref<640xf32, #tpu.memory_space<vmem>>, vector<16xf32>,
    %swap3A_140 = vector.shape_cast %swap3A_139 : vector<16xf32> to vector<16xf32>
    %swap3A_141 = vector.shape_cast %broadcast_in_dim3A_137 : vector<16xf32> to vector<16xf32>
    tpu.vector_store %arg7[%swap3A_138], %swap3A_141 {strides = array<i32>} : memref<640xf32, #tpu.memory_space<vmem>>, vector<16xf32>,
    %broadcast_in_dim3A_142 = arith.constant 0.000000e+00 : f32
    %broadcast_in_dim3A_143 = vector.broadcast %broadcast_in_dim3A_142 : f32 to vector<16xf32>
    %swap3A_144 = arith.constant 384 : index
    %swap3A_145 = tpu.vector_load %arg7[%swap3A_144] {strides = array<i32>} : memref<640xf32, #tpu.memory_space<vmem>>, vector<16xf32>,
    %swap3A_146 = vector.shape_cast %swap3A_145 : vector<16xf32> to vector<16xf32>
    %swap3A_147 = vector.shape_cast %broadcast_in_dim3A_143 : vector<16xf32> to vector<16xf32>
    tpu.vector_store %arg7[%swap3A_144], %swap3A_147 {strides = array<i32>} : memref<640xf32, #tpu.memory_space<vmem>>, vector<16xf32>,
    %broadcast_in_dim3A_148 = arith.constant 0.000000e+00 : f32
    %broadcast_in_dim3A_149 = vector.broadcast %broadcast_in_dim3A_148 : f32 to vector<16xf32>
    %swap3A_150 = arith.constant 400 : index
    %swap3A_151 = tpu.vector_load %arg7[%swap3A_150] {strides = array<i32>} : memref<640xf32, #tpu.memory_space<vmem>>, vector<16xf32>,
    %swap3A_152 = vector.shape_cast %swap3A_151 : vector<16xf32> to vector<16xf32>
    %swap3A_153 = vector.shape_cast %broadcast_in_dim3A_149 : vector<16xf32> to vector<16xf32>
    tpu.vector_store %arg7[%swap3A_150], %swap3A_153 {strides = array<i32>} : memref<640xf32, #tpu.memory_space<vmem>>, vector<16xf32>,
    %broadcast_in_dim3A_154 = arith.constant 0.000000e+00 : f32
    %broadcast_in_dim3A_155 = vector.broadcast %broadcast_in_dim3A_154 : f32 to vector<16xf32>
    %swap3A_156 = arith.constant 416 : index
    %swap3A_157 = tpu.vector_load %arg7[%swap3A_156] {strides = array<i32>} : memref<640xf32, #tpu.memory_space<vmem>>, vector<16xf32>,
    %swap3A_158 = vector.shape_cast %swap3A_157 : vector<16xf32> to vector<16xf32>
    %swap3A_159 = vector.shape_cast %broadcast_in_dim3A_155 : vector<16xf32> to vector<16xf32>
    tpu.vector_store %arg7[%swap3A_156], %swap3A_159 {strides = array<i32>} : memref<640xf32, #tpu.memory_space<vmem>>, vector<16xf32>,
    %broadcast_in_dim3A_160 = arith.constant 0.000000e+00 : f32
    %broadcast_in_dim3A_161 = vector.broadcast %broadcast_in_dim3A_160 : f32 to vector<16xf32>
    %swap3A_162 = arith.constant 432 : index
    %swap3A_163 = tpu.vector_load %arg7[%swap3A_162] {strides = array<i32>} : memref<640xf32, #tpu.memory_space<vmem>>, vector<16xf32>,
    %swap3A_164 = vector.shape_cast %swap3A_163 : vector<16xf32> to vector<16xf32>
    %swap3A_165 = vector.shape_cast %broadcast_in_dim3A_161 : vector<16xf32> to vector<16xf32>
    tpu.vector_store %arg7[%swap3A_162], %swap3A_165 {strides = array<i32>} : memref<640xf32, #tpu.memory_space<vmem>>, vector<16xf32>,
    %broadcast_in_dim3A_166 = arith.constant 0.000000e+00 : f32
    %broadcast_in_dim3A_167 = vector.broadcast %broadcast_in_dim3A_166 : f32 to vector<16xf32>
    %swap3A_168 = arith.constant 448 : index
    %swap3A_169 = tpu.vector_load %arg7[%swap3A_168] {strides = array<i32>} : memref<640xf32, #tpu.memory_space<vmem>>, vector<16xf32>,
    %swap3A_170 = vector.shape_cast %swap3A_169 : vector<16xf32> to vector<16xf32>
    %swap3A_171 = vector.shape_cast %broadcast_in_dim3A_167 : vector<16xf32> to vector<16xf32>
    tpu.vector_store %arg7[%swap3A_168], %swap3A_171 {strides = array<i32>} : memref<640xf32, #tpu.memory_space<vmem>>, vector<16xf32>,
    %broadcast_in_dim3A_172 = arith.constant 0.000000e+00 : f32
    %broadcast_in_dim3A_173 = vector.broadcast %broadcast_in_dim3A_172 : f32 to vector<16xf32>
    %swap3A_174 = arith.constant 464 : index
    %swap3A_175 = tpu.vector_load %arg7[%swap3A_174] {strides = array<i32>} : memref<640xf32, #tpu.memory_space<vmem>>, vector<16xf32>,
    %swap3A_176 = vector.shape_cast %swap3A_175 : vector<16xf32> to vector<16xf32>
    %swap3A_177 = vector.shape_cast %broadcast_in_dim3A_173 : vector<16xf32> to vector<16xf32>
    tpu.vector_store %arg7[%swap3A_174], %swap3A_177 {strides = array<i32>} : memref<640xf32, #tpu.memory_space<vmem>>, vector<16xf32>,
    %broadcast_in_dim3A_178 = arith.constant 0.000000e+00 : f32
    %broadcast_in_dim3A_179 = vector.broadcast %broadcast_in_dim3A_178 : f32 to vector<16xf32>
    %swap3A_180 = arith.constant 480 : index
    %swap3A_181 = tpu.vector_load %arg7[%swap3A_180] {strides = array<i32>} : memref<640xf32, #tpu.memory_space<vmem>>, vector<16xf32>,
    %swap3A_182 = vector.shape_cast %swap3A_181 : vector<16xf32> to vector<16xf32>
    %swap3A_183 = vector.shape_cast %broadcast_in_dim3A_179 : vector<16xf32> to vector<16xf32>
    tpu.vector_store %arg7[%swap3A_180], %swap3A_183 {strides = array<i32>} : memref<640xf32, #tpu.memory_space<vmem>>, vector<16xf32>,
    %broadcast_in_dim3A_184 = arith.constant 0.000000e+00 : f32
    %broadcast_in_dim3A_185 = vector.broadcast %broadcast_in_dim3A_184 : f32 to vector<16xf32>
    %swap3A_186 = arith.constant 496 : index
    %swap3A_187 = tpu.vector_load %arg7[%swap3A_186] {strides = array<i32>} : memref<640xf32, #tpu.memory_space<vmem>>, vector<16xf32>,
    %swap3A_188 = vector.shape_cast %swap3A_187 : vector<16xf32> to vector<16xf32>
    %swap3A_189 = vector.shape_cast %broadcast_in_dim3A_185 : vector<16xf32> to vector<16xf32>
    tpu.vector_store %arg7[%swap3A_186], %swap3A_189 {strides = array<i32>} : memref<640xf32, #tpu.memory_space<vmem>>, vector<16xf32>,
    %broadcast_in_dim3A_190 = arith.constant 0.000000e+00 : f32
    %broadcast_in_dim3A_191 = vector.broadcast %broadcast_in_dim3A_190 : f32 to vector<16xf32>
    %swap3A_192 = arith.constant 512 : index
    %swap3A_193 = tpu.vector_load %arg7[%swap3A_192] {strides = array<i32>} : memref<640xf32, #tpu.memory_space<vmem>>, vector<16xf32>,
    %swap3A_194 = vector.shape_cast %swap3A_193 : vector<16xf32> to vector<16xf32>
    %swap3A_195 = vector.shape_cast %broadcast_in_dim3A_191 : vector<16xf32> to vector<16xf32>
    tpu.vector_store %arg7[%swap3A_192], %swap3A_195 {strides = array<i32>} : memref<640xf32, #tpu.memory_space<vmem>>, vector<16xf32>,
    %broadcast_in_dim3A_196 = arith.constant 0.000000e+00 : f32
    %broadcast_in_dim3A_197 = vector.broadcast %broadcast_in_dim3A_196 : f32 to vector<16xf32>
    %swap3A_198 = arith.constant 528 : index
    %swap3A_199 = tpu.vector_load %arg7[%swap3A_198] {strides = array<i32>} : memref<640xf32, #tpu.memory_space<vmem>>, vector<16xf32>,
    %swap3A_200 = vector.shape_cast %swap3A_199 : vector<16xf32> to vector<16xf32>
    %swap3A_201 = vector.shape_cast %broadcast_in_dim3A_197 : vector<16xf32> to vector<16xf32>
    tpu.vector_store %arg7[%swap3A_198], %swap3A_201 {strides = array<i32>} : memref<640xf32, #tpu.memory_space<vmem>>, vector<16xf32>,
    %broadcast_in_dim3A_202 = arith.constant 0.000000e+00 : f32
    %broadcast_in_dim3A_203 = vector.broadcast %broadcast_in_dim3A_202 : f32 to vector<16xf32>
    %swap3A_204 = arith.constant 544 : index
    %swap3A_205 = tpu.vector_load %arg7[%swap3A_204] {strides = array<i32>} : memref<640xf32, #tpu.memory_space<vmem>>, vector<16xf32>,
    %swap3A_206 = vector.shape_cast %swap3A_205 : vector<16xf32> to vector<16xf32>
    %swap3A_207 = vector.shape_cast %broadcast_in_dim3A_203 : vector<16xf32> to vector<16xf32>
    tpu.vector_store %arg7[%swap3A_204], %swap3A_207 {strides = array<i32>} : memref<640xf32, #tpu.memory_space<vmem>>, vector<16xf32>,
    %broadcast_in_dim3A_208 = arith.constant 0.000000e+00 : f32
    %broadcast_in_dim3A_209 = vector.broadcast %broadcast_in_dim3A_208 : f32 to vector<16xf32>
    %swap3A_210 = arith.constant 560 : index
    %swap3A_211 = tpu.vector_load %arg7[%swap3A_210] {strides = array<i32>} : memref<640xf32, #tpu.memory_space<vmem>>, vector<16xf32>,
    %swap3A_212 = vector.shape_cast %swap3A_211 : vector<16xf32> to vector<16xf32>
    %swap3A_213 = vector.shape_cast %broadcast_in_dim3A_209 : vector<16xf32> to vector<16xf32>
    tpu.vector_store %arg7[%swap3A_210], %swap3A_213 {strides = array<i32>} : memref<640xf32, #tpu.memory_space<vmem>>, vector<16xf32>,
    %broadcast_in_dim3A_214 = arith.constant 0.000000e+00 : f32
    %broadcast_in_dim3A_215 = vector.broadcast %broadcast_in_dim3A_214 : f32 to vector<16xf32>
    %swap3A_216 = arith.constant 576 : index
    %swap3A_217 = tpu.vector_load %arg7[%swap3A_216] {strides = array<i32>} : memref<640xf32, #tpu.memory_space<vmem>>, vector<16xf32>,
    %swap3A_218 = vector.shape_cast %swap3A_217 : vector<16xf32> to vector<16xf32>
    %swap3A_219 = vector.shape_cast %broadcast_in_dim3A_215 : vector<16xf32> to vector<16xf32>
    tpu.vector_store %arg7[%swap3A_216], %swap3A_219 {strides = array<i32>} : memref<640xf32, #tpu.memory_space<vmem>>, vector<16xf32>,
    %broadcast_in_dim3A_220 = arith.constant 0.000000e+00 : f32
    %broadcast_in_dim3A_221 = vector.broadcast %broadcast_in_dim3A_220 : f32 to vector<16xf32>
    %swap3A_222 = arith.constant 592 : index
    %swap3A_223 = tpu.vector_load %arg7[%swap3A_222] {strides = array<i32>} : memref<640xf32, #tpu.memory_space<vmem>>, vector<16xf32>,
    %swap3A_224 = vector.shape_cast %swap3A_223 : vector<16xf32> to vector<16xf32>
    %swap3A_225 = vector.shape_cast %broadcast_in_dim3A_221 : vector<16xf32> to vector<16xf32>
    tpu.vector_store %arg7[%swap3A_222], %swap3A_225 {strides = array<i32>} : memref<640xf32, #tpu.memory_space<vmem>>, vector<16xf32>,
    %broadcast_in_dim3A_226 = arith.constant 0.000000e+00 : f32
    %broadcast_in_dim3A_227 = vector.broadcast %broadcast_in_dim3A_226 : f32 to vector<16xf32>
    %swap3A_228 = arith.constant 608 : index
    %swap3A_229 = tpu.vector_load %arg7[%swap3A_228] {strides = array<i32>} : memref<640xf32, #tpu.memory_space<vmem>>, vector<16xf32>,
    %swap3A_230 = vector.shape_cast %swap3A_229 : vector<16xf32> to vector<16xf32>
    %swap3A_231 = vector.shape_cast %broadcast_in_dim3A_227 : vector<16xf32> to vector<16xf32>
    tpu.vector_store %arg7[%swap3A_228], %swap3A_231 {strides = array<i32>} : memref<640xf32, #tpu.memory_space<vmem>>, vector<16xf32>,
    %broadcast_in_dim3A_232 = arith.constant 0.000000e+00 : f32
    %broadcast_in_dim3A_233 = vector.broadcast %broadcast_in_dim3A_232 : f32 to vector<16xf32>
    %swap3A_234 = arith.constant 624 : index
    %swap3A_235 = tpu.vector_load %arg7[%swap3A_234] {strides = array<i32>} : memref<640xf32, #tpu.memory_space<vmem>>, vector<16xf32>,
    %swap3A_236 = vector.shape_cast %swap3A_235 : vector<16xf32> to vector<16xf32>
    %swap3A_237 = vector.shape_cast %broadcast_in_dim3A_233 : vector<16xf32> to vector<16xf32>
    tpu.vector_store %arg7[%swap3A_234], %swap3A_237 {strides = array<i32>} : memref<640xf32, #tpu.memory_space<vmem>>, vector<16xf32>,
    %broadcast_in_dim3A_238 = arith.constant 1.000000e+00 : f32
    %broadcast_in_dim3A_239 = vector.broadcast %broadcast_in_dim3A_238 : f32 to vector<16xf32>
    %swap3A_240 = arith.constant 0 : index
    %swap3A_241 = tpu.vector_load %arg6[%swap3A_240] {strides = array<i32>} : memref<128xf32, #tpu.memory_space<vmem>>, vector<16xf32>,
    %swap3A_242 = vector.shape_cast %swap3A_241 : vector<16xf32> to vector<16xf32>
    %swap3A_243 = vector.shape_cast %broadcast_in_dim3A_239 : vector<16xf32> to vector<16xf32>
    tpu.vector_store %arg6[%swap3A_240], %swap3A_243 {strides = array<i32>} : memref<128xf32, #tpu.memory_space<vmem>>, vector<16xf32>,
    %broadcast_in_dim3A_244 = arith.constant 1.000000e+00 : f32
    %broadcast_in_dim3A_245 = vector.broadcast %broadcast_in_dim3A_244 : f32 to vector<16xf32>
    %swap3A_246 = arith.constant 16 : index
    %swap3A_247 = tpu.vector_load %arg6[%swap3A_246] {strides = array<i32>} : memref<128xf32, #tpu.memory_space<vmem>>, vector<16xf32>,
    %swap3A_248 = vector.shape_cast %swap3A_247 : vector<16xf32> to vector<16xf32>
    %swap3A_249 = vector.shape_cast %broadcast_in_dim3A_245 : vector<16xf32> to vector<16xf32>
    tpu.vector_store %arg6[%swap3A_246], %swap3A_249 {strides = array<i32>} : memref<128xf32, #tpu.memory_space<vmem>>, vector<16xf32>,
    %broadcast_in_dim3A_250 = arith.constant 1.000000e+00 : f32
    %broadcast_in_dim3A_251 = vector.broadcast %broadcast_in_dim3A_250 : f32 to vector<16xf32>
    %swap3A_252 = arith.constant 32 : index
    %swap3A_253 = tpu.vector_load %arg6[%swap3A_252] {strides = array<i32>} : memref<128xf32, #tpu.memory_space<vmem>>, vector<16xf32>,
    %swap3A_254 = vector.shape_cast %swap3A_253 : vector<16xf32> to vector<16xf32>
    %swap3A_255 = vector.shape_cast %broadcast_in_dim3A_251 : vector<16xf32> to vector<16xf32>
    tpu.vector_store %arg6[%swap3A_252], %swap3A_255 {strides = array<i32>} : memref<128xf32, #tpu.memory_space<vmem>>, vector<16xf32>,
    %broadcast_in_dim3A_256 = arith.constant 1.000000e+00 : f32
    %broadcast_in_dim3A_257 = vector.broadcast %broadcast_in_dim3A_256 : f32 to vector<16xf32>
    %swap3A_258 = arith.constant 48 : index
    %swap3A_259 = tpu.vector_load %arg6[%swap3A_258] {strides = array<i32>} : memref<128xf32, #tpu.memory_space<vmem>>, vector<16xf32>,
    %swap3A_260 = vector.shape_cast %swap3A_259 : vector<16xf32> to vector<16xf32>
    %swap3A_261 = vector.shape_cast %broadcast_in_dim3A_257 : vector<16xf32> to vector<16xf32>
    tpu.vector_store %arg6[%swap3A_258], %swap3A_261 {strides = array<i32>} : memref<128xf32, #tpu.memory_space<vmem>>, vector<16xf32>,
    %broadcast_in_dim3A_262 = arith.constant 1.000000e+00 : f32
    %broadcast_in_dim3A_263 = vector.broadcast %broadcast_in_dim3A_262 : f32 to vector<16xf32>
    %swap3A_264 = arith.constant 64 : index
    %swap3A_265 = tpu.vector_load %arg6[%swap3A_264] {strides = array<i32>} : memref<128xf32, #tpu.memory_space<vmem>>, vector<16xf32>,
    %swap3A_266 = vector.shape_cast %swap3A_265 : vector<16xf32> to vector<16xf32>
    %swap3A_267 = vector.shape_cast %broadcast_in_dim3A_263 : vector<16xf32> to vector<16xf32>
    tpu.vector_store %arg6[%swap3A_264], %swap3A_267 {strides = array<i32>} : memref<128xf32, #tpu.memory_space<vmem>>, vector<16xf32>,
    %broadcast_in_dim3A_268 = arith.constant 1.000000e+00 : f32
    %broadcast_in_dim3A_269 = vector.broadcast %broadcast_in_dim3A_268 : f32 to vector<16xf32>
    %swap3A_270 = arith.constant 80 : index
    %swap3A_271 = tpu.vector_load %arg6[%swap3A_270] {strides = array<i32>} : memref<128xf32, #tpu.memory_space<vmem>>, vector<16xf32>,
    %swap3A_272 = vector.shape_cast %swap3A_271 : vector<16xf32> to vector<16xf32>
    %swap3A_273 = vector.shape_cast %broadcast_in_dim3A_269 : vector<16xf32> to vector<16xf32>
    tpu.vector_store %arg6[%swap3A_270], %swap3A_273 {strides = array<i32>} : memref<128xf32, #tpu.memory_space<vmem>>, vector<16xf32>,
    %broadcast_in_dim3A_274 = arith.constant 1.000000e+00 : f32
    %broadcast_in_dim3A_275 = vector.broadcast %broadcast_in_dim3A_274 : f32 to vector<16xf32>
    %swap3A_276 = arith.constant 96 : index
    %swap3A_277 = tpu.vector_load %arg6[%swap3A_276] {strides = array<i32>} : memref<128xf32, #tpu.memory_space<vmem>>, vector<16xf32>,
    %swap3A_278 = vector.shape_cast %swap3A_277 : vector<16xf32> to vector<16xf32>
    %swap3A_279 = vector.shape_cast %broadcast_in_dim3A_275 : vector<16xf32> to vector<16xf32>
    tpu.vector_store %arg6[%swap3A_276], %swap3A_279 {strides = array<i32>} : memref<128xf32, #tpu.memory_space<vmem>>, vector<16xf32>,
    %broadcast_in_dim3A_280 = arith.constant 1.000000e+00 : f32
    %broadcast_in_dim3A_281 = vector.broadcast %broadcast_in_dim3A_280 : f32 to vector<16xf32>
    %swap3A_282 = arith.constant 112 : index
    %swap3A_283 = tpu.vector_load %arg6[%swap3A_282] {strides = array<i32>} : memref<128xf32, #tpu.memory_space<vmem>>, vector<16xf32>,
    %swap3A_284 = vector.shape_cast %swap3A_283 : vector<16xf32> to vector<16xf32>
    %swap3A_285 = vector.shape_cast %broadcast_in_dim3A_281 : vector<16xf32> to vector<16xf32>
    tpu.vector_store %arg6[%swap3A_282], %swap3A_285 {strides = array<i32>} : memref<128xf32, #tpu.memory_space<vmem>>, vector<16xf32>,
    %mul3A = arith.constant 640 : i32
    %mul3A_286 = arith.muli %arg1, %mul3A : i32
    %multiple_of3A = tpu.assume_multiple %mul3A_286, 8 : i32
    "tpu.region"() ({
      %run_scoped3A = tpu.sem_alloc : memref<!tpu.dma_semaphore, #tpu.memory_space<semaphore_mem>>
      %dma_start3A_322 = tpu.memref_slice %arg8[%multiple_of3A] : memref<10240xf32, #tpu.memory_space<vmem_shared>> -> memref<640xf32, #tpu.memory_space<vmem_shared>>
      %dma_start3A_323 = tpu.memref_slice %arg8[%multiple_of3A] : memref<10240xf32, #tpu.memory_space<vmem_shared>> -> memref<640xf32, #tpu.memory_space<vmem_shared>>
      tpu.enqueue_dma source(%arg7 : memref<640xf32, #tpu.memory_space<vmem>>) target(%dma_start3A_323 : memref<640xf32, #tpu.memory_space<vmem_shared>>) target_semaphore(%run_scoped3A : memref<!tpu.dma_semaphore, #tpu.memory_space<semaphore_mem>>)
      %dma_wait3A_324 = tpu.memref_slice %arg8[%multiple_of3A] : memref<10240xf32, #tpu.memory_space<vmem_shared>> -> memref<640xf32, #tpu.memory_space<vmem_shared>>
      %dma_wait3A_325 = tpu.memref_slice %arg8[%multiple_of3A] : memref<10240xf32, #tpu.memory_space<vmem_shared>> -> memref<640xf32, #tpu.memory_space<vmem_shared>>
      tpu.wait_dma2 semaphore(%run_scoped3A : memref<!tpu.dma_semaphore, #tpu.memory_space<semaphore_mem>>) src(%arg7 : memref<640xf32, #tpu.memory_space<vmem>>) dst(%dma_wait3A_325 : memref<640xf32, #tpu.memory_space<vmem_shared>>)
      tpu.yield
    }) : () -> ()
    %mul3A_287 = arith.constant 163840 : i32
    %mul3A_288 = arith.muli %arg0, %mul3A_287 : i32
    %mul3A_289 = arith.constant 10240 : i32
    %mul3A_290 = arith.muli %arg1, %mul3A_289 : i32
    %add3A = arith.addi %mul3A_288, %mul3A_290 : i32
    %multiple_of3A_291 = tpu.assume_multiple %add3A, 8 : i32
    %barrier3A = arith.constant 0 : index
    tpu.barrier barrier_id(%barrier3A)
    %add3A_292 = arith.constant 0 : i32
    %add3A_293 = arith.addi %multiple_of3A_291, %add3A_292 : i32
    %multiple_of3A_294 = tpu.assume_multiple %add3A_293, 8 : i32
    %dma_start3A = tpu.memref_slice %arg2[%multiple_of3A_294] : memref<327680xi32, #tpu.memory_space<hbm>> -> memref<128xi32, #tpu.memory_space<hbm>>
    %dma_start3A_295 = tpu.memref_slice %arg2[%multiple_of3A_294] : memref<327680xi32, #tpu.memory_space<hbm>> -> memref<128xi32, #tpu.memory_space<hbm>>
    tpu.enqueue_dma source(%dma_start3A_295 : memref<128xi32, #tpu.memory_space<hbm>>) target(%arg4 : memref<128xi32, #tpu.memory_space<vmem>>) target_semaphore(%arg9 : memref<!tpu.dma_semaphore, #tpu.memory_space<semaphore_mem>>)
    %scan3A = arith.constant 0 : i32
    %scan3A_296 = arith.constant 0 : i32
    %scan3A_297 = arith.constant 39 : i32
    %scan3A_298 = arith.addi %scan3A_296, %scan3A_297 : i32
    %scan3A_299 = arith.constant 1 : i32
    scf.for %scan3A_322 = %scan3A_296 to %scan3A_298 step %scan3A_299  : i32 {
      %mul3A_323 = arith.constant 2 : i32
      %mul3A_324 = arith.muli %mul3A_323, %scan3A_322 : i32
      %mul3A_325 = arith.constant 128 : i32
      %mul3A_326 = arith.muli %mul3A_324, %mul3A_325 : i32
      %add3A_327 = arith.addi %multiple_of3A_291, %mul3A_326 : i32
      %multiple_of3A_328 = tpu.assume_multiple %add3A_327, 8 : i32
      %dma_wait3A_329 = tpu.memref_slice %arg2[%multiple_of3A_328] : memref<327680xi32, #tpu.memory_space<hbm>> -> memref<128xi32, #tpu.memory_space<hbm>>
      %dma_wait3A_330 = tpu.memref_slice %arg2[%multiple_of3A_328] : memref<327680xi32, #tpu.memory_space<hbm>> -> memref<128xi32, #tpu.memory_space<hbm>>
      tpu.wait_dma2 semaphore(%arg9 : memref<!tpu.dma_semaphore, #tpu.memory_space<semaphore_mem>>) src(%dma_wait3A_330 : memref<128xi32, #tpu.memory_space<hbm>>) dst(%arg4 : memref<128xi32, #tpu.memory_space<vmem>>)
      %lt3A = arith.constant 79 : i32
      %lt3A_331 = arith.cmpi slt, %mul3A_324, %lt3A : i32
      %convert_element_type3A = arith.extui %lt3A_331 : i1 to i32
      %cond3A = arith.constant 0 : i32
      %cond3A_332 = arith.cmpi ne, %convert_element_type3A, %cond3A : i32
      scf.if %cond3A_332 {
        %add3A_348 = arith.constant 1 : i32
        %add3A_349 = arith.addi %mul3A_324, %add3A_348 : i32
        %mul3A_350 = arith.constant 128 : i32
        %mul3A_351 = arith.muli %add3A_349, %mul3A_350 : i32
        %add3A_352 = arith.addi %multiple_of3A_291, %mul3A_351 : i32
        %multiple_of3A_353 = tpu.assume_multiple %add3A_352, 8 : i32
        %dma_start3A_354 = tpu.memref_slice %arg2[%multiple_of3A_353] : memref<327680xi32, #tpu.memory_space<hbm>> -> memref<128xi32, #tpu.memory_space<hbm>>
        %dma_start3A_355 = tpu.memref_slice %arg2[%multiple_of3A_353] : memref<327680xi32, #tpu.memory_space<hbm>> -> memref<128xi32, #tpu.memory_space<hbm>>
        tpu.enqueue_dma source(%dma_start3A_355 : memref<128xi32, #tpu.memory_space<hbm>>) target(%arg5 : memref<128xi32, #tpu.memory_space<vmem>>) target_semaphore(%arg9 : memref<!tpu.dma_semaphore, #tpu.memory_space<semaphore_mem>>)
      } else {
      }
      "tpu.region"() ({
        %run_scoped3A = tpu.sem_alloc : memref<!tpu.dma_semaphore, #tpu.memory_space<semaphore_mem>>
        %dma_start3A_348 = arith.constant 0 : i32
        %dma_start3A_349 = tpu.memref_slice %arg8[%dma_start3A_348] : memref<10240xf32, #tpu.memory_space<vmem_shared>> -> memref<10240xf32, #tpu.memory_space<vmem_shared>>
        tpu.enqueue_indirect_dma source(%arg6 : memref<128xf32, #tpu.memory_space<vmem>>) target(%dma_start3A_349 : memref<10240xf32, #tpu.memory_space<vmem_shared>>) offsets(%arg4 : memref<128xi32, #tpu.memory_space<vmem>>) semaphore(%run_scoped3A : memref<!tpu.dma_semaphore, #tpu.memory_space<semaphore_mem>>) {add = true}
        %dma_wait3A_350 = arith.constant 0 : i32
        %dma_wait3A_351 = tpu.memref_slice %arg8[%dma_wait3A_350] : memref<10240xf32, #tpu.memory_space<vmem_shared>> -> memref<10240xf32, #tpu.memory_space<vmem_shared>>
        tpu.wait_indirect_dma semaphore(%run_scoped3A : memref<!tpu.dma_semaphore, #tpu.memory_space<semaphore_mem>>) src(%arg6 : memref<128xf32, #tpu.memory_space<vmem>>) dst(%dma_wait3A_351 : memref<10240xf32, #tpu.memory_space<vmem_shared>>)
        tpu.yield
      }) : () -> ()
      %mul3A_333 = arith.constant 2 : i32
      %mul3A_334 = arith.muli %mul3A_333, %scan3A_322 : i32
      %add3A_335 = arith.constant 1 : i32
      %add3A_336 = arith.addi %mul3A_334, %add3A_335 : i32
      %mul3A_337 = arith.constant 128 : i32
      %mul3A_338 = arith.muli %add3A_336, %mul3A_337 : i32
      %add3A_339 = arith.addi %multiple_of3A_291, %mul3A_338 : i32
      %multiple_of3A_340 = tpu.assume_multiple %add3A_339, 8 : i32
      %dma_wait3A_341 = tpu.memref_slice %arg2[%multiple_of3A_340] : memref<327680xi32, #tpu.memory_space<hbm>> -> memref<128xi32, #tpu.memory_space<hbm>>
      %dma_wait3A_342 = tpu.memref_slice %arg2[%multiple_of3A_340] : memref<327680xi32, #tpu.memory_space<hbm>> -> memref<128xi32, #tpu.memory_space<hbm>>
      tpu.wait_dma2 semaphore(%arg9 : memref<!tpu.dma_semaphore, #tpu.memory_space<semaphore_mem>>) src(%dma_wait3A_342 : memref<128xi32, #tpu.memory_space<hbm>>) dst(%arg5 : memref<128xi32, #tpu.memory_space<vmem>>)
      %lt3A_343 = arith.constant 79 : i32
      %lt3A_344 = arith.cmpi slt, %add3A_336, %lt3A_343 : i32
      %convert_element_type3A_345 = arith.extui %lt3A_344 : i1 to i32
      %cond3A_346 = arith.constant 0 : i32
      %cond3A_347 = arith.cmpi ne, %convert_element_type3A_345, %cond3A_346 : i32
      scf.if %cond3A_347 {
        %add3A_348 = arith.constant 1 : i32
        %add3A_349 = arith.addi %add3A_336, %add3A_348 : i32
        %mul3A_350 = arith.constant 128 : i32
        %mul3A_351 = arith.muli %add3A_349, %mul3A_350 : i32
        %add3A_352 = arith.addi %multiple_of3A_291, %mul3A_351 : i32
        %multiple_of3A_353 = tpu.assume_multiple %add3A_352, 8 : i32
        %dma_start3A_354 = tpu.memref_slice %arg2[%multiple_of3A_353] : memref<327680xi32, #tpu.memory_space<hbm>> -> memref<128xi32, #tpu.memory_space<hbm>>
        %dma_start3A_355 = tpu.memref_slice %arg2[%multiple_of3A_353] : memref<327680xi32, #tpu.memory_space<hbm>> -> memref<128xi32, #tpu.memory_space<hbm>>
        tpu.enqueue_dma source(%dma_start3A_355 : memref<128xi32, #tpu.memory_space<hbm>>) target(%arg4 : memref<128xi32, #tpu.memory_space<vmem>>) target_semaphore(%arg9 : memref<!tpu.dma_semaphore, #tpu.memory_space<semaphore_mem>>)
      } else {
      }
      "tpu.region"() ({
        %run_scoped3A = tpu.sem_alloc : memref<!tpu.dma_semaphore, #tpu.memory_space<semaphore_mem>>
        %dma_start3A_348 = arith.constant 0 : i32
        %dma_start3A_349 = tpu.memref_slice %arg8[%dma_start3A_348] : memref<10240xf32, #tpu.memory_space<vmem_shared>> -> memref<10240xf32, #tpu.memory_space<vmem_shared>>
        tpu.enqueue_indirect_dma source(%arg6 : memref<128xf32, #tpu.memory_space<vmem>>) target(%dma_start3A_349 : memref<10240xf32, #tpu.memory_space<vmem_shared>>) offsets(%arg5 : memref<128xi32, #tpu.memory_space<vmem>>) semaphore(%run_scoped3A : memref<!tpu.dma_semaphore, #tpu.memory_space<semaphore_mem>>) {add = true}
        %dma_wait3A_350 = arith.constant 0 : i32
        %dma_wait3A_351 = tpu.memref_slice %arg8[%dma_wait3A_350] : memref<10240xf32, #tpu.memory_space<vmem_shared>> -> memref<10240xf32, #tpu.memory_space<vmem_shared>>
        tpu.wait_indirect_dma semaphore(%run_scoped3A : memref<!tpu.dma_semaphore, #tpu.memory_space<semaphore_mem>>) src(%arg6 : memref<128xf32, #tpu.memory_space<vmem>>) dst(%dma_wait3A_351 : memref<10240xf32, #tpu.memory_space<vmem_shared>>)
        tpu.yield
      }) : () -> ()
    }
    %scan3A_300 = arith.constant 39 : i32
    %add3A_301 = arith.constant 9984 : i32
    %add3A_302 = arith.addi %multiple_of3A_291, %add3A_301 : i32
    %multiple_of3A_303 = tpu.assume_multiple %add3A_302, 8 : i32
    %dma_wait3A = tpu.memref_slice %arg2[%multiple_of3A_303] : memref<327680xi32, #tpu.memory_space<hbm>> -> memref<128xi32, #tpu.memory_space<hbm>>
    %dma_wait3A_304 = tpu.memref_slice %arg2[%multiple_of3A_303] : memref<327680xi32, #tpu.memory_space<hbm>> -> memref<128xi32, #tpu.memory_space<hbm>>
    tpu.wait_dma2 semaphore(%arg9 : memref<!tpu.dma_semaphore, #tpu.memory_space<semaphore_mem>>) src(%dma_wait3A_304 : memref<128xi32, #tpu.memory_space<hbm>>) dst(%arg4 : memref<128xi32, #tpu.memory_space<vmem>>)
    %add3A_305 = arith.constant 10112 : i32
    %add3A_306 = arith.addi %multiple_of3A_291, %add3A_305 : i32
    %multiple_of3A_307 = tpu.assume_multiple %add3A_306, 8 : i32
    %dma_start3A_308 = tpu.memref_slice %arg2[%multiple_of3A_307] : memref<327680xi32, #tpu.memory_space<hbm>> -> memref<128xi32, #tpu.memory_space<hbm>>
    %dma_start3A_309 = tpu.memref_slice %arg2[%multiple_of3A_307] : memref<327680xi32, #tpu.memory_space<hbm>> -> memref<128xi32, #tpu.memory_space<hbm>>
    tpu.enqueue_dma source(%dma_start3A_309 : memref<128xi32, #tpu.memory_space<hbm>>) target(%arg5 : memref<128xi32, #tpu.memory_space<vmem>>) target_semaphore(%arg9 : memref<!tpu.dma_semaphore, #tpu.memory_space<semaphore_mem>>)
    "tpu.region"() ({
      %run_scoped3A = tpu.sem_alloc : memref<!tpu.dma_semaphore, #tpu.memory_space<semaphore_mem>>
      %dma_start3A_322 = arith.constant 0 : i32
      %dma_start3A_323 = tpu.memref_slice %arg8[%dma_start3A_322] : memref<10240xf32, #tpu.memory_space<vmem_shared>> -> memref<10240xf32, #tpu.memory_space<vmem_shared>>
      tpu.enqueue_indirect_dma source(%arg6 : memref<128xf32, #tpu.memory_space<vmem>>) target(%dma_start3A_323 : memref<10240xf32, #tpu.memory_space<vmem_shared>>) offsets(%arg4 : memref<128xi32, #tpu.memory_space<vmem>>) semaphore(%run_scoped3A : memref<!tpu.dma_semaphore, #tpu.memory_space<semaphore_mem>>) {add = true}
      %dma_wait3A_324 = arith.constant 0 : i32
      %dma_wait3A_325 = tpu.memref_slice %arg8[%dma_wait3A_324] : memref<10240xf32, #tpu.memory_space<vmem_shared>> -> memref<10240xf32, #tpu.memory_space<vmem_shared>>
      tpu.wait_indirect_dma semaphore(%run_scoped3A : memref<!tpu.dma_semaphore, #tpu.memory_space<semaphore_mem>>) src(%arg6 : memref<128xf32, #tpu.memory_space<vmem>>) dst(%dma_wait3A_325 : memref<10240xf32, #tpu.memory_space<vmem_shared>>)
      tpu.yield
    }) : () -> ()
    %add3A_310 = arith.constant 10112 : i32
    %add3A_311 = arith.addi %multiple_of3A_291, %add3A_310 : i32
    %multiple_of3A_312 = tpu.assume_multiple %add3A_311, 8 : i32
    %dma_wait3A_313 = tpu.memref_slice %arg2[%multiple_of3A_312] : memref<327680xi32, #tpu.memory_space<hbm>> -> memref<128xi32, #tpu.memory_space<hbm>>
    %dma_wait3A_314 = tpu.memref_slice %arg2[%multiple_of3A_312] : memref<327680xi32, #tpu.memory_space<hbm>> -> memref<128xi32, #tpu.memory_space<hbm>>
    tpu.wait_dma2 semaphore(%arg9 : memref<!tpu.dma_semaphore, #tpu.memory_space<semaphore_mem>>) src(%dma_wait3A_314 : memref<128xi32, #tpu.memory_space<hbm>>) dst(%arg5 : memref<128xi32, #tpu.memory_space<vmem>>)
    "tpu.region"() ({
      %run_scoped3A = tpu.sem_alloc : memref<!tpu.dma_semaphore, #tpu.memory_space<semaphore_mem>>
      %dma_start3A_322 = arith.constant 0 : i32
      %dma_start3A_323 = tpu.memref_slice %arg8[%dma_start3A_322] : memref<10240xf32, #tpu.memory_space<vmem_shared>> -> memref<10240xf32, #tpu.memory_space<vmem_shared>>
      tpu.enqueue_indirect_dma source(%arg6 : memref<128xf32, #tpu.memory_space<vmem>>) target(%dma_start3A_323 : memref<10240xf32, #tpu.memory_space<vmem_shared>>) offsets(%arg5 : memref<128xi32, #tpu.memory_space<vmem>>) semaphore(%run_scoped3A : memref<!tpu.dma_semaphore, #tpu.memory_space<semaphore_mem>>) {add = true}
      %dma_wait3A_324 = arith.constant 0 : i32
      %dma_wait3A_325 = tpu.memref_slice %arg8[%dma_wait3A_324] : memref<10240xf32, #tpu.memory_space<vmem_shared>> -> memref<10240xf32, #tpu.memory_space<vmem_shared>>
      tpu.wait_indirect_dma semaphore(%run_scoped3A : memref<!tpu.dma_semaphore, #tpu.memory_space<semaphore_mem>>) src(%arg6 : memref<128xf32, #tpu.memory_space<vmem>>) dst(%dma_wait3A_325 : memref<10240xf32, #tpu.memory_space<vmem_shared>>)
      tpu.yield
    }) : () -> ()
    %barrier3A_315 = arith.constant 0 : index
    tpu.barrier barrier_id(%barrier3A_315)
    %mul3A_316 = arith.constant 10240 : i32
    %mul3A_317 = arith.muli %arg0, %mul3A_316 : i32
    %mul3A_318 = arith.constant 640 : i32
    %mul3A_319 = arith.muli %arg1, %mul3A_318 : i32
    %add3A_320 = arith.addi %mul3A_317, %mul3A_319 : i32
    %multiple_of3A_321 = tpu.assume_multiple %add3A_320, 8 : i32
    "tpu.region"() ({
      %run_scoped3A = tpu.sem_alloc : memref<!tpu.dma_semaphore, #tpu.memory_space<semaphore_mem>>
      %dma_start3A_322 = tpu.memref_slice %arg8[%multiple_of3A] : memref<10240xf32, #tpu.memory_space<vmem_shared>> -> memref<640xf32, #tpu.memory_space<vmem_shared>>
      %dma_start3A_323 = tpu.memref_slice %arg8[%multiple_of3A] : memref<10240xf32, #tpu.memory_space<vmem_shared>> -> memref<640xf32, #tpu.memory_space<vmem_shared>>
      tpu.enqueue_dma source(%dma_start3A_323 : memref<640xf32, #tpu.memory_space<vmem_shared>>) target(%arg7 : memref<640xf32, #tpu.memory_space<vmem>>) target_semaphore(%run_scoped3A : memref<!tpu.dma_semaphore, #tpu.memory_space<semaphore_mem>>)
      %dma_wait3A_324 = tpu.memref_slice %arg8[%multiple_of3A] : memref<10240xf32, #tpu.memory_space<vmem_shared>> -> memref<640xf32, #tpu.memory_space<vmem_shared>>
      %dma_wait3A_325 = tpu.memref_slice %arg8[%multiple_of3A] : memref<10240xf32, #tpu.memory_space<vmem_shared>> -> memref<640xf32, #tpu.memory_space<vmem_shared>>
      tpu.wait_dma2 semaphore(%run_scoped3A : memref<!tpu.dma_semaphore, #tpu.memory_space<semaphore_mem>>) src(%dma_wait3A_325 : memref<640xf32, #tpu.memory_space<vmem_shared>>) dst(%arg7 : memref<640xf32, #tpu.memory_space<vmem>>)
      tpu.yield
    }) : () -> ()
    "tpu.region"() ({
      %run_scoped3A = tpu.sem_alloc : memref<!tpu.dma_semaphore, #tpu.memory_space<semaphore_mem>>
      %dma_start3A_322 = tpu.memref_slice %arg3[%multiple_of3A_321] : memref<20480xf32, #tpu.memory_space<hbm>> -> memref<640xf32, #tpu.memory_space<hbm>>
      %dma_start3A_323 = tpu.memref_slice %arg3[%multiple_of3A_321] : memref<20480xf32, #tpu.memory_space<hbm>> -> memref<640xf32, #tpu.memory_space<hbm>>
      tpu.enqueue_dma source(%arg7 : memref<640xf32, #tpu.memory_space<vmem>>) target(%dma_start3A_323 : memref<640xf32, #tpu.memory_space<hbm>>) target_semaphore(%run_scoped3A : memref<!tpu.dma_semaphore, #tpu.memory_space<semaphore_mem>>)
      %dma_wait3A_324 = tpu.memref_slice %arg3[%multiple_of3A_321] : memref<20480xf32, #tpu.memory_space<hbm>> -> memref<640xf32, #tpu.memory_space<hbm>>
      %dma_wait3A_325 = tpu.memref_slice %arg3[%multiple_of3A_321] : memref<20480xf32, #tpu.memory_space<hbm>> -> memref<640xf32, #tpu.memory_space<hbm>>
      tpu.wait_dma2 semaphore(%run_scoped3A : memref<!tpu.dma_semaphore, #tpu.memory_space<semaphore_mem>>) src(%arg7 : memref<640xf32, #tpu.memory_space<vmem>>) dst(%dma_wait3A_325 : memref<640xf32, #tpu.memory_space<hbm>>)
      tpu.yield
    }) : () -> ()
    return
  }
}

#map = affine_map<(d0, d1) -> (0, 0)>
#map1 = affine_map<(d0, d1) -> (0)>
#map2 = affine_map<(d0, d1) -> (0, 0, 0)>
module attributes {stable_mosaic.version = 14 : i64} {
  func.func @scatter_kernel(%arg0: i32, %arg1: i32, %arg2: memref<10000x128xf32, #tpu.memory_space<hbm>>, %arg3: memref<327680xi32, #tpu.memory_space<hbm>>, %arg4: memref<327680xi32, #tpu.memory_space<hbm>>, %arg5: memref<2x10240x128xf32, #tpu.memory_space<hbm>>, %arg6: memref<10240xi32, #tpu.memory_space<vmem>>, %arg7: memref<80xi32, #tpu.memory_space<vmem>>, %arg8: memref<80xi32, #tpu.memory_space<vmem>>, %arg9: memref<80xi32, #tpu.memory_space<vmem>>, %arg10: memref<80x128xf32, #tpu.memory_space<vmem>>, %arg11: memref<80x128xf32, #tpu.memory_space<vmem>>, %arg12: memref<80x128xf32, #tpu.memory_space<vmem>>, %arg13: memref<32x128xf32, #tpu.memory_space<vmem>>, %arg14: memref<10240x128xf32, #tpu.memory_space<vmem_shared>>, %arg15: memref<!tpu.dma_semaphore, #tpu.memory_space<semaphore_mem>>, %arg16: memref<!tpu.dma_semaphore, #tpu.memory_space<semaphore_mem>>, %arg17: memref<!tpu.dma_semaphore, #tpu.memory_space<semaphore_mem>>) attributes {dimension_semantics = [#tpu.dimension_semantics<core_parallel>, #tpu.dimension_semantics<subcore_parallel>], iteration_bounds = array<i64: 2, 16>, scalar_prefetch = 0 : i64, scratch_operands = 12 : i64, tpu.core_type = #tpu.core_type<sc_vector_subcore>, window_params = [{transform_indices = #map}, {transform_indices = #map1}, {transform_indices = #map1}, {transform_indices = #map2}]} {
    %scan3A = arith.constant 0 : i32
    %scan3A_0 = arith.constant 0 : i32
    %scan3A_1 = arith.constant 32 : i32
    %scan3A_2 = arith.addi %scan3A_0, %scan3A_1 : i32
    %scan3A_3 = arith.constant 1 : i32
    scf.for %scan3A_195 = %scan3A_0 to %scan3A_2 step %scan3A_3  : i32 {
      %broadcast_in_dim3A = arith.constant 0.000000e+00 : f32
      %broadcast_in_dim3A_196 = vector.broadcast %broadcast_in_dim3A : f32 to vector<16xf32>
      %swap3A = arith.index_cast %scan3A_195 : i32 to index
      %swap3A_197 = arith.constant 0 : index
      %swap3A_198 = tpu.vector_load %arg13[%swap3A, %swap3A_197] {strides = array<i32>} : memref<32x128xf32, #tpu.memory_space<vmem>>, vector<1x16xf32>,
      %swap3A_199 = vector.shape_cast %swap3A_198 : vector<1x16xf32> to vector<16xf32>
      %swap3A_200 = vector.shape_cast %broadcast_in_dim3A_196 : vector<16xf32> to vector<1x16xf32>
      tpu.vector_store %arg13[%swap3A, %swap3A_197], %swap3A_200 {strides = array<i32>} : memref<32x128xf32, #tpu.memory_space<vmem>>, vector<1x16xf32>,
      %broadcast_in_dim3A_201 = arith.constant 0.000000e+00 : f32
      %broadcast_in_dim3A_202 = vector.broadcast %broadcast_in_dim3A_201 : f32 to vector<16xf32>
      %swap3A_203 = arith.index_cast %scan3A_195 : i32 to index
      %swap3A_204 = arith.constant 16 : index
      %swap3A_205 = tpu.vector_load %arg13[%swap3A_203, %swap3A_204] {strides = array<i32>} : memref<32x128xf32, #tpu.memory_space<vmem>>, vector<1x16xf32>,
      %swap3A_206 = vector.shape_cast %swap3A_205 : vector<1x16xf32> to vector<16xf32>
      %swap3A_207 = vector.shape_cast %broadcast_in_dim3A_202 : vector<16xf32> to vector<1x16xf32>
      tpu.vector_store %arg13[%swap3A_203, %swap3A_204], %swap3A_207 {strides = array<i32>} : memref<32x128xf32, #tpu.memory_space<vmem>>, vector<1x16xf32>,
      %broadcast_in_dim3A_208 = arith.constant 0.000000e+00 : f32
      %broadcast_in_dim3A_209 = vector.broadcast %broadcast_in_dim3A_208 : f32 to vector<16xf32>
      %swap3A_210 = arith.index_cast %scan3A_195 : i32 to index
      %swap3A_211 = arith.constant 32 : index
      %swap3A_212 = tpu.vector_load %arg13[%swap3A_210, %swap3A_211] {strides = array<i32>} : memref<32x128xf32, #tpu.memory_space<vmem>>, vector<1x16xf32>,
      %swap3A_213 = vector.shape_cast %swap3A_212 : vector<1x16xf32> to vector<16xf32>
      %swap3A_214 = vector.shape_cast %broadcast_in_dim3A_209 : vector<16xf32> to vector<1x16xf32>
      tpu.vector_store %arg13[%swap3A_210, %swap3A_211], %swap3A_214 {strides = array<i32>} : memref<32x128xf32, #tpu.memory_space<vmem>>, vector<1x16xf32>,
      %broadcast_in_dim3A_215 = arith.constant 0.000000e+00 : f32
      %broadcast_in_dim3A_216 = vector.broadcast %broadcast_in_dim3A_215 : f32 to vector<16xf32>
      %swap3A_217 = arith.index_cast %scan3A_195 : i32 to index
      %swap3A_218 = arith.constant 48 : index
      %swap3A_219 = tpu.vector_load %arg13[%swap3A_217, %swap3A_218] {strides = array<i32>} : memref<32x128xf32, #tpu.memory_space<vmem>>, vector<1x16xf32>,
      %swap3A_220 = vector.shape_cast %swap3A_219 : vector<1x16xf32> to vector<16xf32>
      %swap3A_221 = vector.shape_cast %broadcast_in_dim3A_216 : vector<16xf32> to vector<1x16xf32>
      tpu.vector_store %arg13[%swap3A_217, %swap3A_218], %swap3A_221 {strides = array<i32>} : memref<32x128xf32, #tpu.memory_space<vmem>>, vector<1x16xf32>,
      %broadcast_in_dim3A_222 = arith.constant 0.000000e+00 : f32
      %broadcast_in_dim3A_223 = vector.broadcast %broadcast_in_dim3A_222 : f32 to vector<16xf32>
      %swap3A_224 = arith.index_cast %scan3A_195 : i32 to index
      %swap3A_225 = arith.constant 64 : index
      %swap3A_226 = tpu.vector_load %arg13[%swap3A_224, %swap3A_225] {strides = array<i32>} : memref<32x128xf32, #tpu.memory_space<vmem>>, vector<1x16xf32>,
      %swap3A_227 = vector.shape_cast %swap3A_226 : vector<1x16xf32> to vector<16xf32>
      %swap3A_228 = vector.shape_cast %broadcast_in_dim3A_223 : vector<16xf32> to vector<1x16xf32>
      tpu.vector_store %arg13[%swap3A_224, %swap3A_225], %swap3A_228 {strides = array<i32>} : memref<32x128xf32, #tpu.memory_space<vmem>>, vector<1x16xf32>,
      %broadcast_in_dim3A_229 = arith.constant 0.000000e+00 : f32
      %broadcast_in_dim3A_230 = vector.broadcast %broadcast_in_dim3A_229 : f32 to vector<16xf32>
      %swap3A_231 = arith.index_cast %scan3A_195 : i32 to index
      %swap3A_232 = arith.constant 80 : index
      %swap3A_233 = tpu.vector_load %arg13[%swap3A_231, %swap3A_232] {strides = array<i32>} : memref<32x128xf32, #tpu.memory_space<vmem>>, vector<1x16xf32>,
      %swap3A_234 = vector.shape_cast %swap3A_233 : vector<1x16xf32> to vector<16xf32>
      %swap3A_235 = vector.shape_cast %broadcast_in_dim3A_230 : vector<16xf32> to vector<1x16xf32>
      tpu.vector_store %arg13[%swap3A_231, %swap3A_232], %swap3A_235 {strides = array<i32>} : memref<32x128xf32, #tpu.memory_space<vmem>>, vector<1x16xf32>,
      %broadcast_in_dim3A_236 = arith.constant 0.000000e+00 : f32
      %broadcast_in_dim3A_237 = vector.broadcast %broadcast_in_dim3A_236 : f32 to vector<16xf32>
      %swap3A_238 = arith.index_cast %scan3A_195 : i32 to index
      %swap3A_239 = arith.constant 96 : index
      %swap3A_240 = tpu.vector_load %arg13[%swap3A_238, %swap3A_239] {strides = array<i32>} : memref<32x128xf32, #tpu.memory_space<vmem>>, vector<1x16xf32>,
      %swap3A_241 = vector.shape_cast %swap3A_240 : vector<1x16xf32> to vector<16xf32>
      %swap3A_242 = vector.shape_cast %broadcast_in_dim3A_237 : vector<16xf32> to vector<1x16xf32>
      tpu.vector_store %arg13[%swap3A_238, %swap3A_239], %swap3A_242 {strides = array<i32>} : memref<32x128xf32, #tpu.memory_space<vmem>>, vector<1x16xf32>,
      %broadcast_in_dim3A_243 = arith.constant 0.000000e+00 : f32
      %broadcast_in_dim3A_244 = vector.broadcast %broadcast_in_dim3A_243 : f32 to vector<16xf32>
      %swap3A_245 = arith.index_cast %scan3A_195 : i32 to index
      %swap3A_246 = arith.constant 112 : index
      %swap3A_247 = tpu.vector_load %arg13[%swap3A_245, %swap3A_246] {strides = array<i32>} : memref<32x128xf32, #tpu.memory_space<vmem>>, vector<1x16xf32>,
      %swap3A_248 = vector.shape_cast %swap3A_247 : vector<1x16xf32> to vector<16xf32>
      %swap3A_249 = vector.shape_cast %broadcast_in_dim3A_244 : vector<16xf32> to vector<1x16xf32>
      tpu.vector_store %arg13[%swap3A_245, %swap3A_246], %swap3A_249 {strides = array<i32>} : memref<32x128xf32, #tpu.memory_space<vmem>>, vector<1x16xf32>,
    }
    %scan3A_4 = arith.constant 32 : i32
    %mul3A = arith.constant 640 : i32
    %mul3A_5 = arith.muli %arg1, %mul3A : i32
    %multiple_of3A = tpu.assume_multiple %mul3A_5, 8 : i32
    %add3A = arith.constant 0 : i32
    %add3A_6 = arith.addi %multiple_of3A, %add3A : i32
    "tpu.region"() ({
      %run_scoped3A = tpu.sem_alloc : memref<!tpu.dma_semaphore, #tpu.memory_space<semaphore_mem>>
      %dma_start3A_195 = arith.constant 0 : i32
      %dma_start3A_196 = tpu.memref_slice %arg14[%add3A_6, %dma_start3A_195] : memref<10240x128xf32, #tpu.memory_space<vmem_shared>> -> memref<32x128xf32, #tpu.memory_space<vmem_shared>>
      %dma_start3A_197 = arith.constant 0 : i32
      %dma_start3A_198 = tpu.memref_slice %arg14[%add3A_6, %dma_start3A_197] : memref<10240x128xf32, #tpu.memory_space<vmem_shared>> -> memref<32x128xf32, #tpu.memory_space<vmem_shared>>
      tpu.enqueue_dma source(%arg13 : memref<32x128xf32, #tpu.memory_space<vmem>>) target(%dma_start3A_198 : memref<32x128xf32, #tpu.memory_space<vmem_shared>>) target_semaphore(%run_scoped3A : memref<!tpu.dma_semaphore, #tpu.memory_space<semaphore_mem>>)
      %dma_wait3A_199 = arith.constant 0 : i32
      %dma_wait3A_200 = tpu.memref_slice %arg14[%add3A_6, %dma_wait3A_199] : memref<10240x128xf32, #tpu.memory_space<vmem_shared>> -> memref<32x128xf32, #tpu.memory_space<vmem_shared>>
      %dma_wait3A_201 = arith.constant 0 : i32
      %dma_wait3A_202 = tpu.memref_slice %arg14[%add3A_6, %dma_wait3A_201] : memref<10240x128xf32, #tpu.memory_space<vmem_shared>> -> memref<32x128xf32, #tpu.memory_space<vmem_shared>>
      tpu.wait_dma2 semaphore(%run_scoped3A : memref<!tpu.dma_semaphore, #tpu.memory_space<semaphore_mem>>) src(%arg13 : memref<32x128xf32, #tpu.memory_space<vmem>>) dst(%dma_wait3A_202 : memref<32x128xf32, #tpu.memory_space<vmem_shared>>)
      tpu.yield
    }) : () -> ()
    %add3A_7 = arith.constant 32 : i32
    %add3A_8 = arith.addi %multiple_of3A, %add3A_7 : i32
    "tpu.region"() ({
      %run_scoped3A = tpu.sem_alloc : memref<!tpu.dma_semaphore, #tpu.memory_space<semaphore_mem>>
      %dma_start3A_195 = arith.constant 0 : i32
      %dma_start3A_196 = tpu.memref_slice %arg14[%add3A_8, %dma_start3A_195] : memref<10240x128xf32, #tpu.memory_space<vmem_shared>> -> memref<32x128xf32, #tpu.memory_space<vmem_shared>>
      %dma_start3A_197 = arith.constant 0 : i32
      %dma_start3A_198 = tpu.memref_slice %arg14[%add3A_8, %dma_start3A_197] : memref<10240x128xf32, #tpu.memory_space<vmem_shared>> -> memref<32x128xf32, #tpu.memory_space<vmem_shared>>
      tpu.enqueue_dma source(%arg13 : memref<32x128xf32, #tpu.memory_space<vmem>>) target(%dma_start3A_198 : memref<32x128xf32, #tpu.memory_space<vmem_shared>>) target_semaphore(%run_scoped3A : memref<!tpu.dma_semaphore, #tpu.memory_space<semaphore_mem>>)
      %dma_wait3A_199 = arith.constant 0 : i32
      %dma_wait3A_200 = tpu.memref_slice %arg14[%add3A_8, %dma_wait3A_199] : memref<10240x128xf32, #tpu.memory_space<vmem_shared>> -> memref<32x128xf32, #tpu.memory_space<vmem_shared>>
      %dma_wait3A_201 = arith.constant 0 : i32
      %dma_wait3A_202 = tpu.memref_slice %arg14[%add3A_8, %dma_wait3A_201] : memref<10240x128xf32, #tpu.memory_space<vmem_shared>> -> memref<32x128xf32, #tpu.memory_space<vmem_shared>>
      tpu.wait_dma2 semaphore(%run_scoped3A : memref<!tpu.dma_semaphore, #tpu.memory_space<semaphore_mem>>) src(%arg13 : memref<32x128xf32, #tpu.memory_space<vmem>>) dst(%dma_wait3A_202 : memref<32x128xf32, #tpu.memory_space<vmem_shared>>)
      tpu.yield
    }) : () -> ()
    %add3A_9 = arith.constant 64 : i32
    %add3A_10 = arith.addi %multiple_of3A, %add3A_9 : i32
    "tpu.region"() ({
      %run_scoped3A = tpu.sem_alloc : memref<!tpu.dma_semaphore, #tpu.memory_space<semaphore_mem>>
      %dma_start3A_195 = arith.constant 0 : i32
      %dma_start3A_196 = tpu.memref_slice %arg14[%add3A_10, %dma_start3A_195] : memref<10240x128xf32, #tpu.memory_space<vmem_shared>> -> memref<32x128xf32, #tpu.memory_space<vmem_shared>>
      %dma_start3A_197 = arith.constant 0 : i32
      %dma_start3A_198 = tpu.memref_slice %arg14[%add3A_10, %dma_start3A_197] : memref<10240x128xf32, #tpu.memory_space<vmem_shared>> -> memref<32x128xf32, #tpu.memory_space<vmem_shared>>
      tpu.enqueue_dma source(%arg13 : memref<32x128xf32, #tpu.memory_space<vmem>>) target(%dma_start3A_198 : memref<32x128xf32, #tpu.memory_space<vmem_shared>>) target_semaphore(%run_scoped3A : memref<!tpu.dma_semaphore, #tpu.memory_space<semaphore_mem>>)
      %dma_wait3A_199 = arith.constant 0 : i32
      %dma_wait3A_200 = tpu.memref_slice %arg14[%add3A_10, %dma_wait3A_199] : memref<10240x128xf32, #tpu.memory_space<vmem_shared>> -> memref<32x128xf32, #tpu.memory_space<vmem_shared>>
      %dma_wait3A_201 = arith.constant 0 : i32
      %dma_wait3A_202 = tpu.memref_slice %arg14[%add3A_10, %dma_wait3A_201] : memref<10240x128xf32, #tpu.memory_space<vmem_shared>> -> memref<32x128xf32, #tpu.memory_space<vmem_shared>>
      tpu.wait_dma2 semaphore(%run_scoped3A : memref<!tpu.dma_semaphore, #tpu.memory_space<semaphore_mem>>) src(%arg13 : memref<32x128xf32, #tpu.memory_space<vmem>>) dst(%dma_wait3A_202 : memref<32x128xf32, #tpu.memory_space<vmem_shared>>)
      tpu.yield
    }) : () -> ()
    %add3A_11 = arith.constant 96 : i32
    %add3A_12 = arith.addi %multiple_of3A, %add3A_11 : i32
    "tpu.region"() ({
      %run_scoped3A = tpu.sem_alloc : memref<!tpu.dma_semaphore, #tpu.memory_space<semaphore_mem>>
      %dma_start3A_195 = arith.constant 0 : i32
      %dma_start3A_196 = tpu.memref_slice %arg14[%add3A_12, %dma_start3A_195] : memref<10240x128xf32, #tpu.memory_space<vmem_shared>> -> memref<32x128xf32, #tpu.memory_space<vmem_shared>>
      %dma_start3A_197 = arith.constant 0 : i32
      %dma_start3A_198 = tpu.memref_slice %arg14[%add3A_12, %dma_start3A_197] : memref<10240x128xf32, #tpu.memory_space<vmem_shared>> -> memref<32x128xf32, #tpu.memory_space<vmem_shared>>
      tpu.enqueue_dma source(%arg13 : memref<32x128xf32, #tpu.memory_space<vmem>>) target(%dma_start3A_198 : memref<32x128xf32, #tpu.memory_space<vmem_shared>>) target_semaphore(%run_scoped3A : memref<!tpu.dma_semaphore, #tpu.memory_space<semaphore_mem>>)
      %dma_wait3A_199 = arith.constant 0 : i32
      %dma_wait3A_200 = tpu.memref_slice %arg14[%add3A_12, %dma_wait3A_199] : memref<10240x128xf32, #tpu.memory_space<vmem_shared>> -> memref<32x128xf32, #tpu.memory_space<vmem_shared>>
      %dma_wait3A_201 = arith.constant 0 : i32
      %dma_wait3A_202 = tpu.memref_slice %arg14[%add3A_12, %dma_wait3A_201] : memref<10240x128xf32, #tpu.memory_space<vmem_shared>> -> memref<32x128xf32, #tpu.memory_space<vmem_shared>>
      tpu.wait_dma2 semaphore(%run_scoped3A : memref<!tpu.dma_semaphore, #tpu.memory_space<semaphore_mem>>) src(%arg13 : memref<32x128xf32, #tpu.memory_space<vmem>>) dst(%dma_wait3A_202 : memref<32x128xf32, #tpu.memory_space<vmem_shared>>)
      tpu.yield
    }) : () -> ()
    %add3A_13 = arith.constant 128 : i32
    %add3A_14 = arith.addi %multiple_of3A, %add3A_13 : i32
    "tpu.region"() ({
      %run_scoped3A = tpu.sem_alloc : memref<!tpu.dma_semaphore, #tpu.memory_space<semaphore_mem>>
      %dma_start3A_195 = arith.constant 0 : i32
      %dma_start3A_196 = tpu.memref_slice %arg14[%add3A_14, %dma_start3A_195] : memref<10240x128xf32, #tpu.memory_space<vmem_shared>> -> memref<32x128xf32, #tpu.memory_space<vmem_shared>>
      %dma_start3A_197 = arith.constant 0 : i32
      %dma_start3A_198 = tpu.memref_slice %arg14[%add3A_14, %dma_start3A_197] : memref<10240x128xf32, #tpu.memory_space<vmem_shared>> -> memref<32x128xf32, #tpu.memory_space<vmem_shared>>
      tpu.enqueue_dma source(%arg13 : memref<32x128xf32, #tpu.memory_space<vmem>>) target(%dma_start3A_198 : memref<32x128xf32, #tpu.memory_space<vmem_shared>>) target_semaphore(%run_scoped3A : memref<!tpu.dma_semaphore, #tpu.memory_space<semaphore_mem>>)
      %dma_wait3A_199 = arith.constant 0 : i32
      %dma_wait3A_200 = tpu.memref_slice %arg14[%add3A_14, %dma_wait3A_199] : memref<10240x128xf32, #tpu.memory_space<vmem_shared>> -> memref<32x128xf32, #tpu.memory_space<vmem_shared>>
      %dma_wait3A_201 = arith.constant 0 : i32
      %dma_wait3A_202 = tpu.memref_slice %arg14[%add3A_14, %dma_wait3A_201] : memref<10240x128xf32, #tpu.memory_space<vmem_shared>> -> memref<32x128xf32, #tpu.memory_space<vmem_shared>>
      tpu.wait_dma2 semaphore(%run_scoped3A : memref<!tpu.dma_semaphore, #tpu.memory_space<semaphore_mem>>) src(%arg13 : memref<32x128xf32, #tpu.memory_space<vmem>>) dst(%dma_wait3A_202 : memref<32x128xf32, #tpu.memory_space<vmem_shared>>)
      tpu.yield
    }) : () -> ()
    %add3A_15 = arith.constant 160 : i32
    %add3A_16 = arith.addi %multiple_of3A, %add3A_15 : i32
    "tpu.region"() ({
      %run_scoped3A = tpu.sem_alloc : memref<!tpu.dma_semaphore, #tpu.memory_space<semaphore_mem>>
      %dma_start3A_195 = arith.constant 0 : i32
      %dma_start3A_196 = tpu.memref_slice %arg14[%add3A_16, %dma_start3A_195] : memref<10240x128xf32, #tpu.memory_space<vmem_shared>> -> memref<32x128xf32, #tpu.memory_space<vmem_shared>>
      %dma_start3A_197 = arith.constant 0 : i32
      %dma_start3A_198 = tpu.memref_slice %arg14[%add3A_16, %dma_start3A_197] : memref<10240x128xf32, #tpu.memory_space<vmem_shared>> -> memref<32x128xf32, #tpu.memory_space<vmem_shared>>
      tpu.enqueue_dma source(%arg13 : memref<32x128xf32, #tpu.memory_space<vmem>>) target(%dma_start3A_198 : memref<32x128xf32, #tpu.memory_space<vmem_shared>>) target_semaphore(%run_scoped3A : memref<!tpu.dma_semaphore, #tpu.memory_space<semaphore_mem>>)
      %dma_wait3A_199 = arith.constant 0 : i32
      %dma_wait3A_200 = tpu.memref_slice %arg14[%add3A_16, %dma_wait3A_199] : memref<10240x128xf32, #tpu.memory_space<vmem_shared>> -> memref<32x128xf32, #tpu.memory_space<vmem_shared>>
      %dma_wait3A_201 = arith.constant 0 : i32
      %dma_wait3A_202 = tpu.memref_slice %arg14[%add3A_16, %dma_wait3A_201] : memref<10240x128xf32, #tpu.memory_space<vmem_shared>> -> memref<32x128xf32, #tpu.memory_space<vmem_shared>>
      tpu.wait_dma2 semaphore(%run_scoped3A : memref<!tpu.dma_semaphore, #tpu.memory_space<semaphore_mem>>) src(%arg13 : memref<32x128xf32, #tpu.memory_space<vmem>>) dst(%dma_wait3A_202 : memref<32x128xf32, #tpu.memory_space<vmem_shared>>)
      tpu.yield
    }) : () -> ()
    %add3A_17 = arith.constant 192 : i32
    %add3A_18 = arith.addi %multiple_of3A, %add3A_17 : i32
    "tpu.region"() ({
      %run_scoped3A = tpu.sem_alloc : memref<!tpu.dma_semaphore, #tpu.memory_space<semaphore_mem>>
      %dma_start3A_195 = arith.constant 0 : i32
      %dma_start3A_196 = tpu.memref_slice %arg14[%add3A_18, %dma_start3A_195] : memref<10240x128xf32, #tpu.memory_space<vmem_shared>> -> memref<32x128xf32, #tpu.memory_space<vmem_shared>>
      %dma_start3A_197 = arith.constant 0 : i32
      %dma_start3A_198 = tpu.memref_slice %arg14[%add3A_18, %dma_start3A_197] : memref<10240x128xf32, #tpu.memory_space<vmem_shared>> -> memref<32x128xf32, #tpu.memory_space<vmem_shared>>
      tpu.enqueue_dma source(%arg13 : memref<32x128xf32, #tpu.memory_space<vmem>>) target(%dma_start3A_198 : memref<32x128xf32, #tpu.memory_space<vmem_shared>>) target_semaphore(%run_scoped3A : memref<!tpu.dma_semaphore, #tpu.memory_space<semaphore_mem>>)
      %dma_wait3A_199 = arith.constant 0 : i32
      %dma_wait3A_200 = tpu.memref_slice %arg14[%add3A_18, %dma_wait3A_199] : memref<10240x128xf32, #tpu.memory_space<vmem_shared>> -> memref<32x128xf32, #tpu.memory_space<vmem_shared>>
      %dma_wait3A_201 = arith.constant 0 : i32
      %dma_wait3A_202 = tpu.memref_slice %arg14[%add3A_18, %dma_wait3A_201] : memref<10240x128xf32, #tpu.memory_space<vmem_shared>> -> memref<32x128xf32, #tpu.memory_space<vmem_shared>>
      tpu.wait_dma2 semaphore(%run_scoped3A : memref<!tpu.dma_semaphore, #tpu.memory_space<semaphore_mem>>) src(%arg13 : memref<32x128xf32, #tpu.memory_space<vmem>>) dst(%dma_wait3A_202 : memref<32x128xf32, #tpu.memory_space<vmem_shared>>)
      tpu.yield
    }) : () -> ()
    %add3A_19 = arith.constant 224 : i32
    %add3A_20 = arith.addi %multiple_of3A, %add3A_19 : i32
    "tpu.region"() ({
      %run_scoped3A = tpu.sem_alloc : memref<!tpu.dma_semaphore, #tpu.memory_space<semaphore_mem>>
      %dma_start3A_195 = arith.constant 0 : i32
      %dma_start3A_196 = tpu.memref_slice %arg14[%add3A_20, %dma_start3A_195] : memref<10240x128xf32, #tpu.memory_space<vmem_shared>> -> memref<32x128xf32, #tpu.memory_space<vmem_shared>>
      %dma_start3A_197 = arith.constant 0 : i32
      %dma_start3A_198 = tpu.memref_slice %arg14[%add3A_20, %dma_start3A_197] : memref<10240x128xf32, #tpu.memory_space<vmem_shared>> -> memref<32x128xf32, #tpu.memory_space<vmem_shared>>
      tpu.enqueue_dma source(%arg13 : memref<32x128xf32, #tpu.memory_space<vmem>>) target(%dma_start3A_198 : memref<32x128xf32, #tpu.memory_space<vmem_shared>>) target_semaphore(%run_scoped3A : memref<!tpu.dma_semaphore, #tpu.memory_space<semaphore_mem>>)
      %dma_wait3A_199 = arith.constant 0 : i32
      %dma_wait3A_200 = tpu.memref_slice %arg14[%add3A_20, %dma_wait3A_199] : memref<10240x128xf32, #tpu.memory_space<vmem_shared>> -> memref<32x128xf32, #tpu.memory_space<vmem_shared>>
      %dma_wait3A_201 = arith.constant 0 : i32
      %dma_wait3A_202 = tpu.memref_slice %arg14[%add3A_20, %dma_wait3A_201] : memref<10240x128xf32, #tpu.memory_space<vmem_shared>> -> memref<32x128xf32, #tpu.memory_space<vmem_shared>>
      tpu.wait_dma2 semaphore(%run_scoped3A : memref<!tpu.dma_semaphore, #tpu.memory_space<semaphore_mem>>) src(%arg13 : memref<32x128xf32, #tpu.memory_space<vmem>>) dst(%dma_wait3A_202 : memref<32x128xf32, #tpu.memory_space<vmem_shared>>)
      tpu.yield
    }) : () -> ()
    %add3A_21 = arith.constant 256 : i32
    %add3A_22 = arith.addi %multiple_of3A, %add3A_21 : i32
    "tpu.region"() ({
      %run_scoped3A = tpu.sem_alloc : memref<!tpu.dma_semaphore, #tpu.memory_space<semaphore_mem>>
      %dma_start3A_195 = arith.constant 0 : i32
      %dma_start3A_196 = tpu.memref_slice %arg14[%add3A_22, %dma_start3A_195] : memref<10240x128xf32, #tpu.memory_space<vmem_shared>> -> memref<32x128xf32, #tpu.memory_space<vmem_shared>>
      %dma_start3A_197 = arith.constant 0 : i32
      %dma_start3A_198 = tpu.memref_slice %arg14[%add3A_22, %dma_start3A_197] : memref<10240x128xf32, #tpu.memory_space<vmem_shared>> -> memref<32x128xf32, #tpu.memory_space<vmem_shared>>
      tpu.enqueue_dma source(%arg13 : memref<32x128xf32, #tpu.memory_space<vmem>>) target(%dma_start3A_198 : memref<32x128xf32, #tpu.memory_space<vmem_shared>>) target_semaphore(%run_scoped3A : memref<!tpu.dma_semaphore, #tpu.memory_space<semaphore_mem>>)
      %dma_wait3A_199 = arith.constant 0 : i32
      %dma_wait3A_200 = tpu.memref_slice %arg14[%add3A_22, %dma_wait3A_199] : memref<10240x128xf32, #tpu.memory_space<vmem_shared>> -> memref<32x128xf32, #tpu.memory_space<vmem_shared>>
      %dma_wait3A_201 = arith.constant 0 : i32
      %dma_wait3A_202 = tpu.memref_slice %arg14[%add3A_22, %dma_wait3A_201] : memref<10240x128xf32, #tpu.memory_space<vmem_shared>> -> memref<32x128xf32, #tpu.memory_space<vmem_shared>>
      tpu.wait_dma2 semaphore(%run_scoped3A : memref<!tpu.dma_semaphore, #tpu.memory_space<semaphore_mem>>) src(%arg13 : memref<32x128xf32, #tpu.memory_space<vmem>>) dst(%dma_wait3A_202 : memref<32x128xf32, #tpu.memory_space<vmem_shared>>)
      tpu.yield
    }) : () -> ()
    %add3A_23 = arith.constant 288 : i32
    %add3A_24 = arith.addi %multiple_of3A, %add3A_23 : i32
    "tpu.region"() ({
      %run_scoped3A = tpu.sem_alloc : memref<!tpu.dma_semaphore, #tpu.memory_space<semaphore_mem>>
      %dma_start3A_195 = arith.constant 0 : i32
      %dma_start3A_196 = tpu.memref_slice %arg14[%add3A_24, %dma_start3A_195] : memref<10240x128xf32, #tpu.memory_space<vmem_shared>> -> memref<32x128xf32, #tpu.memory_space<vmem_shared>>
      %dma_start3A_197 = arith.constant 0 : i32
      %dma_start3A_198 = tpu.memref_slice %arg14[%add3A_24, %dma_start3A_197] : memref<10240x128xf32, #tpu.memory_space<vmem_shared>> -> memref<32x128xf32, #tpu.memory_space<vmem_shared>>
      tpu.enqueue_dma source(%arg13 : memref<32x128xf32, #tpu.memory_space<vmem>>) target(%dma_start3A_198 : memref<32x128xf32, #tpu.memory_space<vmem_shared>>) target_semaphore(%run_scoped3A : memref<!tpu.dma_semaphore, #tpu.memory_space<semaphore_mem>>)
      %dma_wait3A_199 = arith.constant 0 : i32
      %dma_wait3A_200 = tpu.memref_slice %arg14[%add3A_24, %dma_wait3A_199] : memref<10240x128xf32, #tpu.memory_space<vmem_shared>> -> memref<32x128xf32, #tpu.memory_space<vmem_shared>>
      %dma_wait3A_201 = arith.constant 0 : i32
      %dma_wait3A_202 = tpu.memref_slice %arg14[%add3A_24, %dma_wait3A_201] : memref<10240x128xf32, #tpu.memory_space<vmem_shared>> -> memref<32x128xf32, #tpu.memory_space<vmem_shared>>
      tpu.wait_dma2 semaphore(%run_scoped3A : memref<!tpu.dma_semaphore, #tpu.memory_space<semaphore_mem>>) src(%arg13 : memref<32x128xf32, #tpu.memory_space<vmem>>) dst(%dma_wait3A_202 : memref<32x128xf32, #tpu.memory_space<vmem_shared>>)
      tpu.yield
    }) : () -> ()
    %add3A_25 = arith.constant 320 : i32
    %add3A_26 = arith.addi %multiple_of3A, %add3A_25 : i32
    "tpu.region"() ({
      %run_scoped3A = tpu.sem_alloc : memref<!tpu.dma_semaphore, #tpu.memory_space<semaphore_mem>>
      %dma_start3A_195 = arith.constant 0 : i32
      %dma_start3A_196 = tpu.memref_slice %arg14[%add3A_26, %dma_start3A_195] : memref<10240x128xf32, #tpu.memory_space<vmem_shared>> -> memref<32x128xf32, #tpu.memory_space<vmem_shared>>
      %dma_start3A_197 = arith.constant 0 : i32
      %dma_start3A_198 = tpu.memref_slice %arg14[%add3A_26, %dma_start3A_197] : memref<10240x128xf32, #tpu.memory_space<vmem_shared>> -> memref<32x128xf32, #tpu.memory_space<vmem_shared>>
      tpu.enqueue_dma source(%arg13 : memref<32x128xf32, #tpu.memory_space<vmem>>) target(%dma_start3A_198 : memref<32x128xf32, #tpu.memory_space<vmem_shared>>) target_semaphore(%run_scoped3A : memref<!tpu.dma_semaphore, #tpu.memory_space<semaphore_mem>>)
      %dma_wait3A_199 = arith.constant 0 : i32
      %dma_wait3A_200 = tpu.memref_slice %arg14[%add3A_26, %dma_wait3A_199] : memref<10240x128xf32, #tpu.memory_space<vmem_shared>> -> memref<32x128xf32, #tpu.memory_space<vmem_shared>>
      %dma_wait3A_201 = arith.constant 0 : i32
      %dma_wait3A_202 = tpu.memref_slice %arg14[%add3A_26, %dma_wait3A_201] : memref<10240x128xf32, #tpu.memory_space<vmem_shared>> -> memref<32x128xf32, #tpu.memory_space<vmem_shared>>
      tpu.wait_dma2 semaphore(%run_scoped3A : memref<!tpu.dma_semaphore, #tpu.memory_space<semaphore_mem>>) src(%arg13 : memref<32x128xf32, #tpu.memory_space<vmem>>) dst(%dma_wait3A_202 : memref<32x128xf32, #tpu.memory_space<vmem_shared>>)
      tpu.yield
    }) : () -> ()
    %add3A_27 = arith.constant 352 : i32
    %add3A_28 = arith.addi %multiple_of3A, %add3A_27 : i32
    "tpu.region"() ({
      %run_scoped3A = tpu.sem_alloc : memref<!tpu.dma_semaphore, #tpu.memory_space<semaphore_mem>>
      %dma_start3A_195 = arith.constant 0 : i32
      %dma_start3A_196 = tpu.memref_slice %arg14[%add3A_28, %dma_start3A_195] : memref<10240x128xf32, #tpu.memory_space<vmem_shared>> -> memref<32x128xf32, #tpu.memory_space<vmem_shared>>
      %dma_start3A_197 = arith.constant 0 : i32
      %dma_start3A_198 = tpu.memref_slice %arg14[%add3A_28, %dma_start3A_197] : memref<10240x128xf32, #tpu.memory_space<vmem_shared>> -> memref<32x128xf32, #tpu.memory_space<vmem_shared>>
      tpu.enqueue_dma source(%arg13 : memref<32x128xf32, #tpu.memory_space<vmem>>) target(%dma_start3A_198 : memref<32x128xf32, #tpu.memory_space<vmem_shared>>) target_semaphore(%run_scoped3A : memref<!tpu.dma_semaphore, #tpu.memory_space<semaphore_mem>>)
      %dma_wait3A_199 = arith.constant 0 : i32
      %dma_wait3A_200 = tpu.memref_slice %arg14[%add3A_28, %dma_wait3A_199] : memref<10240x128xf32, #tpu.memory_space<vmem_shared>> -> memref<32x128xf32, #tpu.memory_space<vmem_shared>>
      %dma_wait3A_201 = arith.constant 0 : i32
      %dma_wait3A_202 = tpu.memref_slice %arg14[%add3A_28, %dma_wait3A_201] : memref<10240x128xf32, #tpu.memory_space<vmem_shared>> -> memref<32x128xf32, #tpu.memory_space<vmem_shared>>
      tpu.wait_dma2 semaphore(%run_scoped3A : memref<!tpu.dma_semaphore, #tpu.memory_space<semaphore_mem>>) src(%arg13 : memref<32x128xf32, #tpu.memory_space<vmem>>) dst(%dma_wait3A_202 : memref<32x128xf32, #tpu.memory_space<vmem_shared>>)
      tpu.yield
    }) : () -> ()
    %add3A_29 = arith.constant 384 : i32
    %add3A_30 = arith.addi %multiple_of3A, %add3A_29 : i32
    "tpu.region"() ({
      %run_scoped3A = tpu.sem_alloc : memref<!tpu.dma_semaphore, #tpu.memory_space<semaphore_mem>>
      %dma_start3A_195 = arith.constant 0 : i32
      %dma_start3A_196 = tpu.memref_slice %arg14[%add3A_30, %dma_start3A_195] : memref<10240x128xf32, #tpu.memory_space<vmem_shared>> -> memref<32x128xf32, #tpu.memory_space<vmem_shared>>
      %dma_start3A_197 = arith.constant 0 : i32
      %dma_start3A_198 = tpu.memref_slice %arg14[%add3A_30, %dma_start3A_197] : memref<10240x128xf32, #tpu.memory_space<vmem_shared>> -> memref<32x128xf32, #tpu.memory_space<vmem_shared>>
      tpu.enqueue_dma source(%arg13 : memref<32x128xf32, #tpu.memory_space<vmem>>) target(%dma_start3A_198 : memref<32x128xf32, #tpu.memory_space<vmem_shared>>) target_semaphore(%run_scoped3A : memref<!tpu.dma_semaphore, #tpu.memory_space<semaphore_mem>>)
      %dma_wait3A_199 = arith.constant 0 : i32
      %dma_wait3A_200 = tpu.memref_slice %arg14[%add3A_30, %dma_wait3A_199] : memref<10240x128xf32, #tpu.memory_space<vmem_shared>> -> memref<32x128xf32, #tpu.memory_space<vmem_shared>>
      %dma_wait3A_201 = arith.constant 0 : i32
      %dma_wait3A_202 = tpu.memref_slice %arg14[%add3A_30, %dma_wait3A_201] : memref<10240x128xf32, #tpu.memory_space<vmem_shared>> -> memref<32x128xf32, #tpu.memory_space<vmem_shared>>
      tpu.wait_dma2 semaphore(%run_scoped3A : memref<!tpu.dma_semaphore, #tpu.memory_space<semaphore_mem>>) src(%arg13 : memref<32x128xf32, #tpu.memory_space<vmem>>) dst(%dma_wait3A_202 : memref<32x128xf32, #tpu.memory_space<vmem_shared>>)
      tpu.yield
    }) : () -> ()
    %add3A_31 = arith.constant 416 : i32
    %add3A_32 = arith.addi %multiple_of3A, %add3A_31 : i32
    "tpu.region"() ({
      %run_scoped3A = tpu.sem_alloc : memref<!tpu.dma_semaphore, #tpu.memory_space<semaphore_mem>>
      %dma_start3A_195 = arith.constant 0 : i32
      %dma_start3A_196 = tpu.memref_slice %arg14[%add3A_32, %dma_start3A_195] : memref<10240x128xf32, #tpu.memory_space<vmem_shared>> -> memref<32x128xf32, #tpu.memory_space<vmem_shared>>
      %dma_start3A_197 = arith.constant 0 : i32
      %dma_start3A_198 = tpu.memref_slice %arg14[%add3A_32, %dma_start3A_197] : memref<10240x128xf32, #tpu.memory_space<vmem_shared>> -> memref<32x128xf32, #tpu.memory_space<vmem_shared>>
      tpu.enqueue_dma source(%arg13 : memref<32x128xf32, #tpu.memory_space<vmem>>) target(%dma_start3A_198 : memref<32x128xf32, #tpu.memory_space<vmem_shared>>) target_semaphore(%run_scoped3A : memref<!tpu.dma_semaphore, #tpu.memory_space<semaphore_mem>>)
      %dma_wait3A_199 = arith.constant 0 : i32
      %dma_wait3A_200 = tpu.memref_slice %arg14[%add3A_32, %dma_wait3A_199] : memref<10240x128xf32, #tpu.memory_space<vmem_shared>> -> memref<32x128xf32, #tpu.memory_space<vmem_shared>>
      %dma_wait3A_201 = arith.constant 0 : i32
      %dma_wait3A_202 = tpu.memref_slice %arg14[%add3A_32, %dma_wait3A_201] : memref<10240x128xf32, #tpu.memory_space<vmem_shared>> -> memref<32x128xf32, #tpu.memory_space<vmem_shared>>
      tpu.wait_dma2 semaphore(%run_scoped3A : memref<!tpu.dma_semaphore, #tpu.memory_space<semaphore_mem>>) src(%arg13 : memref<32x128xf32, #tpu.memory_space<vmem>>) dst(%dma_wait3A_202 : memref<32x128xf32, #tpu.memory_space<vmem_shared>>)
      tpu.yield
    }) : () -> ()
    %add3A_33 = arith.constant 448 : i32
    %add3A_34 = arith.addi %multiple_of3A, %add3A_33 : i32
    "tpu.region"() ({
      %run_scoped3A = tpu.sem_alloc : memref<!tpu.dma_semaphore, #tpu.memory_space<semaphore_mem>>
      %dma_start3A_195 = arith.constant 0 : i32
      %dma_start3A_196 = tpu.memref_slice %arg14[%add3A_34, %dma_start3A_195] : memref<10240x128xf32, #tpu.memory_space<vmem_shared>> -> memref<32x128xf32, #tpu.memory_space<vmem_shared>>
      %dma_start3A_197 = arith.constant 0 : i32
      %dma_start3A_198 = tpu.memref_slice %arg14[%add3A_34, %dma_start3A_197] : memref<10240x128xf32, #tpu.memory_space<vmem_shared>> -> memref<32x128xf32, #tpu.memory_space<vmem_shared>>
      tpu.enqueue_dma source(%arg13 : memref<32x128xf32, #tpu.memory_space<vmem>>) target(%dma_start3A_198 : memref<32x128xf32, #tpu.memory_space<vmem_shared>>) target_semaphore(%run_scoped3A : memref<!tpu.dma_semaphore, #tpu.memory_space<semaphore_mem>>)
      %dma_wait3A_199 = arith.constant 0 : i32
      %dma_wait3A_200 = tpu.memref_slice %arg14[%add3A_34, %dma_wait3A_199] : memref<10240x128xf32, #tpu.memory_space<vmem_shared>> -> memref<32x128xf32, #tpu.memory_space<vmem_shared>>
      %dma_wait3A_201 = arith.constant 0 : i32
      %dma_wait3A_202 = tpu.memref_slice %arg14[%add3A_34, %dma_wait3A_201] : memref<10240x128xf32, #tpu.memory_space<vmem_shared>> -> memref<32x128xf32, #tpu.memory_space<vmem_shared>>
      tpu.wait_dma2 semaphore(%run_scoped3A : memref<!tpu.dma_semaphore, #tpu.memory_space<semaphore_mem>>) src(%arg13 : memref<32x128xf32, #tpu.memory_space<vmem>>) dst(%dma_wait3A_202 : memref<32x128xf32, #tpu.memory_space<vmem_shared>>)
      tpu.yield
    }) : () -> ()
    %add3A_35 = arith.constant 480 : i32
    %add3A_36 = arith.addi %multiple_of3A, %add3A_35 : i32
    "tpu.region"() ({
      %run_scoped3A = tpu.sem_alloc : memref<!tpu.dma_semaphore, #tpu.memory_space<semaphore_mem>>
      %dma_start3A_195 = arith.constant 0 : i32
      %dma_start3A_196 = tpu.memref_slice %arg14[%add3A_36, %dma_start3A_195] : memref<10240x128xf32, #tpu.memory_space<vmem_shared>> -> memref<32x128xf32, #tpu.memory_space<vmem_shared>>
      %dma_start3A_197 = arith.constant 0 : i32
      %dma_start3A_198 = tpu.memref_slice %arg14[%add3A_36, %dma_start3A_197] : memref<10240x128xf32, #tpu.memory_space<vmem_shared>> -> memref<32x128xf32, #tpu.memory_space<vmem_shared>>
      tpu.enqueue_dma source(%arg13 : memref<32x128xf32, #tpu.memory_space<vmem>>) target(%dma_start3A_198 : memref<32x128xf32, #tpu.memory_space<vmem_shared>>) target_semaphore(%run_scoped3A : memref<!tpu.dma_semaphore, #tpu.memory_space<semaphore_mem>>)
      %dma_wait3A_199 = arith.constant 0 : i32
      %dma_wait3A_200 = tpu.memref_slice %arg14[%add3A_36, %dma_wait3A_199] : memref<10240x128xf32, #tpu.memory_space<vmem_shared>> -> memref<32x128xf32, #tpu.memory_space<vmem_shared>>
      %dma_wait3A_201 = arith.constant 0 : i32
      %dma_wait3A_202 = tpu.memref_slice %arg14[%add3A_36, %dma_wait3A_201] : memref<10240x128xf32, #tpu.memory_space<vmem_shared>> -> memref<32x128xf32, #tpu.memory_space<vmem_shared>>
      tpu.wait_dma2 semaphore(%run_scoped3A : memref<!tpu.dma_semaphore, #tpu.memory_space<semaphore_mem>>) src(%arg13 : memref<32x128xf32, #tpu.memory_space<vmem>>) dst(%dma_wait3A_202 : memref<32x128xf32, #tpu.memory_space<vmem_shared>>)
      tpu.yield
    }) : () -> ()
    %add3A_37 = arith.constant 512 : i32
    %add3A_38 = arith.addi %multiple_of3A, %add3A_37 : i32
    "tpu.region"() ({
      %run_scoped3A = tpu.sem_alloc : memref<!tpu.dma_semaphore, #tpu.memory_space<semaphore_mem>>
      %dma_start3A_195 = arith.constant 0 : i32
      %dma_start3A_196 = tpu.memref_slice %arg14[%add3A_38, %dma_start3A_195] : memref<10240x128xf32, #tpu.memory_space<vmem_shared>> -> memref<32x128xf32, #tpu.memory_space<vmem_shared>>
      %dma_start3A_197 = arith.constant 0 : i32
      %dma_start3A_198 = tpu.memref_slice %arg14[%add3A_38, %dma_start3A_197] : memref<10240x128xf32, #tpu.memory_space<vmem_shared>> -> memref<32x128xf32, #tpu.memory_space<vmem_shared>>
      tpu.enqueue_dma source(%arg13 : memref<32x128xf32, #tpu.memory_space<vmem>>) target(%dma_start3A_198 : memref<32x128xf32, #tpu.memory_space<vmem_shared>>) target_semaphore(%run_scoped3A : memref<!tpu.dma_semaphore, #tpu.memory_space<semaphore_mem>>)
      %dma_wait3A_199 = arith.constant 0 : i32
      %dma_wait3A_200 = tpu.memref_slice %arg14[%add3A_38, %dma_wait3A_199] : memref<10240x128xf32, #tpu.memory_space<vmem_shared>> -> memref<32x128xf32, #tpu.memory_space<vmem_shared>>
      %dma_wait3A_201 = arith.constant 0 : i32
      %dma_wait3A_202 = tpu.memref_slice %arg14[%add3A_38, %dma_wait3A_201] : memref<10240x128xf32, #tpu.memory_space<vmem_shared>> -> memref<32x128xf32, #tpu.memory_space<vmem_shared>>
      tpu.wait_dma2 semaphore(%run_scoped3A : memref<!tpu.dma_semaphore, #tpu.memory_space<semaphore_mem>>) src(%arg13 : memref<32x128xf32, #tpu.memory_space<vmem>>) dst(%dma_wait3A_202 : memref<32x128xf32, #tpu.memory_space<vmem_shared>>)
      tpu.yield
    }) : () -> ()
    %add3A_39 = arith.constant 544 : i32
    %add3A_40 = arith.addi %multiple_of3A, %add3A_39 : i32
    "tpu.region"() ({
      %run_scoped3A = tpu.sem_alloc : memref<!tpu.dma_semaphore, #tpu.memory_space<semaphore_mem>>
      %dma_start3A_195 = arith.constant 0 : i32
      %dma_start3A_196 = tpu.memref_slice %arg14[%add3A_40, %dma_start3A_195] : memref<10240x128xf32, #tpu.memory_space<vmem_shared>> -> memref<32x128xf32, #tpu.memory_space<vmem_shared>>
      %dma_start3A_197 = arith.constant 0 : i32
      %dma_start3A_198 = tpu.memref_slice %arg14[%add3A_40, %dma_start3A_197] : memref<10240x128xf32, #tpu.memory_space<vmem_shared>> -> memref<32x128xf32, #tpu.memory_space<vmem_shared>>
      tpu.enqueue_dma source(%arg13 : memref<32x128xf32, #tpu.memory_space<vmem>>) target(%dma_start3A_198 : memref<32x128xf32, #tpu.memory_space<vmem_shared>>) target_semaphore(%run_scoped3A : memref<!tpu.dma_semaphore, #tpu.memory_space<semaphore_mem>>)
      %dma_wait3A_199 = arith.constant 0 : i32
      %dma_wait3A_200 = tpu.memref_slice %arg14[%add3A_40, %dma_wait3A_199] : memref<10240x128xf32, #tpu.memory_space<vmem_shared>> -> memref<32x128xf32, #tpu.memory_space<vmem_shared>>
      %dma_wait3A_201 = arith.constant 0 : i32
      %dma_wait3A_202 = tpu.memref_slice %arg14[%add3A_40, %dma_wait3A_201] : memref<10240x128xf32, #tpu.memory_space<vmem_shared>> -> memref<32x128xf32, #tpu.memory_space<vmem_shared>>
      tpu.wait_dma2 semaphore(%run_scoped3A : memref<!tpu.dma_semaphore, #tpu.memory_space<semaphore_mem>>) src(%arg13 : memref<32x128xf32, #tpu.memory_space<vmem>>) dst(%dma_wait3A_202 : memref<32x128xf32, #tpu.memory_space<vmem_shared>>)
      tpu.yield
    }) : () -> ()
    %add3A_41 = arith.constant 576 : i32
    %add3A_42 = arith.addi %multiple_of3A, %add3A_41 : i32
    "tpu.region"() ({
      %run_scoped3A = tpu.sem_alloc : memref<!tpu.dma_semaphore, #tpu.memory_space<semaphore_mem>>
      %dma_start3A_195 = arith.constant 0 : i32
      %dma_start3A_196 = tpu.memref_slice %arg14[%add3A_42, %dma_start3A_195] : memref<10240x128xf32, #tpu.memory_space<vmem_shared>> -> memref<32x128xf32, #tpu.memory_space<vmem_shared>>
      %dma_start3A_197 = arith.constant 0 : i32
      %dma_start3A_198 = tpu.memref_slice %arg14[%add3A_42, %dma_start3A_197] : memref<10240x128xf32, #tpu.memory_space<vmem_shared>> -> memref<32x128xf32, #tpu.memory_space<vmem_shared>>
      tpu.enqueue_dma source(%arg13 : memref<32x128xf32, #tpu.memory_space<vmem>>) target(%dma_start3A_198 : memref<32x128xf32, #tpu.memory_space<vmem_shared>>) target_semaphore(%run_scoped3A : memref<!tpu.dma_semaphore, #tpu.memory_space<semaphore_mem>>)
      %dma_wait3A_199 = arith.constant 0 : i32
      %dma_wait3A_200 = tpu.memref_slice %arg14[%add3A_42, %dma_wait3A_199] : memref<10240x128xf32, #tpu.memory_space<vmem_shared>> -> memref<32x128xf32, #tpu.memory_space<vmem_shared>>
      %dma_wait3A_201 = arith.constant 0 : i32
      %dma_wait3A_202 = tpu.memref_slice %arg14[%add3A_42, %dma_wait3A_201] : memref<10240x128xf32, #tpu.memory_space<vmem_shared>> -> memref<32x128xf32, #tpu.memory_space<vmem_shared>>
      tpu.wait_dma2 semaphore(%run_scoped3A : memref<!tpu.dma_semaphore, #tpu.memory_space<semaphore_mem>>) src(%arg13 : memref<32x128xf32, #tpu.memory_space<vmem>>) dst(%dma_wait3A_202 : memref<32x128xf32, #tpu.memory_space<vmem_shared>>)
      tpu.yield
    }) : () -> ()
    %add3A_43 = arith.constant 608 : i32
    %add3A_44 = arith.addi %multiple_of3A, %add3A_43 : i32
    "tpu.region"() ({
      %run_scoped3A = tpu.sem_alloc : memref<!tpu.dma_semaphore, #tpu.memory_space<semaphore_mem>>
      %dma_start3A_195 = arith.constant 0 : i32
      %dma_start3A_196 = tpu.memref_slice %arg14[%add3A_44, %dma_start3A_195] : memref<10240x128xf32, #tpu.memory_space<vmem_shared>> -> memref<32x128xf32, #tpu.memory_space<vmem_shared>>
      %dma_start3A_197 = arith.constant 0 : i32
      %dma_start3A_198 = tpu.memref_slice %arg14[%add3A_44, %dma_start3A_197] : memref<10240x128xf32, #tpu.memory_space<vmem_shared>> -> memref<32x128xf32, #tpu.memory_space<vmem_shared>>
      tpu.enqueue_dma source(%arg13 : memref<32x128xf32, #tpu.memory_space<vmem>>) target(%dma_start3A_198 : memref<32x128xf32, #tpu.memory_space<vmem_shared>>) target_semaphore(%run_scoped3A : memref<!tpu.dma_semaphore, #tpu.memory_space<semaphore_mem>>)
      %dma_wait3A_199 = arith.constant 0 : i32
      %dma_wait3A_200 = tpu.memref_slice %arg14[%add3A_44, %dma_wait3A_199] : memref<10240x128xf32, #tpu.memory_space<vmem_shared>> -> memref<32x128xf32, #tpu.memory_space<vmem_shared>>
      %dma_wait3A_201 = arith.constant 0 : i32
      %dma_wait3A_202 = tpu.memref_slice %arg14[%add3A_44, %dma_wait3A_201] : memref<10240x128xf32, #tpu.memory_space<vmem_shared>> -> memref<32x128xf32, #tpu.memory_space<vmem_shared>>
      tpu.wait_dma2 semaphore(%run_scoped3A : memref<!tpu.dma_semaphore, #tpu.memory_space<semaphore_mem>>) src(%arg13 : memref<32x128xf32, #tpu.memory_space<vmem>>) dst(%dma_wait3A_202 : memref<32x128xf32, #tpu.memory_space<vmem_shared>>)
      tpu.yield
    }) : () -> ()
    %mul3A_45 = arith.constant 163840 : i32
    %mul3A_46 = arith.muli %arg0, %mul3A_45 : i32
    %mul3A_47 = arith.constant 10240 : i32
    %mul3A_48 = arith.muli %arg1, %mul3A_47 : i32
    %add3A_49 = arith.addi %mul3A_46, %mul3A_48 : i32
    %multiple_of3A_50 = tpu.assume_multiple %add3A_49, 8 : i32
    "tpu.region"() ({
      %run_scoped3A = tpu.sem_alloc : memref<!tpu.dma_semaphore, #tpu.memory_space<semaphore_mem>>
      %dma_start3A_195 = tpu.memref_slice %arg3[%multiple_of3A_50] : memref<327680xi32, #tpu.memory_space<hbm>> -> memref<10240xi32, #tpu.memory_space<hbm>>
      %dma_start3A_196 = tpu.memref_slice %arg3[%multiple_of3A_50] : memref<327680xi32, #tpu.memory_space<hbm>> -> memref<10240xi32, #tpu.memory_space<hbm>>
      tpu.enqueue_dma source(%dma_start3A_196 : memref<10240xi32, #tpu.memory_space<hbm>>) target(%arg6 : memref<10240xi32, #tpu.memory_space<vmem>>) target_semaphore(%run_scoped3A : memref<!tpu.dma_semaphore, #tpu.memory_space<semaphore_mem>>)
      %dma_wait3A_197 = tpu.memref_slice %arg3[%multiple_of3A_50] : memref<327680xi32, #tpu.memory_space<hbm>> -> memref<10240xi32, #tpu.memory_space<hbm>>
      %dma_wait3A_198 = tpu.memref_slice %arg3[%multiple_of3A_50] : memref<327680xi32, #tpu.memory_space<hbm>> -> memref<10240xi32, #tpu.memory_space<hbm>>
      tpu.wait_dma2 semaphore(%run_scoped3A : memref<!tpu.dma_semaphore, #tpu.memory_space<semaphore_mem>>) src(%dma_wait3A_198 : memref<10240xi32, #tpu.memory_space<hbm>>) dst(%arg6 : memref<10240xi32, #tpu.memory_space<vmem>>)
      tpu.yield
    }) : () -> ()
    %barrier3A = arith.constant 0 : index
    tpu.barrier barrier_id(%barrier3A)
    %add3A_51 = arith.constant 0 : i32
    %add3A_52 = arith.addi %multiple_of3A_50, %add3A_51 : i32
    %multiple_of3A_53 = tpu.assume_multiple %add3A_52, 8 : i32
    %dma_start3A = tpu.memref_slice %arg4[%multiple_of3A_53] : memref<327680xi32, #tpu.memory_space<hbm>> -> memref<80xi32, #tpu.memory_space<hbm>>
    %dma_start3A_54 = tpu.memref_slice %arg4[%multiple_of3A_53] : memref<327680xi32, #tpu.memory_space<hbm>> -> memref<80xi32, #tpu.memory_space<hbm>>
    tpu.enqueue_dma source(%dma_start3A_54 : memref<80xi32, #tpu.memory_space<hbm>>) target(%arg7 : memref<80xi32, #tpu.memory_space<vmem>>) target_semaphore(%arg16 : memref<!tpu.dma_semaphore, #tpu.memory_space<semaphore_mem>>)
    %multiple_of3A_55 = arith.constant 0 : i32
    %multiple_of3A_56 = tpu.assume_multiple %multiple_of3A_55, 8 : i32
    %dma_start3A_57 = tpu.memref_slice %arg6[%multiple_of3A_56] : memref<10240xi32, #tpu.memory_space<vmem>> -> memref<80xi32, #tpu.memory_space<vmem>>
    %dma_start3A_58 = arith.constant 0 : i32
    %dma_start3A_59 = arith.constant 0 : i32
    %dma_start3A_60 = tpu.memref_slice %arg2[%dma_start3A_58, %dma_start3A_59] : memref<10000x128xf32, #tpu.memory_space<hbm>> -> memref<10000x128xf32, #tpu.memory_space<hbm>>
    tpu.enqueue_indirect_dma source(%dma_start3A_60 : memref<10000x128xf32, #tpu.memory_space<hbm>>) target(%arg10 : memref<80x128xf32, #tpu.memory_space<vmem>>) offsets(%dma_start3A_57 : memref<80xi32, #tpu.memory_space<vmem>>) semaphore(%arg15 : memref<!tpu.dma_semaphore, #tpu.memory_space<semaphore_mem>>)
    %add3A_61 = arith.constant 80 : i32
    %add3A_62 = arith.addi %multiple_of3A_50, %add3A_61 : i32
    %multiple_of3A_63 = tpu.assume_multiple %add3A_62, 8 : i32
    %dma_start3A_64 = tpu.memref_slice %arg4[%multiple_of3A_63] : memref<327680xi32, #tpu.memory_space<hbm>> -> memref<80xi32, #tpu.memory_space<hbm>>
    %dma_start3A_65 = tpu.memref_slice %arg4[%multiple_of3A_63] : memref<327680xi32, #tpu.memory_space<hbm>> -> memref<80xi32, #tpu.memory_space<hbm>>
    tpu.enqueue_dma source(%dma_start3A_65 : memref<80xi32, #tpu.memory_space<hbm>>) target(%arg8 : memref<80xi32, #tpu.memory_space<vmem>>) target_semaphore(%arg16 : memref<!tpu.dma_semaphore, #tpu.memory_space<semaphore_mem>>)
    %multiple_of3A_66 = arith.constant 80 : i32
    %multiple_of3A_67 = tpu.assume_multiple %multiple_of3A_66, 8 : i32
    %dma_start3A_68 = tpu.memref_slice %arg6[%multiple_of3A_67] : memref<10240xi32, #tpu.memory_space<vmem>> -> memref<80xi32, #tpu.memory_space<vmem>>
    %dma_start3A_69 = arith.constant 0 : i32
    %dma_start3A_70 = arith.constant 0 : i32
    %dma_start3A_71 = tpu.memref_slice %arg2[%dma_start3A_69, %dma_start3A_70] : memref<10000x128xf32, #tpu.memory_space<hbm>> -> memref<10000x128xf32, #tpu.memory_space<hbm>>
    tpu.enqueue_indirect_dma source(%dma_start3A_71 : memref<10000x128xf32, #tpu.memory_space<hbm>>) target(%arg11 : memref<80x128xf32, #tpu.memory_space<vmem>>) offsets(%dma_start3A_68 : memref<80xi32, #tpu.memory_space<vmem>>) semaphore(%arg15 : memref<!tpu.dma_semaphore, #tpu.memory_space<semaphore_mem>>)
    %scan3A_72 = arith.constant 0 : i32
    %scan3A_73 = arith.constant 0 : i32
    %scan3A_74 = arith.constant 42 : i32
    %scan3A_75 = arith.addi %scan3A_73, %scan3A_74 : i32
    %scan3A_76 = arith.constant 1 : i32
    scf.for %scan3A_195 = %scan3A_73 to %scan3A_75 step %scan3A_76  : i32 {
      %mul3A_196 = arith.constant 3 : i32
      %mul3A_197 = arith.muli %mul3A_196, %scan3A_195 : i32
      %mul3A_198 = arith.constant 80 : i32
      %mul3A_199 = arith.muli %mul3A_197, %mul3A_198 : i32
      %multiple_of3A_200 = tpu.assume_multiple %mul3A_199, 8 : i32
      %dma_wait3A_201 = tpu.memref_slice %arg6[%multiple_of3A_200] : memref<10240xi32, #tpu.memory_space<vmem>> -> memref<80xi32, #tpu.memory_space<vmem>>
      %dma_wait3A_202 = arith.constant 0 : i32
      %dma_wait3A_203 = arith.constant 0 : i32
      %dma_wait3A_204 = tpu.memref_slice %arg2[%dma_wait3A_202, %dma_wait3A_203] : memref<10000x128xf32, #tpu.memory_space<hbm>> -> memref<10000x128xf32, #tpu.memory_space<hbm>>
      tpu.wait_indirect_dma semaphore(%arg15 : memref<!tpu.dma_semaphore, #tpu.memory_space<semaphore_mem>>) src(%dma_wait3A_204 : memref<10000x128xf32, #tpu.memory_space<hbm>>) dst(%arg10 : memref<80x128xf32, #tpu.memory_space<vmem>>)
      %ge3A = arith.constant 1 : i32
      %ge3A_205 = arith.cmpi sge, %mul3A_197, %ge3A : i32
      %convert_element_type3A = arith.extui %ge3A_205 : i1 to i32
      %cond3A = arith.constant 0 : i32
      %cond3A_206 = arith.cmpi ne, %convert_element_type3A, %cond3A : i32
      scf.if %cond3A_206 {
        %dma_wait3A_286 = arith.constant 0 : i32
        %dma_wait3A_287 = arith.constant 0 : i32
        %dma_wait3A_288 = tpu.memref_slice %arg14[%dma_wait3A_286, %dma_wait3A_287] : memref<10240x128xf32, #tpu.memory_space<vmem_shared>> -> memref<10240x128xf32, #tpu.memory_space<vmem_shared>>
        tpu.wait_indirect_dma semaphore(%arg17 : memref<!tpu.dma_semaphore, #tpu.memory_space<semaphore_mem>>) src(%arg12 : memref<80x128xf32, #tpu.memory_space<vmem>>) dst(%dma_wait3A_288 : memref<10240x128xf32, #tpu.memory_space<vmem_shared>>)
      } else {
      }
      %add3A_207 = arith.constant 2 : i32
      %add3A_208 = arith.addi %mul3A_197, %add3A_207 : i32
      %lt3A = arith.constant 128 : i32
      %lt3A_209 = arith.cmpi slt, %add3A_208, %lt3A : i32
      %convert_element_type3A_210 = arith.extui %lt3A_209 : i1 to i32
      %cond3A_211 = arith.constant 0 : i32
      %cond3A_212 = arith.cmpi ne, %convert_element_type3A_210, %cond3A_211 : i32
      scf.if %cond3A_212 {
        %add3A_286 = arith.constant 2 : i32
        %add3A_287 = arith.addi %mul3A_197, %add3A_286 : i32
        %mul3A_288 = arith.constant 80 : i32
        %mul3A_289 = arith.muli %add3A_287, %mul3A_288 : i32
        %multiple_of3A_290 = tpu.assume_multiple %mul3A_289, 8 : i32
        %dma_start3A_291 = tpu.memref_slice %arg6[%multiple_of3A_290] : memref<10240xi32, #tpu.memory_space<vmem>> -> memref<80xi32, #tpu.memory_space<vmem>>
        %dma_start3A_292 = arith.constant 0 : i32
        %dma_start3A_293 = arith.constant 0 : i32
        %dma_start3A_294 = tpu.memref_slice %arg2[%dma_start3A_292, %dma_start3A_293] : memref<10000x128xf32, #tpu.memory_space<hbm>> -> memref<10000x128xf32, #tpu.memory_space<hbm>>
        tpu.enqueue_indirect_dma source(%dma_start3A_294 : memref<10000x128xf32, #tpu.memory_space<hbm>>) target(%arg12 : memref<80x128xf32, #tpu.memory_space<vmem>>) offsets(%dma_start3A_291 : memref<80xi32, #tpu.memory_space<vmem>>) semaphore(%arg15 : memref<!tpu.dma_semaphore, #tpu.memory_space<semaphore_mem>>)
        %add3A_295 = arith.constant 2 : i32
        %add3A_296 = arith.addi %mul3A_197, %add3A_295 : i32
        %mul3A_297 = arith.constant 80 : i32
        %mul3A_298 = arith.muli %add3A_296, %mul3A_297 : i32
        %add3A_299 = arith.addi %multiple_of3A_50, %mul3A_298 : i32
        %multiple_of3A_300 = tpu.assume_multiple %add3A_299, 8 : i32
        %dma_start3A_301 = tpu.memref_slice %arg4[%multiple_of3A_300] : memref<327680xi32, #tpu.memory_space<hbm>> -> memref<80xi32, #tpu.memory_space<hbm>>
        %dma_start3A_302 = tpu.memref_slice %arg4[%multiple_of3A_300] : memref<327680xi32, #tpu.memory_space<hbm>> -> memref<80xi32, #tpu.memory_space<hbm>>
        tpu.enqueue_dma source(%dma_start3A_302 : memref<80xi32, #tpu.memory_space<hbm>>) target(%arg9 : memref<80xi32, #tpu.memory_space<vmem>>) target_semaphore(%arg16 : memref<!tpu.dma_semaphore, #tpu.memory_space<semaphore_mem>>)
      } else {
      }
      %mul3A_213 = arith.constant 80 : i32
      %mul3A_214 = arith.muli %mul3A_197, %mul3A_213 : i32
      %add3A_215 = arith.addi %multiple_of3A_50, %mul3A_214 : i32
      %multiple_of3A_216 = tpu.assume_multiple %add3A_215, 8 : i32
      %dma_wait3A_217 = tpu.memref_slice %arg4[%multiple_of3A_216] : memref<327680xi32, #tpu.memory_space<hbm>> -> memref<80xi32, #tpu.memory_space<hbm>>
      %dma_wait3A_218 = tpu.memref_slice %arg4[%multiple_of3A_216] : memref<327680xi32, #tpu.memory_space<hbm>> -> memref<80xi32, #tpu.memory_space<hbm>>
      tpu.wait_dma2 semaphore(%arg16 : memref<!tpu.dma_semaphore, #tpu.memory_space<semaphore_mem>>) src(%dma_wait3A_218 : memref<80xi32, #tpu.memory_space<hbm>>) dst(%arg7 : memref<80xi32, #tpu.memory_space<vmem>>)
      %dma_start3A_219 = arith.constant 0 : i32
      %dma_start3A_220 = arith.constant 0 : i32
      %dma_start3A_221 = tpu.memref_slice %arg14[%dma_start3A_219, %dma_start3A_220] : memref<10240x128xf32, #tpu.memory_space<vmem_shared>> -> memref<10240x128xf32, #tpu.memory_space<vmem_shared>>
      tpu.enqueue_indirect_dma source(%arg10 : memref<80x128xf32, #tpu.memory_space<vmem>>) target(%dma_start3A_221 : memref<10240x128xf32, #tpu.memory_space<vmem_shared>>) offsets(%arg7 : memref<80xi32, #tpu.memory_space<vmem>>) semaphore(%arg17 : memref<!tpu.dma_semaphore, #tpu.memory_space<semaphore_mem>>) {add = true}
      %mul3A_222 = arith.constant 3 : i32
      %mul3A_223 = arith.muli %mul3A_222, %scan3A_195 : i32
      %add3A_224 = arith.constant 1 : i32
      %add3A_225 = arith.addi %mul3A_223, %add3A_224 : i32
      %mul3A_226 = arith.constant 80 : i32
      %mul3A_227 = arith.muli %add3A_225, %mul3A_226 : i32
      %multiple_of3A_228 = tpu.assume_multiple %mul3A_227, 8 : i32
      %dma_wait3A_229 = tpu.memref_slice %arg6[%multiple_of3A_228] : memref<10240xi32, #tpu.memory_space<vmem>> -> memref<80xi32, #tpu.memory_space<vmem>>
      %dma_wait3A_230 = arith.constant 0 : i32
      %dma_wait3A_231 = arith.constant 0 : i32
      %dma_wait3A_232 = tpu.memref_slice %arg2[%dma_wait3A_230, %dma_wait3A_231] : memref<10000x128xf32, #tpu.memory_space<hbm>> -> memref<10000x128xf32, #tpu.memory_space<hbm>>
      tpu.wait_indirect_dma semaphore(%arg15 : memref<!tpu.dma_semaphore, #tpu.memory_space<semaphore_mem>>) src(%dma_wait3A_232 : memref<10000x128xf32, #tpu.memory_space<hbm>>) dst(%arg11 : memref<80x128xf32, #tpu.memory_space<vmem>>)
      %ge3A_233 = arith.constant 1 : i32
      %ge3A_234 = arith.cmpi sge, %add3A_225, %ge3A_233 : i32
      %convert_element_type3A_235 = arith.extui %ge3A_234 : i1 to i32
      %cond3A_236 = arith.constant 0 : i32
      %cond3A_237 = arith.cmpi ne, %convert_element_type3A_235, %cond3A_236 : i32
      scf.if %cond3A_237 {
        %dma_wait3A_286 = arith.constant 0 : i32
        %dma_wait3A_287 = arith.constant 0 : i32
        %dma_wait3A_288 = tpu.memref_slice %arg14[%dma_wait3A_286, %dma_wait3A_287] : memref<10240x128xf32, #tpu.memory_space<vmem_shared>> -> memref<10240x128xf32, #tpu.memory_space<vmem_shared>>
        tpu.wait_indirect_dma semaphore(%arg17 : memref<!tpu.dma_semaphore, #tpu.memory_space<semaphore_mem>>) src(%arg10 : memref<80x128xf32, #tpu.memory_space<vmem>>) dst(%dma_wait3A_288 : memref<10240x128xf32, #tpu.memory_space<vmem_shared>>)
      } else {
      }
      %add3A_238 = arith.constant 2 : i32
      %add3A_239 = arith.addi %add3A_225, %add3A_238 : i32
      %lt3A_240 = arith.constant 128 : i32
      %lt3A_241 = arith.cmpi slt, %add3A_239, %lt3A_240 : i32
      %convert_element_type3A_242 = arith.extui %lt3A_241 : i1 to i32
      %cond3A_243 = arith.constant 0 : i32
      %cond3A_244 = arith.cmpi ne, %convert_element_type3A_242, %cond3A_243 : i32
      scf.if %cond3A_244 {
        %add3A_286 = arith.constant 2 : i32
        %add3A_287 = arith.addi %add3A_225, %add3A_286 : i32
        %mul3A_288 = arith.constant 80 : i32
        %mul3A_289 = arith.muli %add3A_287, %mul3A_288 : i32
        %multiple_of3A_290 = tpu.assume_multiple %mul3A_289, 8 : i32
        %dma_start3A_291 = tpu.memref_slice %arg6[%multiple_of3A_290] : memref<10240xi32, #tpu.memory_space<vmem>> -> memref<80xi32, #tpu.memory_space<vmem>>
        %dma_start3A_292 = arith.constant 0 : i32
        %dma_start3A_293 = arith.constant 0 : i32
        %dma_start3A_294 = tpu.memref_slice %arg2[%dma_start3A_292, %dma_start3A_293] : memref<10000x128xf32, #tpu.memory_space<hbm>> -> memref<10000x128xf32, #tpu.memory_space<hbm>>
        tpu.enqueue_indirect_dma source(%dma_start3A_294 : memref<10000x128xf32, #tpu.memory_space<hbm>>) target(%arg10 : memref<80x128xf32, #tpu.memory_space<vmem>>) offsets(%dma_start3A_291 : memref<80xi32, #tpu.memory_space<vmem>>) semaphore(%arg15 : memref<!tpu.dma_semaphore, #tpu.memory_space<semaphore_mem>>)
        %add3A_295 = arith.constant 2 : i32
        %add3A_296 = arith.addi %add3A_225, %add3A_295 : i32
        %mul3A_297 = arith.constant 80 : i32
        %mul3A_298 = arith.muli %add3A_296, %mul3A_297 : i32
        %add3A_299 = arith.addi %multiple_of3A_50, %mul3A_298 : i32
        %multiple_of3A_300 = tpu.assume_multiple %add3A_299, 8 : i32
        %dma_start3A_301 = tpu.memref_slice %arg4[%multiple_of3A_300] : memref<327680xi32, #tpu.memory_space<hbm>> -> memref<80xi32, #tpu.memory_space<hbm>>
        %dma_start3A_302 = tpu.memref_slice %arg4[%multiple_of3A_300] : memref<327680xi32, #tpu.memory_space<hbm>> -> memref<80xi32, #tpu.memory_space<hbm>>
        tpu.enqueue_dma source(%dma_start3A_302 : memref<80xi32, #tpu.memory_space<hbm>>) target(%arg7 : memref<80xi32, #tpu.memory_space<vmem>>) target_semaphore(%arg16 : memref<!tpu.dma_semaphore, #tpu.memory_space<semaphore_mem>>)
      } else {
      }
      %mul3A_245 = arith.constant 80 : i32
      %mul3A_246 = arith.muli %add3A_225, %mul3A_245 : i32
      %add3A_247 = arith.addi %multiple_of3A_50, %mul3A_246 : i32
      %multiple_of3A_248 = tpu.assume_multiple %add3A_247, 8 : i32
      %dma_wait3A_249 = tpu.memref_slice %arg4[%multiple_of3A_248] : memref<327680xi32, #tpu.memory_space<hbm>> -> memref<80xi32, #tpu.memory_space<hbm>>
      %dma_wait3A_250 = tpu.memref_slice %arg4[%multiple_of3A_248] : memref<327680xi32, #tpu.memory_space<hbm>> -> memref<80xi32, #tpu.memory_space<hbm>>
      tpu.wait_dma2 semaphore(%arg16 : memref<!tpu.dma_semaphore, #tpu.memory_space<semaphore_mem>>) src(%dma_wait3A_250 : memref<80xi32, #tpu.memory_space<hbm>>) dst(%arg8 : memref<80xi32, #tpu.memory_space<vmem>>)
      %dma_start3A_251 = arith.constant 0 : i32
      %dma_start3A_252 = arith.constant 0 : i32
      %dma_start3A_253 = tpu.memref_slice %arg14[%dma_start3A_251, %dma_start3A_252] : memref<10240x128xf32, #tpu.memory_space<vmem_shared>> -> memref<10240x128xf32, #tpu.memory_space<vmem_shared>>
      tpu.enqueue_indirect_dma source(%arg11 : memref<80x128xf32, #tpu.memory_space<vmem>>) target(%dma_start3A_253 : memref<10240x128xf32, #tpu.memory_space<vmem_shared>>) offsets(%arg8 : memref<80xi32, #tpu.memory_space<vmem>>) semaphore(%arg17 : memref<!tpu.dma_semaphore, #tpu.memory_space<semaphore_mem>>) {add = true}
      %mul3A_254 = arith.constant 3 : i32
      %mul3A_255 = arith.muli %mul3A_254, %scan3A_195 : i32
      %add3A_256 = arith.constant 2 : i32
      %add3A_257 = arith.addi %mul3A_255, %add3A_256 : i32
      %mul3A_258 = arith.constant 80 : i32
      %mul3A_259 = arith.muli %add3A_257, %mul3A_258 : i32
      %multiple_of3A_260 = tpu.assume_multiple %mul3A_259, 8 : i32
      %dma_wait3A_261 = tpu.memref_slice %arg6[%multiple_of3A_260] : memref<10240xi32, #tpu.memory_space<vmem>> -> memref<80xi32, #tpu.memory_space<vmem>>
      %dma_wait3A_262 = arith.constant 0 : i32
      %dma_wait3A_263 = arith.constant 0 : i32
      %dma_wait3A_264 = tpu.memref_slice %arg2[%dma_wait3A_262, %dma_wait3A_263] : memref<10000x128xf32, #tpu.memory_space<hbm>> -> memref<10000x128xf32, #tpu.memory_space<hbm>>
      tpu.wait_indirect_dma semaphore(%arg15 : memref<!tpu.dma_semaphore, #tpu.memory_space<semaphore_mem>>) src(%dma_wait3A_264 : memref<10000x128xf32, #tpu.memory_space<hbm>>) dst(%arg12 : memref<80x128xf32, #tpu.memory_space<vmem>>)
      %ge3A_265 = arith.constant 1 : i32
      %ge3A_266 = arith.cmpi sge, %add3A_257, %ge3A_265 : i32
      %convert_element_type3A_267 = arith.extui %ge3A_266 : i1 to i32
      %cond3A_268 = arith.constant 0 : i32
      %cond3A_269 = arith.cmpi ne, %convert_element_type3A_267, %cond3A_268 : i32
      scf.if %cond3A_269 {
        %dma_wait3A_286 = arith.constant 0 : i32
        %dma_wait3A_287 = arith.constant 0 : i32
        %dma_wait3A_288 = tpu.memref_slice %arg14[%dma_wait3A_286, %dma_wait3A_287] : memref<10240x128xf32, #tpu.memory_space<vmem_shared>> -> memref<10240x128xf32, #tpu.memory_space<vmem_shared>>
        tpu.wait_indirect_dma semaphore(%arg17 : memref<!tpu.dma_semaphore, #tpu.memory_space<semaphore_mem>>) src(%arg11 : memref<80x128xf32, #tpu.memory_space<vmem>>) dst(%dma_wait3A_288 : memref<10240x128xf32, #tpu.memory_space<vmem_shared>>)
      } else {
      }
      %add3A_270 = arith.constant 2 : i32
      %add3A_271 = arith.addi %add3A_257, %add3A_270 : i32
      %lt3A_272 = arith.constant 128 : i32
      %lt3A_273 = arith.cmpi slt, %add3A_271, %lt3A_272 : i32
      %convert_element_type3A_274 = arith.extui %lt3A_273 : i1 to i32
      %cond3A_275 = arith.constant 0 : i32
      %cond3A_276 = arith.cmpi ne, %convert_element_type3A_274, %cond3A_275 : i32
      scf.if %cond3A_276 {
        %add3A_286 = arith.constant 2 : i32
        %add3A_287 = arith.addi %add3A_257, %add3A_286 : i32
        %mul3A_288 = arith.constant 80 : i32
        %mul3A_289 = arith.muli %add3A_287, %mul3A_288 : i32
        %multiple_of3A_290 = tpu.assume_multiple %mul3A_289, 8 : i32
        %dma_start3A_291 = tpu.memref_slice %arg6[%multiple_of3A_290] : memref<10240xi32, #tpu.memory_space<vmem>> -> memref<80xi32, #tpu.memory_space<vmem>>
        %dma_start3A_292 = arith.constant 0 : i32
        %dma_start3A_293 = arith.constant 0 : i32
        %dma_start3A_294 = tpu.memref_slice %arg2[%dma_start3A_292, %dma_start3A_293] : memref<10000x128xf32, #tpu.memory_space<hbm>> -> memref<10000x128xf32, #tpu.memory_space<hbm>>
        tpu.enqueue_indirect_dma source(%dma_start3A_294 : memref<10000x128xf32, #tpu.memory_space<hbm>>) target(%arg11 : memref<80x128xf32, #tpu.memory_space<vmem>>) offsets(%dma_start3A_291 : memref<80xi32, #tpu.memory_space<vmem>>) semaphore(%arg15 : memref<!tpu.dma_semaphore, #tpu.memory_space<semaphore_mem>>)
        %add3A_295 = arith.constant 2 : i32
        %add3A_296 = arith.addi %add3A_257, %add3A_295 : i32
        %mul3A_297 = arith.constant 80 : i32
        %mul3A_298 = arith.muli %add3A_296, %mul3A_297 : i32
        %add3A_299 = arith.addi %multiple_of3A_50, %mul3A_298 : i32
        %multiple_of3A_300 = tpu.assume_multiple %add3A_299, 8 : i32
        %dma_start3A_301 = tpu.memref_slice %arg4[%multiple_of3A_300] : memref<327680xi32, #tpu.memory_space<hbm>> -> memref<80xi32, #tpu.memory_space<hbm>>
        %dma_start3A_302 = tpu.memref_slice %arg4[%multiple_of3A_300] : memref<327680xi32, #tpu.memory_space<hbm>> -> memref<80xi32, #tpu.memory_space<hbm>>
        tpu.enqueue_dma source(%dma_start3A_302 : memref<80xi32, #tpu.memory_space<hbm>>) target(%arg8 : memref<80xi32, #tpu.memory_space<vmem>>) target_semaphore(%arg16 : memref<!tpu.dma_semaphore, #tpu.memory_space<semaphore_mem>>)
      } else {
      }
      %mul3A_277 = arith.constant 80 : i32
      %mul3A_278 = arith.muli %add3A_257, %mul3A_277 : i32
      %add3A_279 = arith.addi %multiple_of3A_50, %mul3A_278 : i32
      %multiple_of3A_280 = tpu.assume_multiple %add3A_279, 8 : i32
      %dma_wait3A_281 = tpu.memref_slice %arg4[%multiple_of3A_280] : memref<327680xi32, #tpu.memory_space<hbm>> -> memref<80xi32, #tpu.memory_space<hbm>>
      %dma_wait3A_282 = tpu.memref_slice %arg4[%multiple_of3A_280] : memref<327680xi32, #tpu.memory_space<hbm>> -> memref<80xi32, #tpu.memory_space<hbm>>
      tpu.wait_dma2 semaphore(%arg16 : memref<!tpu.dma_semaphore, #tpu.memory_space<semaphore_mem>>) src(%dma_wait3A_282 : memref<80xi32, #tpu.memory_space<hbm>>) dst(%arg9 : memref<80xi32, #tpu.memory_space<vmem>>)
      %dma_start3A_283 = arith.constant 0 : i32
      %dma_start3A_284 = arith.constant 0 : i32
      %dma_start3A_285 = tpu.memref_slice %arg14[%dma_start3A_283, %dma_start3A_284] : memref<10240x128xf32, #tpu.memory_space<vmem_shared>> -> memref<10240x128xf32, #tpu.memory_space<vmem_shared>>
      tpu.enqueue_indirect_dma source(%arg12 : memref<80x128xf32, #tpu.memory_space<vmem>>) target(%dma_start3A_285 : memref<10240x128xf32, #tpu.memory_space<vmem_shared>>) offsets(%arg9 : memref<80xi32, #tpu.memory_space<vmem>>) semaphore(%arg17 : memref<!tpu.dma_semaphore, #tpu.memory_space<semaphore_mem>>) {add = true}
    }
    %scan3A_77 = arith.constant 42 : i32
    %multiple_of3A_78 = arith.constant 10080 : i32
    %multiple_of3A_79 = tpu.assume_multiple %multiple_of3A_78, 8 : i32
    %dma_wait3A = tpu.memref_slice %arg6[%multiple_of3A_79] : memref<10240xi32, #tpu.memory_space<vmem>> -> memref<80xi32, #tpu.memory_space<vmem>>
    %dma_wait3A_80 = arith.constant 0 : i32
    %dma_wait3A_81 = arith.constant 0 : i32
    %dma_wait3A_82 = tpu.memref_slice %arg2[%dma_wait3A_80, %dma_wait3A_81] : memref<10000x128xf32, #tpu.memory_space<hbm>> -> memref<10000x128xf32, #tpu.memory_space<hbm>>
    tpu.wait_indirect_dma semaphore(%arg15 : memref<!tpu.dma_semaphore, #tpu.memory_space<semaphore_mem>>) src(%dma_wait3A_82 : memref<10000x128xf32, #tpu.memory_space<hbm>>) dst(%arg10 : memref<80x128xf32, #tpu.memory_space<vmem>>)
    %dma_wait3A_83 = arith.constant 0 : i32
    %dma_wait3A_84 = arith.constant 0 : i32
    %dma_wait3A_85 = tpu.memref_slice %arg14[%dma_wait3A_83, %dma_wait3A_84] : memref<10240x128xf32, #tpu.memory_space<vmem_shared>> -> memref<10240x128xf32, #tpu.memory_space<vmem_shared>>
    tpu.wait_indirect_dma semaphore(%arg17 : memref<!tpu.dma_semaphore, #tpu.memory_space<semaphore_mem>>) src(%arg12 : memref<80x128xf32, #tpu.memory_space<vmem>>) dst(%dma_wait3A_85 : memref<10240x128xf32, #tpu.memory_space<vmem_shared>>)
    %add3A_86 = arith.constant 10080 : i32
    %add3A_87 = arith.addi %multiple_of3A_50, %add3A_86 : i32
    %multiple_of3A_88 = tpu.assume_multiple %add3A_87, 8 : i32
    %dma_wait3A_89 = tpu.memref_slice %arg4[%multiple_of3A_88] : memref<327680xi32, #tpu.memory_space<hbm>> -> memref<80xi32, #tpu.memory_space<hbm>>
    %dma_wait3A_90 = tpu.memref_slice %arg4[%multiple_of3A_88] : memref<327680xi32, #tpu.memory_space<hbm>> -> memref<80xi32, #tpu.memory_space<hbm>>
    tpu.wait_dma2 semaphore(%arg16 : memref<!tpu.dma_semaphore, #tpu.memory_space<semaphore_mem>>) src(%dma_wait3A_90 : memref<80xi32, #tpu.memory_space<hbm>>) dst(%arg7 : memref<80xi32, #tpu.memory_space<vmem>>)
    %dma_start3A_91 = arith.constant 0 : i32
    %dma_start3A_92 = arith.constant 0 : i32
    %dma_start3A_93 = tpu.memref_slice %arg14[%dma_start3A_91, %dma_start3A_92] : memref<10240x128xf32, #tpu.memory_space<vmem_shared>> -> memref<10240x128xf32, #tpu.memory_space<vmem_shared>>
    tpu.enqueue_indirect_dma source(%arg10 : memref<80x128xf32, #tpu.memory_space<vmem>>) target(%dma_start3A_93 : memref<10240x128xf32, #tpu.memory_space<vmem_shared>>) offsets(%arg7 : memref<80xi32, #tpu.memory_space<vmem>>) semaphore(%arg17 : memref<!tpu.dma_semaphore, #tpu.memory_space<semaphore_mem>>) {add = true}
    %multiple_of3A_94 = arith.constant 10160 : i32
    %multiple_of3A_95 = tpu.assume_multiple %multiple_of3A_94, 8 : i32
    %dma_wait3A_96 = tpu.memref_slice %arg6[%multiple_of3A_95] : memref<10240xi32, #tpu.memory_space<vmem>> -> memref<80xi32, #tpu.memory_space<vmem>>
    %dma_wait3A_97 = arith.constant 0 : i32
    %dma_wait3A_98 = arith.constant 0 : i32
    %dma_wait3A_99 = tpu.memref_slice %arg2[%dma_wait3A_97, %dma_wait3A_98] : memref<10000x128xf32, #tpu.memory_space<hbm>> -> memref<10000x128xf32, #tpu.memory_space<hbm>>
    tpu.wait_indirect_dma semaphore(%arg15 : memref<!tpu.dma_semaphore, #tpu.memory_space<semaphore_mem>>) src(%dma_wait3A_99 : memref<10000x128xf32, #tpu.memory_space<hbm>>) dst(%arg11 : memref<80x128xf32, #tpu.memory_space<vmem>>)
    %dma_wait3A_100 = arith.constant 0 : i32
    %dma_wait3A_101 = arith.constant 0 : i32
    %dma_wait3A_102 = tpu.memref_slice %arg14[%dma_wait3A_100, %dma_wait3A_101] : memref<10240x128xf32, #tpu.memory_space<vmem_shared>> -> memref<10240x128xf32, #tpu.memory_space<vmem_shared>>
    tpu.wait_indirect_dma semaphore(%arg17 : memref<!tpu.dma_semaphore, #tpu.memory_space<semaphore_mem>>) src(%arg10 : memref<80x128xf32, #tpu.memory_space<vmem>>) dst(%dma_wait3A_102 : memref<10240x128xf32, #tpu.memory_space<vmem_shared>>)
    %add3A_103 = arith.constant 10160 : i32
    %add3A_104 = arith.addi %multiple_of3A_50, %add3A_103 : i32
    %multiple_of3A_105 = tpu.assume_multiple %add3A_104, 8 : i32
    %dma_wait3A_106 = tpu.memref_slice %arg4[%multiple_of3A_105] : memref<327680xi32, #tpu.memory_space<hbm>> -> memref<80xi32, #tpu.memory_space<hbm>>
    %dma_wait3A_107 = tpu.memref_slice %arg4[%multiple_of3A_105] : memref<327680xi32, #tpu.memory_space<hbm>> -> memref<80xi32, #tpu.memory_space<hbm>>
    tpu.wait_dma2 semaphore(%arg16 : memref<!tpu.dma_semaphore, #tpu.memory_space<semaphore_mem>>) src(%dma_wait3A_107 : memref<80xi32, #tpu.memory_space<hbm>>) dst(%arg8 : memref<80xi32, #tpu.memory_space<vmem>>)
    %dma_start3A_108 = arith.constant 0 : i32
    %dma_start3A_109 = arith.constant 0 : i32
    %dma_start3A_110 = tpu.memref_slice %arg14[%dma_start3A_108, %dma_start3A_109] : memref<10240x128xf32, #tpu.memory_space<vmem_shared>> -> memref<10240x128xf32, #tpu.memory_space<vmem_shared>>
    tpu.enqueue_indirect_dma source(%arg11 : memref<80x128xf32, #tpu.memory_space<vmem>>) target(%dma_start3A_110 : memref<10240x128xf32, #tpu.memory_space<vmem_shared>>) offsets(%arg8 : memref<80xi32, #tpu.memory_space<vmem>>) semaphore(%arg17 : memref<!tpu.dma_semaphore, #tpu.memory_space<semaphore_mem>>) {add = true}
    %dma_wait3A_111 = arith.constant 0 : i32
    %dma_wait3A_112 = arith.constant 0 : i32
    %dma_wait3A_113 = tpu.memref_slice %arg14[%dma_wait3A_111, %dma_wait3A_112] : memref<10240x128xf32, #tpu.memory_space<vmem_shared>> -> memref<10240x128xf32, #tpu.memory_space<vmem_shared>>
    tpu.wait_indirect_dma semaphore(%arg17 : memref<!tpu.dma_semaphore, #tpu.memory_space<semaphore_mem>>) src(%arg11 : memref<80x128xf32, #tpu.memory_space<vmem>>) dst(%dma_wait3A_113 : memref<10240x128xf32, #tpu.memory_space<vmem_shared>>)
    %barrier3A_114 = arith.constant 0 : index
    tpu.barrier barrier_id(%barrier3A_114)
    %add3A_115 = arith.constant 0 : i32
    %add3A_116 = arith.addi %multiple_of3A, %add3A_115 : i32
    "tpu.region"() ({
      %run_scoped3A = tpu.sem_alloc : memref<!tpu.dma_semaphore, #tpu.memory_space<semaphore_mem>>
      %dma_start3A_195 = arith.constant 0 : i32
      %dma_start3A_196 = tpu.memref_slice %arg14[%add3A_116, %dma_start3A_195] : memref<10240x128xf32, #tpu.memory_space<vmem_shared>> -> memref<32x128xf32, #tpu.memory_space<vmem_shared>>
      %dma_start3A_197 = arith.constant 0 : i32
      %dma_start3A_198 = tpu.memref_slice %arg14[%add3A_116, %dma_start3A_197] : memref<10240x128xf32, #tpu.memory_space<vmem_shared>> -> memref<32x128xf32, #tpu.memory_space<vmem_shared>>
      tpu.enqueue_dma source(%dma_start3A_198 : memref<32x128xf32, #tpu.memory_space<vmem_shared>>) target(%arg13 : memref<32x128xf32, #tpu.memory_space<vmem>>) target_semaphore(%run_scoped3A : memref<!tpu.dma_semaphore, #tpu.memory_space<semaphore_mem>>)
      %dma_wait3A_199 = arith.constant 0 : i32
      %dma_wait3A_200 = tpu.memref_slice %arg14[%add3A_116, %dma_wait3A_199] : memref<10240x128xf32, #tpu.memory_space<vmem_shared>> -> memref<32x128xf32, #tpu.memory_space<vmem_shared>>
      %dma_wait3A_201 = arith.constant 0 : i32
      %dma_wait3A_202 = tpu.memref_slice %arg14[%add3A_116, %dma_wait3A_201] : memref<10240x128xf32, #tpu.memory_space<vmem_shared>> -> memref<32x128xf32, #tpu.memory_space<vmem_shared>>
      tpu.wait_dma2 semaphore(%run_scoped3A : memref<!tpu.dma_semaphore, #tpu.memory_space<semaphore_mem>>) src(%dma_wait3A_202 : memref<32x128xf32, #tpu.memory_space<vmem_shared>>) dst(%arg13 : memref<32x128xf32, #tpu.memory_space<vmem>>)
      tpu.yield
    }) : () -> ()
    %add3A_117 = arith.constant 0 : i32
    %add3A_118 = arith.addi %multiple_of3A, %add3A_117 : i32
    "tpu.region"() ({
      %run_scoped3A = tpu.sem_alloc : memref<!tpu.dma_semaphore, #tpu.memory_space<semaphore_mem>>
      %dma_start3A_195 = arith.constant 0 : i32
      %dma_start3A_196 = tpu.memref_slice %arg5[%arg0, %add3A_118, %dma_start3A_195] : memref<2x10240x128xf32, #tpu.memory_space<hbm>> -> memref<1x32x128xf32, #tpu.memory_space<hbm>>
      %dma_start3A_197 = tpu.memref_squeeze %dma_start3A_196 : memref<1x32x128xf32, #tpu.memory_space<hbm>> -> memref<32x128xf32, #tpu.memory_space<hbm>>
      %dma_start3A_198 = arith.constant 0 : i32
      %dma_start3A_199 = tpu.memref_slice %arg5[%arg0, %add3A_118, %dma_start3A_198] : memref<2x10240x128xf32, #tpu.memory_space<hbm>> -> memref<1x32x128xf32, #tpu.memory_space<hbm>>
      %dma_start3A_200 = tpu.memref_squeeze %dma_start3A_199 : memref<1x32x128xf32, #tpu.memory_space<hbm>> -> memref<32x128xf32, #tpu.memory_space<hbm>>
      tpu.enqueue_dma source(%arg13 : memref<32x128xf32, #tpu.memory_space<vmem>>) target(%dma_start3A_200 : memref<32x128xf32, #tpu.memory_space<hbm>>) target_semaphore(%run_scoped3A : memref<!tpu.dma_semaphore, #tpu.memory_space<semaphore_mem>>)
      %dma_wait3A_201 = arith.constant 0 : i32
      %dma_wait3A_202 = tpu.memref_slice %arg5[%arg0, %add3A_118, %dma_wait3A_201] : memref<2x10240x128xf32, #tpu.memory_space<hbm>> -> memref<1x32x128xf32, #tpu.memory_space<hbm>>
      %dma_wait3A_203 = tpu.memref_squeeze %dma_wait3A_202 : memref<1x32x128xf32, #tpu.memory_space<hbm>> -> memref<32x128xf32, #tpu.memory_space<hbm>>
      %dma_wait3A_204 = arith.constant 0 : i32
      %dma_wait3A_205 = tpu.memref_slice %arg5[%arg0, %add3A_118, %dma_wait3A_204] : memref<2x10240x128xf32, #tpu.memory_space<hbm>> -> memref<1x32x128xf32, #tpu.memory_space<hbm>>
      %dma_wait3A_206 = tpu.memref_squeeze %dma_wait3A_205 : memref<1x32x128xf32, #tpu.memory_space<hbm>> -> memref<32x128xf32, #tpu.memory_space<hbm>>
      tpu.wait_dma2 semaphore(%run_scoped3A : memref<!tpu.dma_semaphore, #tpu.memory_space<semaphore_mem>>) src(%arg13 : memref<32x128xf32, #tpu.memory_space<vmem>>) dst(%dma_wait3A_206 : memref<32x128xf32, #tpu.memory_space<hbm>>)
      tpu.yield
    }) : () -> ()
    %add3A_119 = arith.constant 32 : i32
    %add3A_120 = arith.addi %multiple_of3A, %add3A_119 : i32
    "tpu.region"() ({
      %run_scoped3A = tpu.sem_alloc : memref<!tpu.dma_semaphore, #tpu.memory_space<semaphore_mem>>
      %dma_start3A_195 = arith.constant 0 : i32
      %dma_start3A_196 = tpu.memref_slice %arg14[%add3A_120, %dma_start3A_195] : memref<10240x128xf32, #tpu.memory_space<vmem_shared>> -> memref<32x128xf32, #tpu.memory_space<vmem_shared>>
      %dma_start3A_197 = arith.constant 0 : i32
      %dma_start3A_198 = tpu.memref_slice %arg14[%add3A_120, %dma_start3A_197] : memref<10240x128xf32, #tpu.memory_space<vmem_shared>> -> memref<32x128xf32, #tpu.memory_space<vmem_shared>>
      tpu.enqueue_dma source(%dma_start3A_198 : memref<32x128xf32, #tpu.memory_space<vmem_shared>>) target(%arg13 : memref<32x128xf32, #tpu.memory_space<vmem>>) target_semaphore(%run_scoped3A : memref<!tpu.dma_semaphore, #tpu.memory_space<semaphore_mem>>)
      %dma_wait3A_199 = arith.constant 0 : i32
      %dma_wait3A_200 = tpu.memref_slice %arg14[%add3A_120, %dma_wait3A_199] : memref<10240x128xf32, #tpu.memory_space<vmem_shared>> -> memref<32x128xf32, #tpu.memory_space<vmem_shared>>
      %dma_wait3A_201 = arith.constant 0 : i32
      %dma_wait3A_202 = tpu.memref_slice %arg14[%add3A_120, %dma_wait3A_201] : memref<10240x128xf32, #tpu.memory_space<vmem_shared>> -> memref<32x128xf32, #tpu.memory_space<vmem_shared>>
      tpu.wait_dma2 semaphore(%run_scoped3A : memref<!tpu.dma_semaphore, #tpu.memory_space<semaphore_mem>>) src(%dma_wait3A_202 : memref<32x128xf32, #tpu.memory_space<vmem_shared>>) dst(%arg13 : memref<32x128xf32, #tpu.memory_space<vmem>>)
      tpu.yield
    }) : () -> ()
    %add3A_121 = arith.constant 32 : i32
    %add3A_122 = arith.addi %multiple_of3A, %add3A_121 : i32
    "tpu.region"() ({
      %run_scoped3A = tpu.sem_alloc : memref<!tpu.dma_semaphore, #tpu.memory_space<semaphore_mem>>
      %dma_start3A_195 = arith.constant 0 : i32
      %dma_start3A_196 = tpu.memref_slice %arg5[%arg0, %add3A_122, %dma_start3A_195] : memref<2x10240x128xf32, #tpu.memory_space<hbm>> -> memref<1x32x128xf32, #tpu.memory_space<hbm>>
      %dma_start3A_197 = tpu.memref_squeeze %dma_start3A_196 : memref<1x32x128xf32, #tpu.memory_space<hbm>> -> memref<32x128xf32, #tpu.memory_space<hbm>>
      %dma_start3A_198 = arith.constant 0 : i32
      %dma_start3A_199 = tpu.memref_slice %arg5[%arg0, %add3A_122, %dma_start3A_198] : memref<2x10240x128xf32, #tpu.memory_space<hbm>> -> memref<1x32x128xf32, #tpu.memory_space<hbm>>
      %dma_start3A_200 = tpu.memref_squeeze %dma_start3A_199 : memref<1x32x128xf32, #tpu.memory_space<hbm>> -> memref<32x128xf32, #tpu.memory_space<hbm>>
      tpu.enqueue_dma source(%arg13 : memref<32x128xf32, #tpu.memory_space<vmem>>) target(%dma_start3A_200 : memref<32x128xf32, #tpu.memory_space<hbm>>) target_semaphore(%run_scoped3A : memref<!tpu.dma_semaphore, #tpu.memory_space<semaphore_mem>>)
      %dma_wait3A_201 = arith.constant 0 : i32
      %dma_wait3A_202 = tpu.memref_slice %arg5[%arg0, %add3A_122, %dma_wait3A_201] : memref<2x10240x128xf32, #tpu.memory_space<hbm>> -> memref<1x32x128xf32, #tpu.memory_space<hbm>>
      %dma_wait3A_203 = tpu.memref_squeeze %dma_wait3A_202 : memref<1x32x128xf32, #tpu.memory_space<hbm>> -> memref<32x128xf32, #tpu.memory_space<hbm>>
      %dma_wait3A_204 = arith.constant 0 : i32
      %dma_wait3A_205 = tpu.memref_slice %arg5[%arg0, %add3A_122, %dma_wait3A_204] : memref<2x10240x128xf32, #tpu.memory_space<hbm>> -> memref<1x32x128xf32, #tpu.memory_space<hbm>>
      %dma_wait3A_206 = tpu.memref_squeeze %dma_wait3A_205 : memref<1x32x128xf32, #tpu.memory_space<hbm>> -> memref<32x128xf32, #tpu.memory_space<hbm>>
      tpu.wait_dma2 semaphore(%run_scoped3A : memref<!tpu.dma_semaphore, #tpu.memory_space<semaphore_mem>>) src(%arg13 : memref<32x128xf32, #tpu.memory_space<vmem>>) dst(%dma_wait3A_206 : memref<32x128xf32, #tpu.memory_space<hbm>>)
      tpu.yield
    }) : () -> ()
    %add3A_123 = arith.constant 64 : i32
    %add3A_124 = arith.addi %multiple_of3A, %add3A_123 : i32
    "tpu.region"() ({
      %run_scoped3A = tpu.sem_alloc : memref<!tpu.dma_semaphore, #tpu.memory_space<semaphore_mem>>
      %dma_start3A_195 = arith.constant 0 : i32
      %dma_start3A_196 = tpu.memref_slice %arg14[%add3A_124, %dma_start3A_195] : memref<10240x128xf32, #tpu.memory_space<vmem_shared>> -> memref<32x128xf32, #tpu.memory_space<vmem_shared>>
      %dma_start3A_197 = arith.constant 0 : i32
      %dma_start3A_198 = tpu.memref_slice %arg14[%add3A_124, %dma_start3A_197] : memref<10240x128xf32, #tpu.memory_space<vmem_shared>> -> memref<32x128xf32, #tpu.memory_space<vmem_shared>>
      tpu.enqueue_dma source(%dma_start3A_198 : memref<32x128xf32, #tpu.memory_space<vmem_shared>>) target(%arg13 : memref<32x128xf32, #tpu.memory_space<vmem>>) target_semaphore(%run_scoped3A : memref<!tpu.dma_semaphore, #tpu.memory_space<semaphore_mem>>)
      %dma_wait3A_199 = arith.constant 0 : i32
      %dma_wait3A_200 = tpu.memref_slice %arg14[%add3A_124, %dma_wait3A_199] : memref<10240x128xf32, #tpu.memory_space<vmem_shared>> -> memref<32x128xf32, #tpu.memory_space<vmem_shared>>
      %dma_wait3A_201 = arith.constant 0 : i32
      %dma_wait3A_202 = tpu.memref_slice %arg14[%add3A_124, %dma_wait3A_201] : memref<10240x128xf32, #tpu.memory_space<vmem_shared>> -> memref<32x128xf32, #tpu.memory_space<vmem_shared>>
      tpu.wait_dma2 semaphore(%run_scoped3A : memref<!tpu.dma_semaphore, #tpu.memory_space<semaphore_mem>>) src(%dma_wait3A_202 : memref<32x128xf32, #tpu.memory_space<vmem_shared>>) dst(%arg13 : memref<32x128xf32, #tpu.memory_space<vmem>>)
      tpu.yield
    }) : () -> ()
    %add3A_125 = arith.constant 64 : i32
    %add3A_126 = arith.addi %multiple_of3A, %add3A_125 : i32
    "tpu.region"() ({
      %run_scoped3A = tpu.sem_alloc : memref<!tpu.dma_semaphore, #tpu.memory_space<semaphore_mem>>
      %dma_start3A_195 = arith.constant 0 : i32
      %dma_start3A_196 = tpu.memref_slice %arg5[%arg0, %add3A_126, %dma_start3A_195] : memref<2x10240x128xf32, #tpu.memory_space<hbm>> -> memref<1x32x128xf32, #tpu.memory_space<hbm>>
      %dma_start3A_197 = tpu.memref_squeeze %dma_start3A_196 : memref<1x32x128xf32, #tpu.memory_space<hbm>> -> memref<32x128xf32, #tpu.memory_space<hbm>>
      %dma_start3A_198 = arith.constant 0 : i32
      %dma_start3A_199 = tpu.memref_slice %arg5[%arg0, %add3A_126, %dma_start3A_198] : memref<2x10240x128xf32, #tpu.memory_space<hbm>> -> memref<1x32x128xf32, #tpu.memory_space<hbm>>
      %dma_start3A_200 = tpu.memref_squeeze %dma_start3A_199 : memref<1x32x128xf32, #tpu.memory_space<hbm>> -> memref<32x128xf32, #tpu.memory_space<hbm>>
      tpu.enqueue_dma source(%arg13 : memref<32x128xf32, #tpu.memory_space<vmem>>) target(%dma_start3A_200 : memref<32x128xf32, #tpu.memory_space<hbm>>) target_semaphore(%run_scoped3A : memref<!tpu.dma_semaphore, #tpu.memory_space<semaphore_mem>>)
      %dma_wait3A_201 = arith.constant 0 : i32
      %dma_wait3A_202 = tpu.memref_slice %arg5[%arg0, %add3A_126, %dma_wait3A_201] : memref<2x10240x128xf32, #tpu.memory_space<hbm>> -> memref<1x32x128xf32, #tpu.memory_space<hbm>>
      %dma_wait3A_203 = tpu.memref_squeeze %dma_wait3A_202 : memref<1x32x128xf32, #tpu.memory_space<hbm>> -> memref<32x128xf32, #tpu.memory_space<hbm>>
      %dma_wait3A_204 = arith.constant 0 : i32
      %dma_wait3A_205 = tpu.memref_slice %arg5[%arg0, %add3A_126, %dma_wait3A_204] : memref<2x10240x128xf32, #tpu.memory_space<hbm>> -> memref<1x32x128xf32, #tpu.memory_space<hbm>>
      %dma_wait3A_206 = tpu.memref_squeeze %dma_wait3A_205 : memref<1x32x128xf32, #tpu.memory_space<hbm>> -> memref<32x128xf32, #tpu.memory_space<hbm>>
      tpu.wait_dma2 semaphore(%run_scoped3A : memref<!tpu.dma_semaphore, #tpu.memory_space<semaphore_mem>>) src(%arg13 : memref<32x128xf32, #tpu.memory_space<vmem>>) dst(%dma_wait3A_206 : memref<32x128xf32, #tpu.memory_space<hbm>>)
      tpu.yield
    }) : () -> ()
    %add3A_127 = arith.constant 96 : i32
    %add3A_128 = arith.addi %multiple_of3A, %add3A_127 : i32
    "tpu.region"() ({
      %run_scoped3A = tpu.sem_alloc : memref<!tpu.dma_semaphore, #tpu.memory_space<semaphore_mem>>
      %dma_start3A_195 = arith.constant 0 : i32
      %dma_start3A_196 = tpu.memref_slice %arg14[%add3A_128, %dma_start3A_195] : memref<10240x128xf32, #tpu.memory_space<vmem_shared>> -> memref<32x128xf32, #tpu.memory_space<vmem_shared>>
      %dma_start3A_197 = arith.constant 0 : i32
      %dma_start3A_198 = tpu.memref_slice %arg14[%add3A_128, %dma_start3A_197] : memref<10240x128xf32, #tpu.memory_space<vmem_shared>> -> memref<32x128xf32, #tpu.memory_space<vmem_shared>>
      tpu.enqueue_dma source(%dma_start3A_198 : memref<32x128xf32, #tpu.memory_space<vmem_shared>>) target(%arg13 : memref<32x128xf32, #tpu.memory_space<vmem>>) target_semaphore(%run_scoped3A : memref<!tpu.dma_semaphore, #tpu.memory_space<semaphore_mem>>)
      %dma_wait3A_199 = arith.constant 0 : i32
      %dma_wait3A_200 = tpu.memref_slice %arg14[%add3A_128, %dma_wait3A_199] : memref<10240x128xf32, #tpu.memory_space<vmem_shared>> -> memref<32x128xf32, #tpu.memory_space<vmem_shared>>
      %dma_wait3A_201 = arith.constant 0 : i32
      %dma_wait3A_202 = tpu.memref_slice %arg14[%add3A_128, %dma_wait3A_201] : memref<10240x128xf32, #tpu.memory_space<vmem_shared>> -> memref<32x128xf32, #tpu.memory_space<vmem_shared>>
      tpu.wait_dma2 semaphore(%run_scoped3A : memref<!tpu.dma_semaphore, #tpu.memory_space<semaphore_mem>>) src(%dma_wait3A_202 : memref<32x128xf32, #tpu.memory_space<vmem_shared>>) dst(%arg13 : memref<32x128xf32, #tpu.memory_space<vmem>>)
      tpu.yield
    }) : () -> ()
    %add3A_129 = arith.constant 96 : i32
    %add3A_130 = arith.addi %multiple_of3A, %add3A_129 : i32
    "tpu.region"() ({
      %run_scoped3A = tpu.sem_alloc : memref<!tpu.dma_semaphore, #tpu.memory_space<semaphore_mem>>
      %dma_start3A_195 = arith.constant 0 : i32
      %dma_start3A_196 = tpu.memref_slice %arg5[%arg0, %add3A_130, %dma_start3A_195] : memref<2x10240x128xf32, #tpu.memory_space<hbm>> -> memref<1x32x128xf32, #tpu.memory_space<hbm>>
      %dma_start3A_197 = tpu.memref_squeeze %dma_start3A_196 : memref<1x32x128xf32, #tpu.memory_space<hbm>> -> memref<32x128xf32, #tpu.memory_space<hbm>>
      %dma_start3A_198 = arith.constant 0 : i32
      %dma_start3A_199 = tpu.memref_slice %arg5[%arg0, %add3A_130, %dma_start3A_198] : memref<2x10240x128xf32, #tpu.memory_space<hbm>> -> memref<1x32x128xf32, #tpu.memory_space<hbm>>
      %dma_start3A_200 = tpu.memref_squeeze %dma_start3A_199 : memref<1x32x128xf32, #tpu.memory_space<hbm>> -> memref<32x128xf32, #tpu.memory_space<hbm>>
      tpu.enqueue_dma source(%arg13 : memref<32x128xf32, #tpu.memory_space<vmem>>) target(%dma_start3A_200 : memref<32x128xf32, #tpu.memory_space<hbm>>) target_semaphore(%run_scoped3A : memref<!tpu.dma_semaphore, #tpu.memory_space<semaphore_mem>>)
      %dma_wait3A_201 = arith.constant 0 : i32
      %dma_wait3A_202 = tpu.memref_slice %arg5[%arg0, %add3A_130, %dma_wait3A_201] : memref<2x10240x128xf32, #tpu.memory_space<hbm>> -> memref<1x32x128xf32, #tpu.memory_space<hbm>>
      %dma_wait3A_203 = tpu.memref_squeeze %dma_wait3A_202 : memref<1x32x128xf32, #tpu.memory_space<hbm>> -> memref<32x128xf32, #tpu.memory_space<hbm>>
      %dma_wait3A_204 = arith.constant 0 : i32
      %dma_wait3A_205 = tpu.memref_slice %arg5[%arg0, %add3A_130, %dma_wait3A_204] : memref<2x10240x128xf32, #tpu.memory_space<hbm>> -> memref<1x32x128xf32, #tpu.memory_space<hbm>>
      %dma_wait3A_206 = tpu.memref_squeeze %dma_wait3A_205 : memref<1x32x128xf32, #tpu.memory_space<hbm>> -> memref<32x128xf32, #tpu.memory_space<hbm>>
      tpu.wait_dma2 semaphore(%run_scoped3A : memref<!tpu.dma_semaphore, #tpu.memory_space<semaphore_mem>>) src(%arg13 : memref<32x128xf32, #tpu.memory_space<vmem>>) dst(%dma_wait3A_206 : memref<32x128xf32, #tpu.memory_space<hbm>>)
      tpu.yield
    }) : () -> ()
    %add3A_131 = arith.constant 128 : i32
    %add3A_132 = arith.addi %multiple_of3A, %add3A_131 : i32
    "tpu.region"() ({
      %run_scoped3A = tpu.sem_alloc : memref<!tpu.dma_semaphore, #tpu.memory_space<semaphore_mem>>
      %dma_start3A_195 = arith.constant 0 : i32
      %dma_start3A_196 = tpu.memref_slice %arg14[%add3A_132, %dma_start3A_195] : memref<10240x128xf32, #tpu.memory_space<vmem_shared>> -> memref<32x128xf32, #tpu.memory_space<vmem_shared>>
      %dma_start3A_197 = arith.constant 0 : i32
      %dma_start3A_198 = tpu.memref_slice %arg14[%add3A_132, %dma_start3A_197] : memref<10240x128xf32, #tpu.memory_space<vmem_shared>> -> memref<32x128xf32, #tpu.memory_space<vmem_shared>>
      tpu.enqueue_dma source(%dma_start3A_198 : memref<32x128xf32, #tpu.memory_space<vmem_shared>>) target(%arg13 : memref<32x128xf32, #tpu.memory_space<vmem>>) target_semaphore(%run_scoped3A : memref<!tpu.dma_semaphore, #tpu.memory_space<semaphore_mem>>)
      %dma_wait3A_199 = arith.constant 0 : i32
      %dma_wait3A_200 = tpu.memref_slice %arg14[%add3A_132, %dma_wait3A_199] : memref<10240x128xf32, #tpu.memory_space<vmem_shared>> -> memref<32x128xf32, #tpu.memory_space<vmem_shared>>
      %dma_wait3A_201 = arith.constant 0 : i32
      %dma_wait3A_202 = tpu.memref_slice %arg14[%add3A_132, %dma_wait3A_201] : memref<10240x128xf32, #tpu.memory_space<vmem_shared>> -> memref<32x128xf32, #tpu.memory_space<vmem_shared>>
      tpu.wait_dma2 semaphore(%run_scoped3A : memref<!tpu.dma_semaphore, #tpu.memory_space<semaphore_mem>>) src(%dma_wait3A_202 : memref<32x128xf32, #tpu.memory_space<vmem_shared>>) dst(%arg13 : memref<32x128xf32, #tpu.memory_space<vmem>>)
      tpu.yield
    }) : () -> ()
    %add3A_133 = arith.constant 128 : i32
    %add3A_134 = arith.addi %multiple_of3A, %add3A_133 : i32
    "tpu.region"() ({
      %run_scoped3A = tpu.sem_alloc : memref<!tpu.dma_semaphore, #tpu.memory_space<semaphore_mem>>
      %dma_start3A_195 = arith.constant 0 : i32
      %dma_start3A_196 = tpu.memref_slice %arg5[%arg0, %add3A_134, %dma_start3A_195] : memref<2x10240x128xf32, #tpu.memory_space<hbm>> -> memref<1x32x128xf32, #tpu.memory_space<hbm>>
      %dma_start3A_197 = tpu.memref_squeeze %dma_start3A_196 : memref<1x32x128xf32, #tpu.memory_space<hbm>> -> memref<32x128xf32, #tpu.memory_space<hbm>>
      %dma_start3A_198 = arith.constant 0 : i32
      %dma_start3A_199 = tpu.memref_slice %arg5[%arg0, %add3A_134, %dma_start3A_198] : memref<2x10240x128xf32, #tpu.memory_space<hbm>> -> memref<1x32x128xf32, #tpu.memory_space<hbm>>
      %dma_start3A_200 = tpu.memref_squeeze %dma_start3A_199 : memref<1x32x128xf32, #tpu.memory_space<hbm>> -> memref<32x128xf32, #tpu.memory_space<hbm>>
      tpu.enqueue_dma source(%arg13 : memref<32x128xf32, #tpu.memory_space<vmem>>) target(%dma_start3A_200 : memref<32x128xf32, #tpu.memory_space<hbm>>) target_semaphore(%run_scoped3A : memref<!tpu.dma_semaphore, #tpu.memory_space<semaphore_mem>>)
      %dma_wait3A_201 = arith.constant 0 : i32
      %dma_wait3A_202 = tpu.memref_slice %arg5[%arg0, %add3A_134, %dma_wait3A_201] : memref<2x10240x128xf32, #tpu.memory_space<hbm>> -> memref<1x32x128xf32, #tpu.memory_space<hbm>>
      %dma_wait3A_203 = tpu.memref_squeeze %dma_wait3A_202 : memref<1x32x128xf32, #tpu.memory_space<hbm>> -> memref<32x128xf32, #tpu.memory_space<hbm>>
      %dma_wait3A_204 = arith.constant 0 : i32
      %dma_wait3A_205 = tpu.memref_slice %arg5[%arg0, %add3A_134, %dma_wait3A_204] : memref<2x10240x128xf32, #tpu.memory_space<hbm>> -> memref<1x32x128xf32, #tpu.memory_space<hbm>>
      %dma_wait3A_206 = tpu.memref_squeeze %dma_wait3A_205 : memref<1x32x128xf32, #tpu.memory_space<hbm>> -> memref<32x128xf32, #tpu.memory_space<hbm>>
      tpu.wait_dma2 semaphore(%run_scoped3A : memref<!tpu.dma_semaphore, #tpu.memory_space<semaphore_mem>>) src(%arg13 : memref<32x128xf32, #tpu.memory_space<vmem>>) dst(%dma_wait3A_206 : memref<32x128xf32, #tpu.memory_space<hbm>>)
      tpu.yield
    }) : () -> ()
    %add3A_135 = arith.constant 160 : i32
    %add3A_136 = arith.addi %multiple_of3A, %add3A_135 : i32
    "tpu.region"() ({
      %run_scoped3A = tpu.sem_alloc : memref<!tpu.dma_semaphore, #tpu.memory_space<semaphore_mem>>
      %dma_start3A_195 = arith.constant 0 : i32
      %dma_start3A_196 = tpu.memref_slice %arg14[%add3A_136, %dma_start3A_195] : memref<10240x128xf32, #tpu.memory_space<vmem_shared>> -> memref<32x128xf32, #tpu.memory_space<vmem_shared>>
      %dma_start3A_197 = arith.constant 0 : i32
      %dma_start3A_198 = tpu.memref_slice %arg14[%add3A_136, %dma_start3A_197] : memref<10240x128xf32, #tpu.memory_space<vmem_shared>> -> memref<32x128xf32, #tpu.memory_space<vmem_shared>>
      tpu.enqueue_dma source(%dma_start3A_198 : memref<32x128xf32, #tpu.memory_space<vmem_shared>>) target(%arg13 : memref<32x128xf32, #tpu.memory_space<vmem>>) target_semaphore(%run_scoped3A : memref<!tpu.dma_semaphore, #tpu.memory_space<semaphore_mem>>)
      %dma_wait3A_199 = arith.constant 0 : i32
      %dma_wait3A_200 = tpu.memref_slice %arg14[%add3A_136, %dma_wait3A_199] : memref<10240x128xf32, #tpu.memory_space<vmem_shared>> -> memref<32x128xf32, #tpu.memory_space<vmem_shared>>
      %dma_wait3A_201 = arith.constant 0 : i32
      %dma_wait3A_202 = tpu.memref_slice %arg14[%add3A_136, %dma_wait3A_201] : memref<10240x128xf32, #tpu.memory_space<vmem_shared>> -> memref<32x128xf32, #tpu.memory_space<vmem_shared>>
      tpu.wait_dma2 semaphore(%run_scoped3A : memref<!tpu.dma_semaphore, #tpu.memory_space<semaphore_mem>>) src(%dma_wait3A_202 : memref<32x128xf32, #tpu.memory_space<vmem_shared>>) dst(%arg13 : memref<32x128xf32, #tpu.memory_space<vmem>>)
      tpu.yield
    }) : () -> ()
    %add3A_137 = arith.constant 160 : i32
    %add3A_138 = arith.addi %multiple_of3A, %add3A_137 : i32
    "tpu.region"() ({
      %run_scoped3A = tpu.sem_alloc : memref<!tpu.dma_semaphore, #tpu.memory_space<semaphore_mem>>
      %dma_start3A_195 = arith.constant 0 : i32
      %dma_start3A_196 = tpu.memref_slice %arg5[%arg0, %add3A_138, %dma_start3A_195] : memref<2x10240x128xf32, #tpu.memory_space<hbm>> -> memref<1x32x128xf32, #tpu.memory_space<hbm>>
      %dma_start3A_197 = tpu.memref_squeeze %dma_start3A_196 : memref<1x32x128xf32, #tpu.memory_space<hbm>> -> memref<32x128xf32, #tpu.memory_space<hbm>>
      %dma_start3A_198 = arith.constant 0 : i32
      %dma_start3A_199 = tpu.memref_slice %arg5[%arg0, %add3A_138, %dma_start3A_198] : memref<2x10240x128xf32, #tpu.memory_space<hbm>> -> memref<1x32x128xf32, #tpu.memory_space<hbm>>
      %dma_start3A_200 = tpu.memref_squeeze %dma_start3A_199 : memref<1x32x128xf32, #tpu.memory_space<hbm>> -> memref<32x128xf32, #tpu.memory_space<hbm>>
      tpu.enqueue_dma source(%arg13 : memref<32x128xf32, #tpu.memory_space<vmem>>) target(%dma_start3A_200 : memref<32x128xf32, #tpu.memory_space<hbm>>) target_semaphore(%run_scoped3A : memref<!tpu.dma_semaphore, #tpu.memory_space<semaphore_mem>>)
      %dma_wait3A_201 = arith.constant 0 : i32
      %dma_wait3A_202 = tpu.memref_slice %arg5[%arg0, %add3A_138, %dma_wait3A_201] : memref<2x10240x128xf32, #tpu.memory_space<hbm>> -> memref<1x32x128xf32, #tpu.memory_space<hbm>>
      %dma_wait3A_203 = tpu.memref_squeeze %dma_wait3A_202 : memref<1x32x128xf32, #tpu.memory_space<hbm>> -> memref<32x128xf32, #tpu.memory_space<hbm>>
      %dma_wait3A_204 = arith.constant 0 : i32
      %dma_wait3A_205 = tpu.memref_slice %arg5[%arg0, %add3A_138, %dma_wait3A_204] : memref<2x10240x128xf32, #tpu.memory_space<hbm>> -> memref<1x32x128xf32, #tpu.memory_space<hbm>>
      %dma_wait3A_206 = tpu.memref_squeeze %dma_wait3A_205 : memref<1x32x128xf32, #tpu.memory_space<hbm>> -> memref<32x128xf32, #tpu.memory_space<hbm>>
      tpu.wait_dma2 semaphore(%run_scoped3A : memref<!tpu.dma_semaphore, #tpu.memory_space<semaphore_mem>>) src(%arg13 : memref<32x128xf32, #tpu.memory_space<vmem>>) dst(%dma_wait3A_206 : memref<32x128xf32, #tpu.memory_space<hbm>>)
      tpu.yield
    }) : () -> ()
    %add3A_139 = arith.constant 192 : i32
    %add3A_140 = arith.addi %multiple_of3A, %add3A_139 : i32
    "tpu.region"() ({
      %run_scoped3A = tpu.sem_alloc : memref<!tpu.dma_semaphore, #tpu.memory_space<semaphore_mem>>
      %dma_start3A_195 = arith.constant 0 : i32
      %dma_start3A_196 = tpu.memref_slice %arg14[%add3A_140, %dma_start3A_195] : memref<10240x128xf32, #tpu.memory_space<vmem_shared>> -> memref<32x128xf32, #tpu.memory_space<vmem_shared>>
      %dma_start3A_197 = arith.constant 0 : i32
      %dma_start3A_198 = tpu.memref_slice %arg14[%add3A_140, %dma_start3A_197] : memref<10240x128xf32, #tpu.memory_space<vmem_shared>> -> memref<32x128xf32, #tpu.memory_space<vmem_shared>>
      tpu.enqueue_dma source(%dma_start3A_198 : memref<32x128xf32, #tpu.memory_space<vmem_shared>>) target(%arg13 : memref<32x128xf32, #tpu.memory_space<vmem>>) target_semaphore(%run_scoped3A : memref<!tpu.dma_semaphore, #tpu.memory_space<semaphore_mem>>)
      %dma_wait3A_199 = arith.constant 0 : i32
      %dma_wait3A_200 = tpu.memref_slice %arg14[%add3A_140, %dma_wait3A_199] : memref<10240x128xf32, #tpu.memory_space<vmem_shared>> -> memref<32x128xf32, #tpu.memory_space<vmem_shared>>
      %dma_wait3A_201 = arith.constant 0 : i32
      %dma_wait3A_202 = tpu.memref_slice %arg14[%add3A_140, %dma_wait3A_201] : memref<10240x128xf32, #tpu.memory_space<vmem_shared>> -> memref<32x128xf32, #tpu.memory_space<vmem_shared>>
      tpu.wait_dma2 semaphore(%run_scoped3A : memref<!tpu.dma_semaphore, #tpu.memory_space<semaphore_mem>>) src(%dma_wait3A_202 : memref<32x128xf32, #tpu.memory_space<vmem_shared>>) dst(%arg13 : memref<32x128xf32, #tpu.memory_space<vmem>>)
      tpu.yield
    }) : () -> ()
    %add3A_141 = arith.constant 192 : i32
    %add3A_142 = arith.addi %multiple_of3A, %add3A_141 : i32
    "tpu.region"() ({
      %run_scoped3A = tpu.sem_alloc : memref<!tpu.dma_semaphore, #tpu.memory_space<semaphore_mem>>
      %dma_start3A_195 = arith.constant 0 : i32
      %dma_start3A_196 = tpu.memref_slice %arg5[%arg0, %add3A_142, %dma_start3A_195] : memref<2x10240x128xf32, #tpu.memory_space<hbm>> -> memref<1x32x128xf32, #tpu.memory_space<hbm>>
      %dma_start3A_197 = tpu.memref_squeeze %dma_start3A_196 : memref<1x32x128xf32, #tpu.memory_space<hbm>> -> memref<32x128xf32, #tpu.memory_space<hbm>>
      %dma_start3A_198 = arith.constant 0 : i32
      %dma_start3A_199 = tpu.memref_slice %arg5[%arg0, %add3A_142, %dma_start3A_198] : memref<2x10240x128xf32, #tpu.memory_space<hbm>> -> memref<1x32x128xf32, #tpu.memory_space<hbm>>
      %dma_start3A_200 = tpu.memref_squeeze %dma_start3A_199 : memref<1x32x128xf32, #tpu.memory_space<hbm>> -> memref<32x128xf32, #tpu.memory_space<hbm>>
      tpu.enqueue_dma source(%arg13 : memref<32x128xf32, #tpu.memory_space<vmem>>) target(%dma_start3A_200 : memref<32x128xf32, #tpu.memory_space<hbm>>) target_semaphore(%run_scoped3A : memref<!tpu.dma_semaphore, #tpu.memory_space<semaphore_mem>>)
      %dma_wait3A_201 = arith.constant 0 : i32
      %dma_wait3A_202 = tpu.memref_slice %arg5[%arg0, %add3A_142, %dma_wait3A_201] : memref<2x10240x128xf32, #tpu.memory_space<hbm>> -> memref<1x32x128xf32, #tpu.memory_space<hbm>>
      %dma_wait3A_203 = tpu.memref_squeeze %dma_wait3A_202 : memref<1x32x128xf32, #tpu.memory_space<hbm>> -> memref<32x128xf32, #tpu.memory_space<hbm>>
      %dma_wait3A_204 = arith.constant 0 : i32
      %dma_wait3A_205 = tpu.memref_slice %arg5[%arg0, %add3A_142, %dma_wait3A_204] : memref<2x10240x128xf32, #tpu.memory_space<hbm>> -> memref<1x32x128xf32, #tpu.memory_space<hbm>>
      %dma_wait3A_206 = tpu.memref_squeeze %dma_wait3A_205 : memref<1x32x128xf32, #tpu.memory_space<hbm>> -> memref<32x128xf32, #tpu.memory_space<hbm>>
      tpu.wait_dma2 semaphore(%run_scoped3A : memref<!tpu.dma_semaphore, #tpu.memory_space<semaphore_mem>>) src(%arg13 : memref<32x128xf32, #tpu.memory_space<vmem>>) dst(%dma_wait3A_206 : memref<32x128xf32, #tpu.memory_space<hbm>>)
      tpu.yield
    }) : () -> ()
    %add3A_143 = arith.constant 224 : i32
    %add3A_144 = arith.addi %multiple_of3A, %add3A_143 : i32
    "tpu.region"() ({
      %run_scoped3A = tpu.sem_alloc : memref<!tpu.dma_semaphore, #tpu.memory_space<semaphore_mem>>
      %dma_start3A_195 = arith.constant 0 : i32
      %dma_start3A_196 = tpu.memref_slice %arg14[%add3A_144, %dma_start3A_195] : memref<10240x128xf32, #tpu.memory_space<vmem_shared>> -> memref<32x128xf32, #tpu.memory_space<vmem_shared>>
      %dma_start3A_197 = arith.constant 0 : i32
      %dma_start3A_198 = tpu.memref_slice %arg14[%add3A_144, %dma_start3A_197] : memref<10240x128xf32, #tpu.memory_space<vmem_shared>> -> memref<32x128xf32, #tpu.memory_space<vmem_shared>>
      tpu.enqueue_dma source(%dma_start3A_198 : memref<32x128xf32, #tpu.memory_space<vmem_shared>>) target(%arg13 : memref<32x128xf32, #tpu.memory_space<vmem>>) target_semaphore(%run_scoped3A : memref<!tpu.dma_semaphore, #tpu.memory_space<semaphore_mem>>)
      %dma_wait3A_199 = arith.constant 0 : i32
      %dma_wait3A_200 = tpu.memref_slice %arg14[%add3A_144, %dma_wait3A_199] : memref<10240x128xf32, #tpu.memory_space<vmem_shared>> -> memref<32x128xf32, #tpu.memory_space<vmem_shared>>
      %dma_wait3A_201 = arith.constant 0 : i32
      %dma_wait3A_202 = tpu.memref_slice %arg14[%add3A_144, %dma_wait3A_201] : memref<10240x128xf32, #tpu.memory_space<vmem_shared>> -> memref<32x128xf32, #tpu.memory_space<vmem_shared>>
      tpu.wait_dma2 semaphore(%run_scoped3A : memref<!tpu.dma_semaphore, #tpu.memory_space<semaphore_mem>>) src(%dma_wait3A_202 : memref<32x128xf32, #tpu.memory_space<vmem_shared>>) dst(%arg13 : memref<32x128xf32, #tpu.memory_space<vmem>>)
      tpu.yield
    }) : () -> ()
    %add3A_145 = arith.constant 224 : i32
    %add3A_146 = arith.addi %multiple_of3A, %add3A_145 : i32
    "tpu.region"() ({
      %run_scoped3A = tpu.sem_alloc : memref<!tpu.dma_semaphore, #tpu.memory_space<semaphore_mem>>
      %dma_start3A_195 = arith.constant 0 : i32
      %dma_start3A_196 = tpu.memref_slice %arg5[%arg0, %add3A_146, %dma_start3A_195] : memref<2x10240x128xf32, #tpu.memory_space<hbm>> -> memref<1x32x128xf32, #tpu.memory_space<hbm>>
      %dma_start3A_197 = tpu.memref_squeeze %dma_start3A_196 : memref<1x32x128xf32, #tpu.memory_space<hbm>> -> memref<32x128xf32, #tpu.memory_space<hbm>>
      %dma_start3A_198 = arith.constant 0 : i32
      %dma_start3A_199 = tpu.memref_slice %arg5[%arg0, %add3A_146, %dma_start3A_198] : memref<2x10240x128xf32, #tpu.memory_space<hbm>> -> memref<1x32x128xf32, #tpu.memory_space<hbm>>
      %dma_start3A_200 = tpu.memref_squeeze %dma_start3A_199 : memref<1x32x128xf32, #tpu.memory_space<hbm>> -> memref<32x128xf32, #tpu.memory_space<hbm>>
      tpu.enqueue_dma source(%arg13 : memref<32x128xf32, #tpu.memory_space<vmem>>) target(%dma_start3A_200 : memref<32x128xf32, #tpu.memory_space<hbm>>) target_semaphore(%run_scoped3A : memref<!tpu.dma_semaphore, #tpu.memory_space<semaphore_mem>>)
      %dma_wait3A_201 = arith.constant 0 : i32
      %dma_wait3A_202 = tpu.memref_slice %arg5[%arg0, %add3A_146, %dma_wait3A_201] : memref<2x10240x128xf32, #tpu.memory_space<hbm>> -> memref<1x32x128xf32, #tpu.memory_space<hbm>>
      %dma_wait3A_203 = tpu.memref_squeeze %dma_wait3A_202 : memref<1x32x128xf32, #tpu.memory_space<hbm>> -> memref<32x128xf32, #tpu.memory_space<hbm>>
      %dma_wait3A_204 = arith.constant 0 : i32
      %dma_wait3A_205 = tpu.memref_slice %arg5[%arg0, %add3A_146, %dma_wait3A_204] : memref<2x10240x128xf32, #tpu.memory_space<hbm>> -> memref<1x32x128xf32, #tpu.memory_space<hbm>>
      %dma_wait3A_206 = tpu.memref_squeeze %dma_wait3A_205 : memref<1x32x128xf32, #tpu.memory_space<hbm>> -> memref<32x128xf32, #tpu.memory_space<hbm>>
      tpu.wait_dma2 semaphore(%run_scoped3A : memref<!tpu.dma_semaphore, #tpu.memory_space<semaphore_mem>>) src(%arg13 : memref<32x128xf32, #tpu.memory_space<vmem>>) dst(%dma_wait3A_206 : memref<32x128xf32, #tpu.memory_space<hbm>>)
      tpu.yield
    }) : () -> ()
    %add3A_147 = arith.constant 256 : i32
    %add3A_148 = arith.addi %multiple_of3A, %add3A_147 : i32
    "tpu.region"() ({
      %run_scoped3A = tpu.sem_alloc : memref<!tpu.dma_semaphore, #tpu.memory_space<semaphore_mem>>
      %dma_start3A_195 = arith.constant 0 : i32
      %dma_start3A_196 = tpu.memref_slice %arg14[%add3A_148, %dma_start3A_195] : memref<10240x128xf32, #tpu.memory_space<vmem_shared>> -> memref<32x128xf32, #tpu.memory_space<vmem_shared>>
      %dma_start3A_197 = arith.constant 0 : i32
      %dma_start3A_198 = tpu.memref_slice %arg14[%add3A_148, %dma_start3A_197] : memref<10240x128xf32, #tpu.memory_space<vmem_shared>> -> memref<32x128xf32, #tpu.memory_space<vmem_shared>>
      tpu.enqueue_dma source(%dma_start3A_198 : memref<32x128xf32, #tpu.memory_space<vmem_shared>>) target(%arg13 : memref<32x128xf32, #tpu.memory_space<vmem>>) target_semaphore(%run_scoped3A : memref<!tpu.dma_semaphore, #tpu.memory_space<semaphore_mem>>)
      %dma_wait3A_199 = arith.constant 0 : i32
      %dma_wait3A_200 = tpu.memref_slice %arg14[%add3A_148, %dma_wait3A_199] : memref<10240x128xf32, #tpu.memory_space<vmem_shared>> -> memref<32x128xf32, #tpu.memory_space<vmem_shared>>
      %dma_wait3A_201 = arith.constant 0 : i32
      %dma_wait3A_202 = tpu.memref_slice %arg14[%add3A_148, %dma_wait3A_201] : memref<10240x128xf32, #tpu.memory_space<vmem_shared>> -> memref<32x128xf32, #tpu.memory_space<vmem_shared>>
      tpu.wait_dma2 semaphore(%run_scoped3A : memref<!tpu.dma_semaphore, #tpu.memory_space<semaphore_mem>>) src(%dma_wait3A_202 : memref<32x128xf32, #tpu.memory_space<vmem_shared>>) dst(%arg13 : memref<32x128xf32, #tpu.memory_space<vmem>>)
      tpu.yield
    }) : () -> ()
    %add3A_149 = arith.constant 256 : i32
    %add3A_150 = arith.addi %multiple_of3A, %add3A_149 : i32
    "tpu.region"() ({
      %run_scoped3A = tpu.sem_alloc : memref<!tpu.dma_semaphore, #tpu.memory_space<semaphore_mem>>
      %dma_start3A_195 = arith.constant 0 : i32
      %dma_start3A_196 = tpu.memref_slice %arg5[%arg0, %add3A_150, %dma_start3A_195] : memref<2x10240x128xf32, #tpu.memory_space<hbm>> -> memref<1x32x128xf32, #tpu.memory_space<hbm>>
      %dma_start3A_197 = tpu.memref_squeeze %dma_start3A_196 : memref<1x32x128xf32, #tpu.memory_space<hbm>> -> memref<32x128xf32, #tpu.memory_space<hbm>>
      %dma_start3A_198 = arith.constant 0 : i32
      %dma_start3A_199 = tpu.memref_slice %arg5[%arg0, %add3A_150, %dma_start3A_198] : memref<2x10240x128xf32, #tpu.memory_space<hbm>> -> memref<1x32x128xf32, #tpu.memory_space<hbm>>
      %dma_start3A_200 = tpu.memref_squeeze %dma_start3A_199 : memref<1x32x128xf32, #tpu.memory_space<hbm>> -> memref<32x128xf32, #tpu.memory_space<hbm>>
      tpu.enqueue_dma source(%arg13 : memref<32x128xf32, #tpu.memory_space<vmem>>) target(%dma_start3A_200 : memref<32x128xf32, #tpu.memory_space<hbm>>) target_semaphore(%run_scoped3A : memref<!tpu.dma_semaphore, #tpu.memory_space<semaphore_mem>>)
      %dma_wait3A_201 = arith.constant 0 : i32
      %dma_wait3A_202 = tpu.memref_slice %arg5[%arg0, %add3A_150, %dma_wait3A_201] : memref<2x10240x128xf32, #tpu.memory_space<hbm>> -> memref<1x32x128xf32, #tpu.memory_space<hbm>>
      %dma_wait3A_203 = tpu.memref_squeeze %dma_wait3A_202 : memref<1x32x128xf32, #tpu.memory_space<hbm>> -> memref<32x128xf32, #tpu.memory_space<hbm>>
      %dma_wait3A_204 = arith.constant 0 : i32
      %dma_wait3A_205 = tpu.memref_slice %arg5[%arg0, %add3A_150, %dma_wait3A_204] : memref<2x10240x128xf32, #tpu.memory_space<hbm>> -> memref<1x32x128xf32, #tpu.memory_space<hbm>>
      %dma_wait3A_206 = tpu.memref_squeeze %dma_wait3A_205 : memref<1x32x128xf32, #tpu.memory_space<hbm>> -> memref<32x128xf32, #tpu.memory_space<hbm>>
      tpu.wait_dma2 semaphore(%run_scoped3A : memref<!tpu.dma_semaphore, #tpu.memory_space<semaphore_mem>>) src(%arg13 : memref<32x128xf32, #tpu.memory_space<vmem>>) dst(%dma_wait3A_206 : memref<32x128xf32, #tpu.memory_space<hbm>>)
      tpu.yield
    }) : () -> ()
    %add3A_151 = arith.constant 288 : i32
    %add3A_152 = arith.addi %multiple_of3A, %add3A_151 : i32
    "tpu.region"() ({
      %run_scoped3A = tpu.sem_alloc : memref<!tpu.dma_semaphore, #tpu.memory_space<semaphore_mem>>
      %dma_start3A_195 = arith.constant 0 : i32
      %dma_start3A_196 = tpu.memref_slice %arg14[%add3A_152, %dma_start3A_195] : memref<10240x128xf32, #tpu.memory_space<vmem_shared>> -> memref<32x128xf32, #tpu.memory_space<vmem_shared>>
      %dma_start3A_197 = arith.constant 0 : i32
      %dma_start3A_198 = tpu.memref_slice %arg14[%add3A_152, %dma_start3A_197] : memref<10240x128xf32, #tpu.memory_space<vmem_shared>> -> memref<32x128xf32, #tpu.memory_space<vmem_shared>>
      tpu.enqueue_dma source(%dma_start3A_198 : memref<32x128xf32, #tpu.memory_space<vmem_shared>>) target(%arg13 : memref<32x128xf32, #tpu.memory_space<vmem>>) target_semaphore(%run_scoped3A : memref<!tpu.dma_semaphore, #tpu.memory_space<semaphore_mem>>)
      %dma_wait3A_199 = arith.constant 0 : i32
      %dma_wait3A_200 = tpu.memref_slice %arg14[%add3A_152, %dma_wait3A_199] : memref<10240x128xf32, #tpu.memory_space<vmem_shared>> -> memref<32x128xf32, #tpu.memory_space<vmem_shared>>
      %dma_wait3A_201 = arith.constant 0 : i32
      %dma_wait3A_202 = tpu.memref_slice %arg14[%add3A_152, %dma_wait3A_201] : memref<10240x128xf32, #tpu.memory_space<vmem_shared>> -> memref<32x128xf32, #tpu.memory_space<vmem_shared>>
      tpu.wait_dma2 semaphore(%run_scoped3A : memref<!tpu.dma_semaphore, #tpu.memory_space<semaphore_mem>>) src(%dma_wait3A_202 : memref<32x128xf32, #tpu.memory_space<vmem_shared>>) dst(%arg13 : memref<32x128xf32, #tpu.memory_space<vmem>>)
      tpu.yield
    }) : () -> ()
    %add3A_153 = arith.constant 288 : i32
    %add3A_154 = arith.addi %multiple_of3A, %add3A_153 : i32
    "tpu.region"() ({
      %run_scoped3A = tpu.sem_alloc : memref<!tpu.dma_semaphore, #tpu.memory_space<semaphore_mem>>
      %dma_start3A_195 = arith.constant 0 : i32
      %dma_start3A_196 = tpu.memref_slice %arg5[%arg0, %add3A_154, %dma_start3A_195] : memref<2x10240x128xf32, #tpu.memory_space<hbm>> -> memref<1x32x128xf32, #tpu.memory_space<hbm>>
      %dma_start3A_197 = tpu.memref_squeeze %dma_start3A_196 : memref<1x32x128xf32, #tpu.memory_space<hbm>> -> memref<32x128xf32, #tpu.memory_space<hbm>>
      %dma_start3A_198 = arith.constant 0 : i32
      %dma_start3A_199 = tpu.memref_slice %arg5[%arg0, %add3A_154, %dma_start3A_198] : memref<2x10240x128xf32, #tpu.memory_space<hbm>> -> memref<1x32x128xf32, #tpu.memory_space<hbm>>
      %dma_start3A_200 = tpu.memref_squeeze %dma_start3A_199 : memref<1x32x128xf32, #tpu.memory_space<hbm>> -> memref<32x128xf32, #tpu.memory_space<hbm>>
      tpu.enqueue_dma source(%arg13 : memref<32x128xf32, #tpu.memory_space<vmem>>) target(%dma_start3A_200 : memref<32x128xf32, #tpu.memory_space<hbm>>) target_semaphore(%run_scoped3A : memref<!tpu.dma_semaphore, #tpu.memory_space<semaphore_mem>>)
      %dma_wait3A_201 = arith.constant 0 : i32
      %dma_wait3A_202 = tpu.memref_slice %arg5[%arg0, %add3A_154, %dma_wait3A_201] : memref<2x10240x128xf32, #tpu.memory_space<hbm>> -> memref<1x32x128xf32, #tpu.memory_space<hbm>>
      %dma_wait3A_203 = tpu.memref_squeeze %dma_wait3A_202 : memref<1x32x128xf32, #tpu.memory_space<hbm>> -> memref<32x128xf32, #tpu.memory_space<hbm>>
      %dma_wait3A_204 = arith.constant 0 : i32
      %dma_wait3A_205 = tpu.memref_slice %arg5[%arg0, %add3A_154, %dma_wait3A_204] : memref<2x10240x128xf32, #tpu.memory_space<hbm>> -> memref<1x32x128xf32, #tpu.memory_space<hbm>>
      %dma_wait3A_206 = tpu.memref_squeeze %dma_wait3A_205 : memref<1x32x128xf32, #tpu.memory_space<hbm>> -> memref<32x128xf32, #tpu.memory_space<hbm>>
      tpu.wait_dma2 semaphore(%run_scoped3A : memref<!tpu.dma_semaphore, #tpu.memory_space<semaphore_mem>>) src(%arg13 : memref<32x128xf32, #tpu.memory_space<vmem>>) dst(%dma_wait3A_206 : memref<32x128xf32, #tpu.memory_space<hbm>>)
      tpu.yield
    }) : () -> ()
    %add3A_155 = arith.constant 320 : i32
    %add3A_156 = arith.addi %multiple_of3A, %add3A_155 : i32
    "tpu.region"() ({
      %run_scoped3A = tpu.sem_alloc : memref<!tpu.dma_semaphore, #tpu.memory_space<semaphore_mem>>
      %dma_start3A_195 = arith.constant 0 : i32
      %dma_start3A_196 = tpu.memref_slice %arg14[%add3A_156, %dma_start3A_195] : memref<10240x128xf32, #tpu.memory_space<vmem_shared>> -> memref<32x128xf32, #tpu.memory_space<vmem_shared>>
      %dma_start3A_197 = arith.constant 0 : i32
      %dma_start3A_198 = tpu.memref_slice %arg14[%add3A_156, %dma_start3A_197] : memref<10240x128xf32, #tpu.memory_space<vmem_shared>> -> memref<32x128xf32, #tpu.memory_space<vmem_shared>>
      tpu.enqueue_dma source(%dma_start3A_198 : memref<32x128xf32, #tpu.memory_space<vmem_shared>>) target(%arg13 : memref<32x128xf32, #tpu.memory_space<vmem>>) target_semaphore(%run_scoped3A : memref<!tpu.dma_semaphore, #tpu.memory_space<semaphore_mem>>)
      %dma_wait3A_199 = arith.constant 0 : i32
      %dma_wait3A_200 = tpu.memref_slice %arg14[%add3A_156, %dma_wait3A_199] : memref<10240x128xf32, #tpu.memory_space<vmem_shared>> -> memref<32x128xf32, #tpu.memory_space<vmem_shared>>
      %dma_wait3A_201 = arith.constant 0 : i32
      %dma_wait3A_202 = tpu.memref_slice %arg14[%add3A_156, %dma_wait3A_201] : memref<10240x128xf32, #tpu.memory_space<vmem_shared>> -> memref<32x128xf32, #tpu.memory_space<vmem_shared>>
      tpu.wait_dma2 semaphore(%run_scoped3A : memref<!tpu.dma_semaphore, #tpu.memory_space<semaphore_mem>>) src(%dma_wait3A_202 : memref<32x128xf32, #tpu.memory_space<vmem_shared>>) dst(%arg13 : memref<32x128xf32, #tpu.memory_space<vmem>>)
      tpu.yield
    }) : () -> ()
    %add3A_157 = arith.constant 320 : i32
    %add3A_158 = arith.addi %multiple_of3A, %add3A_157 : i32
    "tpu.region"() ({
      %run_scoped3A = tpu.sem_alloc : memref<!tpu.dma_semaphore, #tpu.memory_space<semaphore_mem>>
      %dma_start3A_195 = arith.constant 0 : i32
      %dma_start3A_196 = tpu.memref_slice %arg5[%arg0, %add3A_158, %dma_start3A_195] : memref<2x10240x128xf32, #tpu.memory_space<hbm>> -> memref<1x32x128xf32, #tpu.memory_space<hbm>>
      %dma_start3A_197 = tpu.memref_squeeze %dma_start3A_196 : memref<1x32x128xf32, #tpu.memory_space<hbm>> -> memref<32x128xf32, #tpu.memory_space<hbm>>
      %dma_start3A_198 = arith.constant 0 : i32
      %dma_start3A_199 = tpu.memref_slice %arg5[%arg0, %add3A_158, %dma_start3A_198] : memref<2x10240x128xf32, #tpu.memory_space<hbm>> -> memref<1x32x128xf32, #tpu.memory_space<hbm>>
      %dma_start3A_200 = tpu.memref_squeeze %dma_start3A_199 : memref<1x32x128xf32, #tpu.memory_space<hbm>> -> memref<32x128xf32, #tpu.memory_space<hbm>>
      tpu.enqueue_dma source(%arg13 : memref<32x128xf32, #tpu.memory_space<vmem>>) target(%dma_start3A_200 : memref<32x128xf32, #tpu.memory_space<hbm>>) target_semaphore(%run_scoped3A : memref<!tpu.dma_semaphore, #tpu.memory_space<semaphore_mem>>)
      %dma_wait3A_201 = arith.constant 0 : i32
      %dma_wait3A_202 = tpu.memref_slice %arg5[%arg0, %add3A_158, %dma_wait3A_201] : memref<2x10240x128xf32, #tpu.memory_space<hbm>> -> memref<1x32x128xf32, #tpu.memory_space<hbm>>
      %dma_wait3A_203 = tpu.memref_squeeze %dma_wait3A_202 : memref<1x32x128xf32, #tpu.memory_space<hbm>> -> memref<32x128xf32, #tpu.memory_space<hbm>>
      %dma_wait3A_204 = arith.constant 0 : i32
      %dma_wait3A_205 = tpu.memref_slice %arg5[%arg0, %add3A_158, %dma_wait3A_204] : memref<2x10240x128xf32, #tpu.memory_space<hbm>> -> memref<1x32x128xf32, #tpu.memory_space<hbm>>
      %dma_wait3A_206 = tpu.memref_squeeze %dma_wait3A_205 : memref<1x32x128xf32, #tpu.memory_space<hbm>> -> memref<32x128xf32, #tpu.memory_space<hbm>>
      tpu.wait_dma2 semaphore(%run_scoped3A : memref<!tpu.dma_semaphore, #tpu.memory_space<semaphore_mem>>) src(%arg13 : memref<32x128xf32, #tpu.memory_space<vmem>>) dst(%dma_wait3A_206 : memref<32x128xf32, #tpu.memory_space<hbm>>)
      tpu.yield
    }) : () -> ()
    %add3A_159 = arith.constant 352 : i32
    %add3A_160 = arith.addi %multiple_of3A, %add3A_159 : i32
    "tpu.region"() ({
      %run_scoped3A = tpu.sem_alloc : memref<!tpu.dma_semaphore, #tpu.memory_space<semaphore_mem>>
      %dma_start3A_195 = arith.constant 0 : i32
      %dma_start3A_196 = tpu.memref_slice %arg14[%add3A_160, %dma_start3A_195] : memref<10240x128xf32, #tpu.memory_space<vmem_shared>> -> memref<32x128xf32, #tpu.memory_space<vmem_shared>>
      %dma_start3A_197 = arith.constant 0 : i32
      %dma_start3A_198 = tpu.memref_slice %arg14[%add3A_160, %dma_start3A_197] : memref<10240x128xf32, #tpu.memory_space<vmem_shared>> -> memref<32x128xf32, #tpu.memory_space<vmem_shared>>
      tpu.enqueue_dma source(%dma_start3A_198 : memref<32x128xf32, #tpu.memory_space<vmem_shared>>) target(%arg13 : memref<32x128xf32, #tpu.memory_space<vmem>>) target_semaphore(%run_scoped3A : memref<!tpu.dma_semaphore, #tpu.memory_space<semaphore_mem>>)
      %dma_wait3A_199 = arith.constant 0 : i32
      %dma_wait3A_200 = tpu.memref_slice %arg14[%add3A_160, %dma_wait3A_199] : memref<10240x128xf32, #tpu.memory_space<vmem_shared>> -> memref<32x128xf32, #tpu.memory_space<vmem_shared>>
      %dma_wait3A_201 = arith.constant 0 : i32
      %dma_wait3A_202 = tpu.memref_slice %arg14[%add3A_160, %dma_wait3A_201] : memref<10240x128xf32, #tpu.memory_space<vmem_shared>> -> memref<32x128xf32, #tpu.memory_space<vmem_shared>>
      tpu.wait_dma2 semaphore(%run_scoped3A : memref<!tpu.dma_semaphore, #tpu.memory_space<semaphore_mem>>) src(%dma_wait3A_202 : memref<32x128xf32, #tpu.memory_space<vmem_shared>>) dst(%arg13 : memref<32x128xf32, #tpu.memory_space<vmem>>)
      tpu.yield
    }) : () -> ()
    %add3A_161 = arith.constant 352 : i32
    %add3A_162 = arith.addi %multiple_of3A, %add3A_161 : i32
    "tpu.region"() ({
      %run_scoped3A = tpu.sem_alloc : memref<!tpu.dma_semaphore, #tpu.memory_space<semaphore_mem>>
      %dma_start3A_195 = arith.constant 0 : i32
      %dma_start3A_196 = tpu.memref_slice %arg5[%arg0, %add3A_162, %dma_start3A_195] : memref<2x10240x128xf32, #tpu.memory_space<hbm>> -> memref<1x32x128xf32, #tpu.memory_space<hbm>>
      %dma_start3A_197 = tpu.memref_squeeze %dma_start3A_196 : memref<1x32x128xf32, #tpu.memory_space<hbm>> -> memref<32x128xf32, #tpu.memory_space<hbm>>
      %dma_start3A_198 = arith.constant 0 : i32
      %dma_start3A_199 = tpu.memref_slice %arg5[%arg0, %add3A_162, %dma_start3A_198] : memref<2x10240x128xf32, #tpu.memory_space<hbm>> -> memref<1x32x128xf32, #tpu.memory_space<hbm>>
      %dma_start3A_200 = tpu.memref_squeeze %dma_start3A_199 : memref<1x32x128xf32, #tpu.memory_space<hbm>> -> memref<32x128xf32, #tpu.memory_space<hbm>>
      tpu.enqueue_dma source(%arg13 : memref<32x128xf32, #tpu.memory_space<vmem>>) target(%dma_start3A_200 : memref<32x128xf32, #tpu.memory_space<hbm>>) target_semaphore(%run_scoped3A : memref<!tpu.dma_semaphore, #tpu.memory_space<semaphore_mem>>)
      %dma_wait3A_201 = arith.constant 0 : i32
      %dma_wait3A_202 = tpu.memref_slice %arg5[%arg0, %add3A_162, %dma_wait3A_201] : memref<2x10240x128xf32, #tpu.memory_space<hbm>> -> memref<1x32x128xf32, #tpu.memory_space<hbm>>
      %dma_wait3A_203 = tpu.memref_squeeze %dma_wait3A_202 : memref<1x32x128xf32, #tpu.memory_space<hbm>> -> memref<32x128xf32, #tpu.memory_space<hbm>>
      %dma_wait3A_204 = arith.constant 0 : i32
      %dma_wait3A_205 = tpu.memref_slice %arg5[%arg0, %add3A_162, %dma_wait3A_204] : memref<2x10240x128xf32, #tpu.memory_space<hbm>> -> memref<1x32x128xf32, #tpu.memory_space<hbm>>
      %dma_wait3A_206 = tpu.memref_squeeze %dma_wait3A_205 : memref<1x32x128xf32, #tpu.memory_space<hbm>> -> memref<32x128xf32, #tpu.memory_space<hbm>>
      tpu.wait_dma2 semaphore(%run_scoped3A : memref<!tpu.dma_semaphore, #tpu.memory_space<semaphore_mem>>) src(%arg13 : memref<32x128xf32, #tpu.memory_space<vmem>>) dst(%dma_wait3A_206 : memref<32x128xf32, #tpu.memory_space<hbm>>)
      tpu.yield
    }) : () -> ()
    %add3A_163 = arith.constant 384 : i32
    %add3A_164 = arith.addi %multiple_of3A, %add3A_163 : i32
    "tpu.region"() ({
      %run_scoped3A = tpu.sem_alloc : memref<!tpu.dma_semaphore, #tpu.memory_space<semaphore_mem>>
      %dma_start3A_195 = arith.constant 0 : i32
      %dma_start3A_196 = tpu.memref_slice %arg14[%add3A_164, %dma_start3A_195] : memref<10240x128xf32, #tpu.memory_space<vmem_shared>> -> memref<32x128xf32, #tpu.memory_space<vmem_shared>>
      %dma_start3A_197 = arith.constant 0 : i32
      %dma_start3A_198 = tpu.memref_slice %arg14[%add3A_164, %dma_start3A_197] : memref<10240x128xf32, #tpu.memory_space<vmem_shared>> -> memref<32x128xf32, #tpu.memory_space<vmem_shared>>
      tpu.enqueue_dma source(%dma_start3A_198 : memref<32x128xf32, #tpu.memory_space<vmem_shared>>) target(%arg13 : memref<32x128xf32, #tpu.memory_space<vmem>>) target_semaphore(%run_scoped3A : memref<!tpu.dma_semaphore, #tpu.memory_space<semaphore_mem>>)
      %dma_wait3A_199 = arith.constant 0 : i32
      %dma_wait3A_200 = tpu.memref_slice %arg14[%add3A_164, %dma_wait3A_199] : memref<10240x128xf32, #tpu.memory_space<vmem_shared>> -> memref<32x128xf32, #tpu.memory_space<vmem_shared>>
      %dma_wait3A_201 = arith.constant 0 : i32
      %dma_wait3A_202 = tpu.memref_slice %arg14[%add3A_164, %dma_wait3A_201] : memref<10240x128xf32, #tpu.memory_space<vmem_shared>> -> memref<32x128xf32, #tpu.memory_space<vmem_shared>>
      tpu.wait_dma2 semaphore(%run_scoped3A : memref<!tpu.dma_semaphore, #tpu.memory_space<semaphore_mem>>) src(%dma_wait3A_202 : memref<32x128xf32, #tpu.memory_space<vmem_shared>>) dst(%arg13 : memref<32x128xf32, #tpu.memory_space<vmem>>)
      tpu.yield
    }) : () -> ()
    %add3A_165 = arith.constant 384 : i32
    %add3A_166 = arith.addi %multiple_of3A, %add3A_165 : i32
    "tpu.region"() ({
      %run_scoped3A = tpu.sem_alloc : memref<!tpu.dma_semaphore, #tpu.memory_space<semaphore_mem>>
      %dma_start3A_195 = arith.constant 0 : i32
      %dma_start3A_196 = tpu.memref_slice %arg5[%arg0, %add3A_166, %dma_start3A_195] : memref<2x10240x128xf32, #tpu.memory_space<hbm>> -> memref<1x32x128xf32, #tpu.memory_space<hbm>>
      %dma_start3A_197 = tpu.memref_squeeze %dma_start3A_196 : memref<1x32x128xf32, #tpu.memory_space<hbm>> -> memref<32x128xf32, #tpu.memory_space<hbm>>
      %dma_start3A_198 = arith.constant 0 : i32
      %dma_start3A_199 = tpu.memref_slice %arg5[%arg0, %add3A_166, %dma_start3A_198] : memref<2x10240x128xf32, #tpu.memory_space<hbm>> -> memref<1x32x128xf32, #tpu.memory_space<hbm>>
      %dma_start3A_200 = tpu.memref_squeeze %dma_start3A_199 : memref<1x32x128xf32, #tpu.memory_space<hbm>> -> memref<32x128xf32, #tpu.memory_space<hbm>>
      tpu.enqueue_dma source(%arg13 : memref<32x128xf32, #tpu.memory_space<vmem>>) target(%dma_start3A_200 : memref<32x128xf32, #tpu.memory_space<hbm>>) target_semaphore(%run_scoped3A : memref<!tpu.dma_semaphore, #tpu.memory_space<semaphore_mem>>)
      %dma_wait3A_201 = arith.constant 0 : i32
      %dma_wait3A_202 = tpu.memref_slice %arg5[%arg0, %add3A_166, %dma_wait3A_201] : memref<2x10240x128xf32, #tpu.memory_space<hbm>> -> memref<1x32x128xf32, #tpu.memory_space<hbm>>
      %dma_wait3A_203 = tpu.memref_squeeze %dma_wait3A_202 : memref<1x32x128xf32, #tpu.memory_space<hbm>> -> memref<32x128xf32, #tpu.memory_space<hbm>>
      %dma_wait3A_204 = arith.constant 0 : i32
      %dma_wait3A_205 = tpu.memref_slice %arg5[%arg0, %add3A_166, %dma_wait3A_204] : memref<2x10240x128xf32, #tpu.memory_space<hbm>> -> memref<1x32x128xf32, #tpu.memory_space<hbm>>
      %dma_wait3A_206 = tpu.memref_squeeze %dma_wait3A_205 : memref<1x32x128xf32, #tpu.memory_space<hbm>> -> memref<32x128xf32, #tpu.memory_space<hbm>>
      tpu.wait_dma2 semaphore(%run_scoped3A : memref<!tpu.dma_semaphore, #tpu.memory_space<semaphore_mem>>) src(%arg13 : memref<32x128xf32, #tpu.memory_space<vmem>>) dst(%dma_wait3A_206 : memref<32x128xf32, #tpu.memory_space<hbm>>)
      tpu.yield
    }) : () -> ()
    %add3A_167 = arith.constant 416 : i32
    %add3A_168 = arith.addi %multiple_of3A, %add3A_167 : i32
    "tpu.region"() ({
      %run_scoped3A = tpu.sem_alloc : memref<!tpu.dma_semaphore, #tpu.memory_space<semaphore_mem>>
      %dma_start3A_195 = arith.constant 0 : i32
      %dma_start3A_196 = tpu.memref_slice %arg14[%add3A_168, %dma_start3A_195] : memref<10240x128xf32, #tpu.memory_space<vmem_shared>> -> memref<32x128xf32, #tpu.memory_space<vmem_shared>>
      %dma_start3A_197 = arith.constant 0 : i32
      %dma_start3A_198 = tpu.memref_slice %arg14[%add3A_168, %dma_start3A_197] : memref<10240x128xf32, #tpu.memory_space<vmem_shared>> -> memref<32x128xf32, #tpu.memory_space<vmem_shared>>
      tpu.enqueue_dma source(%dma_start3A_198 : memref<32x128xf32, #tpu.memory_space<vmem_shared>>) target(%arg13 : memref<32x128xf32, #tpu.memory_space<vmem>>) target_semaphore(%run_scoped3A : memref<!tpu.dma_semaphore, #tpu.memory_space<semaphore_mem>>)
      %dma_wait3A_199 = arith.constant 0 : i32
      %dma_wait3A_200 = tpu.memref_slice %arg14[%add3A_168, %dma_wait3A_199] : memref<10240x128xf32, #tpu.memory_space<vmem_shared>> -> memref<32x128xf32, #tpu.memory_space<vmem_shared>>
      %dma_wait3A_201 = arith.constant 0 : i32
      %dma_wait3A_202 = tpu.memref_slice %arg14[%add3A_168, %dma_wait3A_201] : memref<10240x128xf32, #tpu.memory_space<vmem_shared>> -> memref<32x128xf32, #tpu.memory_space<vmem_shared>>
      tpu.wait_dma2 semaphore(%run_scoped3A : memref<!tpu.dma_semaphore, #tpu.memory_space<semaphore_mem>>) src(%dma_wait3A_202 : memref<32x128xf32, #tpu.memory_space<vmem_shared>>) dst(%arg13 : memref<32x128xf32, #tpu.memory_space<vmem>>)
      tpu.yield
    }) : () -> ()
    %add3A_169 = arith.constant 416 : i32
    %add3A_170 = arith.addi %multiple_of3A, %add3A_169 : i32
    "tpu.region"() ({
      %run_scoped3A = tpu.sem_alloc : memref<!tpu.dma_semaphore, #tpu.memory_space<semaphore_mem>>
      %dma_start3A_195 = arith.constant 0 : i32
      %dma_start3A_196 = tpu.memref_slice %arg5[%arg0, %add3A_170, %dma_start3A_195] : memref<2x10240x128xf32, #tpu.memory_space<hbm>> -> memref<1x32x128xf32, #tpu.memory_space<hbm>>
      %dma_start3A_197 = tpu.memref_squeeze %dma_start3A_196 : memref<1x32x128xf32, #tpu.memory_space<hbm>> -> memref<32x128xf32, #tpu.memory_space<hbm>>
      %dma_start3A_198 = arith.constant 0 : i32
      %dma_start3A_199 = tpu.memref_slice %arg5[%arg0, %add3A_170, %dma_start3A_198] : memref<2x10240x128xf32, #tpu.memory_space<hbm>> -> memref<1x32x128xf32, #tpu.memory_space<hbm>>
      %dma_start3A_200 = tpu.memref_squeeze %dma_start3A_199 : memref<1x32x128xf32, #tpu.memory_space<hbm>> -> memref<32x128xf32, #tpu.memory_space<hbm>>
      tpu.enqueue_dma source(%arg13 : memref<32x128xf32, #tpu.memory_space<vmem>>) target(%dma_start3A_200 : memref<32x128xf32, #tpu.memory_space<hbm>>) target_semaphore(%run_scoped3A : memref<!tpu.dma_semaphore, #tpu.memory_space<semaphore_mem>>)
      %dma_wait3A_201 = arith.constant 0 : i32
      %dma_wait3A_202 = tpu.memref_slice %arg5[%arg0, %add3A_170, %dma_wait3A_201] : memref<2x10240x128xf32, #tpu.memory_space<hbm>> -> memref<1x32x128xf32, #tpu.memory_space<hbm>>
      %dma_wait3A_203 = tpu.memref_squeeze %dma_wait3A_202 : memref<1x32x128xf32, #tpu.memory_space<hbm>> -> memref<32x128xf32, #tpu.memory_space<hbm>>
      %dma_wait3A_204 = arith.constant 0 : i32
      %dma_wait3A_205 = tpu.memref_slice %arg5[%arg0, %add3A_170, %dma_wait3A_204] : memref<2x10240x128xf32, #tpu.memory_space<hbm>> -> memref<1x32x128xf32, #tpu.memory_space<hbm>>
      %dma_wait3A_206 = tpu.memref_squeeze %dma_wait3A_205 : memref<1x32x128xf32, #tpu.memory_space<hbm>> -> memref<32x128xf32, #tpu.memory_space<hbm>>
      tpu.wait_dma2 semaphore(%run_scoped3A : memref<!tpu.dma_semaphore, #tpu.memory_space<semaphore_mem>>) src(%arg13 : memref<32x128xf32, #tpu.memory_space<vmem>>) dst(%dma_wait3A_206 : memref<32x128xf32, #tpu.memory_space<hbm>>)
      tpu.yield
    }) : () -> ()
    %add3A_171 = arith.constant 448 : i32
    %add3A_172 = arith.addi %multiple_of3A, %add3A_171 : i32
    "tpu.region"() ({
      %run_scoped3A = tpu.sem_alloc : memref<!tpu.dma_semaphore, #tpu.memory_space<semaphore_mem>>
      %dma_start3A_195 = arith.constant 0 : i32
      %dma_start3A_196 = tpu.memref_slice %arg14[%add3A_172, %dma_start3A_195] : memref<10240x128xf32, #tpu.memory_space<vmem_shared>> -> memref<32x128xf32, #tpu.memory_space<vmem_shared>>
      %dma_start3A_197 = arith.constant 0 : i32
      %dma_start3A_198 = tpu.memref_slice %arg14[%add3A_172, %dma_start3A_197] : memref<10240x128xf32, #tpu.memory_space<vmem_shared>> -> memref<32x128xf32, #tpu.memory_space<vmem_shared>>
      tpu.enqueue_dma source(%dma_start3A_198 : memref<32x128xf32, #tpu.memory_space<vmem_shared>>) target(%arg13 : memref<32x128xf32, #tpu.memory_space<vmem>>) target_semaphore(%run_scoped3A : memref<!tpu.dma_semaphore, #tpu.memory_space<semaphore_mem>>)
      %dma_wait3A_199 = arith.constant 0 : i32
      %dma_wait3A_200 = tpu.memref_slice %arg14[%add3A_172, %dma_wait3A_199] : memref<10240x128xf32, #tpu.memory_space<vmem_shared>> -> memref<32x128xf32, #tpu.memory_space<vmem_shared>>
      %dma_wait3A_201 = arith.constant 0 : i32
      %dma_wait3A_202 = tpu.memref_slice %arg14[%add3A_172, %dma_wait3A_201] : memref<10240x128xf32, #tpu.memory_space<vmem_shared>> -> memref<32x128xf32, #tpu.memory_space<vmem_shared>>
      tpu.wait_dma2 semaphore(%run_scoped3A : memref<!tpu.dma_semaphore, #tpu.memory_space<semaphore_mem>>) src(%dma_wait3A_202 : memref<32x128xf32, #tpu.memory_space<vmem_shared>>) dst(%arg13 : memref<32x128xf32, #tpu.memory_space<vmem>>)
      tpu.yield
    }) : () -> ()
    %add3A_173 = arith.constant 448 : i32
    %add3A_174 = arith.addi %multiple_of3A, %add3A_173 : i32
    "tpu.region"() ({
      %run_scoped3A = tpu.sem_alloc : memref<!tpu.dma_semaphore, #tpu.memory_space<semaphore_mem>>
      %dma_start3A_195 = arith.constant 0 : i32
      %dma_start3A_196 = tpu.memref_slice %arg5[%arg0, %add3A_174, %dma_start3A_195] : memref<2x10240x128xf32, #tpu.memory_space<hbm>> -> memref<1x32x128xf32, #tpu.memory_space<hbm>>
      %dma_start3A_197 = tpu.memref_squeeze %dma_start3A_196 : memref<1x32x128xf32, #tpu.memory_space<hbm>> -> memref<32x128xf32, #tpu.memory_space<hbm>>
      %dma_start3A_198 = arith.constant 0 : i32
      %dma_start3A_199 = tpu.memref_slice %arg5[%arg0, %add3A_174, %dma_start3A_198] : memref<2x10240x128xf32, #tpu.memory_space<hbm>> -> memref<1x32x128xf32, #tpu.memory_space<hbm>>
      %dma_start3A_200 = tpu.memref_squeeze %dma_start3A_199 : memref<1x32x128xf32, #tpu.memory_space<hbm>> -> memref<32x128xf32, #tpu.memory_space<hbm>>
      tpu.enqueue_dma source(%arg13 : memref<32x128xf32, #tpu.memory_space<vmem>>) target(%dma_start3A_200 : memref<32x128xf32, #tpu.memory_space<hbm>>) target_semaphore(%run_scoped3A : memref<!tpu.dma_semaphore, #tpu.memory_space<semaphore_mem>>)
      %dma_wait3A_201 = arith.constant 0 : i32
      %dma_wait3A_202 = tpu.memref_slice %arg5[%arg0, %add3A_174, %dma_wait3A_201] : memref<2x10240x128xf32, #tpu.memory_space<hbm>> -> memref<1x32x128xf32, #tpu.memory_space<hbm>>
      %dma_wait3A_203 = tpu.memref_squeeze %dma_wait3A_202 : memref<1x32x128xf32, #tpu.memory_space<hbm>> -> memref<32x128xf32, #tpu.memory_space<hbm>>
      %dma_wait3A_204 = arith.constant 0 : i32
      %dma_wait3A_205 = tpu.memref_slice %arg5[%arg0, %add3A_174, %dma_wait3A_204] : memref<2x10240x128xf32, #tpu.memory_space<hbm>> -> memref<1x32x128xf32, #tpu.memory_space<hbm>>
      %dma_wait3A_206 = tpu.memref_squeeze %dma_wait3A_205 : memref<1x32x128xf32, #tpu.memory_space<hbm>> -> memref<32x128xf32, #tpu.memory_space<hbm>>
      tpu.wait_dma2 semaphore(%run_scoped3A : memref<!tpu.dma_semaphore, #tpu.memory_space<semaphore_mem>>) src(%arg13 : memref<32x128xf32, #tpu.memory_space<vmem>>) dst(%dma_wait3A_206 : memref<32x128xf32, #tpu.memory_space<hbm>>)
      tpu.yield
    }) : () -> ()
    %add3A_175 = arith.constant 480 : i32
    %add3A_176 = arith.addi %multiple_of3A, %add3A_175 : i32
    "tpu.region"() ({
      %run_scoped3A = tpu.sem_alloc : memref<!tpu.dma_semaphore, #tpu.memory_space<semaphore_mem>>
      %dma_start3A_195 = arith.constant 0 : i32
      %dma_start3A_196 = tpu.memref_slice %arg14[%add3A_176, %dma_start3A_195] : memref<10240x128xf32, #tpu.memory_space<vmem_shared>> -> memref<32x128xf32, #tpu.memory_space<vmem_shared>>
      %dma_start3A_197 = arith.constant 0 : i32
      %dma_start3A_198 = tpu.memref_slice %arg14[%add3A_176, %dma_start3A_197] : memref<10240x128xf32, #tpu.memory_space<vmem_shared>> -> memref<32x128xf32, #tpu.memory_space<vmem_shared>>
      tpu.enqueue_dma source(%dma_start3A_198 : memref<32x128xf32, #tpu.memory_space<vmem_shared>>) target(%arg13 : memref<32x128xf32, #tpu.memory_space<vmem>>) target_semaphore(%run_scoped3A : memref<!tpu.dma_semaphore, #tpu.memory_space<semaphore_mem>>)
      %dma_wait3A_199 = arith.constant 0 : i32
      %dma_wait3A_200 = tpu.memref_slice %arg14[%add3A_176, %dma_wait3A_199] : memref<10240x128xf32, #tpu.memory_space<vmem_shared>> -> memref<32x128xf32, #tpu.memory_space<vmem_shared>>
      %dma_wait3A_201 = arith.constant 0 : i32
      %dma_wait3A_202 = tpu.memref_slice %arg14[%add3A_176, %dma_wait3A_201] : memref<10240x128xf32, #tpu.memory_space<vmem_shared>> -> memref<32x128xf32, #tpu.memory_space<vmem_shared>>
      tpu.wait_dma2 semaphore(%run_scoped3A : memref<!tpu.dma_semaphore, #tpu.memory_space<semaphore_mem>>) src(%dma_wait3A_202 : memref<32x128xf32, #tpu.memory_space<vmem_shared>>) dst(%arg13 : memref<32x128xf32, #tpu.memory_space<vmem>>)
      tpu.yield
    }) : () -> ()
    %add3A_177 = arith.constant 480 : i32
    %add3A_178 = arith.addi %multiple_of3A, %add3A_177 : i32
    "tpu.region"() ({
      %run_scoped3A = tpu.sem_alloc : memref<!tpu.dma_semaphore, #tpu.memory_space<semaphore_mem>>
      %dma_start3A_195 = arith.constant 0 : i32
      %dma_start3A_196 = tpu.memref_slice %arg5[%arg0, %add3A_178, %dma_start3A_195] : memref<2x10240x128xf32, #tpu.memory_space<hbm>> -> memref<1x32x128xf32, #tpu.memory_space<hbm>>
      %dma_start3A_197 = tpu.memref_squeeze %dma_start3A_196 : memref<1x32x128xf32, #tpu.memory_space<hbm>> -> memref<32x128xf32, #tpu.memory_space<hbm>>
      %dma_start3A_198 = arith.constant 0 : i32
      %dma_start3A_199 = tpu.memref_slice %arg5[%arg0, %add3A_178, %dma_start3A_198] : memref<2x10240x128xf32, #tpu.memory_space<hbm>> -> memref<1x32x128xf32, #tpu.memory_space<hbm>>
      %dma_start3A_200 = tpu.memref_squeeze %dma_start3A_199 : memref<1x32x128xf32, #tpu.memory_space<hbm>> -> memref<32x128xf32, #tpu.memory_space<hbm>>
      tpu.enqueue_dma source(%arg13 : memref<32x128xf32, #tpu.memory_space<vmem>>) target(%dma_start3A_200 : memref<32x128xf32, #tpu.memory_space<hbm>>) target_semaphore(%run_scoped3A : memref<!tpu.dma_semaphore, #tpu.memory_space<semaphore_mem>>)
      %dma_wait3A_201 = arith.constant 0 : i32
      %dma_wait3A_202 = tpu.memref_slice %arg5[%arg0, %add3A_178, %dma_wait3A_201] : memref<2x10240x128xf32, #tpu.memory_space<hbm>> -> memref<1x32x128xf32, #tpu.memory_space<hbm>>
      %dma_wait3A_203 = tpu.memref_squeeze %dma_wait3A_202 : memref<1x32x128xf32, #tpu.memory_space<hbm>> -> memref<32x128xf32, #tpu.memory_space<hbm>>
      %dma_wait3A_204 = arith.constant 0 : i32
      %dma_wait3A_205 = tpu.memref_slice %arg5[%arg0, %add3A_178, %dma_wait3A_204] : memref<2x10240x128xf32, #tpu.memory_space<hbm>> -> memref<1x32x128xf32, #tpu.memory_space<hbm>>
      %dma_wait3A_206 = tpu.memref_squeeze %dma_wait3A_205 : memref<1x32x128xf32, #tpu.memory_space<hbm>> -> memref<32x128xf32, #tpu.memory_space<hbm>>
      tpu.wait_dma2 semaphore(%run_scoped3A : memref<!tpu.dma_semaphore, #tpu.memory_space<semaphore_mem>>) src(%arg13 : memref<32x128xf32, #tpu.memory_space<vmem>>) dst(%dma_wait3A_206 : memref<32x128xf32, #tpu.memory_space<hbm>>)
      tpu.yield
    }) : () -> ()
    %add3A_179 = arith.constant 512 : i32
    %add3A_180 = arith.addi %multiple_of3A, %add3A_179 : i32
    "tpu.region"() ({
      %run_scoped3A = tpu.sem_alloc : memref<!tpu.dma_semaphore, #tpu.memory_space<semaphore_mem>>
      %dma_start3A_195 = arith.constant 0 : i32
      %dma_start3A_196 = tpu.memref_slice %arg14[%add3A_180, %dma_start3A_195] : memref<10240x128xf32, #tpu.memory_space<vmem_shared>> -> memref<32x128xf32, #tpu.memory_space<vmem_shared>>
      %dma_start3A_197 = arith.constant 0 : i32
      %dma_start3A_198 = tpu.memref_slice %arg14[%add3A_180, %dma_start3A_197] : memref<10240x128xf32, #tpu.memory_space<vmem_shared>> -> memref<32x128xf32, #tpu.memory_space<vmem_shared>>
      tpu.enqueue_dma source(%dma_start3A_198 : memref<32x128xf32, #tpu.memory_space<vmem_shared>>) target(%arg13 : memref<32x128xf32, #tpu.memory_space<vmem>>) target_semaphore(%run_scoped3A : memref<!tpu.dma_semaphore, #tpu.memory_space<semaphore_mem>>)
      %dma_wait3A_199 = arith.constant 0 : i32
      %dma_wait3A_200 = tpu.memref_slice %arg14[%add3A_180, %dma_wait3A_199] : memref<10240x128xf32, #tpu.memory_space<vmem_shared>> -> memref<32x128xf32, #tpu.memory_space<vmem_shared>>
      %dma_wait3A_201 = arith.constant 0 : i32
      %dma_wait3A_202 = tpu.memref_slice %arg14[%add3A_180, %dma_wait3A_201] : memref<10240x128xf32, #tpu.memory_space<vmem_shared>> -> memref<32x128xf32, #tpu.memory_space<vmem_shared>>
      tpu.wait_dma2 semaphore(%run_scoped3A : memref<!tpu.dma_semaphore, #tpu.memory_space<semaphore_mem>>) src(%dma_wait3A_202 : memref<32x128xf32, #tpu.memory_space<vmem_shared>>) dst(%arg13 : memref<32x128xf32, #tpu.memory_space<vmem>>)
      tpu.yield
    }) : () -> ()
    %add3A_181 = arith.constant 512 : i32
    %add3A_182 = arith.addi %multiple_of3A, %add3A_181 : i32
    "tpu.region"() ({
      %run_scoped3A = tpu.sem_alloc : memref<!tpu.dma_semaphore, #tpu.memory_space<semaphore_mem>>
      %dma_start3A_195 = arith.constant 0 : i32
      %dma_start3A_196 = tpu.memref_slice %arg5[%arg0, %add3A_182, %dma_start3A_195] : memref<2x10240x128xf32, #tpu.memory_space<hbm>> -> memref<1x32x128xf32, #tpu.memory_space<hbm>>
      %dma_start3A_197 = tpu.memref_squeeze %dma_start3A_196 : memref<1x32x128xf32, #tpu.memory_space<hbm>> -> memref<32x128xf32, #tpu.memory_space<hbm>>
      %dma_start3A_198 = arith.constant 0 : i32
      %dma_start3A_199 = tpu.memref_slice %arg5[%arg0, %add3A_182, %dma_start3A_198] : memref<2x10240x128xf32, #tpu.memory_space<hbm>> -> memref<1x32x128xf32, #tpu.memory_space<hbm>>
      %dma_start3A_200 = tpu.memref_squeeze %dma_start3A_199 : memref<1x32x128xf32, #tpu.memory_space<hbm>> -> memref<32x128xf32, #tpu.memory_space<hbm>>
      tpu.enqueue_dma source(%arg13 : memref<32x128xf32, #tpu.memory_space<vmem>>) target(%dma_start3A_200 : memref<32x128xf32, #tpu.memory_space<hbm>>) target_semaphore(%run_scoped3A : memref<!tpu.dma_semaphore, #tpu.memory_space<semaphore_mem>>)
      %dma_wait3A_201 = arith.constant 0 : i32
      %dma_wait3A_202 = tpu.memref_slice %arg5[%arg0, %add3A_182, %dma_wait3A_201] : memref<2x10240x128xf32, #tpu.memory_space<hbm>> -> memref<1x32x128xf32, #tpu.memory_space<hbm>>
      %dma_wait3A_203 = tpu.memref_squeeze %dma_wait3A_202 : memref<1x32x128xf32, #tpu.memory_space<hbm>> -> memref<32x128xf32, #tpu.memory_space<hbm>>
      %dma_wait3A_204 = arith.constant 0 : i32
      %dma_wait3A_205 = tpu.memref_slice %arg5[%arg0, %add3A_182, %dma_wait3A_204] : memref<2x10240x128xf32, #tpu.memory_space<hbm>> -> memref<1x32x128xf32, #tpu.memory_space<hbm>>
      %dma_wait3A_206 = tpu.memref_squeeze %dma_wait3A_205 : memref<1x32x128xf32, #tpu.memory_space<hbm>> -> memref<32x128xf32, #tpu.memory_space<hbm>>
      tpu.wait_dma2 semaphore(%run_scoped3A : memref<!tpu.dma_semaphore, #tpu.memory_space<semaphore_mem>>) src(%arg13 : memref<32x128xf32, #tpu.memory_space<vmem>>) dst(%dma_wait3A_206 : memref<32x128xf32, #tpu.memory_space<hbm>>)
      tpu.yield
    }) : () -> ()
    %add3A_183 = arith.constant 544 : i32
    %add3A_184 = arith.addi %multiple_of3A, %add3A_183 : i32
    "tpu.region"() ({
      %run_scoped3A = tpu.sem_alloc : memref<!tpu.dma_semaphore, #tpu.memory_space<semaphore_mem>>
      %dma_start3A_195 = arith.constant 0 : i32
      %dma_start3A_196 = tpu.memref_slice %arg14[%add3A_184, %dma_start3A_195] : memref<10240x128xf32, #tpu.memory_space<vmem_shared>> -> memref<32x128xf32, #tpu.memory_space<vmem_shared>>
      %dma_start3A_197 = arith.constant 0 : i32
      %dma_start3A_198 = tpu.memref_slice %arg14[%add3A_184, %dma_start3A_197] : memref<10240x128xf32, #tpu.memory_space<vmem_shared>> -> memref<32x128xf32, #tpu.memory_space<vmem_shared>>
      tpu.enqueue_dma source(%dma_start3A_198 : memref<32x128xf32, #tpu.memory_space<vmem_shared>>) target(%arg13 : memref<32x128xf32, #tpu.memory_space<vmem>>) target_semaphore(%run_scoped3A : memref<!tpu.dma_semaphore, #tpu.memory_space<semaphore_mem>>)
      %dma_wait3A_199 = arith.constant 0 : i32
      %dma_wait3A_200 = tpu.memref_slice %arg14[%add3A_184, %dma_wait3A_199] : memref<10240x128xf32, #tpu.memory_space<vmem_shared>> -> memref<32x128xf32, #tpu.memory_space<vmem_shared>>
      %dma_wait3A_201 = arith.constant 0 : i32
      %dma_wait3A_202 = tpu.memref_slice %arg14[%add3A_184, %dma_wait3A_201] : memref<10240x128xf32, #tpu.memory_space<vmem_shared>> -> memref<32x128xf32, #tpu.memory_space<vmem_shared>>
      tpu.wait_dma2 semaphore(%run_scoped3A : memref<!tpu.dma_semaphore, #tpu.memory_space<semaphore_mem>>) src(%dma_wait3A_202 : memref<32x128xf32, #tpu.memory_space<vmem_shared>>) dst(%arg13 : memref<32x128xf32, #tpu.memory_space<vmem>>)
      tpu.yield
    }) : () -> ()
    %add3A_185 = arith.constant 544 : i32
    %add3A_186 = arith.addi %multiple_of3A, %add3A_185 : i32
    "tpu.region"() ({
      %run_scoped3A = tpu.sem_alloc : memref<!tpu.dma_semaphore, #tpu.memory_space<semaphore_mem>>
      %dma_start3A_195 = arith.constant 0 : i32
      %dma_start3A_196 = tpu.memref_slice %arg5[%arg0, %add3A_186, %dma_start3A_195] : memref<2x10240x128xf32, #tpu.memory_space<hbm>> -> memref<1x32x128xf32, #tpu.memory_space<hbm>>
      %dma_start3A_197 = tpu.memref_squeeze %dma_start3A_196 : memref<1x32x128xf32, #tpu.memory_space<hbm>> -> memref<32x128xf32, #tpu.memory_space<hbm>>
      %dma_start3A_198 = arith.constant 0 : i32
      %dma_start3A_199 = tpu.memref_slice %arg5[%arg0, %add3A_186, %dma_start3A_198] : memref<2x10240x128xf32, #tpu.memory_space<hbm>> -> memref<1x32x128xf32, #tpu.memory_space<hbm>>
      %dma_start3A_200 = tpu.memref_squeeze %dma_start3A_199 : memref<1x32x128xf32, #tpu.memory_space<hbm>> -> memref<32x128xf32, #tpu.memory_space<hbm>>
      tpu.enqueue_dma source(%arg13 : memref<32x128xf32, #tpu.memory_space<vmem>>) target(%dma_start3A_200 : memref<32x128xf32, #tpu.memory_space<hbm>>) target_semaphore(%run_scoped3A : memref<!tpu.dma_semaphore, #tpu.memory_space<semaphore_mem>>)
      %dma_wait3A_201 = arith.constant 0 : i32
      %dma_wait3A_202 = tpu.memref_slice %arg5[%arg0, %add3A_186, %dma_wait3A_201] : memref<2x10240x128xf32, #tpu.memory_space<hbm>> -> memref<1x32x128xf32, #tpu.memory_space<hbm>>
      %dma_wait3A_203 = tpu.memref_squeeze %dma_wait3A_202 : memref<1x32x128xf32, #tpu.memory_space<hbm>> -> memref<32x128xf32, #tpu.memory_space<hbm>>
      %dma_wait3A_204 = arith.constant 0 : i32
      %dma_wait3A_205 = tpu.memref_slice %arg5[%arg0, %add3A_186, %dma_wait3A_204] : memref<2x10240x128xf32, #tpu.memory_space<hbm>> -> memref<1x32x128xf32, #tpu.memory_space<hbm>>
      %dma_wait3A_206 = tpu.memref_squeeze %dma_wait3A_205 : memref<1x32x128xf32, #tpu.memory_space<hbm>> -> memref<32x128xf32, #tpu.memory_space<hbm>>
      tpu.wait_dma2 semaphore(%run_scoped3A : memref<!tpu.dma_semaphore, #tpu.memory_space<semaphore_mem>>) src(%arg13 : memref<32x128xf32, #tpu.memory_space<vmem>>) dst(%dma_wait3A_206 : memref<32x128xf32, #tpu.memory_space<hbm>>)
      tpu.yield
    }) : () -> ()
    %add3A_187 = arith.constant 576 : i32
    %add3A_188 = arith.addi %multiple_of3A, %add3A_187 : i32
    "tpu.region"() ({
      %run_scoped3A = tpu.sem_alloc : memref<!tpu.dma_semaphore, #tpu.memory_space<semaphore_mem>>
      %dma_start3A_195 = arith.constant 0 : i32
      %dma_start3A_196 = tpu.memref_slice %arg14[%add3A_188, %dma_start3A_195] : memref<10240x128xf32, #tpu.memory_space<vmem_shared>> -> memref<32x128xf32, #tpu.memory_space<vmem_shared>>
      %dma_start3A_197 = arith.constant 0 : i32
      %dma_start3A_198 = tpu.memref_slice %arg14[%add3A_188, %dma_start3A_197] : memref<10240x128xf32, #tpu.memory_space<vmem_shared>> -> memref<32x128xf32, #tpu.memory_space<vmem_shared>>
      tpu.enqueue_dma source(%dma_start3A_198 : memref<32x128xf32, #tpu.memory_space<vmem_shared>>) target(%arg13 : memref<32x128xf32, #tpu.memory_space<vmem>>) target_semaphore(%run_scoped3A : memref<!tpu.dma_semaphore, #tpu.memory_space<semaphore_mem>>)
      %dma_wait3A_199 = arith.constant 0 : i32
      %dma_wait3A_200 = tpu.memref_slice %arg14[%add3A_188, %dma_wait3A_199] : memref<10240x128xf32, #tpu.memory_space<vmem_shared>> -> memref<32x128xf32, #tpu.memory_space<vmem_shared>>
      %dma_wait3A_201 = arith.constant 0 : i32
      %dma_wait3A_202 = tpu.memref_slice %arg14[%add3A_188, %dma_wait3A_201] : memref<10240x128xf32, #tpu.memory_space<vmem_shared>> -> memref<32x128xf32, #tpu.memory_space<vmem_shared>>
      tpu.wait_dma2 semaphore(%run_scoped3A : memref<!tpu.dma_semaphore, #tpu.memory_space<semaphore_mem>>) src(%dma_wait3A_202 : memref<32x128xf32, #tpu.memory_space<vmem_shared>>) dst(%arg13 : memref<32x128xf32, #tpu.memory_space<vmem>>)
      tpu.yield
    }) : () -> ()
    %add3A_189 = arith.constant 576 : i32
    %add3A_190 = arith.addi %multiple_of3A, %add3A_189 : i32
    "tpu.region"() ({
      %run_scoped3A = tpu.sem_alloc : memref<!tpu.dma_semaphore, #tpu.memory_space<semaphore_mem>>
      %dma_start3A_195 = arith.constant 0 : i32
      %dma_start3A_196 = tpu.memref_slice %arg5[%arg0, %add3A_190, %dma_start3A_195] : memref<2x10240x128xf32, #tpu.memory_space<hbm>> -> memref<1x32x128xf32, #tpu.memory_space<hbm>>
      %dma_start3A_197 = tpu.memref_squeeze %dma_start3A_196 : memref<1x32x128xf32, #tpu.memory_space<hbm>> -> memref<32x128xf32, #tpu.memory_space<hbm>>
      %dma_start3A_198 = arith.constant 0 : i32
      %dma_start3A_199 = tpu.memref_slice %arg5[%arg0, %add3A_190, %dma_start3A_198] : memref<2x10240x128xf32, #tpu.memory_space<hbm>> -> memref<1x32x128xf32, #tpu.memory_space<hbm>>
      %dma_start3A_200 = tpu.memref_squeeze %dma_start3A_199 : memref<1x32x128xf32, #tpu.memory_space<hbm>> -> memref<32x128xf32, #tpu.memory_space<hbm>>
      tpu.enqueue_dma source(%arg13 : memref<32x128xf32, #tpu.memory_space<vmem>>) target(%dma_start3A_200 : memref<32x128xf32, #tpu.memory_space<hbm>>) target_semaphore(%run_scoped3A : memref<!tpu.dma_semaphore, #tpu.memory_space<semaphore_mem>>)
      %dma_wait3A_201 = arith.constant 0 : i32
      %dma_wait3A_202 = tpu.memref_slice %arg5[%arg0, %add3A_190, %dma_wait3A_201] : memref<2x10240x128xf32, #tpu.memory_space<hbm>> -> memref<1x32x128xf32, #tpu.memory_space<hbm>>
      %dma_wait3A_203 = tpu.memref_squeeze %dma_wait3A_202 : memref<1x32x128xf32, #tpu.memory_space<hbm>> -> memref<32x128xf32, #tpu.memory_space<hbm>>
      %dma_wait3A_204 = arith.constant 0 : i32
      %dma_wait3A_205 = tpu.memref_slice %arg5[%arg0, %add3A_190, %dma_wait3A_204] : memref<2x10240x128xf32, #tpu.memory_space<hbm>> -> memref<1x32x128xf32, #tpu.memory_space<hbm>>
      %dma_wait3A_206 = tpu.memref_squeeze %dma_wait3A_205 : memref<1x32x128xf32, #tpu.memory_space<hbm>> -> memref<32x128xf32, #tpu.memory_space<hbm>>
      tpu.wait_dma2 semaphore(%run_scoped3A : memref<!tpu.dma_semaphore, #tpu.memory_space<semaphore_mem>>) src(%arg13 : memref<32x128xf32, #tpu.memory_space<vmem>>) dst(%dma_wait3A_206 : memref<32x128xf32, #tpu.memory_space<hbm>>)
      tpu.yield
    }) : () -> ()
    %add3A_191 = arith.constant 608 : i32
    %add3A_192 = arith.addi %multiple_of3A, %add3A_191 : i32
    "tpu.region"() ({
      %run_scoped3A = tpu.sem_alloc : memref<!tpu.dma_semaphore, #tpu.memory_space<semaphore_mem>>
      %dma_start3A_195 = arith.constant 0 : i32
      %dma_start3A_196 = tpu.memref_slice %arg14[%add3A_192, %dma_start3A_195] : memref<10240x128xf32, #tpu.memory_space<vmem_shared>> -> memref<32x128xf32, #tpu.memory_space<vmem_shared>>
      %dma_start3A_197 = arith.constant 0 : i32
      %dma_start3A_198 = tpu.memref_slice %arg14[%add3A_192, %dma_start3A_197] : memref<10240x128xf32, #tpu.memory_space<vmem_shared>> -> memref<32x128xf32, #tpu.memory_space<vmem_shared>>
      tpu.enqueue_dma source(%dma_start3A_198 : memref<32x128xf32, #tpu.memory_space<vmem_shared>>) target(%arg13 : memref<32x128xf32, #tpu.memory_space<vmem>>) target_semaphore(%run_scoped3A : memref<!tpu.dma_semaphore, #tpu.memory_space<semaphore_mem>>)
      %dma_wait3A_199 = arith.constant 0 : i32
      %dma_wait3A_200 = tpu.memref_slice %arg14[%add3A_192, %dma_wait3A_199] : memref<10240x128xf32, #tpu.memory_space<vmem_shared>> -> memref<32x128xf32, #tpu.memory_space<vmem_shared>>
      %dma_wait3A_201 = arith.constant 0 : i32
      %dma_wait3A_202 = tpu.memref_slice %arg14[%add3A_192, %dma_wait3A_201] : memref<10240x128xf32, #tpu.memory_space<vmem_shared>> -> memref<32x128xf32, #tpu.memory_space<vmem_shared>>
      tpu.wait_dma2 semaphore(%run_scoped3A : memref<!tpu.dma_semaphore, #tpu.memory_space<semaphore_mem>>) src(%dma_wait3A_202 : memref<32x128xf32, #tpu.memory_space<vmem_shared>>) dst(%arg13 : memref<32x128xf32, #tpu.memory_space<vmem>>)
      tpu.yield
    }) : () -> ()
    %add3A_193 = arith.constant 608 : i32
    %add3A_194 = arith.addi %multiple_of3A, %add3A_193 : i32
    "tpu.region"() ({
      %run_scoped3A = tpu.sem_alloc : memref<!tpu.dma_semaphore, #tpu.memory_space<semaphore_mem>>
      %dma_start3A_195 = arith.constant 0 : i32
      %dma_start3A_196 = tpu.memref_slice %arg5[%arg0, %add3A_194, %dma_start3A_195] : memref<2x10240x128xf32, #tpu.memory_space<hbm>> -> memref<1x32x128xf32, #tpu.memory_space<hbm>>
      %dma_start3A_197 = tpu.memref_squeeze %dma_start3A_196 : memref<1x32x128xf32, #tpu.memory_space<hbm>> -> memref<32x128xf32, #tpu.memory_space<hbm>>
      %dma_start3A_198 = arith.constant 0 : i32
      %dma_start3A_199 = tpu.memref_slice %arg5[%arg0, %add3A_194, %dma_start3A_198] : memref<2x10240x128xf32, #tpu.memory_space<hbm>> -> memref<1x32x128xf32, #tpu.memory_space<hbm>>
      %dma_start3A_200 = tpu.memref_squeeze %dma_start3A_199 : memref<1x32x128xf32, #tpu.memory_space<hbm>> -> memref<32x128xf32, #tpu.memory_space<hbm>>
      tpu.enqueue_dma source(%arg13 : memref<32x128xf32, #tpu.memory_space<vmem>>) target(%dma_start3A_200 : memref<32x128xf32, #tpu.memory_space<hbm>>) target_semaphore(%run_scoped3A : memref<!tpu.dma_semaphore, #tpu.memory_space<semaphore_mem>>)
      %dma_wait3A_201 = arith.constant 0 : i32
      %dma_wait3A_202 = tpu.memref_slice %arg5[%arg0, %add3A_194, %dma_wait3A_201] : memref<2x10240x128xf32, #tpu.memory_space<hbm>> -> memref<1x32x128xf32, #tpu.memory_space<hbm>>
      %dma_wait3A_203 = tpu.memref_squeeze %dma_wait3A_202 : memref<1x32x128xf32, #tpu.memory_space<hbm>> -> memref<32x128xf32, #tpu.memory_space<hbm>>
      %dma_wait3A_204 = arith.constant 0 : i32
      %dma_wait3A_205 = tpu.memref_slice %arg5[%arg0, %add3A_194, %dma_wait3A_204] : memref<2x10240x128xf32, #tpu.memory_space<hbm>> -> memref<1x32x128xf32, #tpu.memory_space<hbm>>
      %dma_wait3A_206 = tpu.memref_squeeze %dma_wait3A_205 : memref<1x32x128xf32, #tpu.memory_space<hbm>> -> memref<32x128xf32, #tpu.memory_space<hbm>>
      tpu.wait_dma2 semaphore(%run_scoped3A : memref<!tpu.dma_semaphore, #tpu.memory_space<semaphore_mem>>) src(%arg13 : memref<32x128xf32, #tpu.memory_space<vmem>>) dst(%dma_wait3A_206 : memref<32x128xf32, #tpu.memory_space<hbm>>)
      tpu.yield
    }) : () -> ()
    return
  }
}

#map = affine_map<(d0, d1) -> (0, 0)>
#map1 = affine_map<(d0, d1) -> (0)>
#map2 = affine_map<(d0, d1) -> (0, 0, 0)>
module attributes {stable_mosaic.version = 14 : i64} {
  func.func @scatter_kernel(%arg0: i32, %arg1: i32, %arg2: memref<10000x128xf32, #tpu.memory_space<hbm>>, %arg3: memref<327680xi32, #tpu.memory_space<hbm>>, %arg4: memref<327680xi32, #tpu.memory_space<hbm>>, %arg5: memref<2x10240x128xf32, #tpu.memory_space<hbm>>, %arg6: memref<10240xi32, #tpu.memory_space<vmem>>, %arg7: memref<80xi32, #tpu.memory_space<vmem>>, %arg8: memref<80xi32, #tpu.memory_space<vmem>>, %arg9: memref<80xi32, #tpu.memory_space<vmem>>, %arg10: memref<80x128xf32, #tpu.memory_space<vmem>>, %arg11: memref<80x128xf32, #tpu.memory_space<vmem>>, %arg12: memref<80x128xf32, #tpu.memory_space<vmem>>, %arg13: memref<32x128xf32, #tpu.memory_space<vmem>>, %arg14: memref<10240x128xf32, #tpu.memory_space<vmem_shared>>, %arg15: memref<!tpu.dma_semaphore, #tpu.memory_space<semaphore_mem>>, %arg16: memref<!tpu.dma_semaphore, #tpu.memory_space<semaphore_mem>>, %arg17: memref<!tpu.dma_semaphore, #tpu.memory_space<semaphore_mem>>) attributes {dimension_semantics = [#tpu.dimension_semantics<core_parallel>, #tpu.dimension_semantics<subcore_parallel>], iteration_bounds = array<i64: 2, 16>, scalar_prefetch = 0 : i64, scratch_operands = 12 : i64, tpu.core_type = #tpu.core_type<sc_vector_subcore>, window_params = [{transform_indices = #map}, {transform_indices = #map1}, {transform_indices = #map1}, {transform_indices = #map2}]} {
    %scan3A = arith.constant 0 : i32
    %scan3A_0 = arith.constant 0 : i32
    %scan3A_1 = arith.constant 32 : i32
    %scan3A_2 = arith.addi %scan3A_0, %scan3A_1 : i32
    %scan3A_3 = arith.constant 1 : i32
    scf.for %scan3A_195 = %scan3A_0 to %scan3A_2 step %scan3A_3  : i32 {
      %broadcast_in_dim3A = arith.constant 0.000000e+00 : f32
      %broadcast_in_dim3A_196 = vector.broadcast %broadcast_in_dim3A : f32 to vector<16xf32>
      %swap3A = arith.index_cast %scan3A_195 : i32 to index
      %swap3A_197 = arith.constant 0 : index
      %swap3A_198 = tpu.vector_load %arg13[%swap3A, %swap3A_197] {strides = array<i32>} : memref<32x128xf32, #tpu.memory_space<vmem>>, vector<1x16xf32>,
      %swap3A_199 = vector.shape_cast %swap3A_198 : vector<1x16xf32> to vector<16xf32>
      %swap3A_200 = vector.shape_cast %broadcast_in_dim3A_196 : vector<16xf32> to vector<1x16xf32>
      tpu.vector_store %arg13[%swap3A, %swap3A_197], %swap3A_200 {strides = array<i32>} : memref<32x128xf32, #tpu.memory_space<vmem>>, vector<1x16xf32>,
      %broadcast_in_dim3A_201 = arith.constant 0.000000e+00 : f32
      %broadcast_in_dim3A_202 = vector.broadcast %broadcast_in_dim3A_201 : f32 to vector<16xf32>
      %swap3A_203 = arith.index_cast %scan3A_195 : i32 to index
      %swap3A_204 = arith.constant 16 : index
      %swap3A_205 = tpu.vector_load %arg13[%swap3A_203, %swap3A_204] {strides = array<i32>} : memref<32x128xf32, #tpu.memory_space<vmem>>, vector<1x16xf32>,
      %swap3A_206 = vector.shape_cast %swap3A_205 : vector<1x16xf32> to vector<16xf32>
      %swap3A_207 = vector.shape_cast %broadcast_in_dim3A_202 : vector<16xf32> to vector<1x16xf32>
      tpu.vector_store %arg13[%swap3A_203, %swap3A_204], %swap3A_207 {strides = array<i32>} : memref<32x128xf32, #tpu.memory_space<vmem>>, vector<1x16xf32>,
      %broadcast_in_dim3A_208 = arith.constant 0.000000e+00 : f32
      %broadcast_in_dim3A_209 = vector.broadcast %broadcast_in_dim3A_208 : f32 to vector<16xf32>
      %swap3A_210 = arith.index_cast %scan3A_195 : i32 to index
      %swap3A_211 = arith.constant 32 : index
      %swap3A_212 = tpu.vector_load %arg13[%swap3A_210, %swap3A_211] {strides = array<i32>} : memref<32x128xf32, #tpu.memory_space<vmem>>, vector<1x16xf32>,
      %swap3A_213 = vector.shape_cast %swap3A_212 : vector<1x16xf32> to vector<16xf32>
      %swap3A_214 = vector.shape_cast %broadcast_in_dim3A_209 : vector<16xf32> to vector<1x16xf32>
      tpu.vector_store %arg13[%swap3A_210, %swap3A_211], %swap3A_214 {strides = array<i32>} : memref<32x128xf32, #tpu.memory_space<vmem>>, vector<1x16xf32>,
      %broadcast_in_dim3A_215 = arith.constant 0.000000e+00 : f32
      %broadcast_in_dim3A_216 = vector.broadcast %broadcast_in_dim3A_215 : f32 to vector<16xf32>
      %swap3A_217 = arith.index_cast %scan3A_195 : i32 to index
      %swap3A_218 = arith.constant 48 : index
      %swap3A_219 = tpu.vector_load %arg13[%swap3A_217, %swap3A_218] {strides = array<i32>} : memref<32x128xf32, #tpu.memory_space<vmem>>, vector<1x16xf32>,
      %swap3A_220 = vector.shape_cast %swap3A_219 : vector<1x16xf32> to vector<16xf32>
      %swap3A_221 = vector.shape_cast %broadcast_in_dim3A_216 : vector<16xf32> to vector<1x16xf32>
      tpu.vector_store %arg13[%swap3A_217, %swap3A_218], %swap3A_221 {strides = array<i32>} : memref<32x128xf32, #tpu.memory_space<vmem>>, vector<1x16xf32>,
      %broadcast_in_dim3A_222 = arith.constant 0.000000e+00 : f32
      %broadcast_in_dim3A_223 = vector.broadcast %broadcast_in_dim3A_222 : f32 to vector<16xf32>
      %swap3A_224 = arith.index_cast %scan3A_195 : i32 to index
      %swap3A_225 = arith.constant 64 : index
      %swap3A_226 = tpu.vector_load %arg13[%swap3A_224, %swap3A_225] {strides = array<i32>} : memref<32x128xf32, #tpu.memory_space<vmem>>, vector<1x16xf32>,
      %swap3A_227 = vector.shape_cast %swap3A_226 : vector<1x16xf32> to vector<16xf32>
      %swap3A_228 = vector.shape_cast %broadcast_in_dim3A_223 : vector<16xf32> to vector<1x16xf32>
      tpu.vector_store %arg13[%swap3A_224, %swap3A_225], %swap3A_228 {strides = array<i32>} : memref<32x128xf32, #tpu.memory_space<vmem>>, vector<1x16xf32>,
      %broadcast_in_dim3A_229 = arith.constant 0.000000e+00 : f32
      %broadcast_in_dim3A_230 = vector.broadcast %broadcast_in_dim3A_229 : f32 to vector<16xf32>
      %swap3A_231 = arith.index_cast %scan3A_195 : i32 to index
      %swap3A_232 = arith.constant 80 : index
      %swap3A_233 = tpu.vector_load %arg13[%swap3A_231, %swap3A_232] {strides = array<i32>} : memref<32x128xf32, #tpu.memory_space<vmem>>, vector<1x16xf32>,
      %swap3A_234 = vector.shape_cast %swap3A_233 : vector<1x16xf32> to vector<16xf32>
      %swap3A_235 = vector.shape_cast %broadcast_in_dim3A_230 : vector<16xf32> to vector<1x16xf32>
      tpu.vector_store %arg13[%swap3A_231, %swap3A_232], %swap3A_235 {strides = array<i32>} : memref<32x128xf32, #tpu.memory_space<vmem>>, vector<1x16xf32>,
      %broadcast_in_dim3A_236 = arith.constant 0.000000e+00 : f32
      %broadcast_in_dim3A_237 = vector.broadcast %broadcast_in_dim3A_236 : f32 to vector<16xf32>
      %swap3A_238 = arith.index_cast %scan3A_195 : i32 to index
      %swap3A_239 = arith.constant 96 : index
      %swap3A_240 = tpu.vector_load %arg13[%swap3A_238, %swap3A_239] {strides = array<i32>} : memref<32x128xf32, #tpu.memory_space<vmem>>, vector<1x16xf32>,
      %swap3A_241 = vector.shape_cast %swap3A_240 : vector<1x16xf32> to vector<16xf32>
      %swap3A_242 = vector.shape_cast %broadcast_in_dim3A_237 : vector<16xf32> to vector<1x16xf32>
      tpu.vector_store %arg13[%swap3A_238, %swap3A_239], %swap3A_242 {strides = array<i32>} : memref<32x128xf32, #tpu.memory_space<vmem>>, vector<1x16xf32>,
      %broadcast_in_dim3A_243 = arith.constant 0.000000e+00 : f32
      %broadcast_in_dim3A_244 = vector.broadcast %broadcast_in_dim3A_243 : f32 to vector<16xf32>
      %swap3A_245 = arith.index_cast %scan3A_195 : i32 to index
      %swap3A_246 = arith.constant 112 : index
      %swap3A_247 = tpu.vector_load %arg13[%swap3A_245, %swap3A_246] {strides = array<i32>} : memref<32x128xf32, #tpu.memory_space<vmem>>, vector<1x16xf32>,
      %swap3A_248 = vector.shape_cast %swap3A_247 : vector<1x16xf32> to vector<16xf32>
      %swap3A_249 = vector.shape_cast %broadcast_in_dim3A_244 : vector<16xf32> to vector<1x16xf32>
      tpu.vector_store %arg13[%swap3A_245, %swap3A_246], %swap3A_249 {strides = array<i32>} : memref<32x128xf32, #tpu.memory_space<vmem>>, vector<1x16xf32>,
    }
    %scan3A_4 = arith.constant 32 : i32
    %mul3A = arith.constant 640 : i32
    %mul3A_5 = arith.muli %arg1, %mul3A : i32
    %multiple_of3A = tpu.assume_multiple %mul3A_5, 8 : i32
    %add3A = arith.constant 0 : i32
    %add3A_6 = arith.addi %multiple_of3A, %add3A : i32
    "tpu.region"() ({
      %run_scoped3A = tpu.sem_alloc : memref<!tpu.dma_semaphore, #tpu.memory_space<semaphore_mem>>
      %dma_start3A_195 = arith.constant 0 : i32
      %dma_start3A_196 = tpu.memref_slice %arg14[%add3A_6, %dma_start3A_195] : memref<10240x128xf32, #tpu.memory_space<vmem_shared>> -> memref<32x128xf32, #tpu.memory_space<vmem_shared>>
      %dma_start3A_197 = arith.constant 0 : i32
      %dma_start3A_198 = tpu.memref_slice %arg14[%add3A_6, %dma_start3A_197] : memref<10240x128xf32, #tpu.memory_space<vmem_shared>> -> memref<32x128xf32, #tpu.memory_space<vmem_shared>>
      tpu.enqueue_dma source(%arg13 : memref<32x128xf32, #tpu.memory_space<vmem>>) target(%dma_start3A_198 : memref<32x128xf32, #tpu.memory_space<vmem_shared>>) target_semaphore(%run_scoped3A : memref<!tpu.dma_semaphore, #tpu.memory_space<semaphore_mem>>)
      %dma_wait3A_199 = arith.constant 0 : i32
      %dma_wait3A_200 = tpu.memref_slice %arg14[%add3A_6, %dma_wait3A_199] : memref<10240x128xf32, #tpu.memory_space<vmem_shared>> -> memref<32x128xf32, #tpu.memory_space<vmem_shared>>
      %dma_wait3A_201 = arith.constant 0 : i32
      %dma_wait3A_202 = tpu.memref_slice %arg14[%add3A_6, %dma_wait3A_201] : memref<10240x128xf32, #tpu.memory_space<vmem_shared>> -> memref<32x128xf32, #tpu.memory_space<vmem_shared>>
      tpu.wait_dma2 semaphore(%run_scoped3A : memref<!tpu.dma_semaphore, #tpu.memory_space<semaphore_mem>>) src(%arg13 : memref<32x128xf32, #tpu.memory_space<vmem>>) dst(%dma_wait3A_202 : memref<32x128xf32, #tpu.memory_space<vmem_shared>>)
      tpu.yield
    }) : () -> ()
    %add3A_7 = arith.constant 32 : i32
    %add3A_8 = arith.addi %multiple_of3A, %add3A_7 : i32
    "tpu.region"() ({
      %run_scoped3A = tpu.sem_alloc : memref<!tpu.dma_semaphore, #tpu.memory_space<semaphore_mem>>
      %dma_start3A_195 = arith.constant 0 : i32
      %dma_start3A_196 = tpu.memref_slice %arg14[%add3A_8, %dma_start3A_195] : memref<10240x128xf32, #tpu.memory_space<vmem_shared>> -> memref<32x128xf32, #tpu.memory_space<vmem_shared>>
      %dma_start3A_197 = arith.constant 0 : i32
      %dma_start3A_198 = tpu.memref_slice %arg14[%add3A_8, %dma_start3A_197] : memref<10240x128xf32, #tpu.memory_space<vmem_shared>> -> memref<32x128xf32, #tpu.memory_space<vmem_shared>>
      tpu.enqueue_dma source(%arg13 : memref<32x128xf32, #tpu.memory_space<vmem>>) target(%dma_start3A_198 : memref<32x128xf32, #tpu.memory_space<vmem_shared>>) target_semaphore(%run_scoped3A : memref<!tpu.dma_semaphore, #tpu.memory_space<semaphore_mem>>)
      %dma_wait3A_199 = arith.constant 0 : i32
      %dma_wait3A_200 = tpu.memref_slice %arg14[%add3A_8, %dma_wait3A_199] : memref<10240x128xf32, #tpu.memory_space<vmem_shared>> -> memref<32x128xf32, #tpu.memory_space<vmem_shared>>
      %dma_wait3A_201 = arith.constant 0 : i32
      %dma_wait3A_202 = tpu.memref_slice %arg14[%add3A_8, %dma_wait3A_201] : memref<10240x128xf32, #tpu.memory_space<vmem_shared>> -> memref<32x128xf32, #tpu.memory_space<vmem_shared>>
      tpu.wait_dma2 semaphore(%run_scoped3A : memref<!tpu.dma_semaphore, #tpu.memory_space<semaphore_mem>>) src(%arg13 : memref<32x128xf32, #tpu.memory_space<vmem>>) dst(%dma_wait3A_202 : memref<32x128xf32, #tpu.memory_space<vmem_shared>>)
      tpu.yield
    }) : () -> ()
    %add3A_9 = arith.constant 64 : i32
    %add3A_10 = arith.addi %multiple_of3A, %add3A_9 : i32
    "tpu.region"() ({
      %run_scoped3A = tpu.sem_alloc : memref<!tpu.dma_semaphore, #tpu.memory_space<semaphore_mem>>
      %dma_start3A_195 = arith.constant 0 : i32
      %dma_start3A_196 = tpu.memref_slice %arg14[%add3A_10, %dma_start3A_195] : memref<10240x128xf32, #tpu.memory_space<vmem_shared>> -> memref<32x128xf32, #tpu.memory_space<vmem_shared>>
      %dma_start3A_197 = arith.constant 0 : i32
      %dma_start3A_198 = tpu.memref_slice %arg14[%add3A_10, %dma_start3A_197] : memref<10240x128xf32, #tpu.memory_space<vmem_shared>> -> memref<32x128xf32, #tpu.memory_space<vmem_shared>>
      tpu.enqueue_dma source(%arg13 : memref<32x128xf32, #tpu.memory_space<vmem>>) target(%dma_start3A_198 : memref<32x128xf32, #tpu.memory_space<vmem_shared>>) target_semaphore(%run_scoped3A : memref<!tpu.dma_semaphore, #tpu.memory_space<semaphore_mem>>)
      %dma_wait3A_199 = arith.constant 0 : i32
      %dma_wait3A_200 = tpu.memref_slice %arg14[%add3A_10, %dma_wait3A_199] : memref<10240x128xf32, #tpu.memory_space<vmem_shared>> -> memref<32x128xf32, #tpu.memory_space<vmem_shared>>
      %dma_wait3A_201 = arith.constant 0 : i32
      %dma_wait3A_202 = tpu.memref_slice %arg14[%add3A_10, %dma_wait3A_201] : memref<10240x128xf32, #tpu.memory_space<vmem_shared>> -> memref<32x128xf32, #tpu.memory_space<vmem_shared>>
      tpu.wait_dma2 semaphore(%run_scoped3A : memref<!tpu.dma_semaphore, #tpu.memory_space<semaphore_mem>>) src(%arg13 : memref<32x128xf32, #tpu.memory_space<vmem>>) dst(%dma_wait3A_202 : memref<32x128xf32, #tpu.memory_space<vmem_shared>>)
      tpu.yield
    }) : () -> ()
    %add3A_11 = arith.constant 96 : i32
    %add3A_12 = arith.addi %multiple_of3A, %add3A_11 : i32
    "tpu.region"() ({
      %run_scoped3A = tpu.sem_alloc : memref<!tpu.dma_semaphore, #tpu.memory_space<semaphore_mem>>
      %dma_start3A_195 = arith.constant 0 : i32
      %dma_start3A_196 = tpu.memref_slice %arg14[%add3A_12, %dma_start3A_195] : memref<10240x128xf32, #tpu.memory_space<vmem_shared>> -> memref<32x128xf32, #tpu.memory_space<vmem_shared>>
      %dma_start3A_197 = arith.constant 0 : i32
      %dma_start3A_198 = tpu.memref_slice %arg14[%add3A_12, %dma_start3A_197] : memref<10240x128xf32, #tpu.memory_space<vmem_shared>> -> memref<32x128xf32, #tpu.memory_space<vmem_shared>>
      tpu.enqueue_dma source(%arg13 : memref<32x128xf32, #tpu.memory_space<vmem>>) target(%dma_start3A_198 : memref<32x128xf32, #tpu.memory_space<vmem_shared>>) target_semaphore(%run_scoped3A : memref<!tpu.dma_semaphore, #tpu.memory_space<semaphore_mem>>)
      %dma_wait3A_199 = arith.constant 0 : i32
      %dma_wait3A_200 = tpu.memref_slice %arg14[%add3A_12, %dma_wait3A_199] : memref<10240x128xf32, #tpu.memory_space<vmem_shared>> -> memref<32x128xf32, #tpu.memory_space<vmem_shared>>
      %dma_wait3A_201 = arith.constant 0 : i32
      %dma_wait3A_202 = tpu.memref_slice %arg14[%add3A_12, %dma_wait3A_201] : memref<10240x128xf32, #tpu.memory_space<vmem_shared>> -> memref<32x128xf32, #tpu.memory_space<vmem_shared>>
      tpu.wait_dma2 semaphore(%run_scoped3A : memref<!tpu.dma_semaphore, #tpu.memory_space<semaphore_mem>>) src(%arg13 : memref<32x128xf32, #tpu.memory_space<vmem>>) dst(%dma_wait3A_202 : memref<32x128xf32, #tpu.memory_space<vmem_shared>>)
      tpu.yield
    }) : () -> ()
    %add3A_13 = arith.constant 128 : i32
    %add3A_14 = arith.addi %multiple_of3A, %add3A_13 : i32
    "tpu.region"() ({
      %run_scoped3A = tpu.sem_alloc : memref<!tpu.dma_semaphore, #tpu.memory_space<semaphore_mem>>
      %dma_start3A_195 = arith.constant 0 : i32
      %dma_start3A_196 = tpu.memref_slice %arg14[%add3A_14, %dma_start3A_195] : memref<10240x128xf32, #tpu.memory_space<vmem_shared>> -> memref<32x128xf32, #tpu.memory_space<vmem_shared>>
      %dma_start3A_197 = arith.constant 0 : i32
      %dma_start3A_198 = tpu.memref_slice %arg14[%add3A_14, %dma_start3A_197] : memref<10240x128xf32, #tpu.memory_space<vmem_shared>> -> memref<32x128xf32, #tpu.memory_space<vmem_shared>>
      tpu.enqueue_dma source(%arg13 : memref<32x128xf32, #tpu.memory_space<vmem>>) target(%dma_start3A_198 : memref<32x128xf32, #tpu.memory_space<vmem_shared>>) target_semaphore(%run_scoped3A : memref<!tpu.dma_semaphore, #tpu.memory_space<semaphore_mem>>)
      %dma_wait3A_199 = arith.constant 0 : i32
      %dma_wait3A_200 = tpu.memref_slice %arg14[%add3A_14, %dma_wait3A_199] : memref<10240x128xf32, #tpu.memory_space<vmem_shared>> -> memref<32x128xf32, #tpu.memory_space<vmem_shared>>
      %dma_wait3A_201 = arith.constant 0 : i32
      %dma_wait3A_202 = tpu.memref_slice %arg14[%add3A_14, %dma_wait3A_201] : memref<10240x128xf32, #tpu.memory_space<vmem_shared>> -> memref<32x128xf32, #tpu.memory_space<vmem_shared>>
      tpu.wait_dma2 semaphore(%run_scoped3A : memref<!tpu.dma_semaphore, #tpu.memory_space<semaphore_mem>>) src(%arg13 : memref<32x128xf32, #tpu.memory_space<vmem>>) dst(%dma_wait3A_202 : memref<32x128xf32, #tpu.memory_space<vmem_shared>>)
      tpu.yield
    }) : () -> ()
    %add3A_15 = arith.constant 160 : i32
    %add3A_16 = arith.addi %multiple_of3A, %add3A_15 : i32
    "tpu.region"() ({
      %run_scoped3A = tpu.sem_alloc : memref<!tpu.dma_semaphore, #tpu.memory_space<semaphore_mem>>
      %dma_start3A_195 = arith.constant 0 : i32
      %dma_start3A_196 = tpu.memref_slice %arg14[%add3A_16, %dma_start3A_195] : memref<10240x128xf32, #tpu.memory_space<vmem_shared>> -> memref<32x128xf32, #tpu.memory_space<vmem_shared>>
      %dma_start3A_197 = arith.constant 0 : i32
      %dma_start3A_198 = tpu.memref_slice %arg14[%add3A_16, %dma_start3A_197] : memref<10240x128xf32, #tpu.memory_space<vmem_shared>> -> memref<32x128xf32, #tpu.memory_space<vmem_shared>>
      tpu.enqueue_dma source(%arg13 : memref<32x128xf32, #tpu.memory_space<vmem>>) target(%dma_start3A_198 : memref<32x128xf32, #tpu.memory_space<vmem_shared>>) target_semaphore(%run_scoped3A : memref<!tpu.dma_semaphore, #tpu.memory_space<semaphore_mem>>)
      %dma_wait3A_199 = arith.constant 0 : i32
      %dma_wait3A_200 = tpu.memref_slice %arg14[%add3A_16, %dma_wait3A_199] : memref<10240x128xf32, #tpu.memory_space<vmem_shared>> -> memref<32x128xf32, #tpu.memory_space<vmem_shared>>
      %dma_wait3A_201 = arith.constant 0 : i32
      %dma_wait3A_202 = tpu.memref_slice %arg14[%add3A_16, %dma_wait3A_201] : memref<10240x128xf32, #tpu.memory_space<vmem_shared>> -> memref<32x128xf32, #tpu.memory_space<vmem_shared>>
      tpu.wait_dma2 semaphore(%run_scoped3A : memref<!tpu.dma_semaphore, #tpu.memory_space<semaphore_mem>>) src(%arg13 : memref<32x128xf32, #tpu.memory_space<vmem>>) dst(%dma_wait3A_202 : memref<32x128xf32, #tpu.memory_space<vmem_shared>>)
      tpu.yield
    }) : () -> ()
    %add3A_17 = arith.constant 192 : i32
    %add3A_18 = arith.addi %multiple_of3A, %add3A_17 : i32
    "tpu.region"() ({
      %run_scoped3A = tpu.sem_alloc : memref<!tpu.dma_semaphore, #tpu.memory_space<semaphore_mem>>
      %dma_start3A_195 = arith.constant 0 : i32
      %dma_start3A_196 = tpu.memref_slice %arg14[%add3A_18, %dma_start3A_195] : memref<10240x128xf32, #tpu.memory_space<vmem_shared>> -> memref<32x128xf32, #tpu.memory_space<vmem_shared>>
      %dma_start3A_197 = arith.constant 0 : i32
      %dma_start3A_198 = tpu.memref_slice %arg14[%add3A_18, %dma_start3A_197] : memref<10240x128xf32, #tpu.memory_space<vmem_shared>> -> memref<32x128xf32, #tpu.memory_space<vmem_shared>>
      tpu.enqueue_dma source(%arg13 : memref<32x128xf32, #tpu.memory_space<vmem>>) target(%dma_start3A_198 : memref<32x128xf32, #tpu.memory_space<vmem_shared>>) target_semaphore(%run_scoped3A : memref<!tpu.dma_semaphore, #tpu.memory_space<semaphore_mem>>)
      %dma_wait3A_199 = arith.constant 0 : i32
      %dma_wait3A_200 = tpu.memref_slice %arg14[%add3A_18, %dma_wait3A_199] : memref<10240x128xf32, #tpu.memory_space<vmem_shared>> -> memref<32x128xf32, #tpu.memory_space<vmem_shared>>
      %dma_wait3A_201 = arith.constant 0 : i32
      %dma_wait3A_202 = tpu.memref_slice %arg14[%add3A_18, %dma_wait3A_201] : memref<10240x128xf32, #tpu.memory_space<vmem_shared>> -> memref<32x128xf32, #tpu.memory_space<vmem_shared>>
      tpu.wait_dma2 semaphore(%run_scoped3A : memref<!tpu.dma_semaphore, #tpu.memory_space<semaphore_mem>>) src(%arg13 : memref<32x128xf32, #tpu.memory_space<vmem>>) dst(%dma_wait3A_202 : memref<32x128xf32, #tpu.memory_space<vmem_shared>>)
      tpu.yield
    }) : () -> ()
    %add3A_19 = arith.constant 224 : i32
    %add3A_20 = arith.addi %multiple_of3A, %add3A_19 : i32
    "tpu.region"() ({
      %run_scoped3A = tpu.sem_alloc : memref<!tpu.dma_semaphore, #tpu.memory_space<semaphore_mem>>
      %dma_start3A_195 = arith.constant 0 : i32
      %dma_start3A_196 = tpu.memref_slice %arg14[%add3A_20, %dma_start3A_195] : memref<10240x128xf32, #tpu.memory_space<vmem_shared>> -> memref<32x128xf32, #tpu.memory_space<vmem_shared>>
      %dma_start3A_197 = arith.constant 0 : i32
      %dma_start3A_198 = tpu.memref_slice %arg14[%add3A_20, %dma_start3A_197] : memref<10240x128xf32, #tpu.memory_space<vmem_shared>> -> memref<32x128xf32, #tpu.memory_space<vmem_shared>>
      tpu.enqueue_dma source(%arg13 : memref<32x128xf32, #tpu.memory_space<vmem>>) target(%dma_start3A_198 : memref<32x128xf32, #tpu.memory_space<vmem_shared>>) target_semaphore(%run_scoped3A : memref<!tpu.dma_semaphore, #tpu.memory_space<semaphore_mem>>)
      %dma_wait3A_199 = arith.constant 0 : i32
      %dma_wait3A_200 = tpu.memref_slice %arg14[%add3A_20, %dma_wait3A_199] : memref<10240x128xf32, #tpu.memory_space<vmem_shared>> -> memref<32x128xf32, #tpu.memory_space<vmem_shared>>
      %dma_wait3A_201 = arith.constant 0 : i32
      %dma_wait3A_202 = tpu.memref_slice %arg14[%add3A_20, %dma_wait3A_201] : memref<10240x128xf32, #tpu.memory_space<vmem_shared>> -> memref<32x128xf32, #tpu.memory_space<vmem_shared>>
      tpu.wait_dma2 semaphore(%run_scoped3A : memref<!tpu.dma_semaphore, #tpu.memory_space<semaphore_mem>>) src(%arg13 : memref<32x128xf32, #tpu.memory_space<vmem>>) dst(%dma_wait3A_202 : memref<32x128xf32, #tpu.memory_space<vmem_shared>>)
      tpu.yield
    }) : () -> ()
    %add3A_21 = arith.constant 256 : i32
    %add3A_22 = arith.addi %multiple_of3A, %add3A_21 : i32
    "tpu.region"() ({
      %run_scoped3A = tpu.sem_alloc : memref<!tpu.dma_semaphore, #tpu.memory_space<semaphore_mem>>
      %dma_start3A_195 = arith.constant 0 : i32
      %dma_start3A_196 = tpu.memref_slice %arg14[%add3A_22, %dma_start3A_195] : memref<10240x128xf32, #tpu.memory_space<vmem_shared>> -> memref<32x128xf32, #tpu.memory_space<vmem_shared>>
      %dma_start3A_197 = arith.constant 0 : i32
      %dma_start3A_198 = tpu.memref_slice %arg14[%add3A_22, %dma_start3A_197] : memref<10240x128xf32, #tpu.memory_space<vmem_shared>> -> memref<32x128xf32, #tpu.memory_space<vmem_shared>>
      tpu.enqueue_dma source(%arg13 : memref<32x128xf32, #tpu.memory_space<vmem>>) target(%dma_start3A_198 : memref<32x128xf32, #tpu.memory_space<vmem_shared>>) target_semaphore(%run_scoped3A : memref<!tpu.dma_semaphore, #tpu.memory_space<semaphore_mem>>)
      %dma_wait3A_199 = arith.constant 0 : i32
      %dma_wait3A_200 = tpu.memref_slice %arg14[%add3A_22, %dma_wait3A_199] : memref<10240x128xf32, #tpu.memory_space<vmem_shared>> -> memref<32x128xf32, #tpu.memory_space<vmem_shared>>
      %dma_wait3A_201 = arith.constant 0 : i32
      %dma_wait3A_202 = tpu.memref_slice %arg14[%add3A_22, %dma_wait3A_201] : memref<10240x128xf32, #tpu.memory_space<vmem_shared>> -> memref<32x128xf32, #tpu.memory_space<vmem_shared>>
      tpu.wait_dma2 semaphore(%run_scoped3A : memref<!tpu.dma_semaphore, #tpu.memory_space<semaphore_mem>>) src(%arg13 : memref<32x128xf32, #tpu.memory_space<vmem>>) dst(%dma_wait3A_202 : memref<32x128xf32, #tpu.memory_space<vmem_shared>>)
      tpu.yield
    }) : () -> ()
    %add3A_23 = arith.constant 288 : i32
    %add3A_24 = arith.addi %multiple_of3A, %add3A_23 : i32
    "tpu.region"() ({
      %run_scoped3A = tpu.sem_alloc : memref<!tpu.dma_semaphore, #tpu.memory_space<semaphore_mem>>
      %dma_start3A_195 = arith.constant 0 : i32
      %dma_start3A_196 = tpu.memref_slice %arg14[%add3A_24, %dma_start3A_195] : memref<10240x128xf32, #tpu.memory_space<vmem_shared>> -> memref<32x128xf32, #tpu.memory_space<vmem_shared>>
      %dma_start3A_197 = arith.constant 0 : i32
      %dma_start3A_198 = tpu.memref_slice %arg14[%add3A_24, %dma_start3A_197] : memref<10240x128xf32, #tpu.memory_space<vmem_shared>> -> memref<32x128xf32, #tpu.memory_space<vmem_shared>>
      tpu.enqueue_dma source(%arg13 : memref<32x128xf32, #tpu.memory_space<vmem>>) target(%dma_start3A_198 : memref<32x128xf32, #tpu.memory_space<vmem_shared>>) target_semaphore(%run_scoped3A : memref<!tpu.dma_semaphore, #tpu.memory_space<semaphore_mem>>)
      %dma_wait3A_199 = arith.constant 0 : i32
      %dma_wait3A_200 = tpu.memref_slice %arg14[%add3A_24, %dma_wait3A_199] : memref<10240x128xf32, #tpu.memory_space<vmem_shared>> -> memref<32x128xf32, #tpu.memory_space<vmem_shared>>
      %dma_wait3A_201 = arith.constant 0 : i32
      %dma_wait3A_202 = tpu.memref_slice %arg14[%add3A_24, %dma_wait3A_201] : memref<10240x128xf32, #tpu.memory_space<vmem_shared>> -> memref<32x128xf32, #tpu.memory_space<vmem_shared>>
      tpu.wait_dma2 semaphore(%run_scoped3A : memref<!tpu.dma_semaphore, #tpu.memory_space<semaphore_mem>>) src(%arg13 : memref<32x128xf32, #tpu.memory_space<vmem>>) dst(%dma_wait3A_202 : memref<32x128xf32, #tpu.memory_space<vmem_shared>>)
      tpu.yield
    }) : () -> ()
    %add3A_25 = arith.constant 320 : i32
    %add3A_26 = arith.addi %multiple_of3A, %add3A_25 : i32
    "tpu.region"() ({
      %run_scoped3A = tpu.sem_alloc : memref<!tpu.dma_semaphore, #tpu.memory_space<semaphore_mem>>
      %dma_start3A_195 = arith.constant 0 : i32
      %dma_start3A_196 = tpu.memref_slice %arg14[%add3A_26, %dma_start3A_195] : memref<10240x128xf32, #tpu.memory_space<vmem_shared>> -> memref<32x128xf32, #tpu.memory_space<vmem_shared>>
      %dma_start3A_197 = arith.constant 0 : i32
      %dma_start3A_198 = tpu.memref_slice %arg14[%add3A_26, %dma_start3A_197] : memref<10240x128xf32, #tpu.memory_space<vmem_shared>> -> memref<32x128xf32, #tpu.memory_space<vmem_shared>>
      tpu.enqueue_dma source(%arg13 : memref<32x128xf32, #tpu.memory_space<vmem>>) target(%dma_start3A_198 : memref<32x128xf32, #tpu.memory_space<vmem_shared>>) target_semaphore(%run_scoped3A : memref<!tpu.dma_semaphore, #tpu.memory_space<semaphore_mem>>)
      %dma_wait3A_199 = arith.constant 0 : i32
      %dma_wait3A_200 = tpu.memref_slice %arg14[%add3A_26, %dma_wait3A_199] : memref<10240x128xf32, #tpu.memory_space<vmem_shared>> -> memref<32x128xf32, #tpu.memory_space<vmem_shared>>
      %dma_wait3A_201 = arith.constant 0 : i32
      %dma_wait3A_202 = tpu.memref_slice %arg14[%add3A_26, %dma_wait3A_201] : memref<10240x128xf32, #tpu.memory_space<vmem_shared>> -> memref<32x128xf32, #tpu.memory_space<vmem_shared>>
      tpu.wait_dma2 semaphore(%run_scoped3A : memref<!tpu.dma_semaphore, #tpu.memory_space<semaphore_mem>>) src(%arg13 : memref<32x128xf32, #tpu.memory_space<vmem>>) dst(%dma_wait3A_202 : memref<32x128xf32, #tpu.memory_space<vmem_shared>>)
      tpu.yield
    }) : () -> ()
    %add3A_27 = arith.constant 352 : i32
    %add3A_28 = arith.addi %multiple_of3A, %add3A_27 : i32
    "tpu.region"() ({
      %run_scoped3A = tpu.sem_alloc : memref<!tpu.dma_semaphore, #tpu.memory_space<semaphore_mem>>
      %dma_start3A_195 = arith.constant 0 : i32
      %dma_start3A_196 = tpu.memref_slice %arg14[%add3A_28, %dma_start3A_195] : memref<10240x128xf32, #tpu.memory_space<vmem_shared>> -> memref<32x128xf32, #tpu.memory_space<vmem_shared>>
      %dma_start3A_197 = arith.constant 0 : i32
      %dma_start3A_198 = tpu.memref_slice %arg14[%add3A_28, %dma_start3A_197] : memref<10240x128xf32, #tpu.memory_space<vmem_shared>> -> memref<32x128xf32, #tpu.memory_space<vmem_shared>>
      tpu.enqueue_dma source(%arg13 : memref<32x128xf32, #tpu.memory_space<vmem>>) target(%dma_start3A_198 : memref<32x128xf32, #tpu.memory_space<vmem_shared>>) target_semaphore(%run_scoped3A : memref<!tpu.dma_semaphore, #tpu.memory_space<semaphore_mem>>)
      %dma_wait3A_199 = arith.constant 0 : i32
      %dma_wait3A_200 = tpu.memref_slice %arg14[%add3A_28, %dma_wait3A_199] : memref<10240x128xf32, #tpu.memory_space<vmem_shared>> -> memref<32x128xf32, #tpu.memory_space<vmem_shared>>
      %dma_wait3A_201 = arith.constant 0 : i32
      %dma_wait3A_202 = tpu.memref_slice %arg14[%add3A_28, %dma_wait3A_201] : memref<10240x128xf32, #tpu.memory_space<vmem_shared>> -> memref<32x128xf32, #tpu.memory_space<vmem_shared>>
      tpu.wait_dma2 semaphore(%run_scoped3A : memref<!tpu.dma_semaphore, #tpu.memory_space<semaphore_mem>>) src(%arg13 : memref<32x128xf32, #tpu.memory_space<vmem>>) dst(%dma_wait3A_202 : memref<32x128xf32, #tpu.memory_space<vmem_shared>>)
      tpu.yield
    }) : () -> ()
    %add3A_29 = arith.constant 384 : i32
    %add3A_30 = arith.addi %multiple_of3A, %add3A_29 : i32
    "tpu.region"() ({
      %run_scoped3A = tpu.sem_alloc : memref<!tpu.dma_semaphore, #tpu.memory_space<semaphore_mem>>
      %dma_start3A_195 = arith.constant 0 : i32
      %dma_start3A_196 = tpu.memref_slice %arg14[%add3A_30, %dma_start3A_195] : memref<10240x128xf32, #tpu.memory_space<vmem_shared>> -> memref<32x128xf32, #tpu.memory_space<vmem_shared>>
      %dma_start3A_197 = arith.constant 0 : i32
      %dma_start3A_198 = tpu.memref_slice %arg14[%add3A_30, %dma_start3A_197] : memref<10240x128xf32, #tpu.memory_space<vmem_shared>> -> memref<32x128xf32, #tpu.memory_space<vmem_shared>>
      tpu.enqueue_dma source(%arg13 : memref<32x128xf32, #tpu.memory_space<vmem>>) target(%dma_start3A_198 : memref<32x128xf32, #tpu.memory_space<vmem_shared>>) target_semaphore(%run_scoped3A : memref<!tpu.dma_semaphore, #tpu.memory_space<semaphore_mem>>)
      %dma_wait3A_199 = arith.constant 0 : i32
      %dma_wait3A_200 = tpu.memref_slice %arg14[%add3A_30, %dma_wait3A_199] : memref<10240x128xf32, #tpu.memory_space<vmem_shared>> -> memref<32x128xf32, #tpu.memory_space<vmem_shared>>
      %dma_wait3A_201 = arith.constant 0 : i32
      %dma_wait3A_202 = tpu.memref_slice %arg14[%add3A_30, %dma_wait3A_201] : memref<10240x128xf32, #tpu.memory_space<vmem_shared>> -> memref<32x128xf32, #tpu.memory_space<vmem_shared>>
      tpu.wait_dma2 semaphore(%run_scoped3A : memref<!tpu.dma_semaphore, #tpu.memory_space<semaphore_mem>>) src(%arg13 : memref<32x128xf32, #tpu.memory_space<vmem>>) dst(%dma_wait3A_202 : memref<32x128xf32, #tpu.memory_space<vmem_shared>>)
      tpu.yield
    }) : () -> ()
    %add3A_31 = arith.constant 416 : i32
    %add3A_32 = arith.addi %multiple_of3A, %add3A_31 : i32
    "tpu.region"() ({
      %run_scoped3A = tpu.sem_alloc : memref<!tpu.dma_semaphore, #tpu.memory_space<semaphore_mem>>
      %dma_start3A_195 = arith.constant 0 : i32
      %dma_start3A_196 = tpu.memref_slice %arg14[%add3A_32, %dma_start3A_195] : memref<10240x128xf32, #tpu.memory_space<vmem_shared>> -> memref<32x128xf32, #tpu.memory_space<vmem_shared>>
      %dma_start3A_197 = arith.constant 0 : i32
      %dma_start3A_198 = tpu.memref_slice %arg14[%add3A_32, %dma_start3A_197] : memref<10240x128xf32, #tpu.memory_space<vmem_shared>> -> memref<32x128xf32, #tpu.memory_space<vmem_shared>>
      tpu.enqueue_dma source(%arg13 : memref<32x128xf32, #tpu.memory_space<vmem>>) target(%dma_start3A_198 : memref<32x128xf32, #tpu.memory_space<vmem_shared>>) target_semaphore(%run_scoped3A : memref<!tpu.dma_semaphore, #tpu.memory_space<semaphore_mem>>)
      %dma_wait3A_199 = arith.constant 0 : i32
      %dma_wait3A_200 = tpu.memref_slice %arg14[%add3A_32, %dma_wait3A_199] : memref<10240x128xf32, #tpu.memory_space<vmem_shared>> -> memref<32x128xf32, #tpu.memory_space<vmem_shared>>
      %dma_wait3A_201 = arith.constant 0 : i32
      %dma_wait3A_202 = tpu.memref_slice %arg14[%add3A_32, %dma_wait3A_201] : memref<10240x128xf32, #tpu.memory_space<vmem_shared>> -> memref<32x128xf32, #tpu.memory_space<vmem_shared>>
      tpu.wait_dma2 semaphore(%run_scoped3A : memref<!tpu.dma_semaphore, #tpu.memory_space<semaphore_mem>>) src(%arg13 : memref<32x128xf32, #tpu.memory_space<vmem>>) dst(%dma_wait3A_202 : memref<32x128xf32, #tpu.memory_space<vmem_shared>>)
      tpu.yield
    }) : () -> ()
    %add3A_33 = arith.constant 448 : i32
    %add3A_34 = arith.addi %multiple_of3A, %add3A_33 : i32
    "tpu.region"() ({
      %run_scoped3A = tpu.sem_alloc : memref<!tpu.dma_semaphore, #tpu.memory_space<semaphore_mem>>
      %dma_start3A_195 = arith.constant 0 : i32
      %dma_start3A_196 = tpu.memref_slice %arg14[%add3A_34, %dma_start3A_195] : memref<10240x128xf32, #tpu.memory_space<vmem_shared>> -> memref<32x128xf32, #tpu.memory_space<vmem_shared>>
      %dma_start3A_197 = arith.constant 0 : i32
      %dma_start3A_198 = tpu.memref_slice %arg14[%add3A_34, %dma_start3A_197] : memref<10240x128xf32, #tpu.memory_space<vmem_shared>> -> memref<32x128xf32, #tpu.memory_space<vmem_shared>>
      tpu.enqueue_dma source(%arg13 : memref<32x128xf32, #tpu.memory_space<vmem>>) target(%dma_start3A_198 : memref<32x128xf32, #tpu.memory_space<vmem_shared>>) target_semaphore(%run_scoped3A : memref<!tpu.dma_semaphore, #tpu.memory_space<semaphore_mem>>)
      %dma_wait3A_199 = arith.constant 0 : i32
      %dma_wait3A_200 = tpu.memref_slice %arg14[%add3A_34, %dma_wait3A_199] : memref<10240x128xf32, #tpu.memory_space<vmem_shared>> -> memref<32x128xf32, #tpu.memory_space<vmem_shared>>
      %dma_wait3A_201 = arith.constant 0 : i32
      %dma_wait3A_202 = tpu.memref_slice %arg14[%add3A_34, %dma_wait3A_201] : memref<10240x128xf32, #tpu.memory_space<vmem_shared>> -> memref<32x128xf32, #tpu.memory_space<vmem_shared>>
      tpu.wait_dma2 semaphore(%run_scoped3A : memref<!tpu.dma_semaphore, #tpu.memory_space<semaphore_mem>>) src(%arg13 : memref<32x128xf32, #tpu.memory_space<vmem>>) dst(%dma_wait3A_202 : memref<32x128xf32, #tpu.memory_space<vmem_shared>>)
      tpu.yield
    }) : () -> ()
    %add3A_35 = arith.constant 480 : i32
    %add3A_36 = arith.addi %multiple_of3A, %add3A_35 : i32
    "tpu.region"() ({
      %run_scoped3A = tpu.sem_alloc : memref<!tpu.dma_semaphore, #tpu.memory_space<semaphore_mem>>
      %dma_start3A_195 = arith.constant 0 : i32
      %dma_start3A_196 = tpu.memref_slice %arg14[%add3A_36, %dma_start3A_195] : memref<10240x128xf32, #tpu.memory_space<vmem_shared>> -> memref<32x128xf32, #tpu.memory_space<vmem_shared>>
      %dma_start3A_197 = arith.constant 0 : i32
      %dma_start3A_198 = tpu.memref_slice %arg14[%add3A_36, %dma_start3A_197] : memref<10240x128xf32, #tpu.memory_space<vmem_shared>> -> memref<32x128xf32, #tpu.memory_space<vmem_shared>>
      tpu.enqueue_dma source(%arg13 : memref<32x128xf32, #tpu.memory_space<vmem>>) target(%dma_start3A_198 : memref<32x128xf32, #tpu.memory_space<vmem_shared>>) target_semaphore(%run_scoped3A : memref<!tpu.dma_semaphore, #tpu.memory_space<semaphore_mem>>)
      %dma_wait3A_199 = arith.constant 0 : i32
      %dma_wait3A_200 = tpu.memref_slice %arg14[%add3A_36, %dma_wait3A_199] : memref<10240x128xf32, #tpu.memory_space<vmem_shared>> -> memref<32x128xf32, #tpu.memory_space<vmem_shared>>
      %dma_wait3A_201 = arith.constant 0 : i32
      %dma_wait3A_202 = tpu.memref_slice %arg14[%add3A_36, %dma_wait3A_201] : memref<10240x128xf32, #tpu.memory_space<vmem_shared>> -> memref<32x128xf32, #tpu.memory_space<vmem_shared>>
      tpu.wait_dma2 semaphore(%run_scoped3A : memref<!tpu.dma_semaphore, #tpu.memory_space<semaphore_mem>>) src(%arg13 : memref<32x128xf32, #tpu.memory_space<vmem>>) dst(%dma_wait3A_202 : memref<32x128xf32, #tpu.memory_space<vmem_shared>>)
      tpu.yield
    }) : () -> ()
    %add3A_37 = arith.constant 512 : i32
    %add3A_38 = arith.addi %multiple_of3A, %add3A_37 : i32
    "tpu.region"() ({
      %run_scoped3A = tpu.sem_alloc : memref<!tpu.dma_semaphore, #tpu.memory_space<semaphore_mem>>
      %dma_start3A_195 = arith.constant 0 : i32
      %dma_start3A_196 = tpu.memref_slice %arg14[%add3A_38, %dma_start3A_195] : memref<10240x128xf32, #tpu.memory_space<vmem_shared>> -> memref<32x128xf32, #tpu.memory_space<vmem_shared>>
      %dma_start3A_197 = arith.constant 0 : i32
      %dma_start3A_198 = tpu.memref_slice %arg14[%add3A_38, %dma_start3A_197] : memref<10240x128xf32, #tpu.memory_space<vmem_shared>> -> memref<32x128xf32, #tpu.memory_space<vmem_shared>>
      tpu.enqueue_dma source(%arg13 : memref<32x128xf32, #tpu.memory_space<vmem>>) target(%dma_start3A_198 : memref<32x128xf32, #tpu.memory_space<vmem_shared>>) target_semaphore(%run_scoped3A : memref<!tpu.dma_semaphore, #tpu.memory_space<semaphore_mem>>)
      %dma_wait3A_199 = arith.constant 0 : i32
      %dma_wait3A_200 = tpu.memref_slice %arg14[%add3A_38, %dma_wait3A_199] : memref<10240x128xf32, #tpu.memory_space<vmem_shared>> -> memref<32x128xf32, #tpu.memory_space<vmem_shared>>
      %dma_wait3A_201 = arith.constant 0 : i32
      %dma_wait3A_202 = tpu.memref_slice %arg14[%add3A_38, %dma_wait3A_201] : memref<10240x128xf32, #tpu.memory_space<vmem_shared>> -> memref<32x128xf32, #tpu.memory_space<vmem_shared>>
      tpu.wait_dma2 semaphore(%run_scoped3A : memref<!tpu.dma_semaphore, #tpu.memory_space<semaphore_mem>>) src(%arg13 : memref<32x128xf32, #tpu.memory_space<vmem>>) dst(%dma_wait3A_202 : memref<32x128xf32, #tpu.memory_space<vmem_shared>>)
      tpu.yield
    }) : () -> ()
    %add3A_39 = arith.constant 544 : i32
    %add3A_40 = arith.addi %multiple_of3A, %add3A_39 : i32
    "tpu.region"() ({
      %run_scoped3A = tpu.sem_alloc : memref<!tpu.dma_semaphore, #tpu.memory_space<semaphore_mem>>
      %dma_start3A_195 = arith.constant 0 : i32
      %dma_start3A_196 = tpu.memref_slice %arg14[%add3A_40, %dma_start3A_195] : memref<10240x128xf32, #tpu.memory_space<vmem_shared>> -> memref<32x128xf32, #tpu.memory_space<vmem_shared>>
      %dma_start3A_197 = arith.constant 0 : i32
      %dma_start3A_198 = tpu.memref_slice %arg14[%add3A_40, %dma_start3A_197] : memref<10240x128xf32, #tpu.memory_space<vmem_shared>> -> memref<32x128xf32, #tpu.memory_space<vmem_shared>>
      tpu.enqueue_dma source(%arg13 : memref<32x128xf32, #tpu.memory_space<vmem>>) target(%dma_start3A_198 : memref<32x128xf32, #tpu.memory_space<vmem_shared>>) target_semaphore(%run_scoped3A : memref<!tpu.dma_semaphore, #tpu.memory_space<semaphore_mem>>)
      %dma_wait3A_199 = arith.constant 0 : i32
      %dma_wait3A_200 = tpu.memref_slice %arg14[%add3A_40, %dma_wait3A_199] : memref<10240x128xf32, #tpu.memory_space<vmem_shared>> -> memref<32x128xf32, #tpu.memory_space<vmem_shared>>
      %dma_wait3A_201 = arith.constant 0 : i32
      %dma_wait3A_202 = tpu.memref_slice %arg14[%add3A_40, %dma_wait3A_201] : memref<10240x128xf32, #tpu.memory_space<vmem_shared>> -> memref<32x128xf32, #tpu.memory_space<vmem_shared>>
      tpu.wait_dma2 semaphore(%run_scoped3A : memref<!tpu.dma_semaphore, #tpu.memory_space<semaphore_mem>>) src(%arg13 : memref<32x128xf32, #tpu.memory_space<vmem>>) dst(%dma_wait3A_202 : memref<32x128xf32, #tpu.memory_space<vmem_shared>>)
      tpu.yield
    }) : () -> ()
    %add3A_41 = arith.constant 576 : i32
    %add3A_42 = arith.addi %multiple_of3A, %add3A_41 : i32
    "tpu.region"() ({
      %run_scoped3A = tpu.sem_alloc : memref<!tpu.dma_semaphore, #tpu.memory_space<semaphore_mem>>
      %dma_start3A_195 = arith.constant 0 : i32
      %dma_start3A_196 = tpu.memref_slice %arg14[%add3A_42, %dma_start3A_195] : memref<10240x128xf32, #tpu.memory_space<vmem_shared>> -> memref<32x128xf32, #tpu.memory_space<vmem_shared>>
      %dma_start3A_197 = arith.constant 0 : i32
      %dma_start3A_198 = tpu.memref_slice %arg14[%add3A_42, %dma_start3A_197] : memref<10240x128xf32, #tpu.memory_space<vmem_shared>> -> memref<32x128xf32, #tpu.memory_space<vmem_shared>>
      tpu.enqueue_dma source(%arg13 : memref<32x128xf32, #tpu.memory_space<vmem>>) target(%dma_start3A_198 : memref<32x128xf32, #tpu.memory_space<vmem_shared>>) target_semaphore(%run_scoped3A : memref<!tpu.dma_semaphore, #tpu.memory_space<semaphore_mem>>)
      %dma_wait3A_199 = arith.constant 0 : i32
      %dma_wait3A_200 = tpu.memref_slice %arg14[%add3A_42, %dma_wait3A_199] : memref<10240x128xf32, #tpu.memory_space<vmem_shared>> -> memref<32x128xf32, #tpu.memory_space<vmem_shared>>
      %dma_wait3A_201 = arith.constant 0 : i32
      %dma_wait3A_202 = tpu.memref_slice %arg14[%add3A_42, %dma_wait3A_201] : memref<10240x128xf32, #tpu.memory_space<vmem_shared>> -> memref<32x128xf32, #tpu.memory_space<vmem_shared>>
      tpu.wait_dma2 semaphore(%run_scoped3A : memref<!tpu.dma_semaphore, #tpu.memory_space<semaphore_mem>>) src(%arg13 : memref<32x128xf32, #tpu.memory_space<vmem>>) dst(%dma_wait3A_202 : memref<32x128xf32, #tpu.memory_space<vmem_shared>>)
      tpu.yield
    }) : () -> ()
    %add3A_43 = arith.constant 608 : i32
    %add3A_44 = arith.addi %multiple_of3A, %add3A_43 : i32
    "tpu.region"() ({
      %run_scoped3A = tpu.sem_alloc : memref<!tpu.dma_semaphore, #tpu.memory_space<semaphore_mem>>
      %dma_start3A_195 = arith.constant 0 : i32
      %dma_start3A_196 = tpu.memref_slice %arg14[%add3A_44, %dma_start3A_195] : memref<10240x128xf32, #tpu.memory_space<vmem_shared>> -> memref<32x128xf32, #tpu.memory_space<vmem_shared>>
      %dma_start3A_197 = arith.constant 0 : i32
      %dma_start3A_198 = tpu.memref_slice %arg14[%add3A_44, %dma_start3A_197] : memref<10240x128xf32, #tpu.memory_space<vmem_shared>> -> memref<32x128xf32, #tpu.memory_space<vmem_shared>>
      tpu.enqueue_dma source(%arg13 : memref<32x128xf32, #tpu.memory_space<vmem>>) target(%dma_start3A_198 : memref<32x128xf32, #tpu.memory_space<vmem_shared>>) target_semaphore(%run_scoped3A : memref<!tpu.dma_semaphore, #tpu.memory_space<semaphore_mem>>)
      %dma_wait3A_199 = arith.constant 0 : i32
      %dma_wait3A_200 = tpu.memref_slice %arg14[%add3A_44, %dma_wait3A_199] : memref<10240x128xf32, #tpu.memory_space<vmem_shared>> -> memref<32x128xf32, #tpu.memory_space<vmem_shared>>
      %dma_wait3A_201 = arith.constant 0 : i32
      %dma_wait3A_202 = tpu.memref_slice %arg14[%add3A_44, %dma_wait3A_201] : memref<10240x128xf32, #tpu.memory_space<vmem_shared>> -> memref<32x128xf32, #tpu.memory_space<vmem_shared>>
      tpu.wait_dma2 semaphore(%run_scoped3A : memref<!tpu.dma_semaphore, #tpu.memory_space<semaphore_mem>>) src(%arg13 : memref<32x128xf32, #tpu.memory_space<vmem>>) dst(%dma_wait3A_202 : memref<32x128xf32, #tpu.memory_space<vmem_shared>>)
      tpu.yield
    }) : () -> ()
    %mul3A_45 = arith.constant 163840 : i32
    %mul3A_46 = arith.muli %arg0, %mul3A_45 : i32
    %mul3A_47 = arith.constant 10240 : i32
    %mul3A_48 = arith.muli %arg1, %mul3A_47 : i32
    %add3A_49 = arith.addi %mul3A_46, %mul3A_48 : i32
    %multiple_of3A_50 = tpu.assume_multiple %add3A_49, 8 : i32
    "tpu.region"() ({
      %run_scoped3A = tpu.sem_alloc : memref<!tpu.dma_semaphore, #tpu.memory_space<semaphore_mem>>
      %dma_start3A_195 = tpu.memref_slice %arg3[%multiple_of3A_50] : memref<327680xi32, #tpu.memory_space<hbm>> -> memref<10240xi32, #tpu.memory_space<hbm>>
      %dma_start3A_196 = tpu.memref_slice %arg3[%multiple_of3A_50] : memref<327680xi32, #tpu.memory_space<hbm>> -> memref<10240xi32, #tpu.memory_space<hbm>>
      tpu.enqueue_dma source(%dma_start3A_196 : memref<10240xi32, #tpu.memory_space<hbm>>) target(%arg6 : memref<10240xi32, #tpu.memory_space<vmem>>) target_semaphore(%run_scoped3A : memref<!tpu.dma_semaphore, #tpu.memory_space<semaphore_mem>>)
      %dma_wait3A_197 = tpu.memref_slice %arg3[%multiple_of3A_50] : memref<327680xi32, #tpu.memory_space<hbm>> -> memref<10240xi32, #tpu.memory_space<hbm>>
      %dma_wait3A_198 = tpu.memref_slice %arg3[%multiple_of3A_50] : memref<327680xi32, #tpu.memory_space<hbm>> -> memref<10240xi32, #tpu.memory_space<hbm>>
      tpu.wait_dma2 semaphore(%run_scoped3A : memref<!tpu.dma_semaphore, #tpu.memory_space<semaphore_mem>>) src(%dma_wait3A_198 : memref<10240xi32, #tpu.memory_space<hbm>>) dst(%arg6 : memref<10240xi32, #tpu.memory_space<vmem>>)
      tpu.yield
    }) : () -> ()
    %barrier3A = arith.constant 0 : index
    tpu.barrier barrier_id(%barrier3A)
    %add3A_51 = arith.constant 0 : i32
    %add3A_52 = arith.addi %multiple_of3A_50, %add3A_51 : i32
    %multiple_of3A_53 = tpu.assume_multiple %add3A_52, 8 : i32
    %dma_start3A = tpu.memref_slice %arg4[%multiple_of3A_53] : memref<327680xi32, #tpu.memory_space<hbm>> -> memref<80xi32, #tpu.memory_space<hbm>>
    %dma_start3A_54 = tpu.memref_slice %arg4[%multiple_of3A_53] : memref<327680xi32, #tpu.memory_space<hbm>> -> memref<80xi32, #tpu.memory_space<hbm>>
    tpu.enqueue_dma source(%dma_start3A_54 : memref<80xi32, #tpu.memory_space<hbm>>) target(%arg7 : memref<80xi32, #tpu.memory_space<vmem>>) target_semaphore(%arg16 : memref<!tpu.dma_semaphore, #tpu.memory_space<semaphore_mem>>)
    %multiple_of3A_55 = arith.constant 0 : i32
    %multiple_of3A_56 = tpu.assume_multiple %multiple_of3A_55, 8 : i32
    %dma_start3A_57 = tpu.memref_slice %arg6[%multiple_of3A_56] : memref<10240xi32, #tpu.memory_space<vmem>> -> memref<80xi32, #tpu.memory_space<vmem>>
    %dma_start3A_58 = arith.constant 0 : i32
    %dma_start3A_59 = arith.constant 0 : i32
    %dma_start3A_60 = tpu.memref_slice %arg2[%dma_start3A_58, %dma_start3A_59] : memref<10000x128xf32, #tpu.memory_space<hbm>> -> memref<10000x128xf32, #tpu.memory_space<hbm>>
    tpu.enqueue_indirect_dma source(%dma_start3A_60 : memref<10000x128xf32, #tpu.memory_space<hbm>>) target(%arg10 : memref<80x128xf32, #tpu.memory_space<vmem>>) offsets(%dma_start3A_57 : memref<80xi32, #tpu.memory_space<vmem>>) semaphore(%arg15 : memref<!tpu.dma_semaphore, #tpu.memory_space<semaphore_mem>>)
    %add3A_61 = arith.constant 80 : i32
    %add3A_62 = arith.addi %multiple_of3A_50, %add3A_61 : i32
    %multiple_of3A_63 = tpu.assume_multiple %add3A_62, 8 : i32
    %dma_start3A_64 = tpu.memref_slice %arg4[%multiple_of3A_63] : memref<327680xi32, #tpu.memory_space<hbm>> -> memref<80xi32, #tpu.memory_space<hbm>>
    %dma_start3A_65 = tpu.memref_slice %arg4[%multiple_of3A_63] : memref<327680xi32, #tpu.memory_space<hbm>> -> memref<80xi32, #tpu.memory_space<hbm>>
    tpu.enqueue_dma source(%dma_start3A_65 : memref<80xi32, #tpu.memory_space<hbm>>) target(%arg8 : memref<80xi32, #tpu.memory_space<vmem>>) target_semaphore(%arg16 : memref<!tpu.dma_semaphore, #tpu.memory_space<semaphore_mem>>)
    %multiple_of3A_66 = arith.constant 80 : i32
    %multiple_of3A_67 = tpu.assume_multiple %multiple_of3A_66, 8 : i32
    %dma_start3A_68 = tpu.memref_slice %arg6[%multiple_of3A_67] : memref<10240xi32, #tpu.memory_space<vmem>> -> memref<80xi32, #tpu.memory_space<vmem>>
    %dma_start3A_69 = arith.constant 0 : i32
    %dma_start3A_70 = arith.constant 0 : i32
    %dma_start3A_71 = tpu.memref_slice %arg2[%dma_start3A_69, %dma_start3A_70] : memref<10000x128xf32, #tpu.memory_space<hbm>> -> memref<10000x128xf32, #tpu.memory_space<hbm>>
    tpu.enqueue_indirect_dma source(%dma_start3A_71 : memref<10000x128xf32, #tpu.memory_space<hbm>>) target(%arg11 : memref<80x128xf32, #tpu.memory_space<vmem>>) offsets(%dma_start3A_68 : memref<80xi32, #tpu.memory_space<vmem>>) semaphore(%arg15 : memref<!tpu.dma_semaphore, #tpu.memory_space<semaphore_mem>>)
    %scan3A_72 = arith.constant 0 : i32
    %scan3A_73 = arith.constant 0 : i32
    %scan3A_74 = arith.constant 42 : i32
    %scan3A_75 = arith.addi %scan3A_73, %scan3A_74 : i32
    %scan3A_76 = arith.constant 1 : i32
    scf.for %scan3A_195 = %scan3A_73 to %scan3A_75 step %scan3A_76  : i32 {
      %mul3A_196 = arith.constant 3 : i32
      %mul3A_197 = arith.muli %mul3A_196, %scan3A_195 : i32
      %mul3A_198 = arith.constant 80 : i32
      %mul3A_199 = arith.muli %mul3A_197, %mul3A_198 : i32
      %multiple_of3A_200 = tpu.assume_multiple %mul3A_199, 8 : i32
      %dma_wait3A_201 = tpu.memref_slice %arg6[%multiple_of3A_200] : memref<10240xi32, #tpu.memory_space<vmem>> -> memref<80xi32, #tpu.memory_space<vmem>>
      %dma_wait3A_202 = arith.constant 0 : i32
      %dma_wait3A_203 = arith.constant 0 : i32
      %dma_wait3A_204 = tpu.memref_slice %arg2[%dma_wait3A_202, %dma_wait3A_203] : memref<10000x128xf32, #tpu.memory_space<hbm>> -> memref<10000x128xf32, #tpu.memory_space<hbm>>
      tpu.wait_indirect_dma semaphore(%arg15 : memref<!tpu.dma_semaphore, #tpu.memory_space<semaphore_mem>>) src(%dma_wait3A_204 : memref<10000x128xf32, #tpu.memory_space<hbm>>) dst(%arg10 : memref<80x128xf32, #tpu.memory_space<vmem>>)
      %ge3A = arith.constant 1 : i32
      %ge3A_205 = arith.cmpi sge, %mul3A_197, %ge3A : i32
      %convert_element_type3A = arith.extui %ge3A_205 : i1 to i32
      %cond3A = arith.constant 0 : i32
      %cond3A_206 = arith.cmpi ne, %convert_element_type3A, %cond3A : i32
      scf.if %cond3A_206 {
        %dma_wait3A_286 = arith.constant 0 : i32
        %dma_wait3A_287 = arith.constant 0 : i32
        %dma_wait3A_288 = tpu.memref_slice %arg14[%dma_wait3A_286, %dma_wait3A_287] : memref<10240x128xf32, #tpu.memory_space<vmem_shared>> -> memref<10240x128xf32, #tpu.memory_space<vmem_shared>>
        tpu.wait_indirect_dma semaphore(%arg17 : memref<!tpu.dma_semaphore, #tpu.memory_space<semaphore_mem>>) src(%arg12 : memref<80x128xf32, #tpu.memory_space<vmem>>) dst(%dma_wait3A_288 : memref<10240x128xf32, #tpu.memory_space<vmem_shared>>)
      } else {
      }
      %add3A_207 = arith.constant 2 : i32
      %add3A_208 = arith.addi %mul3A_197, %add3A_207 : i32
      %lt3A = arith.constant 128 : i32
      %lt3A_209 = arith.cmpi slt, %add3A_208, %lt3A : i32
      %convert_element_type3A_210 = arith.extui %lt3A_209 : i1 to i32
      %cond3A_211 = arith.constant 0 : i32
      %cond3A_212 = arith.cmpi ne, %convert_element_type3A_210, %cond3A_211 : i32
      scf.if %cond3A_212 {
        %add3A_286 = arith.constant 2 : i32
        %add3A_287 = arith.addi %mul3A_197, %add3A_286 : i32
        %mul3A_288 = arith.constant 80 : i32
        %mul3A_289 = arith.muli %add3A_287, %mul3A_288 : i32
        %multiple_of3A_290 = tpu.assume_multiple %mul3A_289, 8 : i32
        %dma_start3A_291 = tpu.memref_slice %arg6[%multiple_of3A_290] : memref<10240xi32, #tpu.memory_space<vmem>> -> memref<80xi32, #tpu.memory_space<vmem>>
        %dma_start3A_292 = arith.constant 0 : i32
        %dma_start3A_293 = arith.constant 0 : i32
        %dma_start3A_294 = tpu.memref_slice %arg2[%dma_start3A_292, %dma_start3A_293] : memref<10000x128xf32, #tpu.memory_space<hbm>> -> memref<10000x128xf32, #tpu.memory_space<hbm>>
        tpu.enqueue_indirect_dma source(%dma_start3A_294 : memref<10000x128xf32, #tpu.memory_space<hbm>>) target(%arg12 : memref<80x128xf32, #tpu.memory_space<vmem>>) offsets(%dma_start3A_291 : memref<80xi32, #tpu.memory_space<vmem>>) semaphore(%arg15 : memref<!tpu.dma_semaphore, #tpu.memory_space<semaphore_mem>>)
        %add3A_295 = arith.constant 2 : i32
        %add3A_296 = arith.addi %mul3A_197, %add3A_295 : i32
        %mul3A_297 = arith.constant 80 : i32
        %mul3A_298 = arith.muli %add3A_296, %mul3A_297 : i32
        %add3A_299 = arith.addi %multiple_of3A_50, %mul3A_298 : i32
        %multiple_of3A_300 = tpu.assume_multiple %add3A_299, 8 : i32
        %dma_start3A_301 = tpu.memref_slice %arg4[%multiple_of3A_300] : memref<327680xi32, #tpu.memory_space<hbm>> -> memref<80xi32, #tpu.memory_space<hbm>>
        %dma_start3A_302 = tpu.memref_slice %arg4[%multiple_of3A_300] : memref<327680xi32, #tpu.memory_space<hbm>> -> memref<80xi32, #tpu.memory_space<hbm>>
        tpu.enqueue_dma source(%dma_start3A_302 : memref<80xi32, #tpu.memory_space<hbm>>) target(%arg9 : memref<80xi32, #tpu.memory_space<vmem>>) target_semaphore(%arg16 : memref<!tpu.dma_semaphore, #tpu.memory_space<semaphore_mem>>)
      } else {
      }
      %mul3A_213 = arith.constant 80 : i32
      %mul3A_214 = arith.muli %mul3A_197, %mul3A_213 : i32
      %add3A_215 = arith.addi %multiple_of3A_50, %mul3A_214 : i32
      %multiple_of3A_216 = tpu.assume_multiple %add3A_215, 8 : i32
      %dma_wait3A_217 = tpu.memref_slice %arg4[%multiple_of3A_216] : memref<327680xi32, #tpu.memory_space<hbm>> -> memref<80xi32, #tpu.memory_space<hbm>>
      %dma_wait3A_218 = tpu.memref_slice %arg4[%multiple_of3A_216] : memref<327680xi32, #tpu.memory_space<hbm>> -> memref<80xi32, #tpu.memory_space<hbm>>
      tpu.wait_dma2 semaphore(%arg16 : memref<!tpu.dma_semaphore, #tpu.memory_space<semaphore_mem>>) src(%dma_wait3A_218 : memref<80xi32, #tpu.memory_space<hbm>>) dst(%arg7 : memref<80xi32, #tpu.memory_space<vmem>>)
      %dma_start3A_219 = arith.constant 0 : i32
      %dma_start3A_220 = arith.constant 0 : i32
      %dma_start3A_221 = tpu.memref_slice %arg14[%dma_start3A_219, %dma_start3A_220] : memref<10240x128xf32, #tpu.memory_space<vmem_shared>> -> memref<10240x128xf32, #tpu.memory_space<vmem_shared>>
      tpu.enqueue_indirect_dma source(%arg10 : memref<80x128xf32, #tpu.memory_space<vmem>>) target(%dma_start3A_221 : memref<10240x128xf32, #tpu.memory_space<vmem_shared>>) offsets(%arg7 : memref<80xi32, #tpu.memory_space<vmem>>) semaphore(%arg17 : memref<!tpu.dma_semaphore, #tpu.memory_space<semaphore_mem>>) {add = true}
      %mul3A_222 = arith.constant 3 : i32
      %mul3A_223 = arith.muli %mul3A_222, %scan3A_195 : i32
      %add3A_224 = arith.constant 1 : i32
      %add3A_225 = arith.addi %mul3A_223, %add3A_224 : i32
      %mul3A_226 = arith.constant 80 : i32
      %mul3A_227 = arith.muli %add3A_225, %mul3A_226 : i32
      %multiple_of3A_228 = tpu.assume_multiple %mul3A_227, 8 : i32
      %dma_wait3A_229 = tpu.memref_slice %arg6[%multiple_of3A_228] : memref<10240xi32, #tpu.memory_space<vmem>> -> memref<80xi32, #tpu.memory_space<vmem>>
      %dma_wait3A_230 = arith.constant 0 : i32
      %dma_wait3A_231 = arith.constant 0 : i32
      %dma_wait3A_232 = tpu.memref_slice %arg2[%dma_wait3A_230, %dma_wait3A_231] : memref<10000x128xf32, #tpu.memory_space<hbm>> -> memref<10000x128xf32, #tpu.memory_space<hbm>>
      tpu.wait_indirect_dma semaphore(%arg15 : memref<!tpu.dma_semaphore, #tpu.memory_space<semaphore_mem>>) src(%dma_wait3A_232 : memref<10000x128xf32, #tpu.memory_space<hbm>>) dst(%arg11 : memref<80x128xf32, #tpu.memory_space<vmem>>)
      %ge3A_233 = arith.constant 1 : i32
      %ge3A_234 = arith.cmpi sge, %add3A_225, %ge3A_233 : i32
      %convert_element_type3A_235 = arith.extui %ge3A_234 : i1 to i32
      %cond3A_236 = arith.constant 0 : i32
      %cond3A_237 = arith.cmpi ne, %convert_element_type3A_235, %cond3A_236 : i32
      scf.if %cond3A_237 {
        %dma_wait3A_286 = arith.constant 0 : i32
        %dma_wait3A_287 = arith.constant 0 : i32
        %dma_wait3A_288 = tpu.memref_slice %arg14[%dma_wait3A_286, %dma_wait3A_287] : memref<10240x128xf32, #tpu.memory_space<vmem_shared>> -> memref<10240x128xf32, #tpu.memory_space<vmem_shared>>
        tpu.wait_indirect_dma semaphore(%arg17 : memref<!tpu.dma_semaphore, #tpu.memory_space<semaphore_mem>>) src(%arg10 : memref<80x128xf32, #tpu.memory_space<vmem>>) dst(%dma_wait3A_288 : memref<10240x128xf32, #tpu.memory_space<vmem_shared>>)
      } else {
      }
      %add3A_238 = arith.constant 2 : i32
      %add3A_239 = arith.addi %add3A_225, %add3A_238 : i32
      %lt3A_240 = arith.constant 128 : i32
      %lt3A_241 = arith.cmpi slt, %add3A_239, %lt3A_240 : i32
      %convert_element_type3A_242 = arith.extui %lt3A_241 : i1 to i32
      %cond3A_243 = arith.constant 0 : i32
      %cond3A_244 = arith.cmpi ne, %convert_element_type3A_242, %cond3A_243 : i32
      scf.if %cond3A_244 {
        %add3A_286 = arith.constant 2 : i32
        %add3A_287 = arith.addi %add3A_225, %add3A_286 : i32
        %mul3A_288 = arith.constant 80 : i32
        %mul3A_289 = arith.muli %add3A_287, %mul3A_288 : i32
        %multiple_of3A_290 = tpu.assume_multiple %mul3A_289, 8 : i32
        %dma_start3A_291 = tpu.memref_slice %arg6[%multiple_of3A_290] : memref<10240xi32, #tpu.memory_space<vmem>> -> memref<80xi32, #tpu.memory_space<vmem>>
        %dma_start3A_292 = arith.constant 0 : i32
        %dma_start3A_293 = arith.constant 0 : i32
        %dma_start3A_294 = tpu.memref_slice %arg2[%dma_start3A_292, %dma_start3A_293] : memref<10000x128xf32, #tpu.memory_space<hbm>> -> memref<10000x128xf32, #tpu.memory_space<hbm>>
        tpu.enqueue_indirect_dma source(%dma_start3A_294 : memref<10000x128xf32, #tpu.memory_space<hbm>>) target(%arg10 : memref<80x128xf32, #tpu.memory_space<vmem>>) offsets(%dma_start3A_291 : memref<80xi32, #tpu.memory_space<vmem>>) semaphore(%arg15 : memref<!tpu.dma_semaphore, #tpu.memory_space<semaphore_mem>>)
        %add3A_295 = arith.constant 2 : i32
        %add3A_296 = arith.addi %add3A_225, %add3A_295 : i32
        %mul3A_297 = arith.constant 80 : i32
        %mul3A_298 = arith.muli %add3A_296, %mul3A_297 : i32
        %add3A_299 = arith.addi %multiple_of3A_50, %mul3A_298 : i32
        %multiple_of3A_300 = tpu.assume_multiple %add3A_299, 8 : i32
        %dma_start3A_301 = tpu.memref_slice %arg4[%multiple_of3A_300] : memref<327680xi32, #tpu.memory_space<hbm>> -> memref<80xi32, #tpu.memory_space<hbm>>
        %dma_start3A_302 = tpu.memref_slice %arg4[%multiple_of3A_300] : memref<327680xi32, #tpu.memory_space<hbm>> -> memref<80xi32, #tpu.memory_space<hbm>>
        tpu.enqueue_dma source(%dma_start3A_302 : memref<80xi32, #tpu.memory_space<hbm>>) target(%arg7 : memref<80xi32, #tpu.memory_space<vmem>>) target_semaphore(%arg16 : memref<!tpu.dma_semaphore, #tpu.memory_space<semaphore_mem>>)
      } else {
      }
      %mul3A_245 = arith.constant 80 : i32
      %mul3A_246 = arith.muli %add3A_225, %mul3A_245 : i32
      %add3A_247 = arith.addi %multiple_of3A_50, %mul3A_246 : i32
      %multiple_of3A_248 = tpu.assume_multiple %add3A_247, 8 : i32
      %dma_wait3A_249 = tpu.memref_slice %arg4[%multiple_of3A_248] : memref<327680xi32, #tpu.memory_space<hbm>> -> memref<80xi32, #tpu.memory_space<hbm>>
      %dma_wait3A_250 = tpu.memref_slice %arg4[%multiple_of3A_248] : memref<327680xi32, #tpu.memory_space<hbm>> -> memref<80xi32, #tpu.memory_space<hbm>>
      tpu.wait_dma2 semaphore(%arg16 : memref<!tpu.dma_semaphore, #tpu.memory_space<semaphore_mem>>) src(%dma_wait3A_250 : memref<80xi32, #tpu.memory_space<hbm>>) dst(%arg8 : memref<80xi32, #tpu.memory_space<vmem>>)
      %dma_start3A_251 = arith.constant 0 : i32
      %dma_start3A_252 = arith.constant 0 : i32
      %dma_start3A_253 = tpu.memref_slice %arg14[%dma_start3A_251, %dma_start3A_252] : memref<10240x128xf32, #tpu.memory_space<vmem_shared>> -> memref<10240x128xf32, #tpu.memory_space<vmem_shared>>
      tpu.enqueue_indirect_dma source(%arg11 : memref<80x128xf32, #tpu.memory_space<vmem>>) target(%dma_start3A_253 : memref<10240x128xf32, #tpu.memory_space<vmem_shared>>) offsets(%arg8 : memref<80xi32, #tpu.memory_space<vmem>>) semaphore(%arg17 : memref<!tpu.dma_semaphore, #tpu.memory_space<semaphore_mem>>) {add = true}
      %mul3A_254 = arith.constant 3 : i32
      %mul3A_255 = arith.muli %mul3A_254, %scan3A_195 : i32
      %add3A_256 = arith.constant 2 : i32
      %add3A_257 = arith.addi %mul3A_255, %add3A_256 : i32
      %mul3A_258 = arith.constant 80 : i32
      %mul3A_259 = arith.muli %add3A_257, %mul3A_258 : i32
      %multiple_of3A_260 = tpu.assume_multiple %mul3A_259, 8 : i32
      %dma_wait3A_261 = tpu.memref_slice %arg6[%multiple_of3A_260] : memref<10240xi32, #tpu.memory_space<vmem>> -> memref<80xi32, #tpu.memory_space<vmem>>
      %dma_wait3A_262 = arith.constant 0 : i32
      %dma_wait3A_263 = arith.constant 0 : i32
      %dma_wait3A_264 = tpu.memref_slice %arg2[%dma_wait3A_262, %dma_wait3A_263] : memref<10000x128xf32, #tpu.memory_space<hbm>> -> memref<10000x128xf32, #tpu.memory_space<hbm>>
      tpu.wait_indirect_dma semaphore(%arg15 : memref<!tpu.dma_semaphore, #tpu.memory_space<semaphore_mem>>) src(%dma_wait3A_264 : memref<10000x128xf32, #tpu.memory_space<hbm>>) dst(%arg12 : memref<80x128xf32, #tpu.memory_space<vmem>>)
      %ge3A_265 = arith.constant 1 : i32
      %ge3A_266 = arith.cmpi sge, %add3A_257, %ge3A_265 : i32
      %convert_element_type3A_267 = arith.extui %ge3A_266 : i1 to i32
      %cond3A_268 = arith.constant 0 : i32
      %cond3A_269 = arith.cmpi ne, %convert_element_type3A_267, %cond3A_268 : i32
      scf.if %cond3A_269 {
        %dma_wait3A_286 = arith.constant 0 : i32
        %dma_wait3A_287 = arith.constant 0 : i32
        %dma_wait3A_288 = tpu.memref_slice %arg14[%dma_wait3A_286, %dma_wait3A_287] : memref<10240x128xf32, #tpu.memory_space<vmem_shared>> -> memref<10240x128xf32, #tpu.memory_space<vmem_shared>>
        tpu.wait_indirect_dma semaphore(%arg17 : memref<!tpu.dma_semaphore, #tpu.memory_space<semaphore_mem>>) src(%arg11 : memref<80x128xf32, #tpu.memory_space<vmem>>) dst(%dma_wait3A_288 : memref<10240x128xf32, #tpu.memory_space<vmem_shared>>)
      } else {
      }
      %add3A_270 = arith.constant 2 : i32
      %add3A_271 = arith.addi %add3A_257, %add3A_270 : i32
      %lt3A_272 = arith.constant 128 : i32
      %lt3A_273 = arith.cmpi slt, %add3A_271, %lt3A_272 : i32
      %convert_element_type3A_274 = arith.extui %lt3A_273 : i1 to i32
      %cond3A_275 = arith.constant 0 : i32
      %cond3A_276 = arith.cmpi ne, %convert_element_type3A_274, %cond3A_275 : i32
      scf.if %cond3A_276 {
        %add3A_286 = arith.constant 2 : i32
        %add3A_287 = arith.addi %add3A_257, %add3A_286 : i32
        %mul3A_288 = arith.constant 80 : i32
        %mul3A_289 = arith.muli %add3A_287, %mul3A_288 : i32
        %multiple_of3A_290 = tpu.assume_multiple %mul3A_289, 8 : i32
        %dma_start3A_291 = tpu.memref_slice %arg6[%multiple_of3A_290] : memref<10240xi32, #tpu.memory_space<vmem>> -> memref<80xi32, #tpu.memory_space<vmem>>
        %dma_start3A_292 = arith.constant 0 : i32
        %dma_start3A_293 = arith.constant 0 : i32
        %dma_start3A_294 = tpu.memref_slice %arg2[%dma_start3A_292, %dma_start3A_293] : memref<10000x128xf32, #tpu.memory_space<hbm>> -> memref<10000x128xf32, #tpu.memory_space<hbm>>
        tpu.enqueue_indirect_dma source(%dma_start3A_294 : memref<10000x128xf32, #tpu.memory_space<hbm>>) target(%arg11 : memref<80x128xf32, #tpu.memory_space<vmem>>) offsets(%dma_start3A_291 : memref<80xi32, #tpu.memory_space<vmem>>) semaphore(%arg15 : memref<!tpu.dma_semaphore, #tpu.memory_space<semaphore_mem>>)
        %add3A_295 = arith.constant 2 : i32
        %add3A_296 = arith.addi %add3A_257, %add3A_295 : i32
        %mul3A_297 = arith.constant 80 : i32
        %mul3A_298 = arith.muli %add3A_296, %mul3A_297 : i32
        %add3A_299 = arith.addi %multiple_of3A_50, %mul3A_298 : i32
        %multiple_of3A_300 = tpu.assume_multiple %add3A_299, 8 : i32
        %dma_start3A_301 = tpu.memref_slice %arg4[%multiple_of3A_300] : memref<327680xi32, #tpu.memory_space<hbm>> -> memref<80xi32, #tpu.memory_space<hbm>>
        %dma_start3A_302 = tpu.memref_slice %arg4[%multiple_of3A_300] : memref<327680xi32, #tpu.memory_space<hbm>> -> memref<80xi32, #tpu.memory_space<hbm>>
        tpu.enqueue_dma source(%dma_start3A_302 : memref<80xi32, #tpu.memory_space<hbm>>) target(%arg8 : memref<80xi32, #tpu.memory_space<vmem>>) target_semaphore(%arg16 : memref<!tpu.dma_semaphore, #tpu.memory_space<semaphore_mem>>)
      } else {
      }
      %mul3A_277 = arith.constant 80 : i32
      %mul3A_278 = arith.muli %add3A_257, %mul3A_277 : i32
      %add3A_279 = arith.addi %multiple_of3A_50, %mul3A_278 : i32
      %multiple_of3A_280 = tpu.assume_multiple %add3A_279, 8 : i32
      %dma_wait3A_281 = tpu.memref_slice %arg4[%multiple_of3A_280] : memref<327680xi32, #tpu.memory_space<hbm>> -> memref<80xi32, #tpu.memory_space<hbm>>
      %dma_wait3A_282 = tpu.memref_slice %arg4[%multiple_of3A_280] : memref<327680xi32, #tpu.memory_space<hbm>> -> memref<80xi32, #tpu.memory_space<hbm>>
      tpu.wait_dma2 semaphore(%arg16 : memref<!tpu.dma_semaphore, #tpu.memory_space<semaphore_mem>>) src(%dma_wait3A_282 : memref<80xi32, #tpu.memory_space<hbm>>) dst(%arg9 : memref<80xi32, #tpu.memory_space<vmem>>)
      %dma_start3A_283 = arith.constant 0 : i32
      %dma_start3A_284 = arith.constant 0 : i32
      %dma_start3A_285 = tpu.memref_slice %arg14[%dma_start3A_283, %dma_start3A_284] : memref<10240x128xf32, #tpu.memory_space<vmem_shared>> -> memref<10240x128xf32, #tpu.memory_space<vmem_shared>>
      tpu.enqueue_indirect_dma source(%arg12 : memref<80x128xf32, #tpu.memory_space<vmem>>) target(%dma_start3A_285 : memref<10240x128xf32, #tpu.memory_space<vmem_shared>>) offsets(%arg9 : memref<80xi32, #tpu.memory_space<vmem>>) semaphore(%arg17 : memref<!tpu.dma_semaphore, #tpu.memory_space<semaphore_mem>>) {add = true}
    }
    %scan3A_77 = arith.constant 42 : i32
    %multiple_of3A_78 = arith.constant 10080 : i32
    %multiple_of3A_79 = tpu.assume_multiple %multiple_of3A_78, 8 : i32
    %dma_wait3A = tpu.memref_slice %arg6[%multiple_of3A_79] : memref<10240xi32, #tpu.memory_space<vmem>> -> memref<80xi32, #tpu.memory_space<vmem>>
    %dma_wait3A_80 = arith.constant 0 : i32
    %dma_wait3A_81 = arith.constant 0 : i32
    %dma_wait3A_82 = tpu.memref_slice %arg2[%dma_wait3A_80, %dma_wait3A_81] : memref<10000x128xf32, #tpu.memory_space<hbm>> -> memref<10000x128xf32, #tpu.memory_space<hbm>>
    tpu.wait_indirect_dma semaphore(%arg15 : memref<!tpu.dma_semaphore, #tpu.memory_space<semaphore_mem>>) src(%dma_wait3A_82 : memref<10000x128xf32, #tpu.memory_space<hbm>>) dst(%arg10 : memref<80x128xf32, #tpu.memory_space<vmem>>)
    %dma_wait3A_83 = arith.constant 0 : i32
    %dma_wait3A_84 = arith.constant 0 : i32
    %dma_wait3A_85 = tpu.memref_slice %arg14[%dma_wait3A_83, %dma_wait3A_84] : memref<10240x128xf32, #tpu.memory_space<vmem_shared>> -> memref<10240x128xf32, #tpu.memory_space<vmem_shared>>
    tpu.wait_indirect_dma semaphore(%arg17 : memref<!tpu.dma_semaphore, #tpu.memory_space<semaphore_mem>>) src(%arg12 : memref<80x128xf32, #tpu.memory_space<vmem>>) dst(%dma_wait3A_85 : memref<10240x128xf32, #tpu.memory_space<vmem_shared>>)
    %add3A_86 = arith.constant 10080 : i32
    %add3A_87 = arith.addi %multiple_of3A_50, %add3A_86 : i32
    %multiple_of3A_88 = tpu.assume_multiple %add3A_87, 8 : i32
    %dma_wait3A_89 = tpu.memref_slice %arg4[%multiple_of3A_88] : memref<327680xi32, #tpu.memory_space<hbm>> -> memref<80xi32, #tpu.memory_space<hbm>>
    %dma_wait3A_90 = tpu.memref_slice %arg4[%multiple_of3A_88] : memref<327680xi32, #tpu.memory_space<hbm>> -> memref<80xi32, #tpu.memory_space<hbm>>
    tpu.wait_dma2 semaphore(%arg16 : memref<!tpu.dma_semaphore, #tpu.memory_space<semaphore_mem>>) src(%dma_wait3A_90 : memref<80xi32, #tpu.memory_space<hbm>>) dst(%arg7 : memref<80xi32, #tpu.memory_space<vmem>>)
    %dma_start3A_91 = arith.constant 0 : i32
    %dma_start3A_92 = arith.constant 0 : i32
    %dma_start3A_93 = tpu.memref_slice %arg14[%dma_start3A_91, %dma_start3A_92] : memref<10240x128xf32, #tpu.memory_space<vmem_shared>> -> memref<10240x128xf32, #tpu.memory_space<vmem_shared>>
    tpu.enqueue_indirect_dma source(%arg10 : memref<80x128xf32, #tpu.memory_space<vmem>>) target(%dma_start3A_93 : memref<10240x128xf32, #tpu.memory_space<vmem_shared>>) offsets(%arg7 : memref<80xi32, #tpu.memory_space<vmem>>) semaphore(%arg17 : memref<!tpu.dma_semaphore, #tpu.memory_space<semaphore_mem>>) {add = true}
    %multiple_of3A_94 = arith.constant 10160 : i32
    %multiple_of3A_95 = tpu.assume_multiple %multiple_of3A_94, 8 : i32
    %dma_wait3A_96 = tpu.memref_slice %arg6[%multiple_of3A_95] : memref<10240xi32, #tpu.memory_space<vmem>> -> memref<80xi32, #tpu.memory_space<vmem>>
    %dma_wait3A_97 = arith.constant 0 : i32
    %dma_wait3A_98 = arith.constant 0 : i32
    %dma_wait3A_99 = tpu.memref_slice %arg2[%dma_wait3A_97, %dma_wait3A_98] : memref<10000x128xf32, #tpu.memory_space<hbm>> -> memref<10000x128xf32, #tpu.memory_space<hbm>>
    tpu.wait_indirect_dma semaphore(%arg15 : memref<!tpu.dma_semaphore, #tpu.memory_space<semaphore_mem>>) src(%dma_wait3A_99 : memref<10000x128xf32, #tpu.memory_space<hbm>>) dst(%arg11 : memref<80x128xf32, #tpu.memory_space<vmem>>)
    %dma_wait3A_100 = arith.constant 0 : i32
    %dma_wait3A_101 = arith.constant 0 : i32
    %dma_wait3A_102 = tpu.memref_slice %arg14[%dma_wait3A_100, %dma_wait3A_101] : memref<10240x128xf32, #tpu.memory_space<vmem_shared>> -> memref<10240x128xf32, #tpu.memory_space<vmem_shared>>
    tpu.wait_indirect_dma semaphore(%arg17 : memref<!tpu.dma_semaphore, #tpu.memory_space<semaphore_mem>>) src(%arg10 : memref<80x128xf32, #tpu.memory_space<vmem>>) dst(%dma_wait3A_102 : memref<10240x128xf32, #tpu.memory_space<vmem_shared>>)
    %add3A_103 = arith.constant 10160 : i32
    %add3A_104 = arith.addi %multiple_of3A_50, %add3A_103 : i32
    %multiple_of3A_105 = tpu.assume_multiple %add3A_104, 8 : i32
    %dma_wait3A_106 = tpu.memref_slice %arg4[%multiple_of3A_105] : memref<327680xi32, #tpu.memory_space<hbm>> -> memref<80xi32, #tpu.memory_space<hbm>>
    %dma_wait3A_107 = tpu.memref_slice %arg4[%multiple_of3A_105] : memref<327680xi32, #tpu.memory_space<hbm>> -> memref<80xi32, #tpu.memory_space<hbm>>
    tpu.wait_dma2 semaphore(%arg16 : memref<!tpu.dma_semaphore, #tpu.memory_space<semaphore_mem>>) src(%dma_wait3A_107 : memref<80xi32, #tpu.memory_space<hbm>>) dst(%arg8 : memref<80xi32, #tpu.memory_space<vmem>>)
    %dma_start3A_108 = arith.constant 0 : i32
    %dma_start3A_109 = arith.constant 0 : i32
    %dma_start3A_110 = tpu.memref_slice %arg14[%dma_start3A_108, %dma_start3A_109] : memref<10240x128xf32, #tpu.memory_space<vmem_shared>> -> memref<10240x128xf32, #tpu.memory_space<vmem_shared>>
    tpu.enqueue_indirect_dma source(%arg11 : memref<80x128xf32, #tpu.memory_space<vmem>>) target(%dma_start3A_110 : memref<10240x128xf32, #tpu.memory_space<vmem_shared>>) offsets(%arg8 : memref<80xi32, #tpu.memory_space<vmem>>) semaphore(%arg17 : memref<!tpu.dma_semaphore, #tpu.memory_space<semaphore_mem>>) {add = true}
    %dma_wait3A_111 = arith.constant 0 : i32
    %dma_wait3A_112 = arith.constant 0 : i32
    %dma_wait3A_113 = tpu.memref_slice %arg14[%dma_wait3A_111, %dma_wait3A_112] : memref<10240x128xf32, #tpu.memory_space<vmem_shared>> -> memref<10240x128xf32, #tpu.memory_space<vmem_shared>>
    tpu.wait_indirect_dma semaphore(%arg17 : memref<!tpu.dma_semaphore, #tpu.memory_space<semaphore_mem>>) src(%arg11 : memref<80x128xf32, #tpu.memory_space<vmem>>) dst(%dma_wait3A_113 : memref<10240x128xf32, #tpu.memory_space<vmem_shared>>)
    %barrier3A_114 = arith.constant 0 : index
    tpu.barrier barrier_id(%barrier3A_114)
    %add3A_115 = arith.constant 0 : i32
    %add3A_116 = arith.addi %multiple_of3A, %add3A_115 : i32
    "tpu.region"() ({
      %run_scoped3A = tpu.sem_alloc : memref<!tpu.dma_semaphore, #tpu.memory_space<semaphore_mem>>
      %dma_start3A_195 = arith.constant 0 : i32
      %dma_start3A_196 = tpu.memref_slice %arg14[%add3A_116, %dma_start3A_195] : memref<10240x128xf32, #tpu.memory_space<vmem_shared>> -> memref<32x128xf32, #tpu.memory_space<vmem_shared>>
      %dma_start3A_197 = arith.constant 0 : i32
      %dma_start3A_198 = tpu.memref_slice %arg14[%add3A_116, %dma_start3A_197] : memref<10240x128xf32, #tpu.memory_space<vmem_shared>> -> memref<32x128xf32, #tpu.memory_space<vmem_shared>>
      tpu.enqueue_dma source(%dma_start3A_198 : memref<32x128xf32, #tpu.memory_space<vmem_shared>>) target(%arg13 : memref<32x128xf32, #tpu.memory_space<vmem>>) target_semaphore(%run_scoped3A : memref<!tpu.dma_semaphore, #tpu.memory_space<semaphore_mem>>)
      %dma_wait3A_199 = arith.constant 0 : i32
      %dma_wait3A_200 = tpu.memref_slice %arg14[%add3A_116, %dma_wait3A_199] : memref<10240x128xf32, #tpu.memory_space<vmem_shared>> -> memref<32x128xf32, #tpu.memory_space<vmem_shared>>
      %dma_wait3A_201 = arith.constant 0 : i32
      %dma_wait3A_202 = tpu.memref_slice %arg14[%add3A_116, %dma_wait3A_201] : memref<10240x128xf32, #tpu.memory_space<vmem_shared>> -> memref<32x128xf32, #tpu.memory_space<vmem_shared>>
      tpu.wait_dma2 semaphore(%run_scoped3A : memref<!tpu.dma_semaphore, #tpu.memory_space<semaphore_mem>>) src(%dma_wait3A_202 : memref<32x128xf32, #tpu.memory_space<vmem_shared>>) dst(%arg13 : memref<32x128xf32, #tpu.memory_space<vmem>>)
      tpu.yield
    }) : () -> ()
    %add3A_117 = arith.constant 0 : i32
    %add3A_118 = arith.addi %multiple_of3A, %add3A_117 : i32
    "tpu.region"() ({
      %run_scoped3A = tpu.sem_alloc : memref<!tpu.dma_semaphore, #tpu.memory_space<semaphore_mem>>
      %dma_start3A_195 = arith.constant 0 : i32
      %dma_start3A_196 = tpu.memref_slice %arg5[%arg0, %add3A_118, %dma_start3A_195] : memref<2x10240x128xf32, #tpu.memory_space<hbm>> -> memref<1x32x128xf32, #tpu.memory_space<hbm>>
      %dma_start3A_197 = tpu.memref_squeeze %dma_start3A_196 : memref<1x32x128xf32, #tpu.memory_space<hbm>> -> memref<32x128xf32, #tpu.memory_space<hbm>>
      %dma_start3A_198 = arith.constant 0 : i32
      %dma_start3A_199 = tpu.memref_slice %arg5[%arg0, %add3A_118, %dma_start3A_198] : memref<2x10240x128xf32, #tpu.memory_space<hbm>> -> memref<1x32x128xf32, #tpu.memory_space<hbm>>
      %dma_start3A_200 = tpu.memref_squeeze %dma_start3A_199 : memref<1x32x128xf32, #tpu.memory_space<hbm>> -> memref<32x128xf32, #tpu.memory_space<hbm>>
      tpu.enqueue_dma source(%arg13 : memref<32x128xf32, #tpu.memory_space<vmem>>) target(%dma_start3A_200 : memref<32x128xf32, #tpu.memory_space<hbm>>) target_semaphore(%run_scoped3A : memref<!tpu.dma_semaphore, #tpu.memory_space<semaphore_mem>>)
      %dma_wait3A_201 = arith.constant 0 : i32
      %dma_wait3A_202 = tpu.memref_slice %arg5[%arg0, %add3A_118, %dma_wait3A_201] : memref<2x10240x128xf32, #tpu.memory_space<hbm>> -> memref<1x32x128xf32, #tpu.memory_space<hbm>>
      %dma_wait3A_203 = tpu.memref_squeeze %dma_wait3A_202 : memref<1x32x128xf32, #tpu.memory_space<hbm>> -> memref<32x128xf32, #tpu.memory_space<hbm>>
      %dma_wait3A_204 = arith.constant 0 : i32
      %dma_wait3A_205 = tpu.memref_slice %arg5[%arg0, %add3A_118, %dma_wait3A_204] : memref<2x10240x128xf32, #tpu.memory_space<hbm>> -> memref<1x32x128xf32, #tpu.memory_space<hbm>>
      %dma_wait3A_206 = tpu.memref_squeeze %dma_wait3A_205 : memref<1x32x128xf32, #tpu.memory_space<hbm>> -> memref<32x128xf32, #tpu.memory_space<hbm>>
      tpu.wait_dma2 semaphore(%run_scoped3A : memref<!tpu.dma_semaphore, #tpu.memory_space<semaphore_mem>>) src(%arg13 : memref<32x128xf32, #tpu.memory_space<vmem>>) dst(%dma_wait3A_206 : memref<32x128xf32, #tpu.memory_space<hbm>>)
      tpu.yield
    }) : () -> ()
    %add3A_119 = arith.constant 32 : i32
    %add3A_120 = arith.addi %multiple_of3A, %add3A_119 : i32
    "tpu.region"() ({
      %run_scoped3A = tpu.sem_alloc : memref<!tpu.dma_semaphore, #tpu.memory_space<semaphore_mem>>
      %dma_start3A_195 = arith.constant 0 : i32
      %dma_start3A_196 = tpu.memref_slice %arg14[%add3A_120, %dma_start3A_195] : memref<10240x128xf32, #tpu.memory_space<vmem_shared>> -> memref<32x128xf32, #tpu.memory_space<vmem_shared>>
      %dma_start3A_197 = arith.constant 0 : i32
      %dma_start3A_198 = tpu.memref_slice %arg14[%add3A_120, %dma_start3A_197] : memref<10240x128xf32, #tpu.memory_space<vmem_shared>> -> memref<32x128xf32, #tpu.memory_space<vmem_shared>>
      tpu.enqueue_dma source(%dma_start3A_198 : memref<32x128xf32, #tpu.memory_space<vmem_shared>>) target(%arg13 : memref<32x128xf32, #tpu.memory_space<vmem>>) target_semaphore(%run_scoped3A : memref<!tpu.dma_semaphore, #tpu.memory_space<semaphore_mem>>)
      %dma_wait3A_199 = arith.constant 0 : i32
      %dma_wait3A_200 = tpu.memref_slice %arg14[%add3A_120, %dma_wait3A_199] : memref<10240x128xf32, #tpu.memory_space<vmem_shared>> -> memref<32x128xf32, #tpu.memory_space<vmem_shared>>
      %dma_wait3A_201 = arith.constant 0 : i32
      %dma_wait3A_202 = tpu.memref_slice %arg14[%add3A_120, %dma_wait3A_201] : memref<10240x128xf32, #tpu.memory_space<vmem_shared>> -> memref<32x128xf32, #tpu.memory_space<vmem_shared>>
      tpu.wait_dma2 semaphore(%run_scoped3A : memref<!tpu.dma_semaphore, #tpu.memory_space<semaphore_mem>>) src(%dma_wait3A_202 : memref<32x128xf32, #tpu.memory_space<vmem_shared>>) dst(%arg13 : memref<32x128xf32, #tpu.memory_space<vmem>>)
      tpu.yield
    }) : () -> ()
    %add3A_121 = arith.constant 32 : i32
    %add3A_122 = arith.addi %multiple_of3A, %add3A_121 : i32
    "tpu.region"() ({
      %run_scoped3A = tpu.sem_alloc : memref<!tpu.dma_semaphore, #tpu.memory_space<semaphore_mem>>
      %dma_start3A_195 = arith.constant 0 : i32
      %dma_start3A_196 = tpu.memref_slice %arg5[%arg0, %add3A_122, %dma_start3A_195] : memref<2x10240x128xf32, #tpu.memory_space<hbm>> -> memref<1x32x128xf32, #tpu.memory_space<hbm>>
      %dma_start3A_197 = tpu.memref_squeeze %dma_start3A_196 : memref<1x32x128xf32, #tpu.memory_space<hbm>> -> memref<32x128xf32, #tpu.memory_space<hbm>>
      %dma_start3A_198 = arith.constant 0 : i32
      %dma_start3A_199 = tpu.memref_slice %arg5[%arg0, %add3A_122, %dma_start3A_198] : memref<2x10240x128xf32, #tpu.memory_space<hbm>> -> memref<1x32x128xf32, #tpu.memory_space<hbm>>
      %dma_start3A_200 = tpu.memref_squeeze %dma_start3A_199 : memref<1x32x128xf32, #tpu.memory_space<hbm>> -> memref<32x128xf32, #tpu.memory_space<hbm>>
      tpu.enqueue_dma source(%arg13 : memref<32x128xf32, #tpu.memory_space<vmem>>) target(%dma_start3A_200 : memref<32x128xf32, #tpu.memory_space<hbm>>) target_semaphore(%run_scoped3A : memref<!tpu.dma_semaphore, #tpu.memory_space<semaphore_mem>>)
      %dma_wait3A_201 = arith.constant 0 : i32
      %dma_wait3A_202 = tpu.memref_slice %arg5[%arg0, %add3A_122, %dma_wait3A_201] : memref<2x10240x128xf32, #tpu.memory_space<hbm>> -> memref<1x32x128xf32, #tpu.memory_space<hbm>>
      %dma_wait3A_203 = tpu.memref_squeeze %dma_wait3A_202 : memref<1x32x128xf32, #tpu.memory_space<hbm>> -> memref<32x128xf32, #tpu.memory_space<hbm>>
      %dma_wait3A_204 = arith.constant 0 : i32
      %dma_wait3A_205 = tpu.memref_slice %arg5[%arg0, %add3A_122, %dma_wait3A_204] : memref<2x10240x128xf32, #tpu.memory_space<hbm>> -> memref<1x32x128xf32, #tpu.memory_space<hbm>>
      %dma_wait3A_206 = tpu.memref_squeeze %dma_wait3A_205 : memref<1x32x128xf32, #tpu.memory_space<hbm>> -> memref<32x128xf32, #tpu.memory_space<hbm>>
      tpu.wait_dma2 semaphore(%run_scoped3A : memref<!tpu.dma_semaphore, #tpu.memory_space<semaphore_mem>>) src(%arg13 : memref<32x128xf32, #tpu.memory_space<vmem>>) dst(%dma_wait3A_206 : memref<32x128xf32, #tpu.memory_space<hbm>>)
      tpu.yield
    }) : () -> ()
    %add3A_123 = arith.constant 64 : i32
    %add3A_124 = arith.addi %multiple_of3A, %add3A_123 : i32
    "tpu.region"() ({
      %run_scoped3A = tpu.sem_alloc : memref<!tpu.dma_semaphore, #tpu.memory_space<semaphore_mem>>
      %dma_start3A_195 = arith.constant 0 : i32
      %dma_start3A_196 = tpu.memref_slice %arg14[%add3A_124, %dma_start3A_195] : memref<10240x128xf32, #tpu.memory_space<vmem_shared>> -> memref<32x128xf32, #tpu.memory_space<vmem_shared>>
      %dma_start3A_197 = arith.constant 0 : i32
      %dma_start3A_198 = tpu.memref_slice %arg14[%add3A_124, %dma_start3A_197] : memref<10240x128xf32, #tpu.memory_space<vmem_shared>> -> memref<32x128xf32, #tpu.memory_space<vmem_shared>>
      tpu.enqueue_dma source(%dma_start3A_198 : memref<32x128xf32, #tpu.memory_space<vmem_shared>>) target(%arg13 : memref<32x128xf32, #tpu.memory_space<vmem>>) target_semaphore(%run_scoped3A : memref<!tpu.dma_semaphore, #tpu.memory_space<semaphore_mem>>)
      %dma_wait3A_199 = arith.constant 0 : i32
      %dma_wait3A_200 = tpu.memref_slice %arg14[%add3A_124, %dma_wait3A_199] : memref<10240x128xf32, #tpu.memory_space<vmem_shared>> -> memref<32x128xf32, #tpu.memory_space<vmem_shared>>
      %dma_wait3A_201 = arith.constant 0 : i32
      %dma_wait3A_202 = tpu.memref_slice %arg14[%add3A_124, %dma_wait3A_201] : memref<10240x128xf32, #tpu.memory_space<vmem_shared>> -> memref<32x128xf32, #tpu.memory_space<vmem_shared>>
      tpu.wait_dma2 semaphore(%run_scoped3A : memref<!tpu.dma_semaphore, #tpu.memory_space<semaphore_mem>>) src(%dma_wait3A_202 : memref<32x128xf32, #tpu.memory_space<vmem_shared>>) dst(%arg13 : memref<32x128xf32, #tpu.memory_space<vmem>>)
      tpu.yield
    }) : () -> ()
    %add3A_125 = arith.constant 64 : i32
    %add3A_126 = arith.addi %multiple_of3A, %add3A_125 : i32
    "tpu.region"() ({
      %run_scoped3A = tpu.sem_alloc : memref<!tpu.dma_semaphore, #tpu.memory_space<semaphore_mem>>
      %dma_start3A_195 = arith.constant 0 : i32
      %dma_start3A_196 = tpu.memref_slice %arg5[%arg0, %add3A_126, %dma_start3A_195] : memref<2x10240x128xf32, #tpu.memory_space<hbm>> -> memref<1x32x128xf32, #tpu.memory_space<hbm>>
      %dma_start3A_197 = tpu.memref_squeeze %dma_start3A_196 : memref<1x32x128xf32, #tpu.memory_space<hbm>> -> memref<32x128xf32, #tpu.memory_space<hbm>>
      %dma_start3A_198 = arith.constant 0 : i32
      %dma_start3A_199 = tpu.memref_slice %arg5[%arg0, %add3A_126, %dma_start3A_198] : memref<2x10240x128xf32, #tpu.memory_space<hbm>> -> memref<1x32x128xf32, #tpu.memory_space<hbm>>
      %dma_start3A_200 = tpu.memref_squeeze %dma_start3A_199 : memref<1x32x128xf32, #tpu.memory_space<hbm>> -> memref<32x128xf32, #tpu.memory_space<hbm>>
      tpu.enqueue_dma source(%arg13 : memref<32x128xf32, #tpu.memory_space<vmem>>) target(%dma_start3A_200 : memref<32x128xf32, #tpu.memory_space<hbm>>) target_semaphore(%run_scoped3A : memref<!tpu.dma_semaphore, #tpu.memory_space<semaphore_mem>>)
      %dma_wait3A_201 = arith.constant 0 : i32
      %dma_wait3A_202 = tpu.memref_slice %arg5[%arg0, %add3A_126, %dma_wait3A_201] : memref<2x10240x128xf32, #tpu.memory_space<hbm>> -> memref<1x32x128xf32, #tpu.memory_space<hbm>>
      %dma_wait3A_203 = tpu.memref_squeeze %dma_wait3A_202 : memref<1x32x128xf32, #tpu.memory_space<hbm>> -> memref<32x128xf32, #tpu.memory_space<hbm>>
      %dma_wait3A_204 = arith.constant 0 : i32
      %dma_wait3A_205 = tpu.memref_slice %arg5[%arg0, %add3A_126, %dma_wait3A_204] : memref<2x10240x128xf32, #tpu.memory_space<hbm>> -> memref<1x32x128xf32, #tpu.memory_space<hbm>>
      %dma_wait3A_206 = tpu.memref_squeeze %dma_wait3A_205 : memref<1x32x128xf32, #tpu.memory_space<hbm>> -> memref<32x128xf32, #tpu.memory_space<hbm>>
      tpu.wait_dma2 semaphore(%run_scoped3A : memref<!tpu.dma_semaphore, #tpu.memory_space<semaphore_mem>>) src(%arg13 : memref<32x128xf32, #tpu.memory_space<vmem>>) dst(%dma_wait3A_206 : memref<32x128xf32, #tpu.memory_space<hbm>>)
      tpu.yield
    }) : () -> ()
    %add3A_127 = arith.constant 96 : i32
    %add3A_128 = arith.addi %multiple_of3A, %add3A_127 : i32
    "tpu.region"() ({
      %run_scoped3A = tpu.sem_alloc : memref<!tpu.dma_semaphore, #tpu.memory_space<semaphore_mem>>
      %dma_start3A_195 = arith.constant 0 : i32
      %dma_start3A_196 = tpu.memref_slice %arg14[%add3A_128, %dma_start3A_195] : memref<10240x128xf32, #tpu.memory_space<vmem_shared>> -> memref<32x128xf32, #tpu.memory_space<vmem_shared>>
      %dma_start3A_197 = arith.constant 0 : i32
      %dma_start3A_198 = tpu.memref_slice %arg14[%add3A_128, %dma_start3A_197] : memref<10240x128xf32, #tpu.memory_space<vmem_shared>> -> memref<32x128xf32, #tpu.memory_space<vmem_shared>>
      tpu.enqueue_dma source(%dma_start3A_198 : memref<32x128xf32, #tpu.memory_space<vmem_shared>>) target(%arg13 : memref<32x128xf32, #tpu.memory_space<vmem>>) target_semaphore(%run_scoped3A : memref<!tpu.dma_semaphore, #tpu.memory_space<semaphore_mem>>)
      %dma_wait3A_199 = arith.constant 0 : i32
      %dma_wait3A_200 = tpu.memref_slice %arg14[%add3A_128, %dma_wait3A_199] : memref<10240x128xf32, #tpu.memory_space<vmem_shared>> -> memref<32x128xf32, #tpu.memory_space<vmem_shared>>
      %dma_wait3A_201 = arith.constant 0 : i32
      %dma_wait3A_202 = tpu.memref_slice %arg14[%add3A_128, %dma_wait3A_201] : memref<10240x128xf32, #tpu.memory_space<vmem_shared>> -> memref<32x128xf32, #tpu.memory_space<vmem_shared>>
      tpu.wait_dma2 semaphore(%run_scoped3A : memref<!tpu.dma_semaphore, #tpu.memory_space<semaphore_mem>>) src(%dma_wait3A_202 : memref<32x128xf32, #tpu.memory_space<vmem_shared>>) dst(%arg13 : memref<32x128xf32, #tpu.memory_space<vmem>>)
      tpu.yield
    }) : () -> ()
    %add3A_129 = arith.constant 96 : i32
    %add3A_130 = arith.addi %multiple_of3A, %add3A_129 : i32
    "tpu.region"() ({
      %run_scoped3A = tpu.sem_alloc : memref<!tpu.dma_semaphore, #tpu.memory_space<semaphore_mem>>
      %dma_start3A_195 = arith.constant 0 : i32
      %dma_start3A_196 = tpu.memref_slice %arg5[%arg0, %add3A_130, %dma_start3A_195] : memref<2x10240x128xf32, #tpu.memory_space<hbm>> -> memref<1x32x128xf32, #tpu.memory_space<hbm>>
      %dma_start3A_197 = tpu.memref_squeeze %dma_start3A_196 : memref<1x32x128xf32, #tpu.memory_space<hbm>> -> memref<32x128xf32, #tpu.memory_space<hbm>>
      %dma_start3A_198 = arith.constant 0 : i32
      %dma_start3A_199 = tpu.memref_slice %arg5[%arg0, %add3A_130, %dma_start3A_198] : memref<2x10240x128xf32, #tpu.memory_space<hbm>> -> memref<1x32x128xf32, #tpu.memory_space<hbm>>
      %dma_start3A_200 = tpu.memref_squeeze %dma_start3A_199 : memref<1x32x128xf32, #tpu.memory_space<hbm>> -> memref<32x128xf32, #tpu.memory_space<hbm>>
      tpu.enqueue_dma source(%arg13 : memref<32x128xf32, #tpu.memory_space<vmem>>) target(%dma_start3A_200 : memref<32x128xf32, #tpu.memory_space<hbm>>) target_semaphore(%run_scoped3A : memref<!tpu.dma_semaphore, #tpu.memory_space<semaphore_mem>>)
      %dma_wait3A_201 = arith.constant 0 : i32
      %dma_wait3A_202 = tpu.memref_slice %arg5[%arg0, %add3A_130, %dma_wait3A_201] : memref<2x10240x128xf32, #tpu.memory_space<hbm>> -> memref<1x32x128xf32, #tpu.memory_space<hbm>>
      %dma_wait3A_203 = tpu.memref_squeeze %dma_wait3A_202 : memref<1x32x128xf32, #tpu.memory_space<hbm>> -> memref<32x128xf32, #tpu.memory_space<hbm>>
      %dma_wait3A_204 = arith.constant 0 : i32
      %dma_wait3A_205 = tpu.memref_slice %arg5[%arg0, %add3A_130, %dma_wait3A_204] : memref<2x10240x128xf32, #tpu.memory_space<hbm>> -> memref<1x32x128xf32, #tpu.memory_space<hbm>>
      %dma_wait3A_206 = tpu.memref_squeeze %dma_wait3A_205 : memref<1x32x128xf32, #tpu.memory_space<hbm>> -> memref<32x128xf32, #tpu.memory_space<hbm>>
      tpu.wait_dma2 semaphore(%run_scoped3A : memref<!tpu.dma_semaphore, #tpu.memory_space<semaphore_mem>>) src(%arg13 : memref<32x128xf32, #tpu.memory_space<vmem>>) dst(%dma_wait3A_206 : memref<32x128xf32, #tpu.memory_space<hbm>>)
      tpu.yield
    }) : () -> ()
    %add3A_131 = arith.constant 128 : i32
    %add3A_132 = arith.addi %multiple_of3A, %add3A_131 : i32
    "tpu.region"() ({
      %run_scoped3A = tpu.sem_alloc : memref<!tpu.dma_semaphore, #tpu.memory_space<semaphore_mem>>
      %dma_start3A_195 = arith.constant 0 : i32
      %dma_start3A_196 = tpu.memref_slice %arg14[%add3A_132, %dma_start3A_195] : memref<10240x128xf32, #tpu.memory_space<vmem_shared>> -> memref<32x128xf32, #tpu.memory_space<vmem_shared>>
      %dma_start3A_197 = arith.constant 0 : i32
      %dma_start3A_198 = tpu.memref_slice %arg14[%add3A_132, %dma_start3A_197] : memref<10240x128xf32, #tpu.memory_space<vmem_shared>> -> memref<32x128xf32, #tpu.memory_space<vmem_shared>>
      tpu.enqueue_dma source(%dma_start3A_198 : memref<32x128xf32, #tpu.memory_space<vmem_shared>>) target(%arg13 : memref<32x128xf32, #tpu.memory_space<vmem>>) target_semaphore(%run_scoped3A : memref<!tpu.dma_semaphore, #tpu.memory_space<semaphore_mem>>)
      %dma_wait3A_199 = arith.constant 0 : i32
      %dma_wait3A_200 = tpu.memref_slice %arg14[%add3A_132, %dma_wait3A_199] : memref<10240x128xf32, #tpu.memory_space<vmem_shared>> -> memref<32x128xf32, #tpu.memory_space<vmem_shared>>
      %dma_wait3A_201 = arith.constant 0 : i32
      %dma_wait3A_202 = tpu.memref_slice %arg14[%add3A_132, %dma_wait3A_201] : memref<10240x128xf32, #tpu.memory_space<vmem_shared>> -> memref<32x128xf32, #tpu.memory_space<vmem_shared>>
      tpu.wait_dma2 semaphore(%run_scoped3A : memref<!tpu.dma_semaphore, #tpu.memory_space<semaphore_mem>>) src(%dma_wait3A_202 : memref<32x128xf32, #tpu.memory_space<vmem_shared>>) dst(%arg13 : memref<32x128xf32, #tpu.memory_space<vmem>>)
      tpu.yield
    }) : () -> ()
    %add3A_133 = arith.constant 128 : i32
    %add3A_134 = arith.addi %multiple_of3A, %add3A_133 : i32
    "tpu.region"() ({
      %run_scoped3A = tpu.sem_alloc : memref<!tpu.dma_semaphore, #tpu.memory_space<semaphore_mem>>
      %dma_start3A_195 = arith.constant 0 : i32
      %dma_start3A_196 = tpu.memref_slice %arg5[%arg0, %add3A_134, %dma_start3A_195] : memref<2x10240x128xf32, #tpu.memory_space<hbm>> -> memref<1x32x128xf32, #tpu.memory_space<hbm>>
      %dma_start3A_197 = tpu.memref_squeeze %dma_start3A_196 : memref<1x32x128xf32, #tpu.memory_space<hbm>> -> memref<32x128xf32, #tpu.memory_space<hbm>>
      %dma_start3A_198 = arith.constant 0 : i32
      %dma_start3A_199 = tpu.memref_slice %arg5[%arg0, %add3A_134, %dma_start3A_198] : memref<2x10240x128xf32, #tpu.memory_space<hbm>> -> memref<1x32x128xf32, #tpu.memory_space<hbm>>
      %dma_start3A_200 = tpu.memref_squeeze %dma_start3A_199 : memref<1x32x128xf32, #tpu.memory_space<hbm>> -> memref<32x128xf32, #tpu.memory_space<hbm>>
      tpu.enqueue_dma source(%arg13 : memref<32x128xf32, #tpu.memory_space<vmem>>) target(%dma_start3A_200 : memref<32x128xf32, #tpu.memory_space<hbm>>) target_semaphore(%run_scoped3A : memref<!tpu.dma_semaphore, #tpu.memory_space<semaphore_mem>>)
      %dma_wait3A_201 = arith.constant 0 : i32
      %dma_wait3A_202 = tpu.memref_slice %arg5[%arg0, %add3A_134, %dma_wait3A_201] : memref<2x10240x128xf32, #tpu.memory_space<hbm>> -> memref<1x32x128xf32, #tpu.memory_space<hbm>>
      %dma_wait3A_203 = tpu.memref_squeeze %dma_wait3A_202 : memref<1x32x128xf32, #tpu.memory_space<hbm>> -> memref<32x128xf32, #tpu.memory_space<hbm>>
      %dma_wait3A_204 = arith.constant 0 : i32
      %dma_wait3A_205 = tpu.memref_slice %arg5[%arg0, %add3A_134, %dma_wait3A_204] : memref<2x10240x128xf32, #tpu.memory_space<hbm>> -> memref<1x32x128xf32, #tpu.memory_space<hbm>>
      %dma_wait3A_206 = tpu.memref_squeeze %dma_wait3A_205 : memref<1x32x128xf32, #tpu.memory_space<hbm>> -> memref<32x128xf32, #tpu.memory_space<hbm>>
      tpu.wait_dma2 semaphore(%run_scoped3A : memref<!tpu.dma_semaphore, #tpu.memory_space<semaphore_mem>>) src(%arg13 : memref<32x128xf32, #tpu.memory_space<vmem>>) dst(%dma_wait3A_206 : memref<32x128xf32, #tpu.memory_space<hbm>>)
      tpu.yield
    }) : () -> ()
    %add3A_135 = arith.constant 160 : i32
    %add3A_136 = arith.addi %multiple_of3A, %add3A_135 : i32
    "tpu.region"() ({
      %run_scoped3A = tpu.sem_alloc : memref<!tpu.dma_semaphore, #tpu.memory_space<semaphore_mem>>
      %dma_start3A_195 = arith.constant 0 : i32
      %dma_start3A_196 = tpu.memref_slice %arg14[%add3A_136, %dma_start3A_195] : memref<10240x128xf32, #tpu.memory_space<vmem_shared>> -> memref<32x128xf32, #tpu.memory_space<vmem_shared>>
      %dma_start3A_197 = arith.constant 0 : i32
      %dma_start3A_198 = tpu.memref_slice %arg14[%add3A_136, %dma_start3A_197] : memref<10240x128xf32, #tpu.memory_space<vmem_shared>> -> memref<32x128xf32, #tpu.memory_space<vmem_shared>>
      tpu.enqueue_dma source(%dma_start3A_198 : memref<32x128xf32, #tpu.memory_space<vmem_shared>>) target(%arg13 : memref<32x128xf32, #tpu.memory_space<vmem>>) target_semaphore(%run_scoped3A : memref<!tpu.dma_semaphore, #tpu.memory_space<semaphore_mem>>)
      %dma_wait3A_199 = arith.constant 0 : i32
      %dma_wait3A_200 = tpu.memref_slice %arg14[%add3A_136, %dma_wait3A_199] : memref<10240x128xf32, #tpu.memory_space<vmem_shared>> -> memref<32x128xf32, #tpu.memory_space<vmem_shared>>
      %dma_wait3A_201 = arith.constant 0 : i32
      %dma_wait3A_202 = tpu.memref_slice %arg14[%add3A_136, %dma_wait3A_201] : memref<10240x128xf32, #tpu.memory_space<vmem_shared>> -> memref<32x128xf32, #tpu.memory_space<vmem_shared>>
      tpu.wait_dma2 semaphore(%run_scoped3A : memref<!tpu.dma_semaphore, #tpu.memory_space<semaphore_mem>>) src(%dma_wait3A_202 : memref<32x128xf32, #tpu.memory_space<vmem_shared>>) dst(%arg13 : memref<32x128xf32, #tpu.memory_space<vmem>>)
      tpu.yield
    }) : () -> ()
    %add3A_137 = arith.constant 160 : i32
    %add3A_138 = arith.addi %multiple_of3A, %add3A_137 : i32
    "tpu.region"() ({
      %run_scoped3A = tpu.sem_alloc : memref<!tpu.dma_semaphore, #tpu.memory_space<semaphore_mem>>
      %dma_start3A_195 = arith.constant 0 : i32
      %dma_start3A_196 = tpu.memref_slice %arg5[%arg0, %add3A_138, %dma_start3A_195] : memref<2x10240x128xf32, #tpu.memory_space<hbm>> -> memref<1x32x128xf32, #tpu.memory_space<hbm>>
      %dma_start3A_197 = tpu.memref_squeeze %dma_start3A_196 : memref<1x32x128xf32, #tpu.memory_space<hbm>> -> memref<32x128xf32, #tpu.memory_space<hbm>>
      %dma_start3A_198 = arith.constant 0 : i32
      %dma_start3A_199 = tpu.memref_slice %arg5[%arg0, %add3A_138, %dma_start3A_198] : memref<2x10240x128xf32, #tpu.memory_space<hbm>> -> memref<1x32x128xf32, #tpu.memory_space<hbm>>
      %dma_start3A_200 = tpu.memref_squeeze %dma_start3A_199 : memref<1x32x128xf32, #tpu.memory_space<hbm>> -> memref<32x128xf32, #tpu.memory_space<hbm>>
      tpu.enqueue_dma source(%arg13 : memref<32x128xf32, #tpu.memory_space<vmem>>) target(%dma_start3A_200 : memref<32x128xf32, #tpu.memory_space<hbm>>) target_semaphore(%run_scoped3A : memref<!tpu.dma_semaphore, #tpu.memory_space<semaphore_mem>>)
      %dma_wait3A_201 = arith.constant 0 : i32
      %dma_wait3A_202 = tpu.memref_slice %arg5[%arg0, %add3A_138, %dma_wait3A_201] : memref<2x10240x128xf32, #tpu.memory_space<hbm>> -> memref<1x32x128xf32, #tpu.memory_space<hbm>>
      %dma_wait3A_203 = tpu.memref_squeeze %dma_wait3A_202 : memref<1x32x128xf32, #tpu.memory_space<hbm>> -> memref<32x128xf32, #tpu.memory_space<hbm>>
      %dma_wait3A_204 = arith.constant 0 : i32
      %dma_wait3A_205 = tpu.memref_slice %arg5[%arg0, %add3A_138, %dma_wait3A_204] : memref<2x10240x128xf32, #tpu.memory_space<hbm>> -> memref<1x32x128xf32, #tpu.memory_space<hbm>>
      %dma_wait3A_206 = tpu.memref_squeeze %dma_wait3A_205 : memref<1x32x128xf32, #tpu.memory_space<hbm>> -> memref<32x128xf32, #tpu.memory_space<hbm>>
      tpu.wait_dma2 semaphore(%run_scoped3A : memref<!tpu.dma_semaphore, #tpu.memory_space<semaphore_mem>>) src(%arg13 : memref<32x128xf32, #tpu.memory_space<vmem>>) dst(%dma_wait3A_206 : memref<32x128xf32, #tpu.memory_space<hbm>>)
      tpu.yield
    }) : () -> ()
    %add3A_139 = arith.constant 192 : i32
    %add3A_140 = arith.addi %multiple_of3A, %add3A_139 : i32
    "tpu.region"() ({
      %run_scoped3A = tpu.sem_alloc : memref<!tpu.dma_semaphore, #tpu.memory_space<semaphore_mem>>
      %dma_start3A_195 = arith.constant 0 : i32
      %dma_start3A_196 = tpu.memref_slice %arg14[%add3A_140, %dma_start3A_195] : memref<10240x128xf32, #tpu.memory_space<vmem_shared>> -> memref<32x128xf32, #tpu.memory_space<vmem_shared>>
      %dma_start3A_197 = arith.constant 0 : i32
      %dma_start3A_198 = tpu.memref_slice %arg14[%add3A_140, %dma_start3A_197] : memref<10240x128xf32, #tpu.memory_space<vmem_shared>> -> memref<32x128xf32, #tpu.memory_space<vmem_shared>>
      tpu.enqueue_dma source(%dma_start3A_198 : memref<32x128xf32, #tpu.memory_space<vmem_shared>>) target(%arg13 : memref<32x128xf32, #tpu.memory_space<vmem>>) target_semaphore(%run_scoped3A : memref<!tpu.dma_semaphore, #tpu.memory_space<semaphore_mem>>)
      %dma_wait3A_199 = arith.constant 0 : i32
      %dma_wait3A_200 = tpu.memref_slice %arg14[%add3A_140, %dma_wait3A_199] : memref<10240x128xf32, #tpu.memory_space<vmem_shared>> -> memref<32x128xf32, #tpu.memory_space<vmem_shared>>
      %dma_wait3A_201 = arith.constant 0 : i32
      %dma_wait3A_202 = tpu.memref_slice %arg14[%add3A_140, %dma_wait3A_201] : memref<10240x128xf32, #tpu.memory_space<vmem_shared>> -> memref<32x128xf32, #tpu.memory_space<vmem_shared>>
      tpu.wait_dma2 semaphore(%run_scoped3A : memref<!tpu.dma_semaphore, #tpu.memory_space<semaphore_mem>>) src(%dma_wait3A_202 : memref<32x128xf32, #tpu.memory_space<vmem_shared>>) dst(%arg13 : memref<32x128xf32, #tpu.memory_space<vmem>>)
      tpu.yield
    }) : () -> ()
    %add3A_141 = arith.constant 192 : i32
    %add3A_142 = arith.addi %multiple_of3A, %add3A_141 : i32
    "tpu.region"() ({
      %run_scoped3A = tpu.sem_alloc : memref<!tpu.dma_semaphore, #tpu.memory_space<semaphore_mem>>
      %dma_start3A_195 = arith.constant 0 : i32
      %dma_start3A_196 = tpu.memref_slice %arg5[%arg0, %add3A_142, %dma_start3A_195] : memref<2x10240x128xf32, #tpu.memory_space<hbm>> -> memref<1x32x128xf32, #tpu.memory_space<hbm>>
      %dma_start3A_197 = tpu.memref_squeeze %dma_start3A_196 : memref<1x32x128xf32, #tpu.memory_space<hbm>> -> memref<32x128xf32, #tpu.memory_space<hbm>>
      %dma_start3A_198 = arith.constant 0 : i32
      %dma_start3A_199 = tpu.memref_slice %arg5[%arg0, %add3A_142, %dma_start3A_198] : memref<2x10240x128xf32, #tpu.memory_space<hbm>> -> memref<1x32x128xf32, #tpu.memory_space<hbm>>
      %dma_start3A_200 = tpu.memref_squeeze %dma_start3A_199 : memref<1x32x128xf32, #tpu.memory_space<hbm>> -> memref<32x128xf32, #tpu.memory_space<hbm>>
      tpu.enqueue_dma source(%arg13 : memref<32x128xf32, #tpu.memory_space<vmem>>) target(%dma_start3A_200 : memref<32x128xf32, #tpu.memory_space<hbm>>) target_semaphore(%run_scoped3A : memref<!tpu.dma_semaphore, #tpu.memory_space<semaphore_mem>>)
      %dma_wait3A_201 = arith.constant 0 : i32
      %dma_wait3A_202 = tpu.memref_slice %arg5[%arg0, %add3A_142, %dma_wait3A_201] : memref<2x10240x128xf32, #tpu.memory_space<hbm>> -> memref<1x32x128xf32, #tpu.memory_space<hbm>>
      %dma_wait3A_203 = tpu.memref_squeeze %dma_wait3A_202 : memref<1x32x128xf32, #tpu.memory_space<hbm>> -> memref<32x128xf32, #tpu.memory_space<hbm>>
      %dma_wait3A_204 = arith.constant 0 : i32
      %dma_wait3A_205 = tpu.memref_slice %arg5[%arg0, %add3A_142, %dma_wait3A_204] : memref<2x10240x128xf32, #tpu.memory_space<hbm>> -> memref<1x32x128xf32, #tpu.memory_space<hbm>>
      %dma_wait3A_206 = tpu.memref_squeeze %dma_wait3A_205 : memref<1x32x128xf32, #tpu.memory_space<hbm>> -> memref<32x128xf32, #tpu.memory_space<hbm>>
      tpu.wait_dma2 semaphore(%run_scoped3A : memref<!tpu.dma_semaphore, #tpu.memory_space<semaphore_mem>>) src(%arg13 : memref<32x128xf32, #tpu.memory_space<vmem>>) dst(%dma_wait3A_206 : memref<32x128xf32, #tpu.memory_space<hbm>>)
      tpu.yield
    }) : () -> ()
    %add3A_143 = arith.constant 224 : i32
    %add3A_144 = arith.addi %multiple_of3A, %add3A_143 : i32
    "tpu.region"() ({
      %run_scoped3A = tpu.sem_alloc : memref<!tpu.dma_semaphore, #tpu.memory_space<semaphore_mem>>
      %dma_start3A_195 = arith.constant 0 : i32
      %dma_start3A_196 = tpu.memref_slice %arg14[%add3A_144, %dma_start3A_195] : memref<10240x128xf32, #tpu.memory_space<vmem_shared>> -> memref<32x128xf32, #tpu.memory_space<vmem_shared>>
      %dma_start3A_197 = arith.constant 0 : i32
      %dma_start3A_198 = tpu.memref_slice %arg14[%add3A_144, %dma_start3A_197] : memref<10240x128xf32, #tpu.memory_space<vmem_shared>> -> memref<32x128xf32, #tpu.memory_space<vmem_shared>>
      tpu.enqueue_dma source(%dma_start3A_198 : memref<32x128xf32, #tpu.memory_space<vmem_shared>>) target(%arg13 : memref<32x128xf32, #tpu.memory_space<vmem>>) target_semaphore(%run_scoped3A : memref<!tpu.dma_semaphore, #tpu.memory_space<semaphore_mem>>)
      %dma_wait3A_199 = arith.constant 0 : i32
      %dma_wait3A_200 = tpu.memref_slice %arg14[%add3A_144, %dma_wait3A_199] : memref<10240x128xf32, #tpu.memory_space<vmem_shared>> -> memref<32x128xf32, #tpu.memory_space<vmem_shared>>
      %dma_wait3A_201 = arith.constant 0 : i32
      %dma_wait3A_202 = tpu.memref_slice %arg14[%add3A_144, %dma_wait3A_201] : memref<10240x128xf32, #tpu.memory_space<vmem_shared>> -> memref<32x128xf32, #tpu.memory_space<vmem_shared>>
      tpu.wait_dma2 semaphore(%run_scoped3A : memref<!tpu.dma_semaphore, #tpu.memory_space<semaphore_mem>>) src(%dma_wait3A_202 : memref<32x128xf32, #tpu.memory_space<vmem_shared>>) dst(%arg13 : memref<32x128xf32, #tpu.memory_space<vmem>>)
      tpu.yield
    }) : () -> ()
    %add3A_145 = arith.constant 224 : i32
    %add3A_146 = arith.addi %multiple_of3A, %add3A_145 : i32
    "tpu.region"() ({
      %run_scoped3A = tpu.sem_alloc : memref<!tpu.dma_semaphore, #tpu.memory_space<semaphore_mem>>
      %dma_start3A_195 = arith.constant 0 : i32
      %dma_start3A_196 = tpu.memref_slice %arg5[%arg0, %add3A_146, %dma_start3A_195] : memref<2x10240x128xf32, #tpu.memory_space<hbm>> -> memref<1x32x128xf32, #tpu.memory_space<hbm>>
      %dma_start3A_197 = tpu.memref_squeeze %dma_start3A_196 : memref<1x32x128xf32, #tpu.memory_space<hbm>> -> memref<32x128xf32, #tpu.memory_space<hbm>>
      %dma_start3A_198 = arith.constant 0 : i32
      %dma_start3A_199 = tpu.memref_slice %arg5[%arg0, %add3A_146, %dma_start3A_198] : memref<2x10240x128xf32, #tpu.memory_space<hbm>> -> memref<1x32x128xf32, #tpu.memory_space<hbm>>
      %dma_start3A_200 = tpu.memref_squeeze %dma_start3A_199 : memref<1x32x128xf32, #tpu.memory_space<hbm>> -> memref<32x128xf32, #tpu.memory_space<hbm>>
      tpu.enqueue_dma source(%arg13 : memref<32x128xf32, #tpu.memory_space<vmem>>) target(%dma_start3A_200 : memref<32x128xf32, #tpu.memory_space<hbm>>) target_semaphore(%run_scoped3A : memref<!tpu.dma_semaphore, #tpu.memory_space<semaphore_mem>>)
      %dma_wait3A_201 = arith.constant 0 : i32
      %dma_wait3A_202 = tpu.memref_slice %arg5[%arg0, %add3A_146, %dma_wait3A_201] : memref<2x10240x128xf32, #tpu.memory_space<hbm>> -> memref<1x32x128xf32, #tpu.memory_space<hbm>>
      %dma_wait3A_203 = tpu.memref_squeeze %dma_wait3A_202 : memref<1x32x128xf32, #tpu.memory_space<hbm>> -> memref<32x128xf32, #tpu.memory_space<hbm>>
      %dma_wait3A_204 = arith.constant 0 : i32
      %dma_wait3A_205 = tpu.memref_slice %arg5[%arg0, %add3A_146, %dma_wait3A_204] : memref<2x10240x128xf32, #tpu.memory_space<hbm>> -> memref<1x32x128xf32, #tpu.memory_space<hbm>>
      %dma_wait3A_206 = tpu.memref_squeeze %dma_wait3A_205 : memref<1x32x128xf32, #tpu.memory_space<hbm>> -> memref<32x128xf32, #tpu.memory_space<hbm>>
      tpu.wait_dma2 semaphore(%run_scoped3A : memref<!tpu.dma_semaphore, #tpu.memory_space<semaphore_mem>>) src(%arg13 : memref<32x128xf32, #tpu.memory_space<vmem>>) dst(%dma_wait3A_206 : memref<32x128xf32, #tpu.memory_space<hbm>>)
      tpu.yield
    }) : () -> ()
    %add3A_147 = arith.constant 256 : i32
    %add3A_148 = arith.addi %multiple_of3A, %add3A_147 : i32
    "tpu.region"() ({
      %run_scoped3A = tpu.sem_alloc : memref<!tpu.dma_semaphore, #tpu.memory_space<semaphore_mem>>
      %dma_start3A_195 = arith.constant 0 : i32
      %dma_start3A_196 = tpu.memref_slice %arg14[%add3A_148, %dma_start3A_195] : memref<10240x128xf32, #tpu.memory_space<vmem_shared>> -> memref<32x128xf32, #tpu.memory_space<vmem_shared>>
      %dma_start3A_197 = arith.constant 0 : i32
      %dma_start3A_198 = tpu.memref_slice %arg14[%add3A_148, %dma_start3A_197] : memref<10240x128xf32, #tpu.memory_space<vmem_shared>> -> memref<32x128xf32, #tpu.memory_space<vmem_shared>>
      tpu.enqueue_dma source(%dma_start3A_198 : memref<32x128xf32, #tpu.memory_space<vmem_shared>>) target(%arg13 : memref<32x128xf32, #tpu.memory_space<vmem>>) target_semaphore(%run_scoped3A : memref<!tpu.dma_semaphore, #tpu.memory_space<semaphore_mem>>)
      %dma_wait3A_199 = arith.constant 0 : i32
      %dma_wait3A_200 = tpu.memref_slice %arg14[%add3A_148, %dma_wait3A_199] : memref<10240x128xf32, #tpu.memory_space<vmem_shared>> -> memref<32x128xf32, #tpu.memory_space<vmem_shared>>
      %dma_wait3A_201 = arith.constant 0 : i32
      %dma_wait3A_202 = tpu.memref_slice %arg14[%add3A_148, %dma_wait3A_201] : memref<10240x128xf32, #tpu.memory_space<vmem_shared>> -> memref<32x128xf32, #tpu.memory_space<vmem_shared>>
      tpu.wait_dma2 semaphore(%run_scoped3A : memref<!tpu.dma_semaphore, #tpu.memory_space<semaphore_mem>>) src(%dma_wait3A_202 : memref<32x128xf32, #tpu.memory_space<vmem_shared>>) dst(%arg13 : memref<32x128xf32, #tpu.memory_space<vmem>>)
      tpu.yield
    }) : () -> ()
    %add3A_149 = arith.constant 256 : i32
    %add3A_150 = arith.addi %multiple_of3A, %add3A_149 : i32
    "tpu.region"() ({
      %run_scoped3A = tpu.sem_alloc : memref<!tpu.dma_semaphore, #tpu.memory_space<semaphore_mem>>
      %dma_start3A_195 = arith.constant 0 : i32
      %dma_start3A_196 = tpu.memref_slice %arg5[%arg0, %add3A_150, %dma_start3A_195] : memref<2x10240x128xf32, #tpu.memory_space<hbm>> -> memref<1x32x128xf32, #tpu.memory_space<hbm>>
      %dma_start3A_197 = tpu.memref_squeeze %dma_start3A_196 : memref<1x32x128xf32, #tpu.memory_space<hbm>> -> memref<32x128xf32, #tpu.memory_space<hbm>>
      %dma_start3A_198 = arith.constant 0 : i32
      %dma_start3A_199 = tpu.memref_slice %arg5[%arg0, %add3A_150, %dma_start3A_198] : memref<2x10240x128xf32, #tpu.memory_space<hbm>> -> memref<1x32x128xf32, #tpu.memory_space<hbm>>
      %dma_start3A_200 = tpu.memref_squeeze %dma_start3A_199 : memref<1x32x128xf32, #tpu.memory_space<hbm>> -> memref<32x128xf32, #tpu.memory_space<hbm>>
      tpu.enqueue_dma source(%arg13 : memref<32x128xf32, #tpu.memory_space<vmem>>) target(%dma_start3A_200 : memref<32x128xf32, #tpu.memory_space<hbm>>) target_semaphore(%run_scoped3A : memref<!tpu.dma_semaphore, #tpu.memory_space<semaphore_mem>>)
      %dma_wait3A_201 = arith.constant 0 : i32
      %dma_wait3A_202 = tpu.memref_slice %arg5[%arg0, %add3A_150, %dma_wait3A_201] : memref<2x10240x128xf32, #tpu.memory_space<hbm>> -> memref<1x32x128xf32, #tpu.memory_space<hbm>>
      %dma_wait3A_203 = tpu.memref_squeeze %dma_wait3A_202 : memref<1x32x128xf32, #tpu.memory_space<hbm>> -> memref<32x128xf32, #tpu.memory_space<hbm>>
      %dma_wait3A_204 = arith.constant 0 : i32
      %dma_wait3A_205 = tpu.memref_slice %arg5[%arg0, %add3A_150, %dma_wait3A_204] : memref<2x10240x128xf32, #tpu.memory_space<hbm>> -> memref<1x32x128xf32, #tpu.memory_space<hbm>>
      %dma_wait3A_206 = tpu.memref_squeeze %dma_wait3A_205 : memref<1x32x128xf32, #tpu.memory_space<hbm>> -> memref<32x128xf32, #tpu.memory_space<hbm>>
      tpu.wait_dma2 semaphore(%run_scoped3A : memref<!tpu.dma_semaphore, #tpu.memory_space<semaphore_mem>>) src(%arg13 : memref<32x128xf32, #tpu.memory_space<vmem>>) dst(%dma_wait3A_206 : memref<32x128xf32, #tpu.memory_space<hbm>>)
      tpu.yield
    }) : () -> ()
    %add3A_151 = arith.constant 288 : i32
    %add3A_152 = arith.addi %multiple_of3A, %add3A_151 : i32
    "tpu.region"() ({
      %run_scoped3A = tpu.sem_alloc : memref<!tpu.dma_semaphore, #tpu.memory_space<semaphore_mem>>
      %dma_start3A_195 = arith.constant 0 : i32
      %dma_start3A_196 = tpu.memref_slice %arg14[%add3A_152, %dma_start3A_195] : memref<10240x128xf32, #tpu.memory_space<vmem_shared>> -> memref<32x128xf32, #tpu.memory_space<vmem_shared>>
      %dma_start3A_197 = arith.constant 0 : i32
      %dma_start3A_198 = tpu.memref_slice %arg14[%add3A_152, %dma_start3A_197] : memref<10240x128xf32, #tpu.memory_space<vmem_shared>> -> memref<32x128xf32, #tpu.memory_space<vmem_shared>>
      tpu.enqueue_dma source(%dma_start3A_198 : memref<32x128xf32, #tpu.memory_space<vmem_shared>>) target(%arg13 : memref<32x128xf32, #tpu.memory_space<vmem>>) target_semaphore(%run_scoped3A : memref<!tpu.dma_semaphore, #tpu.memory_space<semaphore_mem>>)
      %dma_wait3A_199 = arith.constant 0 : i32
      %dma_wait3A_200 = tpu.memref_slice %arg14[%add3A_152, %dma_wait3A_199] : memref<10240x128xf32, #tpu.memory_space<vmem_shared>> -> memref<32x128xf32, #tpu.memory_space<vmem_shared>>
      %dma_wait3A_201 = arith.constant 0 : i32
      %dma_wait3A_202 = tpu.memref_slice %arg14[%add3A_152, %dma_wait3A_201] : memref<10240x128xf32, #tpu.memory_space<vmem_shared>> -> memref<32x128xf32, #tpu.memory_space<vmem_shared>>
      tpu.wait_dma2 semaphore(%run_scoped3A : memref<!tpu.dma_semaphore, #tpu.memory_space<semaphore_mem>>) src(%dma_wait3A_202 : memref<32x128xf32, #tpu.memory_space<vmem_shared>>) dst(%arg13 : memref<32x128xf32, #tpu.memory_space<vmem>>)
      tpu.yield
    }) : () -> ()
    %add3A_153 = arith.constant 288 : i32
    %add3A_154 = arith.addi %multiple_of3A, %add3A_153 : i32
    "tpu.region"() ({
      %run_scoped3A = tpu.sem_alloc : memref<!tpu.dma_semaphore, #tpu.memory_space<semaphore_mem>>
      %dma_start3A_195 = arith.constant 0 : i32
      %dma_start3A_196 = tpu.memref_slice %arg5[%arg0, %add3A_154, %dma_start3A_195] : memref<2x10240x128xf32, #tpu.memory_space<hbm>> -> memref<1x32x128xf32, #tpu.memory_space<hbm>>
      %dma_start3A_197 = tpu.memref_squeeze %dma_start3A_196 : memref<1x32x128xf32, #tpu.memory_space<hbm>> -> memref<32x128xf32, #tpu.memory_space<hbm>>
      %dma_start3A_198 = arith.constant 0 : i32
      %dma_start3A_199 = tpu.memref_slice %arg5[%arg0, %add3A_154, %dma_start3A_198] : memref<2x10240x128xf32, #tpu.memory_space<hbm>> -> memref<1x32x128xf32, #tpu.memory_space<hbm>>
      %dma_start3A_200 = tpu.memref_squeeze %dma_start3A_199 : memref<1x32x128xf32, #tpu.memory_space<hbm>> -> memref<32x128xf32, #tpu.memory_space<hbm>>
      tpu.enqueue_dma source(%arg13 : memref<32x128xf32, #tpu.memory_space<vmem>>) target(%dma_start3A_200 : memref<32x128xf32, #tpu.memory_space<hbm>>) target_semaphore(%run_scoped3A : memref<!tpu.dma_semaphore, #tpu.memory_space<semaphore_mem>>)
      %dma_wait3A_201 = arith.constant 0 : i32
      %dma_wait3A_202 = tpu.memref_slice %arg5[%arg0, %add3A_154, %dma_wait3A_201] : memref<2x10240x128xf32, #tpu.memory_space<hbm>> -> memref<1x32x128xf32, #tpu.memory_space<hbm>>
      %dma_wait3A_203 = tpu.memref_squeeze %dma_wait3A_202 : memref<1x32x128xf32, #tpu.memory_space<hbm>> -> memref<32x128xf32, #tpu.memory_space<hbm>>
      %dma_wait3A_204 = arith.constant 0 : i32
      %dma_wait3A_205 = tpu.memref_slice %arg5[%arg0, %add3A_154, %dma_wait3A_204] : memref<2x10240x128xf32, #tpu.memory_space<hbm>> -> memref<1x32x128xf32, #tpu.memory_space<hbm>>
      %dma_wait3A_206 = tpu.memref_squeeze %dma_wait3A_205 : memref<1x32x128xf32, #tpu.memory_space<hbm>> -> memref<32x128xf32, #tpu.memory_space<hbm>>
      tpu.wait_dma2 semaphore(%run_scoped3A : memref<!tpu.dma_semaphore, #tpu.memory_space<semaphore_mem>>) src(%arg13 : memref<32x128xf32, #tpu.memory_space<vmem>>) dst(%dma_wait3A_206 : memref<32x128xf32, #tpu.memory_space<hbm>>)
      tpu.yield
    }) : () -> ()
    %add3A_155 = arith.constant 320 : i32
    %add3A_156 = arith.addi %multiple_of3A, %add3A_155 : i32
    "tpu.region"() ({
      %run_scoped3A = tpu.sem_alloc : memref<!tpu.dma_semaphore, #tpu.memory_space<semaphore_mem>>
      %dma_start3A_195 = arith.constant 0 : i32
      %dma_start3A_196 = tpu.memref_slice %arg14[%add3A_156, %dma_start3A_195] : memref<10240x128xf32, #tpu.memory_space<vmem_shared>> -> memref<32x128xf32, #tpu.memory_space<vmem_shared>>
      %dma_start3A_197 = arith.constant 0 : i32
      %dma_start3A_198 = tpu.memref_slice %arg14[%add3A_156, %dma_start3A_197] : memref<10240x128xf32, #tpu.memory_space<vmem_shared>> -> memref<32x128xf32, #tpu.memory_space<vmem_shared>>
      tpu.enqueue_dma source(%dma_start3A_198 : memref<32x128xf32, #tpu.memory_space<vmem_shared>>) target(%arg13 : memref<32x128xf32, #tpu.memory_space<vmem>>) target_semaphore(%run_scoped3A : memref<!tpu.dma_semaphore, #tpu.memory_space<semaphore_mem>>)
      %dma_wait3A_199 = arith.constant 0 : i32
      %dma_wait3A_200 = tpu.memref_slice %arg14[%add3A_156, %dma_wait3A_199] : memref<10240x128xf32, #tpu.memory_space<vmem_shared>> -> memref<32x128xf32, #tpu.memory_space<vmem_shared>>
      %dma_wait3A_201 = arith.constant 0 : i32
      %dma_wait3A_202 = tpu.memref_slice %arg14[%add3A_156, %dma_wait3A_201] : memref<10240x128xf32, #tpu.memory_space<vmem_shared>> -> memref<32x128xf32, #tpu.memory_space<vmem_shared>>
      tpu.wait_dma2 semaphore(%run_scoped3A : memref<!tpu.dma_semaphore, #tpu.memory_space<semaphore_mem>>) src(%dma_wait3A_202 : memref<32x128xf32, #tpu.memory_space<vmem_shared>>) dst(%arg13 : memref<32x128xf32, #tpu.memory_space<vmem>>)
      tpu.yield
    }) : () -> ()
    %add3A_157 = arith.constant 320 : i32
    %add3A_158 = arith.addi %multiple_of3A, %add3A_157 : i32
    "tpu.region"() ({
      %run_scoped3A = tpu.sem_alloc : memref<!tpu.dma_semaphore, #tpu.memory_space<semaphore_mem>>
      %dma_start3A_195 = arith.constant 0 : i32
      %dma_start3A_196 = tpu.memref_slice %arg5[%arg0, %add3A_158, %dma_start3A_195] : memref<2x10240x128xf32, #tpu.memory_space<hbm>> -> memref<1x32x128xf32, #tpu.memory_space<hbm>>
      %dma_start3A_197 = tpu.memref_squeeze %dma_start3A_196 : memref<1x32x128xf32, #tpu.memory_space<hbm>> -> memref<32x128xf32, #tpu.memory_space<hbm>>
      %dma_start3A_198 = arith.constant 0 : i32
      %dma_start3A_199 = tpu.memref_slice %arg5[%arg0, %add3A_158, %dma_start3A_198] : memref<2x10240x128xf32, #tpu.memory_space<hbm>> -> memref<1x32x128xf32, #tpu.memory_space<hbm>>
      %dma_start3A_200 = tpu.memref_squeeze %dma_start3A_199 : memref<1x32x128xf32, #tpu.memory_space<hbm>> -> memref<32x128xf32, #tpu.memory_space<hbm>>
      tpu.enqueue_dma source(%arg13 : memref<32x128xf32, #tpu.memory_space<vmem>>) target(%dma_start3A_200 : memref<32x128xf32, #tpu.memory_space<hbm>>) target_semaphore(%run_scoped3A : memref<!tpu.dma_semaphore, #tpu.memory_space<semaphore_mem>>)
      %dma_wait3A_201 = arith.constant 0 : i32
      %dma_wait3A_202 = tpu.memref_slice %arg5[%arg0, %add3A_158, %dma_wait3A_201] : memref<2x10240x128xf32, #tpu.memory_space<hbm>> -> memref<1x32x128xf32, #tpu.memory_space<hbm>>
      %dma_wait3A_203 = tpu.memref_squeeze %dma_wait3A_202 : memref<1x32x128xf32, #tpu.memory_space<hbm>> -> memref<32x128xf32, #tpu.memory_space<hbm>>
      %dma_wait3A_204 = arith.constant 0 : i32
      %dma_wait3A_205 = tpu.memref_slice %arg5[%arg0, %add3A_158, %dma_wait3A_204] : memref<2x10240x128xf32, #tpu.memory_space<hbm>> -> memref<1x32x128xf32, #tpu.memory_space<hbm>>
      %dma_wait3A_206 = tpu.memref_squeeze %dma_wait3A_205 : memref<1x32x128xf32, #tpu.memory_space<hbm>> -> memref<32x128xf32, #tpu.memory_space<hbm>>
      tpu.wait_dma2 semaphore(%run_scoped3A : memref<!tpu.dma_semaphore, #tpu.memory_space<semaphore_mem>>) src(%arg13 : memref<32x128xf32, #tpu.memory_space<vmem>>) dst(%dma_wait3A_206 : memref<32x128xf32, #tpu.memory_space<hbm>>)
      tpu.yield
    }) : () -> ()
    %add3A_159 = arith.constant 352 : i32
    %add3A_160 = arith.addi %multiple_of3A, %add3A_159 : i32
    "tpu.region"() ({
      %run_scoped3A = tpu.sem_alloc : memref<!tpu.dma_semaphore, #tpu.memory_space<semaphore_mem>>
      %dma_start3A_195 = arith.constant 0 : i32
      %dma_start3A_196 = tpu.memref_slice %arg14[%add3A_160, %dma_start3A_195] : memref<10240x128xf32, #tpu.memory_space<vmem_shared>> -> memref<32x128xf32, #tpu.memory_space<vmem_shared>>
      %dma_start3A_197 = arith.constant 0 : i32
      %dma_start3A_198 = tpu.memref_slice %arg14[%add3A_160, %dma_start3A_197] : memref<10240x128xf32, #tpu.memory_space<vmem_shared>> -> memref<32x128xf32, #tpu.memory_space<vmem_shared>>
      tpu.enqueue_dma source(%dma_start3A_198 : memref<32x128xf32, #tpu.memory_space<vmem_shared>>) target(%arg13 : memref<32x128xf32, #tpu.memory_space<vmem>>) target_semaphore(%run_scoped3A : memref<!tpu.dma_semaphore, #tpu.memory_space<semaphore_mem>>)
      %dma_wait3A_199 = arith.constant 0 : i32
      %dma_wait3A_200 = tpu.memref_slice %arg14[%add3A_160, %dma_wait3A_199] : memref<10240x128xf32, #tpu.memory_space<vmem_shared>> -> memref<32x128xf32, #tpu.memory_space<vmem_shared>>
      %dma_wait3A_201 = arith.constant 0 : i32
      %dma_wait3A_202 = tpu.memref_slice %arg14[%add3A_160, %dma_wait3A_201] : memref<10240x128xf32, #tpu.memory_space<vmem_shared>> -> memref<32x128xf32, #tpu.memory_space<vmem_shared>>
      tpu.wait_dma2 semaphore(%run_scoped3A : memref<!tpu.dma_semaphore, #tpu.memory_space<semaphore_mem>>) src(%dma_wait3A_202 : memref<32x128xf32, #tpu.memory_space<vmem_shared>>) dst(%arg13 : memref<32x128xf32, #tpu.memory_space<vmem>>)
      tpu.yield
    }) : () -> ()
    %add3A_161 = arith.constant 352 : i32
    %add3A_162 = arith.addi %multiple_of3A, %add3A_161 : i32
    "tpu.region"() ({
      %run_scoped3A = tpu.sem_alloc : memref<!tpu.dma_semaphore, #tpu.memory_space<semaphore_mem>>
      %dma_start3A_195 = arith.constant 0 : i32
      %dma_start3A_196 = tpu.memref_slice %arg5[%arg0, %add3A_162, %dma_start3A_195] : memref<2x10240x128xf32, #tpu.memory_space<hbm>> -> memref<1x32x128xf32, #tpu.memory_space<hbm>>
      %dma_start3A_197 = tpu.memref_squeeze %dma_start3A_196 : memref<1x32x128xf32, #tpu.memory_space<hbm>> -> memref<32x128xf32, #tpu.memory_space<hbm>>
      %dma_start3A_198 = arith.constant 0 : i32
      %dma_start3A_199 = tpu.memref_slice %arg5[%arg0, %add3A_162, %dma_start3A_198] : memref<2x10240x128xf32, #tpu.memory_space<hbm>> -> memref<1x32x128xf32, #tpu.memory_space<hbm>>
      %dma_start3A_200 = tpu.memref_squeeze %dma_start3A_199 : memref<1x32x128xf32, #tpu.memory_space<hbm>> -> memref<32x128xf32, #tpu.memory_space<hbm>>
      tpu.enqueue_dma source(%arg13 : memref<32x128xf32, #tpu.memory_space<vmem>>) target(%dma_start3A_200 : memref<32x128xf32, #tpu.memory_space<hbm>>) target_semaphore(%run_scoped3A : memref<!tpu.dma_semaphore, #tpu.memory_space<semaphore_mem>>)
      %dma_wait3A_201 = arith.constant 0 : i32
      %dma_wait3A_202 = tpu.memref_slice %arg5[%arg0, %add3A_162, %dma_wait3A_201] : memref<2x10240x128xf32, #tpu.memory_space<hbm>> -> memref<1x32x128xf32, #tpu.memory_space<hbm>>
      %dma_wait3A_203 = tpu.memref_squeeze %dma_wait3A_202 : memref<1x32x128xf32, #tpu.memory_space<hbm>> -> memref<32x128xf32, #tpu.memory_space<hbm>>
      %dma_wait3A_204 = arith.constant 0 : i32
      %dma_wait3A_205 = tpu.memref_slice %arg5[%arg0, %add3A_162, %dma_wait3A_204] : memref<2x10240x128xf32, #tpu.memory_space<hbm>> -> memref<1x32x128xf32, #tpu.memory_space<hbm>>
      %dma_wait3A_206 = tpu.memref_squeeze %dma_wait3A_205 : memref<1x32x128xf32, #tpu.memory_space<hbm>> -> memref<32x128xf32, #tpu.memory_space<hbm>>
      tpu.wait_dma2 semaphore(%run_scoped3A : memref<!tpu.dma_semaphore, #tpu.memory_space<semaphore_mem>>) src(%arg13 : memref<32x128xf32, #tpu.memory_space<vmem>>) dst(%dma_wait3A_206 : memref<32x128xf32, #tpu.memory_space<hbm>>)
      tpu.yield
    }) : () -> ()
    %add3A_163 = arith.constant 384 : i32
    %add3A_164 = arith.addi %multiple_of3A, %add3A_163 : i32
    "tpu.region"() ({
      %run_scoped3A = tpu.sem_alloc : memref<!tpu.dma_semaphore, #tpu.memory_space<semaphore_mem>>
      %dma_start3A_195 = arith.constant 0 : i32
      %dma_start3A_196 = tpu.memref_slice %arg14[%add3A_164, %dma_start3A_195] : memref<10240x128xf32, #tpu.memory_space<vmem_shared>> -> memref<32x128xf32, #tpu.memory_space<vmem_shared>>
      %dma_start3A_197 = arith.constant 0 : i32
      %dma_start3A_198 = tpu.memref_slice %arg14[%add3A_164, %dma_start3A_197] : memref<10240x128xf32, #tpu.memory_space<vmem_shared>> -> memref<32x128xf32, #tpu.memory_space<vmem_shared>>
      tpu.enqueue_dma source(%dma_start3A_198 : memref<32x128xf32, #tpu.memory_space<vmem_shared>>) target(%arg13 : memref<32x128xf32, #tpu.memory_space<vmem>>) target_semaphore(%run_scoped3A : memref<!tpu.dma_semaphore, #tpu.memory_space<semaphore_mem>>)
      %dma_wait3A_199 = arith.constant 0 : i32
      %dma_wait3A_200 = tpu.memref_slice %arg14[%add3A_164, %dma_wait3A_199] : memref<10240x128xf32, #tpu.memory_space<vmem_shared>> -> memref<32x128xf32, #tpu.memory_space<vmem_shared>>
      %dma_wait3A_201 = arith.constant 0 : i32
      %dma_wait3A_202 = tpu.memref_slice %arg14[%add3A_164, %dma_wait3A_201] : memref<10240x128xf32, #tpu.memory_space<vmem_shared>> -> memref<32x128xf32, #tpu.memory_space<vmem_shared>>
      tpu.wait_dma2 semaphore(%run_scoped3A : memref<!tpu.dma_semaphore, #tpu.memory_space<semaphore_mem>>) src(%dma_wait3A_202 : memref<32x128xf32, #tpu.memory_space<vmem_shared>>) dst(%arg13 : memref<32x128xf32, #tpu.memory_space<vmem>>)
      tpu.yield
    }) : () -> ()
    %add3A_165 = arith.constant 384 : i32
    %add3A_166 = arith.addi %multiple_of3A, %add3A_165 : i32
    "tpu.region"() ({
      %run_scoped3A = tpu.sem_alloc : memref<!tpu.dma_semaphore, #tpu.memory_space<semaphore_mem>>
      %dma_start3A_195 = arith.constant 0 : i32
      %dma_start3A_196 = tpu.memref_slice %arg5[%arg0, %add3A_166, %dma_start3A_195] : memref<2x10240x128xf32, #tpu.memory_space<hbm>> -> memref<1x32x128xf32, #tpu.memory_space<hbm>>
      %dma_start3A_197 = tpu.memref_squeeze %dma_start3A_196 : memref<1x32x128xf32, #tpu.memory_space<hbm>> -> memref<32x128xf32, #tpu.memory_space<hbm>>
      %dma_start3A_198 = arith.constant 0 : i32
      %dma_start3A_199 = tpu.memref_slice %arg5[%arg0, %add3A_166, %dma_start3A_198] : memref<2x10240x128xf32, #tpu.memory_space<hbm>> -> memref<1x32x128xf32, #tpu.memory_space<hbm>>
      %dma_start3A_200 = tpu.memref_squeeze %dma_start3A_199 : memref<1x32x128xf32, #tpu.memory_space<hbm>> -> memref<32x128xf32, #tpu.memory_space<hbm>>
      tpu.enqueue_dma source(%arg13 : memref<32x128xf32, #tpu.memory_space<vmem>>) target(%dma_start3A_200 : memref<32x128xf32, #tpu.memory_space<hbm>>) target_semaphore(%run_scoped3A : memref<!tpu.dma_semaphore, #tpu.memory_space<semaphore_mem>>)
      %dma_wait3A_201 = arith.constant 0 : i32
      %dma_wait3A_202 = tpu.memref_slice %arg5[%arg0, %add3A_166, %dma_wait3A_201] : memref<2x10240x128xf32, #tpu.memory_space<hbm>> -> memref<1x32x128xf32, #tpu.memory_space<hbm>>
      %dma_wait3A_203 = tpu.memref_squeeze %dma_wait3A_202 : memref<1x32x128xf32, #tpu.memory_space<hbm>> -> memref<32x128xf32, #tpu.memory_space<hbm>>
      %dma_wait3A_204 = arith.constant 0 : i32
      %dma_wait3A_205 = tpu.memref_slice %arg5[%arg0, %add3A_166, %dma_wait3A_204] : memref<2x10240x128xf32, #tpu.memory_space<hbm>> -> memref<1x32x128xf32, #tpu.memory_space<hbm>>
      %dma_wait3A_206 = tpu.memref_squeeze %dma_wait3A_205 : memref<1x32x128xf32, #tpu.memory_space<hbm>> -> memref<32x128xf32, #tpu.memory_space<hbm>>
      tpu.wait_dma2 semaphore(%run_scoped3A : memref<!tpu.dma_semaphore, #tpu.memory_space<semaphore_mem>>) src(%arg13 : memref<32x128xf32, #tpu.memory_space<vmem>>) dst(%dma_wait3A_206 : memref<32x128xf32, #tpu.memory_space<hbm>>)
      tpu.yield
    }) : () -> ()
    %add3A_167 = arith.constant 416 : i32
    %add3A_168 = arith.addi %multiple_of3A, %add3A_167 : i32
    "tpu.region"() ({
      %run_scoped3A = tpu.sem_alloc : memref<!tpu.dma_semaphore, #tpu.memory_space<semaphore_mem>>
      %dma_start3A_195 = arith.constant 0 : i32
      %dma_start3A_196 = tpu.memref_slice %arg14[%add3A_168, %dma_start3A_195] : memref<10240x128xf32, #tpu.memory_space<vmem_shared>> -> memref<32x128xf32, #tpu.memory_space<vmem_shared>>
      %dma_start3A_197 = arith.constant 0 : i32
      %dma_start3A_198 = tpu.memref_slice %arg14[%add3A_168, %dma_start3A_197] : memref<10240x128xf32, #tpu.memory_space<vmem_shared>> -> memref<32x128xf32, #tpu.memory_space<vmem_shared>>
      tpu.enqueue_dma source(%dma_start3A_198 : memref<32x128xf32, #tpu.memory_space<vmem_shared>>) target(%arg13 : memref<32x128xf32, #tpu.memory_space<vmem>>) target_semaphore(%run_scoped3A : memref<!tpu.dma_semaphore, #tpu.memory_space<semaphore_mem>>)
      %dma_wait3A_199 = arith.constant 0 : i32
      %dma_wait3A_200 = tpu.memref_slice %arg14[%add3A_168, %dma_wait3A_199] : memref<10240x128xf32, #tpu.memory_space<vmem_shared>> -> memref<32x128xf32, #tpu.memory_space<vmem_shared>>
      %dma_wait3A_201 = arith.constant 0 : i32
      %dma_wait3A_202 = tpu.memref_slice %arg14[%add3A_168, %dma_wait3A_201] : memref<10240x128xf32, #tpu.memory_space<vmem_shared>> -> memref<32x128xf32, #tpu.memory_space<vmem_shared>>
      tpu.wait_dma2 semaphore(%run_scoped3A : memref<!tpu.dma_semaphore, #tpu.memory_space<semaphore_mem>>) src(%dma_wait3A_202 : memref<32x128xf32, #tpu.memory_space<vmem_shared>>) dst(%arg13 : memref<32x128xf32, #tpu.memory_space<vmem>>)
      tpu.yield
    }) : () -> ()
    %add3A_169 = arith.constant 416 : i32
    %add3A_170 = arith.addi %multiple_of3A, %add3A_169 : i32
    "tpu.region"() ({
      %run_scoped3A = tpu.sem_alloc : memref<!tpu.dma_semaphore, #tpu.memory_space<semaphore_mem>>
      %dma_start3A_195 = arith.constant 0 : i32
      %dma_start3A_196 = tpu.memref_slice %arg5[%arg0, %add3A_170, %dma_start3A_195] : memref<2x10240x128xf32, #tpu.memory_space<hbm>> -> memref<1x32x128xf32, #tpu.memory_space<hbm>>
      %dma_start3A_197 = tpu.memref_squeeze %dma_start3A_196 : memref<1x32x128xf32, #tpu.memory_space<hbm>> -> memref<32x128xf32, #tpu.memory_space<hbm>>
      %dma_start3A_198 = arith.constant 0 : i32
      %dma_start3A_199 = tpu.memref_slice %arg5[%arg0, %add3A_170, %dma_start3A_198] : memref<2x10240x128xf32, #tpu.memory_space<hbm>> -> memref<1x32x128xf32, #tpu.memory_space<hbm>>
      %dma_start3A_200 = tpu.memref_squeeze %dma_start3A_199 : memref<1x32x128xf32, #tpu.memory_space<hbm>> -> memref<32x128xf32, #tpu.memory_space<hbm>>
      tpu.enqueue_dma source(%arg13 : memref<32x128xf32, #tpu.memory_space<vmem>>) target(%dma_start3A_200 : memref<32x128xf32, #tpu.memory_space<hbm>>) target_semaphore(%run_scoped3A : memref<!tpu.dma_semaphore, #tpu.memory_space<semaphore_mem>>)
      %dma_wait3A_201 = arith.constant 0 : i32
      %dma_wait3A_202 = tpu.memref_slice %arg5[%arg0, %add3A_170, %dma_wait3A_201] : memref<2x10240x128xf32, #tpu.memory_space<hbm>> -> memref<1x32x128xf32, #tpu.memory_space<hbm>>
      %dma_wait3A_203 = tpu.memref_squeeze %dma_wait3A_202 : memref<1x32x128xf32, #tpu.memory_space<hbm>> -> memref<32x128xf32, #tpu.memory_space<hbm>>
      %dma_wait3A_204 = arith.constant 0 : i32
      %dma_wait3A_205 = tpu.memref_slice %arg5[%arg0, %add3A_170, %dma_wait3A_204] : memref<2x10240x128xf32, #tpu.memory_space<hbm>> -> memref<1x32x128xf32, #tpu.memory_space<hbm>>
      %dma_wait3A_206 = tpu.memref_squeeze %dma_wait3A_205 : memref<1x32x128xf32, #tpu.memory_space<hbm>> -> memref<32x128xf32, #tpu.memory_space<hbm>>
      tpu.wait_dma2 semaphore(%run_scoped3A : memref<!tpu.dma_semaphore, #tpu.memory_space<semaphore_mem>>) src(%arg13 : memref<32x128xf32, #tpu.memory_space<vmem>>) dst(%dma_wait3A_206 : memref<32x128xf32, #tpu.memory_space<hbm>>)
      tpu.yield
    }) : () -> ()
    %add3A_171 = arith.constant 448 : i32
    %add3A_172 = arith.addi %multiple_of3A, %add3A_171 : i32
    "tpu.region"() ({
      %run_scoped3A = tpu.sem_alloc : memref<!tpu.dma_semaphore, #tpu.memory_space<semaphore_mem>>
      %dma_start3A_195 = arith.constant 0 : i32
      %dma_start3A_196 = tpu.memref_slice %arg14[%add3A_172, %dma_start3A_195] : memref<10240x128xf32, #tpu.memory_space<vmem_shared>> -> memref<32x128xf32, #tpu.memory_space<vmem_shared>>
      %dma_start3A_197 = arith.constant 0 : i32
      %dma_start3A_198 = tpu.memref_slice %arg14[%add3A_172, %dma_start3A_197] : memref<10240x128xf32, #tpu.memory_space<vmem_shared>> -> memref<32x128xf32, #tpu.memory_space<vmem_shared>>
      tpu.enqueue_dma source(%dma_start3A_198 : memref<32x128xf32, #tpu.memory_space<vmem_shared>>) target(%arg13 : memref<32x128xf32, #tpu.memory_space<vmem>>) target_semaphore(%run_scoped3A : memref<!tpu.dma_semaphore, #tpu.memory_space<semaphore_mem>>)
      %dma_wait3A_199 = arith.constant 0 : i32
      %dma_wait3A_200 = tpu.memref_slice %arg14[%add3A_172, %dma_wait3A_199] : memref<10240x128xf32, #tpu.memory_space<vmem_shared>> -> memref<32x128xf32, #tpu.memory_space<vmem_shared>>
      %dma_wait3A_201 = arith.constant 0 : i32
      %dma_wait3A_202 = tpu.memref_slice %arg14[%add3A_172, %dma_wait3A_201] : memref<10240x128xf32, #tpu.memory_space<vmem_shared>> -> memref<32x128xf32, #tpu.memory_space<vmem_shared>>
      tpu.wait_dma2 semaphore(%run_scoped3A : memref<!tpu.dma_semaphore, #tpu.memory_space<semaphore_mem>>) src(%dma_wait3A_202 : memref<32x128xf32, #tpu.memory_space<vmem_shared>>) dst(%arg13 : memref<32x128xf32, #tpu.memory_space<vmem>>)
      tpu.yield
    }) : () -> ()
    %add3A_173 = arith.constant 448 : i32
    %add3A_174 = arith.addi %multiple_of3A, %add3A_173 : i32
    "tpu.region"() ({
      %run_scoped3A = tpu.sem_alloc : memref<!tpu.dma_semaphore, #tpu.memory_space<semaphore_mem>>
      %dma_start3A_195 = arith.constant 0 : i32
      %dma_start3A_196 = tpu.memref_slice %arg5[%arg0, %add3A_174, %dma_start3A_195] : memref<2x10240x128xf32, #tpu.memory_space<hbm>> -> memref<1x32x128xf32, #tpu.memory_space<hbm>>
      %dma_start3A_197 = tpu.memref_squeeze %dma_start3A_196 : memref<1x32x128xf32, #tpu.memory_space<hbm>> -> memref<32x128xf32, #tpu.memory_space<hbm>>
      %dma_start3A_198 = arith.constant 0 : i32
      %dma_start3A_199 = tpu.memref_slice %arg5[%arg0, %add3A_174, %dma_start3A_198] : memref<2x10240x128xf32, #tpu.memory_space<hbm>> -> memref<1x32x128xf32, #tpu.memory_space<hbm>>
      %dma_start3A_200 = tpu.memref_squeeze %dma_start3A_199 : memref<1x32x128xf32, #tpu.memory_space<hbm>> -> memref<32x128xf32, #tpu.memory_space<hbm>>
      tpu.enqueue_dma source(%arg13 : memref<32x128xf32, #tpu.memory_space<vmem>>) target(%dma_start3A_200 : memref<32x128xf32, #tpu.memory_space<hbm>>) target_semaphore(%run_scoped3A : memref<!tpu.dma_semaphore, #tpu.memory_space<semaphore_mem>>)
      %dma_wait3A_201 = arith.constant 0 : i32
      %dma_wait3A_202 = tpu.memref_slice %arg5[%arg0, %add3A_174, %dma_wait3A_201] : memref<2x10240x128xf32, #tpu.memory_space<hbm>> -> memref<1x32x128xf32, #tpu.memory_space<hbm>>
      %dma_wait3A_203 = tpu.memref_squeeze %dma_wait3A_202 : memref<1x32x128xf32, #tpu.memory_space<hbm>> -> memref<32x128xf32, #tpu.memory_space<hbm>>
      %dma_wait3A_204 = arith.constant 0 : i32
      %dma_wait3A_205 = tpu.memref_slice %arg5[%arg0, %add3A_174, %dma_wait3A_204] : memref<2x10240x128xf32, #tpu.memory_space<hbm>> -> memref<1x32x128xf32, #tpu.memory_space<hbm>>
      %dma_wait3A_206 = tpu.memref_squeeze %dma_wait3A_205 : memref<1x32x128xf32, #tpu.memory_space<hbm>> -> memref<32x128xf32, #tpu.memory_space<hbm>>
      tpu.wait_dma2 semaphore(%run_scoped3A : memref<!tpu.dma_semaphore, #tpu.memory_space<semaphore_mem>>) src(%arg13 : memref<32x128xf32, #tpu.memory_space<vmem>>) dst(%dma_wait3A_206 : memref<32x128xf32, #tpu.memory_space<hbm>>)
      tpu.yield
    }) : () -> ()
    %add3A_175 = arith.constant 480 : i32
    %add3A_176 = arith.addi %multiple_of3A, %add3A_175 : i32
    "tpu.region"() ({
      %run_scoped3A = tpu.sem_alloc : memref<!tpu.dma_semaphore, #tpu.memory_space<semaphore_mem>>
      %dma_start3A_195 = arith.constant 0 : i32
      %dma_start3A_196 = tpu.memref_slice %arg14[%add3A_176, %dma_start3A_195] : memref<10240x128xf32, #tpu.memory_space<vmem_shared>> -> memref<32x128xf32, #tpu.memory_space<vmem_shared>>
      %dma_start3A_197 = arith.constant 0 : i32
      %dma_start3A_198 = tpu.memref_slice %arg14[%add3A_176, %dma_start3A_197] : memref<10240x128xf32, #tpu.memory_space<vmem_shared>> -> memref<32x128xf32, #tpu.memory_space<vmem_shared>>
      tpu.enqueue_dma source(%dma_start3A_198 : memref<32x128xf32, #tpu.memory_space<vmem_shared>>) target(%arg13 : memref<32x128xf32, #tpu.memory_space<vmem>>) target_semaphore(%run_scoped3A : memref<!tpu.dma_semaphore, #tpu.memory_space<semaphore_mem>>)
      %dma_wait3A_199 = arith.constant 0 : i32
      %dma_wait3A_200 = tpu.memref_slice %arg14[%add3A_176, %dma_wait3A_199] : memref<10240x128xf32, #tpu.memory_space<vmem_shared>> -> memref<32x128xf32, #tpu.memory_space<vmem_shared>>
      %dma_wait3A_201 = arith.constant 0 : i32
      %dma_wait3A_202 = tpu.memref_slice %arg14[%add3A_176, %dma_wait3A_201] : memref<10240x128xf32, #tpu.memory_space<vmem_shared>> -> memref<32x128xf32, #tpu.memory_space<vmem_shared>>
      tpu.wait_dma2 semaphore(%run_scoped3A : memref<!tpu.dma_semaphore, #tpu.memory_space<semaphore_mem>>) src(%dma_wait3A_202 : memref<32x128xf32, #tpu.memory_space<vmem_shared>>) dst(%arg13 : memref<32x128xf32, #tpu.memory_space<vmem>>)
      tpu.yield
    }) : () -> ()
    %add3A_177 = arith.constant 480 : i32
    %add3A_178 = arith.addi %multiple_of3A, %add3A_177 : i32
    "tpu.region"() ({
      %run_scoped3A = tpu.sem_alloc : memref<!tpu.dma_semaphore, #tpu.memory_space<semaphore_mem>>
      %dma_start3A_195 = arith.constant 0 : i32
      %dma_start3A_196 = tpu.memref_slice %arg5[%arg0, %add3A_178, %dma_start3A_195] : memref<2x10240x128xf32, #tpu.memory_space<hbm>> -> memref<1x32x128xf32, #tpu.memory_space<hbm>>
      %dma_start3A_197 = tpu.memref_squeeze %dma_start3A_196 : memref<1x32x128xf32, #tpu.memory_space<hbm>> -> memref<32x128xf32, #tpu.memory_space<hbm>>
      %dma_start3A_198 = arith.constant 0 : i32
      %dma_start3A_199 = tpu.memref_slice %arg5[%arg0, %add3A_178, %dma_start3A_198] : memref<2x10240x128xf32, #tpu.memory_space<hbm>> -> memref<1x32x128xf32, #tpu.memory_space<hbm>>
      %dma_start3A_200 = tpu.memref_squeeze %dma_start3A_199 : memref<1x32x128xf32, #tpu.memory_space<hbm>> -> memref<32x128xf32, #tpu.memory_space<hbm>>
      tpu.enqueue_dma source(%arg13 : memref<32x128xf32, #tpu.memory_space<vmem>>) target(%dma_start3A_200 : memref<32x128xf32, #tpu.memory_space<hbm>>) target_semaphore(%run_scoped3A : memref<!tpu.dma_semaphore, #tpu.memory_space<semaphore_mem>>)
      %dma_wait3A_201 = arith.constant 0 : i32
      %dma_wait3A_202 = tpu.memref_slice %arg5[%arg0, %add3A_178, %dma_wait3A_201] : memref<2x10240x128xf32, #tpu.memory_space<hbm>> -> memref<1x32x128xf32, #tpu.memory_space<hbm>>
      %dma_wait3A_203 = tpu.memref_squeeze %dma_wait3A_202 : memref<1x32x128xf32, #tpu.memory_space<hbm>> -> memref<32x128xf32, #tpu.memory_space<hbm>>
      %dma_wait3A_204 = arith.constant 0 : i32
      %dma_wait3A_205 = tpu.memref_slice %arg5[%arg0, %add3A_178, %dma_wait3A_204] : memref<2x10240x128xf32, #tpu.memory_space<hbm>> -> memref<1x32x128xf32, #tpu.memory_space<hbm>>
      %dma_wait3A_206 = tpu.memref_squeeze %dma_wait3A_205 : memref<1x32x128xf32, #tpu.memory_space<hbm>> -> memref<32x128xf32, #tpu.memory_space<hbm>>
      tpu.wait_dma2 semaphore(%run_scoped3A : memref<!tpu.dma_semaphore, #tpu.memory_space<semaphore_mem>>) src(%arg13 : memref<32x128xf32, #tpu.memory_space<vmem>>) dst(%dma_wait3A_206 : memref<32x128xf32, #tpu.memory_space<hbm>>)
      tpu.yield
    }) : () -> ()
    %add3A_179 = arith.constant 512 : i32
    %add3A_180 = arith.addi %multiple_of3A, %add3A_179 : i32
    "tpu.region"() ({
      %run_scoped3A = tpu.sem_alloc : memref<!tpu.dma_semaphore, #tpu.memory_space<semaphore_mem>>
      %dma_start3A_195 = arith.constant 0 : i32
      %dma_start3A_196 = tpu.memref_slice %arg14[%add3A_180, %dma_start3A_195] : memref<10240x128xf32, #tpu.memory_space<vmem_shared>> -> memref<32x128xf32, #tpu.memory_space<vmem_shared>>
      %dma_start3A_197 = arith.constant 0 : i32
      %dma_start3A_198 = tpu.memref_slice %arg14[%add3A_180, %dma_start3A_197] : memref<10240x128xf32, #tpu.memory_space<vmem_shared>> -> memref<32x128xf32, #tpu.memory_space<vmem_shared>>
      tpu.enqueue_dma source(%dma_start3A_198 : memref<32x128xf32, #tpu.memory_space<vmem_shared>>) target(%arg13 : memref<32x128xf32, #tpu.memory_space<vmem>>) target_semaphore(%run_scoped3A : memref<!tpu.dma_semaphore, #tpu.memory_space<semaphore_mem>>)
      %dma_wait3A_199 = arith.constant 0 : i32
      %dma_wait3A_200 = tpu.memref_slice %arg14[%add3A_180, %dma_wait3A_199] : memref<10240x128xf32, #tpu.memory_space<vmem_shared>> -> memref<32x128xf32, #tpu.memory_space<vmem_shared>>
      %dma_wait3A_201 = arith.constant 0 : i32
      %dma_wait3A_202 = tpu.memref_slice %arg14[%add3A_180, %dma_wait3A_201] : memref<10240x128xf32, #tpu.memory_space<vmem_shared>> -> memref<32x128xf32, #tpu.memory_space<vmem_shared>>
      tpu.wait_dma2 semaphore(%run_scoped3A : memref<!tpu.dma_semaphore, #tpu.memory_space<semaphore_mem>>) src(%dma_wait3A_202 : memref<32x128xf32, #tpu.memory_space<vmem_shared>>) dst(%arg13 : memref<32x128xf32, #tpu.memory_space<vmem>>)
      tpu.yield
    }) : () -> ()
    %add3A_181 = arith.constant 512 : i32
    %add3A_182 = arith.addi %multiple_of3A, %add3A_181 : i32
    "tpu.region"() ({
      %run_scoped3A = tpu.sem_alloc : memref<!tpu.dma_semaphore, #tpu.memory_space<semaphore_mem>>
      %dma_start3A_195 = arith.constant 0 : i32
      %dma_start3A_196 = tpu.memref_slice %arg5[%arg0, %add3A_182, %dma_start3A_195] : memref<2x10240x128xf32, #tpu.memory_space<hbm>> -> memref<1x32x128xf32, #tpu.memory_space<hbm>>
      %dma_start3A_197 = tpu.memref_squeeze %dma_start3A_196 : memref<1x32x128xf32, #tpu.memory_space<hbm>> -> memref<32x128xf32, #tpu.memory_space<hbm>>
      %dma_start3A_198 = arith.constant 0 : i32
      %dma_start3A_199 = tpu.memref_slice %arg5[%arg0, %add3A_182, %dma_start3A_198] : memref<2x10240x128xf32, #tpu.memory_space<hbm>> -> memref<1x32x128xf32, #tpu.memory_space<hbm>>
      %dma_start3A_200 = tpu.memref_squeeze %dma_start3A_199 : memref<1x32x128xf32, #tpu.memory_space<hbm>> -> memref<32x128xf32, #tpu.memory_space<hbm>>
      tpu.enqueue_dma source(%arg13 : memref<32x128xf32, #tpu.memory_space<vmem>>) target(%dma_start3A_200 : memref<32x128xf32, #tpu.memory_space<hbm>>) target_semaphore(%run_scoped3A : memref<!tpu.dma_semaphore, #tpu.memory_space<semaphore_mem>>)
      %dma_wait3A_201 = arith.constant 0 : i32
      %dma_wait3A_202 = tpu.memref_slice %arg5[%arg0, %add3A_182, %dma_wait3A_201] : memref<2x10240x128xf32, #tpu.memory_space<hbm>> -> memref<1x32x128xf32, #tpu.memory_space<hbm>>
      %dma_wait3A_203 = tpu.memref_squeeze %dma_wait3A_202 : memref<1x32x128xf32, #tpu.memory_space<hbm>> -> memref<32x128xf32, #tpu.memory_space<hbm>>
      %dma_wait3A_204 = arith.constant 0 : i32
      %dma_wait3A_205 = tpu.memref_slice %arg5[%arg0, %add3A_182, %dma_wait3A_204] : memref<2x10240x128xf32, #tpu.memory_space<hbm>> -> memref<1x32x128xf32, #tpu.memory_space<hbm>>
      %dma_wait3A_206 = tpu.memref_squeeze %dma_wait3A_205 : memref<1x32x128xf32, #tpu.memory_space<hbm>> -> memref<32x128xf32, #tpu.memory_space<hbm>>
      tpu.wait_dma2 semaphore(%run_scoped3A : memref<!tpu.dma_semaphore, #tpu.memory_space<semaphore_mem>>) src(%arg13 : memref<32x128xf32, #tpu.memory_space<vmem>>) dst(%dma_wait3A_206 : memref<32x128xf32, #tpu.memory_space<hbm>>)
      tpu.yield
    }) : () -> ()
    %add3A_183 = arith.constant 544 : i32
    %add3A_184 = arith.addi %multiple_of3A, %add3A_183 : i32
    "tpu.region"() ({
      %run_scoped3A = tpu.sem_alloc : memref<!tpu.dma_semaphore, #tpu.memory_space<semaphore_mem>>
      %dma_start3A_195 = arith.constant 0 : i32
      %dma_start3A_196 = tpu.memref_slice %arg14[%add3A_184, %dma_start3A_195] : memref<10240x128xf32, #tpu.memory_space<vmem_shared>> -> memref<32x128xf32, #tpu.memory_space<vmem_shared>>
      %dma_start3A_197 = arith.constant 0 : i32
      %dma_start3A_198 = tpu.memref_slice %arg14[%add3A_184, %dma_start3A_197] : memref<10240x128xf32, #tpu.memory_space<vmem_shared>> -> memref<32x128xf32, #tpu.memory_space<vmem_shared>>
      tpu.enqueue_dma source(%dma_start3A_198 : memref<32x128xf32, #tpu.memory_space<vmem_shared>>) target(%arg13 : memref<32x128xf32, #tpu.memory_space<vmem>>) target_semaphore(%run_scoped3A : memref<!tpu.dma_semaphore, #tpu.memory_space<semaphore_mem>>)
      %dma_wait3A_199 = arith.constant 0 : i32
      %dma_wait3A_200 = tpu.memref_slice %arg14[%add3A_184, %dma_wait3A_199] : memref<10240x128xf32, #tpu.memory_space<vmem_shared>> -> memref<32x128xf32, #tpu.memory_space<vmem_shared>>
      %dma_wait3A_201 = arith.constant 0 : i32
      %dma_wait3A_202 = tpu.memref_slice %arg14[%add3A_184, %dma_wait3A_201] : memref<10240x128xf32, #tpu.memory_space<vmem_shared>> -> memref<32x128xf32, #tpu.memory_space<vmem_shared>>
      tpu.wait_dma2 semaphore(%run_scoped3A : memref<!tpu.dma_semaphore, #tpu.memory_space<semaphore_mem>>) src(%dma_wait3A_202 : memref<32x128xf32, #tpu.memory_space<vmem_shared>>) dst(%arg13 : memref<32x128xf32, #tpu.memory_space<vmem>>)
      tpu.yield
    }) : () -> ()
    %add3A_185 = arith.constant 544 : i32
    %add3A_186 = arith.addi %multiple_of3A, %add3A_185 : i32
    "tpu.region"() ({
      %run_scoped3A = tpu.sem_alloc : memref<!tpu.dma_semaphore, #tpu.memory_space<semaphore_mem>>
      %dma_start3A_195 = arith.constant 0 : i32
      %dma_start3A_196 = tpu.memref_slice %arg5[%arg0, %add3A_186, %dma_start3A_195] : memref<2x10240x128xf32, #tpu.memory_space<hbm>> -> memref<1x32x128xf32, #tpu.memory_space<hbm>>
      %dma_start3A_197 = tpu.memref_squeeze %dma_start3A_196 : memref<1x32x128xf32, #tpu.memory_space<hbm>> -> memref<32x128xf32, #tpu.memory_space<hbm>>
      %dma_start3A_198 = arith.constant 0 : i32
      %dma_start3A_199 = tpu.memref_slice %arg5[%arg0, %add3A_186, %dma_start3A_198] : memref<2x10240x128xf32, #tpu.memory_space<hbm>> -> memref<1x32x128xf32, #tpu.memory_space<hbm>>
      %dma_start3A_200 = tpu.memref_squeeze %dma_start3A_199 : memref<1x32x128xf32, #tpu.memory_space<hbm>> -> memref<32x128xf32, #tpu.memory_space<hbm>>
      tpu.enqueue_dma source(%arg13 : memref<32x128xf32, #tpu.memory_space<vmem>>) target(%dma_start3A_200 : memref<32x128xf32, #tpu.memory_space<hbm>>) target_semaphore(%run_scoped3A : memref<!tpu.dma_semaphore, #tpu.memory_space<semaphore_mem>>)
      %dma_wait3A_201 = arith.constant 0 : i32
      %dma_wait3A_202 = tpu.memref_slice %arg5[%arg0, %add3A_186, %dma_wait3A_201] : memref<2x10240x128xf32, #tpu.memory_space<hbm>> -> memref<1x32x128xf32, #tpu.memory_space<hbm>>
      %dma_wait3A_203 = tpu.memref_squeeze %dma_wait3A_202 : memref<1x32x128xf32, #tpu.memory_space<hbm>> -> memref<32x128xf32, #tpu.memory_space<hbm>>
      %dma_wait3A_204 = arith.constant 0 : i32
      %dma_wait3A_205 = tpu.memref_slice %arg5[%arg0, %add3A_186, %dma_wait3A_204] : memref<2x10240x128xf32, #tpu.memory_space<hbm>> -> memref<1x32x128xf32, #tpu.memory_space<hbm>>
      %dma_wait3A_206 = tpu.memref_squeeze %dma_wait3A_205 : memref<1x32x128xf32, #tpu.memory_space<hbm>> -> memref<32x128xf32, #tpu.memory_space<hbm>>
      tpu.wait_dma2 semaphore(%run_scoped3A : memref<!tpu.dma_semaphore, #tpu.memory_space<semaphore_mem>>) src(%arg13 : memref<32x128xf32, #tpu.memory_space<vmem>>) dst(%dma_wait3A_206 : memref<32x128xf32, #tpu.memory_space<hbm>>)
      tpu.yield
    }) : () -> ()
    %add3A_187 = arith.constant 576 : i32
    %add3A_188 = arith.addi %multiple_of3A, %add3A_187 : i32
    "tpu.region"() ({
      %run_scoped3A = tpu.sem_alloc : memref<!tpu.dma_semaphore, #tpu.memory_space<semaphore_mem>>
      %dma_start3A_195 = arith.constant 0 : i32
      %dma_start3A_196 = tpu.memref_slice %arg14[%add3A_188, %dma_start3A_195] : memref<10240x128xf32, #tpu.memory_space<vmem_shared>> -> memref<32x128xf32, #tpu.memory_space<vmem_shared>>
      %dma_start3A_197 = arith.constant 0 : i32
      %dma_start3A_198 = tpu.memref_slice %arg14[%add3A_188, %dma_start3A_197] : memref<10240x128xf32, #tpu.memory_space<vmem_shared>> -> memref<32x128xf32, #tpu.memory_space<vmem_shared>>
      tpu.enqueue_dma source(%dma_start3A_198 : memref<32x128xf32, #tpu.memory_space<vmem_shared>>) target(%arg13 : memref<32x128xf32, #tpu.memory_space<vmem>>) target_semaphore(%run_scoped3A : memref<!tpu.dma_semaphore, #tpu.memory_space<semaphore_mem>>)
      %dma_wait3A_199 = arith.constant 0 : i32
      %dma_wait3A_200 = tpu.memref_slice %arg14[%add3A_188, %dma_wait3A_199] : memref<10240x128xf32, #tpu.memory_space<vmem_shared>> -> memref<32x128xf32, #tpu.memory_space<vmem_shared>>
      %dma_wait3A_201 = arith.constant 0 : i32
      %dma_wait3A_202 = tpu.memref_slice %arg14[%add3A_188, %dma_wait3A_201] : memref<10240x128xf32, #tpu.memory_space<vmem_shared>> -> memref<32x128xf32, #tpu.memory_space<vmem_shared>>
      tpu.wait_dma2 semaphore(%run_scoped3A : memref<!tpu.dma_semaphore, #tpu.memory_space<semaphore_mem>>) src(%dma_wait3A_202 : memref<32x128xf32, #tpu.memory_space<vmem_shared>>) dst(%arg13 : memref<32x128xf32, #tpu.memory_space<vmem>>)
      tpu.yield
    }) : () -> ()
    %add3A_189 = arith.constant 576 : i32
    %add3A_190 = arith.addi %multiple_of3A, %add3A_189 : i32
    "tpu.region"() ({
      %run_scoped3A = tpu.sem_alloc : memref<!tpu.dma_semaphore, #tpu.memory_space<semaphore_mem>>
      %dma_start3A_195 = arith.constant 0 : i32
      %dma_start3A_196 = tpu.memref_slice %arg5[%arg0, %add3A_190, %dma_start3A_195] : memref<2x10240x128xf32, #tpu.memory_space<hbm>> -> memref<1x32x128xf32, #tpu.memory_space<hbm>>
      %dma_start3A_197 = tpu.memref_squeeze %dma_start3A_196 : memref<1x32x128xf32, #tpu.memory_space<hbm>> -> memref<32x128xf32, #tpu.memory_space<hbm>>
      %dma_start3A_198 = arith.constant 0 : i32
      %dma_start3A_199 = tpu.memref_slice %arg5[%arg0, %add3A_190, %dma_start3A_198] : memref<2x10240x128xf32, #tpu.memory_space<hbm>> -> memref<1x32x128xf32, #tpu.memory_space<hbm>>
      %dma_start3A_200 = tpu.memref_squeeze %dma_start3A_199 : memref<1x32x128xf32, #tpu.memory_space<hbm>> -> memref<32x128xf32, #tpu.memory_space<hbm>>
      tpu.enqueue_dma source(%arg13 : memref<32x128xf32, #tpu.memory_space<vmem>>) target(%dma_start3A_200 : memref<32x128xf32, #tpu.memory_space<hbm>>) target_semaphore(%run_scoped3A : memref<!tpu.dma_semaphore, #tpu.memory_space<semaphore_mem>>)
      %dma_wait3A_201 = arith.constant 0 : i32
      %dma_wait3A_202 = tpu.memref_slice %arg5[%arg0, %add3A_190, %dma_wait3A_201] : memref<2x10240x128xf32, #tpu.memory_space<hbm>> -> memref<1x32x128xf32, #tpu.memory_space<hbm>>
      %dma_wait3A_203 = tpu.memref_squeeze %dma_wait3A_202 : memref<1x32x128xf32, #tpu.memory_space<hbm>> -> memref<32x128xf32, #tpu.memory_space<hbm>>
      %dma_wait3A_204 = arith.constant 0 : i32
      %dma_wait3A_205 = tpu.memref_slice %arg5[%arg0, %add3A_190, %dma_wait3A_204] : memref<2x10240x128xf32, #tpu.memory_space<hbm>> -> memref<1x32x128xf32, #tpu.memory_space<hbm>>
      %dma_wait3A_206 = tpu.memref_squeeze %dma_wait3A_205 : memref<1x32x128xf32, #tpu.memory_space<hbm>> -> memref<32x128xf32, #tpu.memory_space<hbm>>
      tpu.wait_dma2 semaphore(%run_scoped3A : memref<!tpu.dma_semaphore, #tpu.memory_space<semaphore_mem>>) src(%arg13 : memref<32x128xf32, #tpu.memory_space<vmem>>) dst(%dma_wait3A_206 : memref<32x128xf32, #tpu.memory_space<hbm>>)
      tpu.yield
    }) : () -> ()
    %add3A_191 = arith.constant 608 : i32
    %add3A_192 = arith.addi %multiple_of3A, %add3A_191 : i32
    "tpu.region"() ({
      %run_scoped3A = tpu.sem_alloc : memref<!tpu.dma_semaphore, #tpu.memory_space<semaphore_mem>>
      %dma_start3A_195 = arith.constant 0 : i32
      %dma_start3A_196 = tpu.memref_slice %arg14[%add3A_192, %dma_start3A_195] : memref<10240x128xf32, #tpu.memory_space<vmem_shared>> -> memref<32x128xf32, #tpu.memory_space<vmem_shared>>
      %dma_start3A_197 = arith.constant 0 : i32
      %dma_start3A_198 = tpu.memref_slice %arg14[%add3A_192, %dma_start3A_197] : memref<10240x128xf32, #tpu.memory_space<vmem_shared>> -> memref<32x128xf32, #tpu.memory_space<vmem_shared>>
      tpu.enqueue_dma source(%dma_start3A_198 : memref<32x128xf32, #tpu.memory_space<vmem_shared>>) target(%arg13 : memref<32x128xf32, #tpu.memory_space<vmem>>) target_semaphore(%run_scoped3A : memref<!tpu.dma_semaphore, #tpu.memory_space<semaphore_mem>>)
      %dma_wait3A_199 = arith.constant 0 : i32
      %dma_wait3A_200 = tpu.memref_slice %arg14[%add3A_192, %dma_wait3A_199] : memref<10240x128xf32, #tpu.memory_space<vmem_shared>> -> memref<32x128xf32, #tpu.memory_space<vmem_shared>>
      %dma_wait3A_201 = arith.constant 0 : i32
      %dma_wait3A_202 = tpu.memref_slice %arg14[%add3A_192, %dma_wait3A_201] : memref<10240x128xf32, #tpu.memory_space<vmem_shared>> -> memref<32x128xf32, #tpu.memory_space<vmem_shared>>
      tpu.wait_dma2 semaphore(%run_scoped3A : memref<!tpu.dma_semaphore, #tpu.memory_space<semaphore_mem>>) src(%dma_wait3A_202 : memref<32x128xf32, #tpu.memory_space<vmem_shared>>) dst(%arg13 : memref<32x128xf32, #tpu.memory_space<vmem>>)
      tpu.yield
    }) : () -> ()
    %add3A_193 = arith.constant 608 : i32
    %add3A_194 = arith.addi %multiple_of3A, %add3A_193 : i32
    "tpu.region"() ({
      %run_scoped3A = tpu.sem_alloc : memref<!tpu.dma_semaphore, #tpu.memory_space<semaphore_mem>>
      %dma_start3A_195 = arith.constant 0 : i32
      %dma_start3A_196 = tpu.memref_slice %arg5[%arg0, %add3A_194, %dma_start3A_195] : memref<2x10240x128xf32, #tpu.memory_space<hbm>> -> memref<1x32x128xf32, #tpu.memory_space<hbm>>
      %dma_start3A_197 = tpu.memref_squeeze %dma_start3A_196 : memref<1x32x128xf32, #tpu.memory_space<hbm>> -> memref<32x128xf32, #tpu.memory_space<hbm>>
      %dma_start3A_198 = arith.constant 0 : i32
      %dma_start3A_199 = tpu.memref_slice %arg5[%arg0, %add3A_194, %dma_start3A_198] : memref<2x10240x128xf32, #tpu.memory_space<hbm>> -> memref<1x32x128xf32, #tpu.memory_space<hbm>>
      %dma_start3A_200 = tpu.memref_squeeze %dma_start3A_199 : memref<1x32x128xf32, #tpu.memory_space<hbm>> -> memref<32x128xf32, #tpu.memory_space<hbm>>
      tpu.enqueue_dma source(%arg13 : memref<32x128xf32, #tpu.memory_space<vmem>>) target(%dma_start3A_200 : memref<32x128xf32, #tpu.memory_space<hbm>>) target_semaphore(%run_scoped3A : memref<!tpu.dma_semaphore, #tpu.memory_space<semaphore_mem>>)
      %dma_wait3A_201 = arith.constant 0 : i32
      %dma_wait3A_202 = tpu.memref_slice %arg5[%arg0, %add3A_194, %dma_wait3A_201] : memref<2x10240x128xf32, #tpu.memory_space<hbm>> -> memref<1x32x128xf32, #tpu.memory_space<hbm>>
      %dma_wait3A_203 = tpu.memref_squeeze %dma_wait3A_202 : memref<1x32x128xf32, #tpu.memory_space<hbm>> -> memref<32x128xf32, #tpu.memory_space<hbm>>
      %dma_wait3A_204 = arith.constant 0 : i32
      %dma_wait3A_205 = tpu.memref_slice %arg5[%arg0, %add3A_194, %dma_wait3A_204] : memref<2x10240x128xf32, #tpu.memory_space<hbm>> -> memref<1x32x128xf32, #tpu.memory_space<hbm>>
      %dma_wait3A_206 = tpu.memref_squeeze %dma_wait3A_205 : memref<1x32x128xf32, #tpu.memory_space<hbm>> -> memref<32x128xf32, #tpu.memory_space<hbm>>
      tpu.wait_dma2 semaphore(%run_scoped3A : memref<!tpu.dma_semaphore, #tpu.memory_space<semaphore_mem>>) src(%arg13 : memref<32x128xf32, #tpu.memory_space<vmem>>) dst(%dma_wait3A_206 : memref<32x128xf32, #tpu.memory_space<hbm>>)
      tpu.yield
    }) : () -> ()
    return
  }
}

module attributes {stable_mosaic.version = 14 : i64} {
  func.func @_mm_body(%arg0: i32, %arg1: memref<1000x128xf32, #tpu.memory_space<vmem>>, %arg2: memref<128x128xf32, #tpu.memory_space<vmem>>, %arg3: memref<1000x128xf32, #tpu.memory_space<vmem>>) attributes {dimension_semantics = [#tpu.dimension_semantics<arbitrary>], iteration_bounds = array<i64: 10>, scalar_prefetch = 0 : i64, scratch_operands = 0 : i64, tpu.core_type = #tpu.core_type<tc>, window_params = [{transform_indices = @transform_0, window_bounds = array<i64: 1000, 128>}, {pipeline_mode = #tpu.pipeline_mode<synchronous>, transform_indices = @transform_1, window_bounds = array<i64: 128, 128>}, {transform_indices = @transform_2, window_bounds = array<i64: 1000, 128>}]} {
    %get3A = arith.constant 0 : index
    %get3A_0 = arith.constant 0 : index
    %get3A_1 = vector.load %arg1[%get3A, %get3A_0] : memref<1000x128xf32, #tpu.memory_space<vmem>>, vector<1000x128xf32>
    %get3A_2 = arith.constant 0 : index
    %get3A_3 = arith.constant 0 : index
    %get3A_4 = vector.load %arg2[%get3A_2, %get3A_3] : memref<128x128xf32, #tpu.memory_space<vmem>>, vector<128x128xf32>
    %dot_general3A = arith.constant dense<0.000000e+00> : vector<1000x128xf32>
    %dot_general3A_5 = tpu.matmul %get3A_1, %get3A_4, %dot_general3A {dimension_numbers = #tpu.dot_dimension_numbers<[1], [0], [0], [1], [0, 0, 1, 1], [], []>, precision = #tpu.contract_precision<fp32>, transpose_lhs_hint = false} : vector<1000x128xf32>, vector<128x128xf32>, vector<1000x128xf32> -> vector<1000x128xf32>
    %swap3A = arith.constant 0 : index
    %swap3A_6 = arith.constant 0 : index
    %swap3A_7 = vector.load %arg3[%swap3A, %swap3A_6] : memref<1000x128xf32, #tpu.memory_space<vmem>>, vector<1000x128xf32>
    tpu.vector_store %arg3[%swap3A, %swap3A_6], %dot_general3A_5 {strides = array<i32>} : memref<1000x128xf32, #tpu.memory_space<vmem>>, vector<1000x128xf32>,
    return
  }
  func.func @transform_0(%arg0: i32) -> (i32, i32) {
    %c0_i32 = arith.constant 0 : i32
    %c0_i32_0 = arith.constant 0 : i32
    return %arg0, %c0_i32 : i32, i32
  }
  func.func @transform_1(%arg0: i32) -> (i32, i32) {
    %c0_i32 = arith.constant 0 : i32
    %c0_i32_0 = arith.constant 0 : i32
    %c0_i32_1 = arith.constant 0 : i32
    return %c0_i32, %c0_i32_0 : i32, i32
  }
  func.func @transform_2(%arg0: i32) -> (i32, i32) {
    %c0_i32 = arith.constant 0 : i32
    %c0_i32_0 = arith.constant 0 : i32
    return %arg0, %c0_i32 : i32, i32
  }
}

module attributes {stable_mosaic.version = 14 : i64} {
  func.func @_scale_body(%arg0: i32, %arg1: memref<1000x128xf32, #tpu.memory_space<vmem>>, %arg2: memref<1000x2xf32, #tpu.memory_space<vmem>>, %arg3: memref<1000x128xf32, #tpu.memory_space<vmem>>) attributes {dimension_semantics = [#tpu.dimension_semantics<arbitrary>], iteration_bounds = array<i64: 10>, scalar_prefetch = 0 : i64, scratch_operands = 0 : i64, tpu.core_type = #tpu.core_type<tc>, window_params = [{transform_indices = @transform_0, window_bounds = array<i64: 1000, 128>}, {transform_indices = @transform_1, window_bounds = array<i64: 1000, 2>}, {transform_indices = @transform_2, window_bounds = array<i64: 1000, 128>}]} {
    %get3A = arith.constant 0 : index
    %get3A_0 = arith.constant 0 : index
    %get3A_1 = vector.load %arg1[%get3A, %get3A_0] : memref<1000x128xf32, #tpu.memory_space<vmem>>, vector<1000x128xf32>
    %get3A_2 = arith.constant 0 : index
    %get3A_3 = arith.constant 0 : index
    %get3A_4 = vector.load %arg2[%get3A_2, %get3A_3] : memref<1000x2xf32, #tpu.memory_space<vmem>>, vector<1000x1xf32>
    %get3A_5 = vector.shape_cast %get3A_4 : vector<1000x1xf32> to vector<1000xf32>
    %get3A_6 = arith.constant 0 : index
    %get3A_7 = arith.constant 1 : index
    %get3A_8 = vector.load %arg2[%get3A_6, %get3A_7] : memref<1000x2xf32, #tpu.memory_space<vmem>>, vector<1000x1xf32>
    %get3A_9 = vector.shape_cast %get3A_8 : vector<1000x1xf32> to vector<1000xf32>
    %add3A = arith.addf %get3A_5, %get3A_9 : vector<1000xf32>
    %add3A_10 = arith.constant 1.000000e+00 : f32
    %add3A_11 = vector.broadcast %add3A_10 : f32 to vector<1000xf32>
    %add3A_12 = arith.addf %add3A, %add3A_11 : vector<1000xf32>
    %rsqrt3A = math.rsqrt %add3A_12 : vector<1000xf32>
    %broadcast_in_dim3A = vector.shape_cast %rsqrt3A : vector<1000xf32> to vector<1000x1xf32>
    %mul3A = vector.broadcast %broadcast_in_dim3A : vector<1000x1xf32> to vector<1000x128xf32>
    %mul3A_13 = arith.mulf %get3A_1, %mul3A : vector<1000x128xf32>
    %swap3A = arith.constant 0 : index
    %swap3A_14 = arith.constant 0 : index
    %swap3A_15 = vector.load %arg3[%swap3A, %swap3A_14] : memref<1000x128xf32, #tpu.memory_space<vmem>>, vector<1000x128xf32>
    tpu.vector_store %arg3[%swap3A, %swap3A_14], %mul3A_13 {strides = array<i32>} : memref<1000x128xf32, #tpu.memory_space<vmem>>, vector<1000x128xf32>,
    return
  }
  func.func @transform_0(%arg0: i32) -> (i32, i32) {
    %c0_i32 = arith.constant 0 : i32
    %c0_i32_0 = arith.constant 0 : i32
    return %arg0, %c0_i32 : i32, i32
  }
  func.func @transform_1(%arg0: i32) -> (i32, i32) {
    %c0_i32 = arith.constant 0 : i32
    %c0_i32_0 = arith.constant 0 : i32
    return %arg0, %c0_i32 : i32, i32
  }
  func.func @transform_2(%arg0: i32) -> (i32, i32) {
    %c0_i32 = arith.constant 0 : i32
    %c0_i32_0 = arith.constant 0 : i32
    return %arg0, %c0_i32 : i32, i32
  }
}

module attributes {stable_mosaic.version = 14 : i64} {
  func.func @_combine_body(%arg0: i32, %arg1: memref<2x1000x128xf32, #tpu.memory_space<vmem>>, %arg2: memref<1000x128xf32, #tpu.memory_space<vmem>>, %arg3: memref<1000x2xf32, #tpu.memory_space<vmem>>, %arg4: memref<1x128xf32, #tpu.memory_space<vmem>>, %arg5: memref<1000x128xf32, #tpu.memory_space<vmem>>, %arg6: memref<2x128xf32, #tpu.memory_space<vmem>>) attributes {dimension_semantics = [#tpu.dimension_semantics<arbitrary>], iteration_bounds = array<i64: 10>, scalar_prefetch = 0 : i64, scratch_operands = 0 : i64, tpu.core_type = #tpu.core_type<tc>, window_params = [{transform_indices = @transform_0, window_bounds = array<i64: 2, 1000, 128>}, {transform_indices = @transform_1, window_bounds = array<i64: 1000, 128>}, {transform_indices = @transform_2, window_bounds = array<i64: 1000, 2>}, {pipeline_mode = #tpu.pipeline_mode<synchronous>, transform_indices = @transform_3, window_bounds = array<i64: 1, 128>}, {transform_indices = @transform_4, window_bounds = array<i64: 1000, 128>}, {pipeline_mode = #tpu.pipeline_mode<synchronous>, transform_indices = @transform_5, window_bounds = array<i64: 2, 128>}]} {
    %get3A = arith.constant 0 : index
    %get3A_0 = arith.constant 0 : index
    %get3A_1 = vector.load %arg3[%get3A, %get3A_0] : memref<1000x2xf32, #tpu.memory_space<vmem>>, vector<1000x1xf32>
    %get3A_2 = vector.shape_cast %get3A_1 : vector<1000x1xf32> to vector<1000xf32>
    %get3A_3 = arith.constant 0 : index
    %get3A_4 = arith.constant 1 : index
    %get3A_5 = vector.load %arg3[%get3A_3, %get3A_4] : memref<1000x2xf32, #tpu.memory_space<vmem>>, vector<1000x1xf32>
    %get3A_6 = vector.shape_cast %get3A_5 : vector<1000x1xf32> to vector<1000xf32>
    %add3A = arith.addf %get3A_2, %get3A_6 : vector<1000xf32>
    %add3A_7 = arith.constant 1.000000e+00 : f32
    %add3A_8 = vector.broadcast %add3A_7 : f32 to vector<1000xf32>
    %add3A_9 = arith.addf %add3A, %add3A_8 : vector<1000xf32>
    %rsqrt3A = math.rsqrt %add3A_9 : vector<1000xf32>
    %get3A_10 = arith.constant 0 : index
    %get3A_11 = arith.constant 0 : index
    %get3A_12 = arith.constant 0 : index
    %get3A_13 = vector.load %arg1[%get3A_10, %get3A_11, %get3A_12] : memref<2x1000x128xf32, #tpu.memory_space<vmem>>, vector<1x1000x128xf32>
    %get3A_14 = vector.shape_cast %get3A_13 : vector<1x1000x128xf32> to vector<1000x128xf32>
    %get3A_15 = arith.constant 1 : index
    %get3A_16 = arith.constant 0 : index
    %get3A_17 = arith.constant 0 : index
    %get3A_18 = vector.load %arg1[%get3A_15, %get3A_16, %get3A_17] : memref<2x1000x128xf32, #tpu.memory_space<vmem>>, vector<1x1000x128xf32>
    %get3A_19 = vector.shape_cast %get3A_18 : vector<1x1000x128xf32> to vector<1000x128xf32>
    %add3A_20 = arith.addf %get3A_14, %get3A_19 : vector<1000x128xf32>
    %get3A_21 = arith.constant 0 : index
    %get3A_22 = arith.constant 0 : index
    %get3A_23 = vector.load %arg2[%get3A_21, %get3A_22] : memref<1000x128xf32, #tpu.memory_space<vmem>>, vector<1000x128xf32>
    %add3A_24 = arith.addf %add3A_20, %get3A_23 : vector<1000x128xf32>
    %broadcast_in_dim3A = vector.shape_cast %rsqrt3A : vector<1000xf32> to vector<1000x1xf32>
    %mul3A = vector.broadcast %broadcast_in_dim3A : vector<1000x1xf32> to vector<1000x128xf32>
    %mul3A_25 = arith.mulf %add3A_24, %mul3A : vector<1000x128xf32>
    %get3A_26 = arith.constant 0 : index
    %get3A_27 = arith.constant 0 : index
    %get3A_28 = vector.load %arg4[%get3A_26, %get3A_27] : memref<1x128xf32, #tpu.memory_space<vmem>>, vector<1x128xf32>
    %add3A_29 = vector.broadcast %get3A_28 : vector<1x128xf32> to vector<1000x128xf32>
    %add3A_30 = arith.addf %mul3A_25, %add3A_29 : vector<1000x128xf32>
    %swap3A = arith.constant 0 : index
    %swap3A_31 = arith.constant 0 : index
    %swap3A_32 = vector.load %arg5[%swap3A, %swap3A_31] : memref<1000x128xf32, #tpu.memory_space<vmem>>, vector<1000x128xf32>
    tpu.vector_store %arg5[%swap3A, %swap3A_31], %add3A_30 {strides = array<i32>} : memref<1000x128xf32, #tpu.memory_space<vmem>>, vector<1000x128xf32>,
    %reduce_sum3A = arith.constant dense<0.000000e+00> : vector<128xf32>
    %reduce_sum3A_33 = vector.multi_reduction <add>, %add3A_30, %reduce_sum3A [0] : vector<1000x128xf32> to vector<128xf32>
    %broadcast_in_dim3A_34 = vector.shape_cast %reduce_sum3A_33 : vector<128xf32> to vector<1x128xf32>
    %mul3A_35 = arith.mulf %add3A_30, %add3A_30 : vector<1000x128xf32>
    %reduce_sum3A_36 = arith.constant dense<0.000000e+00> : vector<128xf32>
    %reduce_sum3A_37 = vector.multi_reduction <add>, %mul3A_35, %reduce_sum3A_36 [0] : vector<1000x128xf32> to vector<128xf32>
    %broadcast_in_dim3A_38 = vector.shape_cast %reduce_sum3A_37 : vector<128xf32> to vector<1x128xf32>
    %concatenate3A = tpu.concatenate %broadcast_in_dim3A_34, %broadcast_in_dim3A_38 in 0 : vector<1x128xf32>, vector<1x128xf32> -> vector<2x128xf32>
    %eq3A = arith.constant 0 : i32
    %eq3A_39 = arith.cmpi eq, %arg0, %eq3A : i32
    %convert_element_type3A = arith.extui %eq3A_39 : i1 to i32
    %cond3A = arith.constant 0 : i32
    %cond3A_40 = arith.cmpi ne, %convert_element_type3A, %cond3A : i32
    scf.if %cond3A_40 {
      %swap3A_45 = arith.constant 0 : index
      %swap3A_46 = arith.constant 0 : index
      %swap3A_47 = vector.load %arg6[%swap3A_45, %swap3A_46] : memref<2x128xf32, #tpu.memory_space<vmem>>, vector<2x128xf32>
      tpu.vector_store %arg6[%swap3A_45, %swap3A_46], %concatenate3A {strides = array<i32>} : memref<2x128xf32, #tpu.memory_space<vmem>>, vector<2x128xf32>,
    } else {
    }
    %gt3A = arith.constant 0 : i32
    %gt3A_41 = arith.cmpi sgt, %arg0, %gt3A : i32
    %convert_element_type3A_42 = arith.extui %gt3A_41 : i1 to i32
    %cond3A_43 = arith.constant 0 : i32
    %cond3A_44 = arith.cmpi ne, %convert_element_type3A_42, %cond3A_43 : i32
    scf.if %cond3A_44 {
      %get3A_45 = arith.constant 0 : index
      %get3A_46 = arith.constant 0 : index
      %get3A_47 = vector.load %arg6[%get3A_45, %get3A_46] : memref<2x128xf32, #tpu.memory_space<vmem>>, vector<2x128xf32>
      %add3A_48 = arith.addf %get3A_47, %concatenate3A : vector<2x128xf32>
      %swap3A_49 = arith.constant 0 : index
      %swap3A_50 = arith.constant 0 : index
      %swap3A_51 = vector.load %arg6[%swap3A_49, %swap3A_50] : memref<2x128xf32, #tpu.memory_space<vmem>>, vector<2x128xf32>
      tpu.vector_store %arg6[%swap3A_49, %swap3A_50], %add3A_48 {strides = array<i32>} : memref<2x128xf32, #tpu.memory_space<vmem>>, vector<2x128xf32>,
    } else {
    }
    return
  }
  func.func @transform_0(%arg0: i32) -> (i32, i32, i32) {
    %c0_i32 = arith.constant 0 : i32
    %c0_i32_0 = arith.constant 0 : i32
    %c0_i32_1 = arith.constant 0 : i32
    return %c0_i32, %arg0, %c0_i32_0 : i32, i32, i32
  }
  func.func @transform_1(%arg0: i32) -> (i32, i32) {
    %c0_i32 = arith.constant 0 : i32
    %c0_i32_0 = arith.constant 0 : i32
    return %arg0, %c0_i32 : i32, i32
  }
  func.func @transform_2(%arg0: i32) -> (i32, i32) {
    %c0_i32 = arith.constant 0 : i32
    %c0_i32_0 = arith.constant 0 : i32
    return %arg0, %c0_i32 : i32, i32
  }
  func.func @transform_3(%arg0: i32) -> (i32, i32) {
    %c0_i32 = arith.constant 0 : i32
    %c0_i32_0 = arith.constant 0 : i32
    %c0_i32_1 = arith.constant 0 : i32
    return %c0_i32, %c0_i32_0 : i32, i32
  }
  func.func @transform_4(%arg0: i32) -> (i32, i32) {
    %c0_i32 = arith.constant 0 : i32
    %c0_i32_0 = arith.constant 0 : i32
    return %arg0, %c0_i32 : i32, i32
  }
  func.func @transform_5(%arg0: i32) -> (i32, i32) {
    %c0_i32 = arith.constant 0 : i32
    %c0_i32_0 = arith.constant 0 : i32
    %c0_i32_1 = arith.constant 0 : i32
    return %c0_i32, %c0_i32_0 : i32, i32
  }
}

module attributes {stable_mosaic.version = 14 : i64} {
  func.func @_normmm_body(%arg0: i32, %arg1: memref<1000x128xf32, #tpu.memory_space<vmem>>, %arg2: memref<2x128xf32, #tpu.memory_space<vmem>>, %arg3: memref<1x128xf32, #tpu.memory_space<vmem>>, %arg4: memref<1x128xf32, #tpu.memory_space<vmem>>, %arg5: memref<128x128xf32, #tpu.memory_space<vmem>>, %arg6: memref<1000x2xf32, #tpu.memory_space<vmem>>, %arg7: memref<1000x128xf32, #tpu.memory_space<vmem>>) attributes {dimension_semantics = [#tpu.dimension_semantics<arbitrary>], iteration_bounds = array<i64: 10>, scalar_prefetch = 0 : i64, scratch_operands = 0 : i64, tpu.core_type = #tpu.core_type<tc>, window_params = [{transform_indices = @transform_0, window_bounds = array<i64: 1000, 128>}, {pipeline_mode = #tpu.pipeline_mode<synchronous>, transform_indices = @transform_1, window_bounds = array<i64: 2, 128>}, {pipeline_mode = #tpu.pipeline_mode<synchronous>, transform_indices = @transform_2, window_bounds = array<i64: 1, 128>}, {pipeline_mode = #tpu.pipeline_mode<synchronous>, transform_indices = @transform_3, window_bounds = array<i64: 1, 128>}, {pipeline_mode = #tpu.pipeline_mode<synchronous>, transform_indices = @transform_4, window_bounds = array<i64: 128, 128>}, {transform_indices = @transform_5, window_bounds = array<i64: 1000, 2>}, {transform_indices = @transform_6, window_bounds = array<i64: 1000, 128>}]} {
    %get3A = arith.constant 0 : index
    %get3A_0 = arith.constant 0 : index
    %get3A_1 = vector.load %arg2[%get3A, %get3A_0] : memref<2x128xf32, #tpu.memory_space<vmem>>, vector<1x128xf32>
    %get3A_2 = vector.shape_cast %get3A_1 : vector<1x128xf32> to vector<128xf32>
    %mul3A = arith.constant 9.99999974E-5 : f32
    %mul3A_3 = vector.broadcast %mul3A : f32 to vector<128xf32>
    %mul3A_4 = arith.mulf %get3A_2, %mul3A_3 : vector<128xf32>
    %get3A_5 = arith.constant 1 : index
    %get3A_6 = arith.constant 0 : index
    %get3A_7 = vector.load %arg2[%get3A_5, %get3A_6] : memref<2x128xf32, #tpu.memory_space<vmem>>, vector<1x128xf32>
    %get3A_8 = vector.shape_cast %get3A_7 : vector<1x128xf32> to vector<128xf32>
    %mul3A_9 = arith.constant 9.99999974E-5 : f32
    %mul3A_10 = vector.broadcast %mul3A_9 : f32 to vector<128xf32>
    %mul3A_11 = arith.mulf %get3A_8, %mul3A_10 : vector<128xf32>
    %mul3A_12 = arith.mulf %mul3A_4, %mul3A_4 : vector<128xf32>
    %sub3A = arith.subf %mul3A_11, %mul3A_12 : vector<128xf32>
    %add3A = arith.constant 9.99999974E-6 : f32
    %add3A_13 = vector.broadcast %add3A : f32 to vector<128xf32>
    %add3A_14 = arith.addf %sub3A, %add3A_13 : vector<128xf32>
    %rsqrt3A = math.rsqrt %add3A_14 : vector<128xf32>
    %get3A_15 = arith.constant 0 : index
    %get3A_16 = arith.constant 0 : index
    %get3A_17 = vector.load %arg1[%get3A_15, %get3A_16] : memref<1000x128xf32, #tpu.memory_space<vmem>>, vector<1000x128xf32>
    %broadcast_in_dim3A = vector.shape_cast %mul3A_4 : vector<128xf32> to vector<1x128xf32>
    %sub3A_18 = vector.broadcast %broadcast_in_dim3A : vector<1x128xf32> to vector<1000x128xf32>
    %sub3A_19 = arith.subf %get3A_17, %sub3A_18 : vector<1000x128xf32>
    %broadcast_in_dim3A_20 = vector.shape_cast %rsqrt3A : vector<128xf32> to vector<1x128xf32>
    %get3A_21 = arith.constant 0 : index
    %get3A_22 = arith.constant 0 : index
    %get3A_23 = vector.load %arg3[%get3A_21, %get3A_22] : memref<1x128xf32, #tpu.memory_space<vmem>>, vector<1x128xf32>
    %mul3A_24 = arith.mulf %broadcast_in_dim3A_20, %get3A_23 : vector<1x128xf32>
    %mul3A_25 = vector.broadcast %mul3A_24 : vector<1x128xf32> to vector<1000x128xf32>
    %mul3A_26 = arith.mulf %sub3A_19, %mul3A_25 : vector<1000x128xf32>
    %get3A_27 = arith.constant 0 : index
    %get3A_28 = arith.constant 0 : index
    %get3A_29 = vector.load %arg4[%get3A_27, %get3A_28] : memref<1x128xf32, #tpu.memory_space<vmem>>, vector<1x128xf32>
    %add3A_30 = vector.broadcast %get3A_29 : vector<1x128xf32> to vector<1000x128xf32>
    %add3A_31 = arith.addf %mul3A_26, %add3A_30 : vector<1000x128xf32>
    %max3A = arith.constant 0.000000e+00 : f32
    %max3A_32 = vector.broadcast %max3A : f32 to vector<1000x128xf32>
    %max3A_33 = arith.maximumf %add3A_31, %max3A_32 : vector<1000x128xf32>
    %get3A_34 = arith.constant 0 : index
    %get3A_35 = arith.constant 0 : index
    %get3A_36 = vector.load %arg5[%get3A_34, %get3A_35] : memref<128x128xf32, #tpu.memory_space<vmem>>, vector<128x128xf32>
    %dot_general3A = arith.constant dense<0.000000e+00> : vector<1000x128xf32>
    %dot_general3A_37 = tpu.matmul %max3A_33, %get3A_36, %dot_general3A {dimension_numbers = #tpu.dot_dimension_numbers<[1], [0], [0], [1], [0, 0, 1, 1], [], []>, precision = #tpu.contract_precision<fp32>, transpose_lhs_hint = false} : vector<1000x128xf32>, vector<128x128xf32>, vector<1000x128xf32> -> vector<1000x128xf32>
    %get3A_38 = arith.constant 0 : index
    %get3A_39 = arith.constant 0 : index
    %get3A_40 = vector.load %arg6[%get3A_38, %get3A_39] : memref<1000x2xf32, #tpu.memory_space<vmem>>, vector<1000x1xf32>
    %get3A_41 = vector.shape_cast %get3A_40 : vector<1000x1xf32> to vector<1000xf32>
    %get3A_42 = arith.constant 0 : index
    %get3A_43 = arith.constant 1 : index
    %get3A_44 = vector.load %arg6[%get3A_42, %get3A_43] : memref<1000x2xf32, #tpu.memory_space<vmem>>, vector<1000x1xf32>
    %get3A_45 = vector.shape_cast %get3A_44 : vector<1000x1xf32> to vector<1000xf32>
    %add3A_46 = arith.addf %get3A_41, %get3A_45 : vector<1000xf32>
    %add3A_47 = arith.constant 1.000000e+00 : f32
    %add3A_48 = vector.broadcast %add3A_47 : f32 to vector<1000xf32>
    %add3A_49 = arith.addf %add3A_46, %add3A_48 : vector<1000xf32>
    %rsqrt3A_50 = math.rsqrt %add3A_49 : vector<1000xf32>
    %broadcast_in_dim3A_51 = vector.shape_cast %rsqrt3A_50 : vector<1000xf32> to vector<1000x1xf32>
    %mul3A_52 = vector.broadcast %broadcast_in_dim3A_51 : vector<1000x1xf32> to vector<1000x128xf32>
    %mul3A_53 = arith.mulf %dot_general3A_37, %mul3A_52 : vector<1000x128xf32>
    %swap3A = arith.constant 0 : index
    %swap3A_54 = arith.constant 0 : index
    %swap3A_55 = vector.load %arg7[%swap3A, %swap3A_54] : memref<1000x128xf32, #tpu.memory_space<vmem>>, vector<1000x128xf32>
    tpu.vector_store %arg7[%swap3A, %swap3A_54], %mul3A_53 {strides = array<i32>} : memref<1000x128xf32, #tpu.memory_space<vmem>>, vector<1000x128xf32>,
    return
  }
  func.func @transform_0(%arg0: i32) -> (i32, i32) {
    %c0_i32 = arith.constant 0 : i32
    %c0_i32_0 = arith.constant 0 : i32
    return %arg0, %c0_i32 : i32, i32
  }
  func.func @transform_1(%arg0: i32) -> (i32, i32) {
    %c0_i32 = arith.constant 0 : i32
    %c0_i32_0 = arith.constant 0 : i32
    %c0_i32_1 = arith.constant 0 : i32
    return %c0_i32, %c0_i32_0 : i32, i32
  }
  func.func @transform_2(%arg0: i32) -> (i32, i32) {
    %c0_i32 = arith.constant 0 : i32
    %c0_i32_0 = arith.constant 0 : i32
    %c0_i32_1 = arith.constant 0 : i32
    return %c0_i32, %c0_i32_0 : i32, i32
  }
  func.func @transform_3(%arg0: i32) -> (i32, i32) {
    %c0_i32 = arith.constant 0 : i32
    %c0_i32_0 = arith.constant 0 : i32
    %c0_i32_1 = arith.constant 0 : i32
    return %c0_i32, %c0_i32_0 : i32, i32
  }
  func.func @transform_4(%arg0: i32) -> (i32, i32) {
    %c0_i32 = arith.constant 0 : i32
    %c0_i32_0 = arith.constant 0 : i32
    %c0_i32_1 = arith.constant 0 : i32
    return %c0_i32, %c0_i32_0 : i32, i32
  }
  func.func @transform_5(%arg0: i32) -> (i32, i32) {
    %c0_i32 = arith.constant 0 : i32
    %c0_i32_0 = arith.constant 0 : i32
    return %arg0, %c0_i32 : i32, i32
  }
  func.func @transform_6(%arg0: i32) -> (i32, i32) {
    %c0_i32 = arith.constant 0 : i32
    %c0_i32_0 = arith.constant 0 : i32
    return %arg0, %c0_i32 : i32, i32
  }
}

module attributes {stable_mosaic.version = 14 : i64} {
  func.func @_final_body(%arg0: i32, %arg1: memref<1000x128xf32, #tpu.memory_space<vmem>>, %arg2: memref<2x128xf32, #tpu.memory_space<vmem>>, %arg3: memref<1x128xf32, #tpu.memory_space<vmem>>, %arg4: memref<1x128xf32, #tpu.memory_space<vmem>>, %arg5: memref<1000x128xf32, #tpu.memory_space<vmem>>) attributes {dimension_semantics = [#tpu.dimension_semantics<arbitrary>], iteration_bounds = array<i64: 10>, scalar_prefetch = 0 : i64, scratch_operands = 0 : i64, tpu.core_type = #tpu.core_type<tc>, window_params = [{transform_indices = @transform_0, window_bounds = array<i64: 1000, 128>}, {pipeline_mode = #tpu.pipeline_mode<synchronous>, transform_indices = @transform_1, window_bounds = array<i64: 2, 128>}, {pipeline_mode = #tpu.pipeline_mode<synchronous>, transform_indices = @transform_2, window_bounds = array<i64: 1, 128>}, {pipeline_mode = #tpu.pipeline_mode<synchronous>, transform_indices = @transform_3, window_bounds = array<i64: 1, 128>}, {transform_indices = @transform_4, window_bounds = array<i64: 1000, 128>}]} {
    %get3A = arith.constant 0 : index
    %get3A_0 = arith.constant 0 : index
    %get3A_1 = vector.load %arg2[%get3A, %get3A_0] : memref<2x128xf32, #tpu.memory_space<vmem>>, vector<1x128xf32>
    %get3A_2 = vector.shape_cast %get3A_1 : vector<1x128xf32> to vector<128xf32>
    %mul3A = arith.constant 9.99999974E-5 : f32
    %mul3A_3 = vector.broadcast %mul3A : f32 to vector<128xf32>
    %mul3A_4 = arith.mulf %get3A_2, %mul3A_3 : vector<128xf32>
    %get3A_5 = arith.constant 1 : index
    %get3A_6 = arith.constant 0 : index
    %get3A_7 = vector.load %arg2[%get3A_5, %get3A_6] : memref<2x128xf32, #tpu.memory_space<vmem>>, vector<1x128xf32>
    %get3A_8 = vector.shape_cast %get3A_7 : vector<1x128xf32> to vector<128xf32>
    %mul3A_9 = arith.constant 9.99999974E-5 : f32
    %mul3A_10 = vector.broadcast %mul3A_9 : f32 to vector<128xf32>
    %mul3A_11 = arith.mulf %get3A_8, %mul3A_10 : vector<128xf32>
    %mul3A_12 = arith.mulf %mul3A_4, %mul3A_4 : vector<128xf32>
    %sub3A = arith.subf %mul3A_11, %mul3A_12 : vector<128xf32>
    %add3A = arith.constant 9.99999974E-6 : f32
    %add3A_13 = vector.broadcast %add3A : f32 to vector<128xf32>
    %add3A_14 = arith.addf %sub3A, %add3A_13 : vector<128xf32>
    %rsqrt3A = math.rsqrt %add3A_14 : vector<128xf32>
    %get3A_15 = arith.constant 0 : index
    %get3A_16 = arith.constant 0 : index
    %get3A_17 = vector.load %arg1[%get3A_15, %get3A_16] : memref<1000x128xf32, #tpu.memory_space<vmem>>, vector<1000x128xf32>
    %broadcast_in_dim3A = vector.shape_cast %mul3A_4 : vector<128xf32> to vector<1x128xf32>
    %sub3A_18 = vector.broadcast %broadcast_in_dim3A : vector<1x128xf32> to vector<1000x128xf32>
    %sub3A_19 = arith.subf %get3A_17, %sub3A_18 : vector<1000x128xf32>
    %broadcast_in_dim3A_20 = vector.shape_cast %rsqrt3A : vector<128xf32> to vector<1x128xf32>
    %get3A_21 = arith.constant 0 : index
    %get3A_22 = arith.constant 0 : index
    %get3A_23 = vector.load %arg3[%get3A_21, %get3A_22] : memref<1x128xf32, #tpu.memory_space<vmem>>, vector<1x128xf32>
    %mul3A_24 = arith.mulf %broadcast_in_dim3A_20, %get3A_23 : vector<1x128xf32>
    %mul3A_25 = vector.broadcast %mul3A_24 : vector<1x128xf32> to vector<1000x128xf32>
    %mul3A_26 = arith.mulf %sub3A_19, %mul3A_25 : vector<1000x128xf32>
    %get3A_27 = arith.constant 0 : index
    %get3A_28 = arith.constant 0 : index
    %get3A_29 = vector.load %arg4[%get3A_27, %get3A_28] : memref<1x128xf32, #tpu.memory_space<vmem>>, vector<1x128xf32>
    %add3A_30 = vector.broadcast %get3A_29 : vector<1x128xf32> to vector<1000x128xf32>
    %add3A_31 = arith.addf %mul3A_26, %add3A_30 : vector<1000x128xf32>
    %max3A = arith.constant 0.000000e+00 : f32
    %max3A_32 = vector.broadcast %max3A : f32 to vector<1000x128xf32>
    %max3A_33 = arith.maximumf %add3A_31, %max3A_32 : vector<1000x128xf32>
    %swap3A = arith.constant 0 : index
    %swap3A_34 = arith.constant 0 : index
    %swap3A_35 = vector.load %arg5[%swap3A, %swap3A_34] : memref<1000x128xf32, #tpu.memory_space<vmem>>, vector<1000x128xf32>
    tpu.vector_store %arg5[%swap3A, %swap3A_34], %max3A_33 {strides = array<i32>} : memref<1000x128xf32, #tpu.memory_space<vmem>>, vector<1000x128xf32>,
    return
  }
  func.func @transform_0(%arg0: i32) -> (i32, i32) {
    %c0_i32 = arith.constant 0 : i32
    %c0_i32_0 = arith.constant 0 : i32
    return %arg0, %c0_i32 : i32, i32
  }
  func.func @transform_1(%arg0: i32) -> (i32, i32) {
    %c0_i32 = arith.constant 0 : i32
    %c0_i32_0 = arith.constant 0 : i32
    %c0_i32_1 = arith.constant 0 : i32
    return %c0_i32, %c0_i32_0 : i32, i32
  }
  func.func @transform_2(%arg0: i32) -> (i32, i32) {
    %c0_i32 = arith.constant 0 : i32
    %c0_i32_0 = arith.constant 0 : i32
    %c0_i32_1 = arith.constant 0 : i32
    return %c0_i32, %c0_i32_0 : i32, i32
  }
  func.func @transform_3(%arg0: i32) -> (i32, i32) {
    %c0_i32 = arith.constant 0 : i32
    %c0_i32_0 = arith.constant 0 : i32
    %c0_i32_1 = arith.constant 0 : i32
    return %c0_i32, %c0_i32_0 : i32, i32
  }
  func.func @transform_4(%arg0: i32) -> (i32, i32) {
    %c0_i32 = arith.constant 0 : i32
    %c0_i32_0 = arith.constant 0 : i32
    return %arg0, %c0_i32 : i32, i32
  }
}

</mosaic_0001>

<sc_bundles>
// kernel: kernel.11.cloned.1.call-start
scs
__scs_entry_jumppad:
0x0: {  	(pc) =	sbr.rel $0x88, $3  }
0x1: {  	(tag) =	ssettag $0x0;
	lr =	simm.s32 $0x1  }
0x2: {  	[smem:$0x3F97] =	sst lr;
	_ =	strace $0xD0000000  }
0x3: {  	_ = 	snop  }
0x4: {  	_ = 	snop  }
0x5: {  	_ = 	snop  }
0x6: {  	_ = 	snop  }
0x7: {  	_ = 	snop  }
__scs_overlays_trampoline_lowered:
0x8: {  	[smem:$0x3FA6] =	sst s0  }
0x9: {  	[smem:$0x3FA7] =	sst s1  }
0xa: {  	[smem:$0x3FA8] =	sst s2  }
0xb: {  	[smem:$0x3FA9] =	sst s3  }
0xc: {  	[smem:$0x3FAA] =	sst s4  }
0xd: {  	[smem:$0x3FAB] =	sst s5  }
0xe: {  	[smem:$0x3FAC] =	sst s6  }
0xf: {  	[smem:$0x3FAD] =	sst s7  }
0x10: {  	[smem:$0x3FAE] =	sst s8  }
0x11: {  	[smem:$0x3FAF] =	sst s9;
	s0 =	simm.s32 @!p0 $0x0  }
0x12: {  	s1 =	sld [smem:$0x3F95];
	s0 =	simm.s32 @p0 $0x1  }
0x13: {  	[smem:$0x3FB0] =	sst s0;
	s0 =	simm.s32 @!p1 $0x0  }
0x14: {  	s2 =	sld [smem:$0x3F94];
	s0 =	simm.s32 @p1 $0x1  }
0x15: {  	[smem:$0x3FB1] =	sst s0;
	s0 =	simm.s32 @!p2 $0x0  }
0x16: {  	s3 =	sld [smem:$0x3FDB];
	s0 =	simm.s32 @p2 $0x1  }
0x17: {  	s4 =	simm.s32 $0x1BF5;
	[smem:$0x3FB3] =	sst s0  }
0x18: {  	s0 =	sld [smem:$0x3F96];
	_ =	swait.ge [sflag:s4], $0x0  }
0x19: {  	s7 =	sld [smem:$0x3F97]  }
0x1a: {  	s8 =	sadd.s32 $0xFFFFE003, lr  }
0x1b: {  	s9 =	sadd.s32 $0xFFFFFEF7, lr;
	s5 =	simm.s32 $0xFFFFFFFF;
	p2 =	slt.u32 s8, $0xFFFFF086  }
0x1c: {  	p1 =	slt.u32 s9, $0xF7A;
	s5 =	simm.s32 @!p2 $0x0  }
0x1d: {  	s5 =	simm.s32 @p1 $0x1;
	p0 =	seq.s32 s7, s2  }
0x1e: {  	s7 =	smul.u32 @!p0 $0xF7A, s2;
	p2 =	seq.s32 @!p0 s5, $0x0  }
0x1f: {  	s9 =	smul.u32 $0xF7A, s1;
	s8 =	simm.s32 @!p0 $0x1BF5;
	p2 =	por !p2, p0  }
0x20: {  	[sflag:s8] =	ssyncset.s32 @!p0 $0xFFFFF086;
	s6 =	sadd.s32 @!p0 s3, s7;
	s7 =	simm.s32 @!p0 $0x108  }
0x21: {  	s3 =	sadd.s32 s3, s9;
	s6 =	sadd.s32 @!p0 $0x88, s6;
	s7 =	simm.s32 @p2 $0x1082  }
0x22: {  	[simem:s7], [sflag:s8] =	dma.local @!p0 [hbm:s6], $0xF7A  }
0x23: {  	s9 =	sor.u32 $0xD0000000, s2;
	s6 =	simm.s32 $0x108;
	_ =	swait.ge @!p0 [sflag:s8], $0x0  }
0x24: {  	s3 =	sadd.s32 $0x88, s3;
	s6 =	simm.s32 @!p1 $0x1082;
	[sflag:s4] =	ssyncset.s32 $0xFFFFF086  }
0x25: {  	[simem:s6], [sflag:s4] =	dma.local [hbm:s3], $0xF7A  }
0x26: {  	[smem:$0x3F97] =	sst s1;
	(tag) =	ssettag s2;
	_ =	strace s9  }
0x27: {  	s1 =	sld [smem:$0x3FA7]  }
0x28: {  	s2 =	sld [smem:$0x3FA8]  }
0x29: {  	s4 =	sld [smem:$0x3FAA]  }
0x2a: {  	p0 =	seq.s32 s5, $0x0;
	s5 =	sld [smem:$0x3FAB]  }
0x2b: {  	s6 =	sld [smem:$0x3FAC]  }
0x2c: {  	s7 =	sld [smem:$0x3FAD]  }
0x2d: {  	s3 =	simm.s32 $0x108;
	s8 =	sld [smem:$0x3FAE]  }
0x2e: {  	s3 =	simm.s32 @!p0 $0x1082;
	s9 =	sld [smem:$0x3FAF]  }
0x2f: {  	lr =	sadd.s32 s0, s3;
	s0 =	sld [smem:$0x3FA6]  }
0x30: {  	s3 =	sld [smem:$0x3FA9]  }
0x31: {  	[smem:$0x3FB2] =	sst s10  }
0x32: {  	s10 =	sld [smem:$0x3FB0];
	_ =	sdelay $0x3  }
0x33: {  	p0 =	seq.s32 s10, $0x1;
	s10 =	sld [smem:$0x3FB2];
	_ =	sdelay $0x3  }
0x34: {  	[smem:$0x3FB2] =	sst s10  }
0x35: {  	s10 =	sld [smem:$0x3FB1];
	_ =	sdelay $0x3  }
0x36: {  	p1 =	seq.s32 s10, $0x1;
	s10 =	sld [smem:$0x3FB2];
	_ =	sdelay $0x3  }
0x37: {  	[smem:$0x3FB2] =	sst s10  }
0x38: {  	s10 =	sld [smem:$0x3FB3]  }
0x39: {  	_ = 	snop;
	(pc) =	sbr.ind lr, $3  }
0x3a: {  	_ = 	snop  }
0x3b: {  	_ = 	snop  }
0x3c: {  	p2 =	seq.s32 s10, $0x1;
	s10 =	sld [smem:$0x3FB2]  }
0x3d: {  	_ =	shalt  }
0x3e: {  	_ =	shalt  }
0x3f: {  	_ =	shalt  }
0x40: {  	_ =	shalt  }
0x41: {  	_ =	shalt  }
0x42: {  	_ =	shalt  }
0x43: {  	_ =	shalt  }
0x44: {  	_ =	shalt  }
0x45: {  	_ =	shalt  }
0x46: {  	_ =	shalt  }
0x47: {  	_ =	shalt  }
0x48: {  	_ =	shalt  }
0x49: {  	_ =	shalt  }
0x4a: {  	_ =	shalt  }
0x4b: {  	_ =	shalt  }
0x4c: {  	_ =	shalt  }
0x4d: {  	_ =	shalt  }
0x4e: {  	_ =	shalt  }
0x4f: {  	_ =	shalt  }
0x50: {  	_ =	shalt  }
0x51: {  	_ =	shalt  }
0x52: {  	_ =	shalt  }
0x53: {  	_ =	shalt  }
0x54: {  	_ =	shalt  }
0x55: {  	_ =	shalt  }
0x56: {  	_ =	shalt  }
0x57: {  	_ =	shalt  }
0x58: {  	_ =	shalt  }
0x59: {  	_ =	shalt  }
0x5a: {  	_ =	shalt  }
0x5b: {  	_ =	shalt  }
0x5c: {  	_ =	shalt  }
0x5d: {  	_ =	shalt  }
0x5e: {  	_ =	shalt  }
0x5f: {  	_ =	shalt  }
0x60: {  	_ =	shalt  }
0x61: {  	_ =	shalt  }
0x62: {  	_ =	shalt  }
0x63: {  	_ =	shalt  }
0x64: {  	_ =	shalt  }
0x65: {  	_ =	shalt  }
0x66: {  	_ =	shalt  }
0x67: {  	_ =	shalt  }
0x68: {  	_ =	shalt  }
0x69: {  	_ =	shalt  }
0x6a: {  	_ =	shalt  }
0x6b: {  	_ =	shalt  }
0x6c: {  	_ =	shalt  }
0x6d: {  	_ =	shalt  }
0x6e: {  	_ =	shalt  }
0x6f: {  	_ =	shalt  }
0x70: {  	_ =	shalt  }
0x71: {  	_ =	shalt  }
0x72: {  	_ =	shalt  }
0x73: {  	_ =	shalt  }
0x74: {  	_ =	shalt  }
0x75: {  	_ =	shalt  }
0x76: {  	_ =	shalt  }
0x77: {  	_ =	shalt  }
0x78: {  	_ =	shalt  }
0x79: {  	_ =	shalt  }
0x7a: {  	_ =	shalt  }
0x7b: {  	_ =	shalt  }
0x7c: {  	_ =	shalt  }
0x7d: {  	_ =	shalt  }
0x7e: {  	_ =	shalt  }
0x7f: {  	_ =	shalt  }
0x80: {  	_ =	shalt  }
0x81: {  	_ =	shalt  }
0x82: {  	_ =	shalt  }
0x83: {  	_ =	shalt  }
0x84: {  	_ =	shalt  }
0x85: {  	_ =	shalt  }
0x86: {  	_ =	shalt  }
0x87: {  	_ =	shalt  }
.Lfunc_end0:
.L_simem_size_0:
called_computation_lowered:
.L_overlay_start_0:
0x88: {  	s2 =	sld [smem:$0x3FD9]  }
0x89: {  	s3 =	sld [smem:$0x3FFE];
	_ =	sdelay $0x1  }
0x8a: {  	s1 =	srdreg.scid  }
0x8b: {  	s0 =	sand.u32 $0x1, s1  }
0x8c: {  	s17 =	sshll.u32 s0, $0xA;
	s2 =	sadd.s32 s3, s2  }
0x8d: {  	s2 =	sadd.s32 s2, s17  }
0x8e: {  	[smem:$0x3FBE] =	sst s2  }
0x8f: {  	_ = 	snop  }
0x90: {  	s2 =	sld [smem:$0x3FD0];
	(tm) =	ssettm $0x1  }
0x91: {  	s18 =	sld [smem:$0x3FFB];
	_ =	sdelay $0x3  }
0x92: {  	_ =	strace s18  }
0x93: {  	s3 =	sld [smem:$0x3FFC];
	_ =	sdelay $0x3  }
0x94: {  	_ =	strace s3  }
0x95: {  	s3 =	sld [smem:$0x3FFD];
	_ =	sdelay $0x3  }
0x96: {  	_ =	strace s3  }
0x97: {  	_ =	strace $0x8FFFFFFF  }
0x98: {  	s19 =	sld [smem:$0x3FDB];
	_ =	sdelay $0x1  }
0x99: {  	s4 =	simm.s32 $_scs_section_size  }
0x9a: {  	s5 =	simm.s32 $_size__tile_overlayer_lowered;
	s6 =	simm.s32 $_tile_overlayer_lowered  }
0x9b: {  	s22 =	simm.s32 $0x1BFF;
	s21 =	sshll.u32 s6, $0x1;
	s3 =	sadd.s32 s4, s19  }
0x9c: {  	s7 =	simm.s32 $0x0;
	s20 =	sshll.u32 s5, $0x1;
	s5 =	sadd.s32 s21, s3  }
0x9d: {  	[timem:s7], [sflag:s22] =	dma.local [hbm:s5], s20  }
0x9e: {  	_ =	swait.ge [sflag:s22], s20  }
0x9f: {  	s4 =	ssub.s32 $0x0, s20;
	[sflag:s22] =	ssyncset.done $0x0  }
0xa0: {  	[sflag:s22] =	ssyncadd.s32 s4;
	_ =	sdelay $0x1  }
0xa1: {  	s23 =	simm.s32 $0x1B8B  }
0xa2: {  	_ =	swait.ge [sflag:s23], $0x1  }
0xa3: {  	[sflag:s23] =	ssyncset.done $0x0  }
0xa4: {  	s25 =	simm.s32 $0x1B8E;
	s24 =	sld [smem:$0x3FFE];
	[sflag:s23] =	ssyncadd.s32 $0xFFFFFFFF  }
0xa5: {  	s26 =	simm.s32 $execute0_lowered;
	[smem:$0x3FD2] =	sst s25  }
0xa6: {  	s5 =	sshll.u32 s26, $0x1;
	_ =	strace $0x80000046;
	[dreg:$0x1] =	wrdreg $0xFFFFFFFF  }
0xa7: {  	s28 =	simm.s32 $_size_execute0_lowered;
	s3 =	sadd.s32 s3, s5;
	[dreg:$0x0] =	wrdreg $0x0  }
0xa8: {  	s5 =	sshll.u32 s28, $0x1;
	[dreg:$0x2] =	wrdreg s3  }
0xa9: {  	[dreg:$0x3] =	wrdreg s5  }
0xaa: {  	[dreg:$0x4] =	wrdreg $0xC0  }
0xab: {  	_ =	task [dreg:s7], $0x5FFFF  }
0xac: {  	[dreg:$0x1] =	wrdreg $0xFFFFFFFF  }
0xad: {  	[dreg:$0x0] =	wrdreg $0x60  }
0xae: {  	[dreg:$0x2] =	wrdreg s24  }
0xaf: {  	[dreg:$0x3] =	wrdreg s2  }
0xb0: {  	[dreg:$0x4] =	wrdreg $0x4000  }
0xb1: {  	[dreg:$0x5] =	wrdreg $0x9  }
0xb2: {  	_ =	task.clear_ibuf [dreg:s7], $0x6FFFF;
	_ =	strace $0x90000046  }
0xb3: {  	s29 =	simm.s32 $0x9;
	_ =	strace $0x80000048  }
0xb4: {  	_ =	swait.ge [sflag:s29], $0x1  }
0xb5: {  	[sflag:s29] =	ssyncadd.s32 $0xFFFFFFFF  }
0xb6: {  	_ =	strace $0x90000048  }
0xb7: {  	_ =	sfence  }
0xb8: {  	s30 =	sld [smem:$0x0];
	_ =	sdelay $0x2  }
0xb9: {  	s31 =	sshll.u32 s1, $0xD;
	s1 =	sshrl.u32 s1, $0x2  }
0xba: {  	s3 =	sand.u32 $0x4000, s31;
	s1 =	sadd.s32 s1, s30  }
0xbb: {  	s0 =	sor.u32 s3, s0;
	s1 =	sshll.u32 s1, $0x11  }
0xbc: {  	s0 =	sor.u32 s1, s0  }
0xbd: {  	s0 =	sadd.s32 $0x8F2B, s0  }
0xbe: {  	[sflag:s0] =	ssyncadd.remote.s32 $0x1  }
0xbf: {  	_ =	sfence.sel $0xFFFF  }
0xc0: {  	[dreg:$0x0] =	wrdreg $0xFFFFFFFF;
	(pc) =	sbr.abs _section_cstart, $3  }
0xc1: {  	[dreg:$0x1] =	wrdreg $0xFFFFFFFF  }
0xc2: {  	_ =	task.clear_ibuf [dreg:s7], $0x2FFFF;
	_ =	strace $0x9FFFFFFF  }
0xc3: {  	(tm) =	ssettm $0x7FFFFFFF  }
tec
execute0_lowered:
.L_overlay_start_1:
0x0: {  	(tag) =	ssettag $0x1  }
0x1: {  	s4 =	rddreg [dreg:$0x0]  }
0x2: {  	s7 =	rddreg [dreg:$0x1];
	s0 =	srdreg.scid  }
0x3: {  	s2 =	rddreg [dreg:$0x2];
	s1 =	stileid.u32;
	s3 =	simm.s32 $0x0  }
0x4: {  	s14 =	simm.s32 $0x80;
	s15 =	simm.s32 $0x100;
	s8 =	smul.u32 $0x2800, s1  }
0x5: {  	s5 =	sand.u32 $0x1, s0;
	s0 =	rddreg [dreg:$0x3];
	s9 =	smul.u32 $0x280, s1  }
0x6: {  	s16 =	simm.s32 $0x0;
	[smem:$0x7FF] =	sst s3;
	s6 =	smul.u32 $0x28000, s5  }
0x7: {  	s10 =	sadd.s32 $0x2E00, s4;
	s26 =	ssub.s32 $0x2, s5;
	s12 =	smul.u32 $0x2800, s5  }
0x8: {  	_ =	strace $0x80000047;
	s28 =	sshrl.u32 s26, $0x1;
	s5 =	sadd.s32 s9, s2  }
0x9: {  	s8 =	sadd.s32 s8, s6;
	s13 =	ssub.s32 s26, s28;
	s9 =	sadd.s32 s9, s12  }
0xa: {  	s12 =	simm.s32 $0x2;
	s11 =	sshrl.u32 s8, $0x3;
	s9 =	sshrl.u32 s9, $0x3  }
0xb: {  	s29 =	sor.u32 $0x100, s8;
	s8 =	sor.u32 $0x80, s8;
	s4 =	sadd.s32 s10, s11  }
0xc: {  	s7 =	sadd.s32 s7, s9;
	s30 =	sshrl.u32 s29, $0x3;
	s31 =	sshrl.u32 s8, $0x3  }
0xd: {  	s8 =	smax.u32 s13, $0x1;
	s11 =	simm.s32 $0x180;
	s13 =	simm.s32 $0x1  }
0xe: {  	v0 =	vimm.f32 $0.0e+00;
	v1 =	vimm.f32 $1.000000000e+00;
	s6 =	sadd.s32 $0x4F0, s4;
	s9 =	sadd.s32 s30, s10;
	s10 =	sadd.s32 s31, s10  }
.LBB2_1:
0xf: {  	[tilespmem:$0x180] =	vst v0  }
0x10: {  	[tilespmem:$0x190] =	vst v0  }
0x11: {  	[tilespmem:$0x1A0] =	vst v0  }
0x12: {  	[tilespmem:$0x1B0] =	vst v0  }
0x13: {  	[tilespmem:$0x1C0] =	vst v0  }
0x14: {  	[tilespmem:$0x1D0] =	vst v0  }
0x15: {  	[tilespmem:$0x1E0] =	vst v0  }
0x16: {  	[tilespmem:$0x1F0] =	vst v0  }
0x17: {  	[tilespmem:$0x200] =	vst v0  }
0x18: {  	[tilespmem:$0x210] =	vst v0  }
0x19: {  	[tilespmem:$0x220] =	vst v0  }
0x1a: {  	[tilespmem:$0x230] =	vst v0  }
0x1b: {  	[tilespmem:$0x240] =	vst v0  }
0x1c: {  	[tilespmem:$0x250] =	vst v0  }
0x1d: {  	[tilespmem:$0x260] =	vst v0  }
0x1e: {  	[tilespmem:$0x270] =	vst v0  }
0x1f: {  	[tilespmem:$0x280] =	vst v0  }
0x20: {  	[tilespmem:$0x290] =	vst v0  }
0x21: {  	[tilespmem:$0x2A0] =	vst v0  }
0x22: {  	[tilespmem:$0x2B0] =	vst v0  }
0x23: {  	[tilespmem:$0x2C0] =	vst v0  }
0x24: {  	[tilespmem:$0x2D0] =	vst v0  }
0x25: {  	[tilespmem:$0x2E0] =	vst v0  }
0x26: {  	[tilespmem:$0x2F0] =	vst v0  }
0x27: {  	[tilespmem:$0x300] =	vst v0  }
0x28: {  	[tilespmem:$0x310] =	vst v0  }
0x29: {  	[tilespmem:$0x320] =	vst v0  }
0x2a: {  	[tilespmem:$0x330] =	vst v0  }
0x2b: {  	[tilespmem:$0x340] =	vst v0  }
0x2c: {  	[tilespmem:$0x350] =	vst v0  }
0x2d: {  	[tilespmem:$0x360] =	vst v0  }
0x2e: {  	[tilespmem:$0x370] =	vst v0  }
0x2f: {  	[tilespmem:$0x380] =	vst v0  }
0x30: {  	[tilespmem:$0x390] =	vst v0  }
0x31: {  	[tilespmem:$0x3A0] =	vst v0  }
0x32: {  	[tilespmem:$0x3B0] =	vst v0  }
0x33: {  	[tilespmem:$0x3C0] =	vst v0  }
0x34: {  	[tilespmem:$0x3D0] =	vst v0  }
0x35: {  	[tilespmem:$0x3E0] =	vst v0  }
0x36: {  	[tilespmem:$0x3F0] =	vst v0  }
0x37: {  	[tilespmem:$0x100] =	vst v1  }
0x38: {  	[tilespmem:$0x110] =	vst v1  }
0x39: {  	[tilespmem:$0x120] =	vst v1  }
0x3a: {  	[tilespmem:$0x130] =	vst v1  }
0x3b: {  	[tilespmem:$0x140] =	vst v1  }
0x3c: {  	[tilespmem:$0x150] =	vst v1  }
0x3d: {  	[tilespmem:$0x160] =	vst v1  }
0x3e: {  	[tilespmem:$0x170] =	vst v1  }
0x3f: {  	[spmem:s5] =	stream.linear.scatter [tilespmem:s11], [sflag:$0x2], $0x280, $0x38;
	[tilespmem:$0x680] =	vst v63  }
0x40: {  	_ =	swait.ge [sflag:s12], $0x280  }
0x41: {  	[sflag:s12] =	ssyncset.done $0x0  }
0x42: {  	[sflag:s12] =	ssyncadd.s32 $0xFFFFFD80  }
0x43: {  	[bflag:$0x0] =	sbarrier.arrive $0xFFFF  }
0x44: {  	[tilespmem:s3], [sflag:$0x1] =	stream.linear.gather [hbm4b:s4+s3], $0x80, $0x38;
	[tilespmem:$0x680] =	vst v63  }
0x45: {  	_ =	swait.ge [sflag:s13], $0x80  }
0x46: {  	[sflag:s13] =	ssyncset.done $0x0  }
0x47: {  	s17 =	sadd.s32 $0x0, s10;
	[sflag:s13] =	ssyncadd.s32 $0xFFFFFF80  }
0x48: {  	[tilespmem:s14], [sflag:$0x1] =	stream.linear.gather [hbm4b:s17+s3], $0x80, $0x38;
	[tilespmem:$0x680] =	vst v63  }
0x49: {  	_ = 	snop  }
0x4a: {  	[spmem:s2] =	stream.indirect.scatter.add.f32 [tilespmem:s15], [sflag:$0x2], $0x1, s3, s14, $0xb8;
	[tilespmem:$0x680] =	vst v63  }
0x4b: {  	_ =	swait.ge [sflag:s12], $0x80  }
0x4c: {  	[sflag:s12] =	ssyncset.done $0x0  }
0x4d: {  	[sflag:s12] =	ssyncadd.s32 $0xFFFFFF80  }
0x4e: {  	_ =	swait.ge [sflag:s13], $0x80  }
0x4f: {  	[sflag:s13] =	ssyncset.done $0x0  }
0x50: {  	s31 =	sadd.s32 $0x0, s9;
	[sflag:s13] =	ssyncadd.s32 $0xFFFFFF80  }
0x51: {  	[tilespmem:s3], [sflag:$0x1] =	stream.linear.gather [hbm4b:s31+s3], $0x80, $0x38;
	[tilespmem:$0x680] =	vst v63  }
0x52: {  	_ = 	snop  }
0x53: {  	[spmem:s2] =	stream.indirect.scatter.add.f32 [tilespmem:s15], [sflag:$0x2], $0x1, s14, s14, $0xb8;
	[tilespmem:$0x680] =	vst v63  }
0x54: {  	_ =	swait.ge [sflag:s12], $0x80  }
0x55: {  	s17 =	simm.s32 $0x20;
	[sflag:s12] =	ssyncset.done $0x0  }
.LBB2_2:
0x56: {  	p0 =	sne.s32 s17, $0x4C0  }
0x57: {  	[sflag:s12] =	ssyncadd.s32 $0xFFFFFF80;
	s18 =	smov.u32 s17;
	s17 =	sadd.s32 $0x20, s17  }
0x58: {  	_ = 	snop  }
0x59: {  	_ =	swait.ge [sflag:s13], $0x80  }
0x5a: {  	[sflag:s13] =	ssyncset.done $0x0  }
0x5b: {  	s19 =	sadd.s32 s18, s10;
	[sflag:s13] =	ssyncadd.s32 $0xFFFFFF80  }
0x5c: {  	[tilespmem:s14], [sflag:$0x1] =	stream.linear.gather [hbm4b:s19+s3], $0x80, $0x38;
	[tilespmem:$0x680] =	vst v63  }
0x5d: {  	_ = 	snop  }
0x5e: {  	[spmem:s2] =	stream.indirect.scatter.add.f32 [tilespmem:s15], [sflag:$0x2], $0x1, s3, s14, $0xb8;
	[tilespmem:$0x680] =	vst v63  }
0x5f: {  	_ =	swait.ge [sflag:s12], $0x80  }
0x60: {  	[sflag:s12] =	ssyncset.done $0x0  }
0x61: {  	[sflag:s12] =	ssyncadd.s32 $0xFFFFFF80  }
0x62: {  	_ =	swait.ge [sflag:s13], $0x80  }
0x63: {  	[sflag:s13] =	ssyncset.done $0x0  }
0x64: {  	s18 =	sadd.s32 s18, s9;
	[sflag:s13] =	ssyncadd.s32 $0xFFFFFF80  }
0x65: {  	[tilespmem:s3], [sflag:$0x1] =	stream.linear.gather [hbm4b:s18+s3], $0x80, $0x38;
	[tilespmem:$0x680] =	vst v63  }
.Ltmp0:
0x66: {  	_ = 	snop;
	(pc) =	sbr.rel @p0 .LBB2_2-.Ltmp0, $4  }
0x67: {  	_ = 	snop  }
0x68: {  	[spmem:s2] =	stream.indirect.scatter.add.f32 [tilespmem:s15], [sflag:$0x2], $0x1, s14, s14, $0xb8;
	[tilespmem:$0x680] =	vst v63  }
0x69: {  	_ =	swait.ge [sflag:s12], $0x80  }
0x6a: {  	[sflag:s12] =	ssyncset.done $0x0  }
0x6b: {  	[sflag:s12] =	ssyncadd.s32 $0xFFFFFF80  }
0x6c: {  	_ =	swait.ge [sflag:s13], $0x80  }
0x6d: {  	[sflag:s13] =	ssyncset.done $0x0  }
0x6e: {  	[sflag:s13] =	ssyncadd.s32 $0xFFFFFF80  }
0x6f: {  	[tilespmem:s14], [sflag:$0x1] =	stream.linear.gather [hbm4b:s6+s3], $0x80, $0x38;
	[tilespmem:$0x680] =	vst v63  }
0x70: {  	_ = 	snop  }
0x71: {  	[spmem:s2] =	stream.indirect.scatter.add.f32 [tilespmem:s15], [sflag:$0x2], $0x1, s3, s14, $0xb8;
	[tilespmem:$0x680] =	vst v63  }
0x72: {  	_ =	swait.ge [sflag:s12], $0x80  }
0x73: {  	[sflag:s12] =	ssyncset.done $0x0  }
0x74: {  	[sflag:s12] =	ssyncadd.s32 $0xFFFFFF80  }
0x75: {  	_ =	swait.ge [sflag:s13], $0x80  }
0x76: {  	[sflag:s13] =	ssyncset.done $0x0  }
0x77: {  	[sflag:s13] =	ssyncadd.s32 $0xFFFFFF80  }
0x78: {  	[spmem:s2] =	stream.indirect.scatter.add.f32 [tilespmem:s15], [sflag:$0x2], $0x1, s14, s14, $0xb8;
	[tilespmem:$0x680] =	vst v63  }
0x79: {  	_ =	swait.ge [sflag:s12], $0x80  }
0x7a: {  	[sflag:s12] =	ssyncset.done $0x0  }
0x7b: {  	[sflag:s12] =	ssyncadd.s32 $0xFFFFFF80  }
0x7c: {  	[bflag:$0x0] =	sbarrier.arrive $0xFFFF  }
0x7d: {  	[tilespmem:s11], [sflag:$0x2] =	stream.linear.gather [spmem:s5], $0x280, $0x38;
	[tilespmem:$0x680] =	vst v63  }
0x7e: {  	s16 =	sadd.s32 $0x1, s16;
	_ =	swait.ge [sflag:s12], $0x280  }
0x7f: {  	p0 =	sne.s32 s16, s8;
	[sflag:s12] =	ssyncset.done $0x0  }
.Ltmp1:
0x80: {  	[sflag:s12] =	ssyncadd.s32 $0xFFFFFD80;
	(pc) =	sbr.rel @p0 .LBB2_1-.Ltmp1, $4  }
0x81: {  	[hbm4b:s7+s3] =	stream.linear.scatter [tilespmem:s11], [sflag:$0x2], $0x280, $0x38;
	[tilespmem:$0x680] =	vst v63  }
0x82: {  	_ =	swait.ge [sflag:s12], $0x280  }
0x83: {  	[sflag:s12] =	ssyncset.done $0x0  }
0x84: {  	[sflag:s12] =	ssyncadd.s32 $0xFFFFFD80  }
0x85: {  	_ =	sfence.sel $0x180000  }
0x86: {  	[bflag:$0x0] =	sbarrier.arrive $0xFFFF  }
0x87: {  	p0 =	sne.s32 s1, $0x0;
	_ =	strace $0x90000047  }
0x88: {  	s0 =	sadd.s32 @!p0 $0x100000, s0;
	[bflag:$0x2] =	sbarrier.arrive $0xFFFF  }
0x89: {  	[sflag:s0] =	ssyncadd.tile.s32 @!p0 $0x1;
	_ =	shalt  }
.Lfunc_end2:
_tile_overlayer_lowered:
.L_overlay_start_2:
0x8a: {  	(tag) =	ssettag $0x2  }
0x8b: {  	s0 =	rddreg [dreg:$0x0];
	s2 =	stileid.u32  }
0x8c: {  	s1 =	rddreg [dreg:$0x1];
	p0 =	sne.s32 s2, $0x0  }
0x8d: {  	s3 =	rddreg [dreg:$0x2];
	[bflag:$0x3] =	sbarrier.arrive $0xFFFF;
	s2 =	simm.s32 @!p0 $0x1C02  }
0x8e: {  	[timem:s3], [sflag:s2] =	dma.local @!p0 [hbm:s0], s1  }
0x8f: {  	s0 =	simm.s32 @!p0 $0x2  }
0x90: {  	_ =	swait.ge @!p0 [sflag:s0], s1  }
0x91: {  	s1 =	ssub.s32 @!p0 $0x0, s1;
	[sflag:s0] =	ssyncset.done @!p0 $0x0  }
0x92: {  	[sflag:s0] =	ssyncadd.s32 @!p0 s1  }
0x93: {  	[bflag:$0x3] =	sbarrier.arrive $0xFFFF  }
0x94: {  	_ =	shalt  }

// kernel: kernel.14.cloned.1.call-start
scs
__scs_entry_jumppad:
0x0: {  	(pc) =	sbr.rel $0x88, $3  }
0x1: {  	(tag) =	ssettag $0x0;
	lr =	simm.s32 $0x1  }
0x2: {  	[smem:$0x3F97] =	sst lr;
	_ =	strace $0xD0000000  }
0x3: {  	_ = 	snop  }
0x4: {  	_ = 	snop  }
0x5: {  	_ = 	snop  }
0x6: {  	_ = 	snop  }
0x7: {  	_ = 	snop  }
__scs_overlays_trampoline_lowered:
0x8: {  	[smem:$0x3FA6] =	sst s0  }
0x9: {  	[smem:$0x3FA7] =	sst s1  }
0xa: {  	[smem:$0x3FA8] =	sst s2  }
0xb: {  	[smem:$0x3FA9] =	sst s3  }
0xc: {  	[smem:$0x3FAA] =	sst s4  }
0xd: {  	[smem:$0x3FAB] =	sst s5  }
0xe: {  	[smem:$0x3FAC] =	sst s6  }
0xf: {  	[smem:$0x3FAD] =	sst s7  }
0x10: {  	[smem:$0x3FAE] =	sst s8  }
0x11: {  	[smem:$0x3FAF] =	sst s9;
	s0 =	simm.s32 @!p0 $0x0  }
0x12: {  	s1 =	sld [smem:$0x3F95];
	s0 =	simm.s32 @p0 $0x1  }
0x13: {  	[smem:$0x3FB0] =	sst s0;
	s0 =	simm.s32 @!p1 $0x0  }
0x14: {  	s2 =	sld [smem:$0x3F94];
	s0 =	simm.s32 @p1 $0x1  }
0x15: {  	[smem:$0x3FB1] =	sst s0;
	s0 =	simm.s32 @!p2 $0x0  }
0x16: {  	s3 =	sld [smem:$0x3FDB];
	s0 =	simm.s32 @p2 $0x1  }
0x17: {  	s4 =	simm.s32 $0x1BF5;
	[smem:$0x3FB3] =	sst s0  }
0x18: {  	s0 =	sld [smem:$0x3F96];
	_ =	swait.ge [sflag:s4], $0x0  }
0x19: {  	s7 =	sld [smem:$0x3F97]  }
0x1a: {  	s8 =	sadd.s32 $0xFFFFE003, lr  }
0x1b: {  	s9 =	sadd.s32 $0xFFFFFEF7, lr;
	s5 =	simm.s32 $0xFFFFFFFF;
	p2 =	slt.u32 s8, $0xFFFFF086  }
0x1c: {  	p1 =	slt.u32 s9, $0xF7A;
	s5 =	simm.s32 @!p2 $0x0  }
0x1d: {  	s5 =	simm.s32 @p1 $0x1;
	p0 =	seq.s32 s7, s2  }
0x1e: {  	s7 =	smul.u32 @!p0 $0xF7A, s2;
	p2 =	seq.s32 @!p0 s5, $0x0  }
0x1f: {  	s9 =	smul.u32 $0xF7A, s1;
	s8 =	simm.s32 @!p0 $0x1BF5;
	p2 =	por !p2, p0  }
0x20: {  	[sflag:s8] =	ssyncset.s32 @!p0 $0xFFFFF086;
	s6 =	sadd.s32 @!p0 s3, s7;
	s7 =	simm.s32 @!p0 $0x108  }
0x21: {  	s3 =	sadd.s32 s3, s9;
	s6 =	sadd.s32 @!p0 $0x88, s6;
	s7 =	simm.s32 @p2 $0x1082  }
0x22: {  	[simem:s7], [sflag:s8] =	dma.local @!p0 [hbm:s6], $0xF7A  }
0x23: {  	s9 =	sor.u32 $0xD0000000, s2;
	s6 =	simm.s32 $0x108;
	_ =	swait.ge @!p0 [sflag:s8], $0x0  }
0x24: {  	s3 =	sadd.s32 $0x88, s3;
	s6 =	simm.s32 @!p1 $0x1082;
	[sflag:s4] =	ssyncset.s32 $0xFFFFF086  }
0x25: {  	[simem:s6], [sflag:s4] =	dma.local [hbm:s3], $0xF7A  }
0x26: {  	[smem:$0x3F97] =	sst s1;
	(tag) =	ssettag s2;
	_ =	strace s9  }
0x27: {  	s1 =	sld [smem:$0x3FA7]  }
0x28: {  	s2 =	sld [smem:$0x3FA8]  }
0x29: {  	s4 =	sld [smem:$0x3FAA]  }
0x2a: {  	p0 =	seq.s32 s5, $0x0;
	s5 =	sld [smem:$0x3FAB]  }
0x2b: {  	s6 =	sld [smem:$0x3FAC]  }
0x2c: {  	s7 =	sld [smem:$0x3FAD]  }
0x2d: {  	s3 =	simm.s32 $0x108;
	s8 =	sld [smem:$0x3FAE]  }
0x2e: {  	s3 =	simm.s32 @!p0 $0x1082;
	s9 =	sld [smem:$0x3FAF]  }
0x2f: {  	lr =	sadd.s32 s0, s3;
	s0 =	sld [smem:$0x3FA6]  }
0x30: {  	s3 =	sld [smem:$0x3FA9]  }
0x31: {  	[smem:$0x3FB2] =	sst s10  }
0x32: {  	s10 =	sld [smem:$0x3FB0];
	_ =	sdelay $0x3  }
0x33: {  	p0 =	seq.s32 s10, $0x1;
	s10 =	sld [smem:$0x3FB2];
	_ =	sdelay $0x3  }
0x34: {  	[smem:$0x3FB2] =	sst s10  }
0x35: {  	s10 =	sld [smem:$0x3FB1];
	_ =	sdelay $0x3  }
0x36: {  	p1 =	seq.s32 s10, $0x1;
	s10 =	sld [smem:$0x3FB2];
	_ =	sdelay $0x3  }
0x37: {  	[smem:$0x3FB2] =	sst s10  }
0x38: {  	s10 =	sld [smem:$0x3FB3]  }
0x39: {  	_ = 	snop;
	(pc) =	sbr.ind lr, $3  }
0x3a: {  	_ = 	snop  }
0x3b: {  	_ = 	snop  }
0x3c: {  	p2 =	seq.s32 s10, $0x1;
	s10 =	sld [smem:$0x3FB2]  }
0x3d: {  	_ =	shalt  }
0x3e: {  	_ =	shalt  }
0x3f: {  	_ =	shalt  }
0x40: {  	_ =	shalt  }
0x41: {  	_ =	shalt  }
0x42: {  	_ =	shalt  }
0x43: {  	_ =	shalt  }
0x44: {  	_ =	shalt  }
0x45: {  	_ =	shalt  }
0x46: {  	_ =	shalt  }
0x47: {  	_ =	shalt  }
0x48: {  	_ =	shalt  }
0x49: {  	_ =	shalt  }
0x4a: {  	_ =	shalt  }
0x4b: {  	_ =	shalt  }
0x4c: {  	_ =	shalt  }
0x4d: {  	_ =	shalt  }
0x4e: {  	_ =	shalt  }
0x4f: {  	_ =	shalt  }
0x50: {  	_ =	shalt  }
0x51: {  	_ =	shalt  }
0x52: {  	_ =	shalt  }
0x53: {  	_ =	shalt  }
0x54: {  	_ =	shalt  }
0x55: {  	_ =	shalt  }
0x56: {  	_ =	shalt  }
0x57: {  	_ =	shalt  }
0x58: {  	_ =	shalt  }
0x59: {  	_ =	shalt  }
0x5a: {  	_ =	shalt  }
0x5b: {  	_ =	shalt  }
0x5c: {  	_ =	shalt  }
0x5d: {  	_ =	shalt  }
0x5e: {  	_ =	shalt  }
0x5f: {  	_ =	shalt  }
0x60: {  	_ =	shalt  }
0x61: {  	_ =	shalt  }
0x62: {  	_ =	shalt  }
0x63: {  	_ =	shalt  }
0x64: {  	_ =	shalt  }
0x65: {  	_ =	shalt  }
0x66: {  	_ =	shalt  }
0x67: {  	_ =	shalt  }
0x68: {  	_ =	shalt  }
0x69: {  	_ =	shalt  }
0x6a: {  	_ =	shalt  }
0x6b: {  	_ =	shalt  }
0x6c: {  	_ =	shalt  }
0x6d: {  	_ =	shalt  }
0x6e: {  	_ =	shalt  }
0x6f: {  	_ =	shalt  }
0x70: {  	_ =	shalt  }
0x71: {  	_ =	shalt  }
0x72: {  	_ =	shalt  }
0x73: {  	_ =	shalt  }
0x74: {  	_ =	shalt  }
0x75: {  	_ =	shalt  }
0x76: {  	_ =	shalt  }
0x77: {  	_ =	shalt  }
0x78: {  	_ =	shalt  }
0x79: {  	_ =	shalt  }
0x7a: {  	_ =	shalt  }
0x7b: {  	_ =	shalt  }
0x7c: {  	_ =	shalt  }
0x7d: {  	_ =	shalt  }
0x7e: {  	_ =	shalt  }
0x7f: {  	_ =	shalt  }
0x80: {  	_ =	shalt  }
0x81: {  	_ =	shalt  }
0x82: {  	_ =	shalt  }
0x83: {  	_ =	shalt  }
0x84: {  	_ =	shalt  }
0x85: {  	_ =	shalt  }
0x86: {  	_ =	shalt  }
0x87: {  	_ =	shalt  }
.Lfunc_end0:
.L_simem_size_0:
called_computation.1_lowered:
.L_overlay_start_0:
0x88: {  	s2 =	sld [smem:$0x3FD9]  }
0x89: {  	s3 =	sld [smem:$0x3FFE];
	_ =	sdelay $0x1  }
0x8a: {  	s1 =	srdreg.scid  }
0x8b: {  	s0 =	sand.u32 $0x1, s1  }
0x8c: {  	s17 =	sshll.u32 s0, $0xA;
	s2 =	sadd.s32 s3, s2  }
0x8d: {  	s2 =	sadd.s32 s2, s17  }
0x8e: {  	[smem:$0x3FBE] =	sst s2  }
0x8f: {  	_ = 	snop  }
0x90: {  	s2 =	sld [smem:$0x3FD0];
	(tm) =	ssettm $0x1  }
0x91: {  	s18 =	sld [smem:$0x3FFB];
	_ =	sdelay $0x3  }
0x92: {  	_ =	strace s18  }
0x93: {  	s3 =	sld [smem:$0x3FFC];
	_ =	sdelay $0x3  }
0x94: {  	_ =	strace s3  }
0x95: {  	s3 =	sld [smem:$0x3FFD];
	_ =	sdelay $0x3  }
0x96: {  	_ =	strace s3  }
0x97: {  	_ =	strace $0x8FFFFFFF  }
0x98: {  	s19 =	sld [smem:$0x3FDB];
	_ =	sdelay $0x1  }
0x99: {  	s4 =	simm.s32 $_scs_section_size  }
0x9a: {  	s5 =	simm.s32 $_size__tile_overlayer_lowered;
	s6 =	simm.s32 $_tile_overlayer_lowered  }
0x9b: {  	s22 =	simm.s32 $0x1BFF;
	s21 =	sshll.u32 s6, $0x1;
	s3 =	sadd.s32 s4, s19  }
0x9c: {  	s7 =	simm.s32 $0x0;
	s20 =	sshll.u32 s5, $0x1;
	s5 =	sadd.s32 s21, s3  }
0x9d: {  	[timem:s7], [sflag:s22] =	dma.local [hbm:s5], s20  }
0x9e: {  	_ =	swait.ge [sflag:s22], s20  }
0x9f: {  	s4 =	ssub.s32 $0x0, s20;
	[sflag:s22] =	ssyncset.done $0x0  }
0xa0: {  	[sflag:s22] =	ssyncadd.s32 s4;
	_ =	sdelay $0x1  }
0xa1: {  	s23 =	simm.s32 $0x1B8B  }
0xa2: {  	_ =	swait.ge [sflag:s23], $0x1  }
0xa3: {  	[sflag:s23] =	ssyncset.done $0x0  }
0xa4: {  	s25 =	simm.s32 $0x1B8E;
	s24 =	sld [smem:$0x3FFE];
	[sflag:s23] =	ssyncadd.s32 $0xFFFFFFFF  }
0xa5: {  	s26 =	simm.s32 $execute0_lowered;
	[smem:$0x3FD2] =	sst s25  }
0xa6: {  	s5 =	sshll.u32 s26, $0x1;
	_ =	strace $0x80000049;
	[dreg:$0x1] =	wrdreg $0xFFFFFFFF  }
0xa7: {  	s28 =	simm.s32 $_size_execute0_lowered;
	s3 =	sadd.s32 s3, s5;
	[dreg:$0x0] =	wrdreg $0x0  }
0xa8: {  	s5 =	sshll.u32 s28, $0x1;
	[dreg:$0x2] =	wrdreg s3  }
0xa9: {  	[dreg:$0x3] =	wrdreg s5  }
0xaa: {  	[dreg:$0x4] =	wrdreg $0xC0  }
0xab: {  	_ =	task [dreg:s7], $0x5FFFF  }
0xac: {  	[dreg:$0x1] =	wrdreg $0xFFFFFFFF  }
0xad: {  	[dreg:$0x0] =	wrdreg $0x60  }
0xae: {  	[dreg:$0x2] =	wrdreg s2  }
0xaf: {  	[dreg:$0x3] =	wrdreg s24  }
0xb0: {  	[dreg:$0x4] =	wrdreg $0xB1800  }
0xb1: {  	[dreg:$0x5] =	wrdreg $0x9  }
0xb2: {  	_ =	task.clear_ibuf [dreg:s7], $0x6FFFF;
	_ =	strace $0x90000049  }
0xb3: {  	s29 =	simm.s32 $0x9;
	_ =	strace $0x8000004B  }
0xb4: {  	_ =	swait.ge [sflag:s29], $0x1  }
0xb5: {  	[sflag:s29] =	ssyncadd.s32 $0xFFFFFFFF  }
0xb6: {  	_ =	strace $0x9000004B  }
0xb7: {  	_ =	sfence  }
0xb8: {  	s30 =	sld [smem:$0x0];
	_ =	sdelay $0x2  }
0xb9: {  	s31 =	sshll.u32 s1, $0xD;
	s1 =	sshrl.u32 s1, $0x2  }
0xba: {  	s3 =	sand.u32 $0x4000, s31;
	s1 =	sadd.s32 s1, s30  }
0xbb: {  	s0 =	sor.u32 s3, s0;
	s1 =	sshll.u32 s1, $0x11  }
0xbc: {  	s0 =	sor.u32 s1, s0  }
0xbd: {  	s0 =	sadd.s32 $0x8F2B, s0  }
0xbe: {  	[sflag:s0] =	ssyncadd.remote.s32 $0x1  }
0xbf: {  	_ =	sfence.sel $0xFFFF  }
0xc0: {  	[dreg:$0x0] =	wrdreg $0xFFFFFFFF;
	(pc) =	sbr.abs _section_cstart, $3  }
0xc1: {  	[dreg:$0x1] =	wrdreg $0xFFFFFFFF  }
0xc2: {  	_ =	task.clear_ibuf [dreg:s7], $0x2FFFF;
	_ =	strace $0x9FFFFFFF  }
0xc3: {  	(tm) =	ssettm $0x7FFFFFFF  }
tec
execute0_lowered:
.L_overlay_start_1:
0x0: {  	(tag) =	ssettag $0x1  }
0x1: {  	s29 =	stileid.u32  }
0x2: {  	s0 =	srdreg.scid;
	s1 =	smul.u32 $0x2800, s29  }
0x3: {  	s22 =	rddreg [dreg:$0x1];
	s14 =	sand.u32 $0x1, s0;
	s19 =	smul.u32 $0x14000, s29  }
0x4: {  	s23 =	sadd.s32 $0x16E00, s22;
	s0 =	smul.u32 $0x28000, s14;
	s2 =	ssub.s32 $0x2, s14  }
0x5: {  	s20 =	smul.u32 $0x140000, s14;
	s24 =	sshrl.u32 s2, $0x1;
	s3 =	sor.u32 $0x3000, s19  }
0x6: {  	s4 =	sadd.s32 $0x4000, s19;
	s5 =	sadd.s32 $0x5000, s19;
	s6 =	sadd.s32 $0x6000, s19  }
0x7: {  	s7 =	sadd.s32 $0x7000, s19;
	s8 =	sadd.s32 $0x8000, s19;
	s9 =	sadd.s32 $0x9000, s19  }
0x8: {  	s10 =	sadd.s32 $0xA000, s19;
	s11 =	sadd.s32 $0xB000, s19;
	s12 =	sadd.s32 $0xC000, s19  }
0x9: {  	s13 =	sadd.s32 $0xD000, s19;
	s14 =	sadd.s32 $0xE000, s19;
	s15 =	sadd.s32 $0xF000, s19  }
0xa: {  	s16 =	sadd.s32 $0x10000, s19;
	s17 =	sadd.s32 $0x11000, s19;
	s18 =	sadd.s32 $0x12000, s19  }
0xb: {  	s21 =	sadd.s32 s1, s0;
	s0 =	ssub.s32 s2, s24;
	s24 =	sadd.s32 s19, s20  }
0xc: {  	s1 =	sor.u32 $0x1000, s19;
	s2 =	sor.u32 $0x2000, s19;
	s24 =	sshrl.u32 s24, $0x3  }
0xd: {  	s19 =	sadd.s32 $0x13000, s19;
	s25 =	sadd.s32 s20, s1;
	s24 =	sadd.s32 s23, s24  }
0xe: {  	s26 =	sadd.s32 s20, s2;
	s25 =	sshrl.u32 s25, $0x3;
	[dreg:$0x4] =	wrdreg s24  }
0xf: {  	s24 =	sadd.s32 s23, s25;
	s25 =	sshrl.u32 s26, $0x3;
	s26 =	sadd.s32 s20, s3  }
0x10: {  	[dreg:$0x5] =	wrdreg s24;
	s24 =	sadd.s32 s23, s25;
	s25 =	sshrl.u32 s26, $0x3  }
0x11: {  	s26 =	sadd.s32 s20, s4;
	[dreg:$0x6] =	wrdreg s24;
	s24 =	sadd.s32 s23, s25  }
0x12: {  	s25 =	sshrl.u32 s26, $0x3;
	s26 =	sadd.s32 s20, s5;
	[dreg:$0x7] =	wrdreg s24  }
0x13: {  	s24 =	sadd.s32 s23, s25;
	s25 =	sshrl.u32 s26, $0x3;
	s26 =	sadd.s32 s20, s6  }
0x14: {  	[dreg:$0x8] =	wrdreg s24;
	s24 =	sadd.s32 s23, s25;
	s25 =	sshrl.u32 s26, $0x3  }
0x15: {  	s26 =	sadd.s32 s20, s7;
	[dreg:$0x9] =	wrdreg s24;
	s24 =	sadd.s32 s23, s25  }
0x16: {  	s25 =	sshrl.u32 s26, $0x3;
	s26 =	sadd.s32 s20, s8;
	[dreg:$0xa] =	wrdreg s24  }
0x17: {  	s24 =	sadd.s32 s23, s25;
	s25 =	sshrl.u32 s26, $0x3;
	s26 =	sadd.s32 s20, s9  }
0x18: {  	[dreg:$0xb] =	wrdreg s24;
	s24 =	sadd.s32 s23, s25;
	s25 =	sshrl.u32 s26, $0x3  }
0x19: {  	s26 =	sadd.s32 s20, s10;
	[dreg:$0xc] =	wrdreg s24;
	s24 =	sadd.s32 s23, s25  }
0x1a: {  	s25 =	sshrl.u32 s26, $0x3;
	s26 =	sadd.s32 s20, s11;
	[dreg:$0xd] =	wrdreg s24  }
0x1b: {  	s24 =	sadd.s32 s23, s25;
	s25 =	sshrl.u32 s26, $0x3;
	s26 =	sadd.s32 s20, s12  }
0x1c: {  	[dreg:$0xe] =	wrdreg s24;
	s24 =	sadd.s32 s23, s25;
	s25 =	sshrl.u32 s26, $0x3  }
0x1d: {  	s26 =	sadd.s32 s20, s13;
	[dreg:$0xf] =	wrdreg s24;
	s24 =	sadd.s32 s23, s25  }
0x1e: {  	s25 =	sshrl.u32 s26, $0x3;
	s26 =	sadd.s32 s20, s14;
	[dreg:$0x10] =	wrdreg s24  }
0x1f: {  	s24 =	sadd.s32 s23, s25;
	s25 =	sshrl.u32 s26, $0x3;
	s26 =	sadd.s32 s20, s15  }
0x20: {  	[dreg:$0x11] =	wrdreg s24;
	s24 =	sadd.s32 s23, s25;
	s25 =	sshrl.u32 s26, $0x3  }
0x21: {  	s26 =	sadd.s32 s20, s16;
	[dreg:$0x12] =	wrdreg s24;
	s24 =	sadd.s32 s23, s25  }
0x22: {  	s25 =	sshrl.u32 s26, $0x3;
	s26 =	sadd.s32 s20, s17;
	[dreg:$0x13] =	wrdreg s24  }
0x23: {  	s24 =	sadd.s32 s23, s25;
	s25 =	sshrl.u32 s26, $0x3;
	s26 =	sadd.s32 s20, s18  }
0x24: {  	s20 =	sadd.s32 s20, s19;
	[dreg:$0x14] =	wrdreg s24;
	s24 =	sadd.s32 s23, s25  }
0x25: {  	s25 =	sshrl.u32 s26, $0x3;
	s26 =	sshrl.u32 s20, $0x3;
	s20 =	simm.s32 $0x0  }
0x26: {  	[dreg:$0x15] =	wrdreg s24;
	s24 =	sadd.s32 s23, s25;
	s23 =	sadd.s32 s23, s26  }
0x27: {  	[smem:$0x7FF] =	sst s20;
	s25 =	sshrl.u32 s21, $0x3;
	s26 =	sor.u32 $0x230, s21  }
0x28: {  	[dreg:$0x16] =	wrdreg s24;
	s24 =	sadd.s32 s25, s22;
	s22 =	sadd.s32 $0x2E00, s22  }
0x29: {  	[dreg:$0x17] =	wrdreg s23;
	s31 =	sadd.s32 s22, s25;
	s25 =	sshrl.u32 s26, $0x3  }
0x2a: {  	s26 =	sor.u32 $0x1E0, s21;
	s23 =	sadd.s32 s25, s22;
	s25 =	rddreg [dreg:$0x0]  }
0x2b: {  	s0 =	smax.u32 s0, $0x1;
	s28 =	sshrl.u32 s26, $0x3;
	s26 =	rddreg [dreg:$0x2]  }
0x2c: {  	_ =	strace $0x8000004A;
	[smem:$0x7F9] =	sst s0  }
0x2d: {  	[dreg:$0x18] =	wrdreg s31;
	s1 =	sadd.s32 s1, s26  }
0x2e: {  	s30 =	smul.u32 $0x50000, s29;
	s2 =	sadd.s32 s2, s26;
	[dreg:$0x1a] =	wrdreg s1  }
0x2f: {  	s21 =	sor.u32 $0x190, s21;
	s3 =	sadd.s32 s3, s26;
	[dreg:$0x1b] =	wrdreg s2  }
0x30: {  	s21 =	sshrl.u32 s21, $0x3;
	s4 =	sadd.s32 s4, s26;
	[dreg:$0x1c] =	wrdreg s3  }
0x31: {  	s0 =	simm.s32 $0x7980;
	s5 =	sadd.s32 s5, s26;
	[dreg:$0x1d] =	wrdreg s4  }
0x32: {  	s28 =	sadd.s32 s28, s22;
	s6 =	sadd.s32 s6, s26;
	[dreg:$0x1e] =	wrdreg s5  }
0x33: {  	s29 =	sadd.s32 s21, s22;
	s9 =	sadd.s32 s9, s26;
	[dreg:$0x1f] =	wrdreg s6  }
0x34: {  	s22 =	sshrl.u32 s30, $0x2;
	s10 =	sadd.s32 s10, s26;
	[smem:$0x7F3] =	sst s9  }
0x35: {  	s7 =	sadd.s32 s7, s26;
	s11 =	sadd.s32 s11, s26;
	[smem:$0x7F4] =	sst s10  }
0x36: {  	s8 =	sadd.s32 s8, s26;
	s12 =	sadd.s32 s12, s26;
	[smem:$0x7F5] =	sst s11  }
0x37: {  	s13 =	sadd.s32 s13, s26;
	s30 =	simm.s32 $0x2880;
	[smem:$0x7F6] =	sst s12  }
0x38: {  	s21 =	sadd.s32 s22, s26;
	[smem:$0x7F7] =	sst s13;
	s11 =	sadd.s32 s14, s26  }
0x39: {  	s12 =	sadd.s32 s15, s26;
	s13 =	sadd.s32 s16, s26;
	s14 =	sadd.s32 s17, s26  }
0x3a: {  	s15 =	sadd.s32 s18, s26;
	s16 =	sadd.s32 s19, s26;
	s18 =	sadd.s32 $0xCE00, s24  }
0x3b: {  	s19 =	sadd.s32 $0xA, s31;
	s22 =	sadd.s32 $0x1E, s31;
	[dreg:$0x19] =	wrdreg s21  }
0x3c: {  	s24 =	sadd.s32 $0x28, s31;
	s17 =	simm.s32 $0x2800;
	[smem:$0x7F8] =	sst s18  }
0x3d: {  	s1 =	simm.s32 $0x2900;
	s2 =	simm.s32 $0x2;
	[smem:$0x7FA] =	sst s19  }
0x3e: {  	s3 =	simm.s32 $0x3;
	s4 =	simm.s32 $0x0;
	[smem:$0x7FC] =	sst s22  }
0x3f: {  	s21 =	sadd.s32 $0x14, s31;
	[smem:$0x7FD] =	sst s24;
	s19 =	simm.s32 $0xA180  }
0x40: {  	s18 =	simm.s32 $0x50;
	s22 =	simm.s32 $0x2980;
	s31 =	simm.s32 $0x5180  }
0x41: {  	v0 =	vimm.f32 $0.0e+00;
	s24 =	simm.s32 $0x1;
	[smem:$0x7FB] =	sst s21;
	s21 =	simm.s32 $0x4  }
.LBB2_1:
0x42: {  	s5 =	simm.s32 $0x0;
	s6 =	simm.s32 $0x200  }
.LBB2_2:
0x43: {  	p0 =	sne.s32 s6, $0x3E00;
	[tilespmem:s5+$0xA1F0] =	vst v0  }
0x44: {  	[tilespmem:s5+$0xA180] =	vst v0  }
0x45: {  	[tilespmem:s5+$0xA190] =	vst v0  }
.Ltmp0:
0x46: {  	[tilespmem:s5+$0xA1A0] =	vst v0;
	(pc) =	sbr.rel @p0 .LBB2_2-.Ltmp0, $4  }
0x47: {  	[tilespmem:s5+$0xA1B0] =	vst v0  }
0x48: {  	[tilespmem:s5+$0xA1C0] =	vst v0  }
0x49: {  	[tilespmem:s5+$0xA1D0] =	vst v0  }
0x4a: {  	[tilespmem:s5+$0xA1E0] =	vst v0;
	s5 =	sshra.s32 s6, $0x2;
	s6 =	sadd.s32 $0x200, s6  }
0x4b: {  	[tilespmem:s5+$0xA1F0] =	vst v0  }
0x4c: {  	[tilespmem:s5+$0xA180] =	vst v0  }
0x4d: {  	[tilespmem:s5+$0xA190] =	vst v0  }
0x4e: {  	[tilespmem:s5+$0xA1A0] =	vst v0  }
0x4f: {  	[tilespmem:s5+$0xA1B0] =	vst v0  }
0x50: {  	[tilespmem:s5+$0xA1C0] =	vst v0  }
0x51: {  	[tilespmem:s5+$0xA1D0] =	vst v0  }
0x52: {  	[tilespmem:s5+$0xA1E0] =	vst v0;
	s6 =	rddreg [dreg:$0x19]  }
0x53: {  	[spmem:s6] =	stream.linear.scatter [tilespmem:s19], [sflag:$0x4], $0x1000, $0x38;
	[tilespmem:$0x1F180] =	vst v63  }
0x54: {  	_ =	swait.ge [sflag:s21], $0x1000  }
0x55: {  	[sflag:s21] =	ssyncset.done $0x0  }
0x56: {  	s9 =	rddreg [dreg:$0x1a];
	[sflag:s21] =	ssyncadd.s32 $0xFFFFF000  }
0x57: {  	[spmem:s9] =	stream.linear.scatter [tilespmem:s19], [sflag:$0x4], $0x1000, $0x38;
	[tilespmem:$0x1F180] =	vst v63  }
0x58: {  	_ =	swait.ge [sflag:s21], $0x1000  }
0x59: {  	[sflag:s21] =	ssyncset.done $0x0  }
0x5a: {  	s10 =	rddreg [dreg:$0x1b];
	[sflag:s21] =	ssyncadd.s32 $0xFFFFF000  }
0x5b: {  	[spmem:s10] =	stream.linear.scatter [tilespmem:s19], [sflag:$0x4], $0x1000, $0x38;
	[tilespmem:$0x1F180] =	vst v63  }
0x5c: {  	_ =	swait.ge [sflag:s21], $0x1000  }
0x5d: {  	[sflag:s21] =	ssyncset.done $0x0  }
0x5e: {  	s6 =	rddreg [dreg:$0x1c];
	[sflag:s21] =	ssyncadd.s32 $0xFFFFF000  }
0x5f: {  	[spmem:s6] =	stream.linear.scatter [tilespmem:s19], [sflag:$0x4], $0x1000, $0x38;
	[tilespmem:$0x1F180] =	vst v63  }
0x60: {  	_ =	swait.ge [sflag:s21], $0x1000  }
0x61: {  	[sflag:s21] =	ssyncset.done $0x0  }
0x62: {  	s9 =	rddreg [dreg:$0x1d];
	[sflag:s21] =	ssyncadd.s32 $0xFFFFF000  }
0x63: {  	[spmem:s9] =	stream.linear.scatter [tilespmem:s19], [sflag:$0x4], $0x1000, $0x38;
	[tilespmem:$0x1F180] =	vst v63  }
0x64: {  	_ =	swait.ge [sflag:s21], $0x1000  }
0x65: {  	[sflag:s21] =	ssyncset.done $0x0  }
0x66: {  	s10 =	rddreg [dreg:$0x1e];
	[sflag:s21] =	ssyncadd.s32 $0xFFFFF000  }
0x67: {  	[spmem:s10] =	stream.linear.scatter [tilespmem:s19], [sflag:$0x4], $0x1000, $0x38;
	[tilespmem:$0x1F180] =	vst v63  }
0x68: {  	_ =	swait.ge [sflag:s21], $0x1000  }
0x69: {  	[sflag:s21] =	ssyncset.done $0x0  }
0x6a: {  	s6 =	rddreg [dreg:$0x1f];
	[sflag:s21] =	ssyncadd.s32 $0xFFFFF000  }
0x6b: {  	[spmem:s6] =	stream.linear.scatter [tilespmem:s19], [sflag:$0x4], $0x1000, $0x38;
	[tilespmem:$0x1F180] =	vst v63  }
0x6c: {  	_ =	swait.ge [sflag:s21], $0x1000  }
0x6d: {  	[sflag:s21] =	ssyncset.done $0x0  }
0x6e: {  	[sflag:s21] =	ssyncadd.s32 $0xFFFFF000  }
0x6f: {  	[spmem:s7] =	stream.linear.scatter [tilespmem:s19], [sflag:$0x4], $0x1000, $0x38;
	[tilespmem:$0x1F180] =	vst v63  }
0x70: {  	_ =	swait.ge [sflag:s21], $0x1000  }
0x71: {  	[sflag:s21] =	ssyncset.done $0x0  }
0x72: {  	[sflag:s21] =	ssyncadd.s32 $0xFFFFF000  }
0x73: {  	[spmem:s8] =	stream.linear.scatter [tilespmem:s19], [sflag:$0x4], $0x1000, $0x38;
	[tilespmem:$0x1F180] =	vst v63  }
0x74: {  	_ =	swait.ge [sflag:s21], $0x1000  }
0x75: {  	s10 =	smov.u32 s8;
	s8 =	sld [smem:$0x7F3]  }
0x76: {  	[sflag:s21] =	ssyncset.done $0x0  }
0x77: {  	[sflag:s21] =	ssyncadd.s32 $0xFFFFF000  }
0x78: {  	[spmem:s8] =	stream.linear.scatter [tilespmem:s19], [sflag:$0x4], $0x1000, $0x38;
	[tilespmem:$0x1F180] =	vst v63  }
0x79: {  	_ =	swait.ge [sflag:s21], $0x1000  }
0x7a: {  	s6 =	sld [smem:$0x7F4]  }
0x7b: {  	[sflag:s21] =	ssyncset.done $0x0  }
0x7c: {  	[sflag:s21] =	ssyncadd.s32 $0xFFFFF000  }
0x7d: {  	[spmem:s6] =	stream.linear.scatter [tilespmem:s19], [sflag:$0x4], $0x1000, $0x38;
	[tilespmem:$0x1F180] =	vst v63  }
0x7e: {  	_ =	swait.ge [sflag:s21], $0x1000  }
0x7f: {  	s9 =	smov.u32 s7;
	s7 =	sld [smem:$0x7F5]  }
0x80: {  	[sflag:s21] =	ssyncset.done $0x0  }
0x81: {  	[sflag:s21] =	ssyncadd.s32 $0xFFFFF000  }
0x82: {  	[spmem:s7] =	stream.linear.scatter [tilespmem:s19], [sflag:$0x4], $0x1000, $0x38;
	[tilespmem:$0x1F180] =	vst v63  }
0x83: {  	_ =	swait.ge [sflag:s21], $0x1000  }
0x84: {  	s8 =	sld [smem:$0x7F6]  }
0x85: {  	[sflag:s21] =	ssyncset.done $0x0  }
0x86: {  	[sflag:s21] =	ssyncadd.s32 $0xFFFFF000  }
0x87: {  	[spmem:s8] =	stream.linear.scatter [tilespmem:s19], [sflag:$0x4], $0x1000, $0x38;
	[tilespmem:$0x1F180] =	vst v63  }
0x88: {  	_ =	swait.ge [sflag:s21], $0x1000  }
0x89: {  	s6 =	sld [smem:$0x7F7]  }
0x8a: {  	[sflag:s21] =	ssyncset.done $0x0  }
0x8b: {  	[sflag:s21] =	ssyncadd.s32 $0xFFFFF000  }
0x8c: {  	[spmem:s6] =	stream.linear.scatter [tilespmem:s19], [sflag:$0x4], $0x1000, $0x38;
	[tilespmem:$0x1F180] =	vst v63  }
0x8d: {  	_ =	swait.ge [sflag:s21], $0x1000  }
0x8e: {  	[sflag:s21] =	ssyncset.done $0x0  }
0x8f: {  	[sflag:s21] =	ssyncadd.s32 $0xFFFFF000  }
0x90: {  	[spmem:s11] =	stream.linear.scatter [tilespmem:s19], [sflag:$0x4], $0x1000, $0x38;
	[tilespmem:$0x1F180] =	vst v63  }
0x91: {  	_ =	swait.ge [sflag:s21], $0x1000  }
0x92: {  	[sflag:s21] =	ssyncset.done $0x0  }
0x93: {  	[sflag:s21] =	ssyncadd.s32 $0xFFFFF000  }
0x94: {  	[spmem:s12] =	stream.linear.scatter [tilespmem:s19], [sflag:$0x4], $0x1000, $0x38;
	[tilespmem:$0x1F180] =	vst v63  }
0x95: {  	_ =	swait.ge [sflag:s21], $0x1000  }
0x96: {  	[sflag:s21] =	ssyncset.done $0x0  }
0x97: {  	[sflag:s21] =	ssyncadd.s32 $0xFFFFF000  }
0x98: {  	[spmem:s13] =	stream.linear.scatter [tilespmem:s19], [sflag:$0x4], $0x1000, $0x38;
	[tilespmem:$0x1F180] =	vst v63  }
0x99: {  	_ =	swait.ge [sflag:s21], $0x1000  }
0x9a: {  	[sflag:s21] =	ssyncset.done $0x0  }
0x9b: {  	[sflag:s21] =	ssyncadd.s32 $0xFFFFF000  }
0x9c: {  	[spmem:s14] =	stream.linear.scatter [tilespmem:s19], [sflag:$0x4], $0x1000, $0x38;
	[tilespmem:$0x1F180] =	vst v63  }
0x9d: {  	_ =	swait.ge [sflag:s21], $0x1000  }
0x9e: {  	[sflag:s21] =	ssyncset.done $0x0  }
0x9f: {  	[sflag:s21] =	ssyncadd.s32 $0xFFFFF000  }
0xa0: {  	[spmem:s15] =	stream.linear.scatter [tilespmem:s19], [sflag:$0x4], $0x1000, $0x38;
	[tilespmem:$0x1F180] =	vst v63  }
0xa1: {  	_ =	swait.ge [sflag:s21], $0x1000  }
0xa2: {  	[sflag:s21] =	ssyncset.done $0x0  }
0xa3: {  	[sflag:s21] =	ssyncadd.s32 $0xFFFFF000  }
0xa4: {  	[spmem:s16] =	stream.linear.scatter [tilespmem:s19], [sflag:$0x4], $0x1000, $0x38;
	[tilespmem:$0x1F180] =	vst v63  }
0xa5: {  	_ =	swait.ge [sflag:s21], $0x1000  }
0xa6: {  	s6 =	sld [smem:$0x7F8]  }
0xa7: {  	[sflag:s21] =	ssyncset.done $0x0  }
0xa8: {  	s5 =	simm.s32 $0x0;
	[sflag:s21] =	ssyncadd.s32 $0xFFFFF000  }
0xa9: {  	[tilespmem:s5], [sflag:$0x4] =	stream.linear.gather [hbm4b:s6+s5], $0x2800, $0x38;
	[tilespmem:$0x1F180] =	vst v63  }
0xaa: {  	_ =	swait.ge [sflag:s21], $0x2800  }
0xab: {  	[sflag:s21] =	ssyncset.done $0x0  }
0xac: {  	[sflag:s21] =	ssyncadd.s32 $0xFFFFD800  }
0xad: {  	[bflag:$0x0] =	sbarrier.arrive $0xFFFF  }
0xae: {  	s7 =	rddreg [dreg:$0x18]  }
0xaf: {  	[tilespmem:s17], [sflag:$0x2] =	stream.linear.gather [hbm4b:s7+s5], $0x50, $0x38;
	[tilespmem:$0x1F180] =	vst v63  }
0xb0: {  	s8 =	sld [smem:$0x7FA]  }
0xb1: {  	[tilespmem:s22], [sflag:$0x1] =	stream.indirect.gather [hbm4b:s25+s18], $0x80, s5, s18, $0xb8;
	[tilespmem:$0x1F180] =	vst v63  }
0xb2: {  	_ = 	snop  }
0xb3: {  	[tilespmem:s30], [sflag:$0x2] =	stream.linear.gather [hbm4b:s8+s5], $0x50, $0x38;
	[tilespmem:$0x1F180] =	vst v63  }
0xb4: {  	_ = 	snop  }
0xb5: {  	[tilespmem:s31], [sflag:$0x1] =	stream.indirect.gather [hbm4b:s25+s18], $0x80, s18, s18, $0xb8;
	[tilespmem:$0x1F180] =	vst v63  }
0xb6: {  	_ =	swait.ge [sflag:s24], $0x2800  }
0xb7: {  	[sflag:s24] =	ssyncset.done $0x0  }
0xb8: {  	s7 =	simm.s32 $0xA0;
	s8 =	sld [smem:$0x7FB];
	[sflag:s24] =	ssyncadd.s32 $0xFFFFD800  }
0xb9: {  	[tilespmem:s0], [sflag:$0x1] =	stream.indirect.gather [hbm4b:s25+s18], $0x80, s7, s18, $0xb8;
	[tilespmem:$0x1F180] =	vst v63  }
0xba: {  	_ = 	snop  }
0xbb: {  	[tilespmem:s1], [sflag:$0x2] =	stream.linear.gather [hbm4b:s8+s5], $0x50, $0x38;
	[tilespmem:$0x1F180] =	vst v63  }
0xbc: {  	_ =	swait.ge [sflag:s2], $0x50  }
0xbd: {  	[sflag:s2] =	ssyncset.done $0x0  }
0xbe: {  	[sflag:s2] =	ssyncadd.s32 $0xFFFFFFB0  }
0xbf: {  	[spmem:s26] =	stream.indirect.scatter.add.f32 [tilespmem:s22], [sflag:$0x3], $0x80, s17, s18, $0xb8;
	[tilespmem:$0x1F180] =	vst v63  }
0xc0: {  	_ =	swait.ge [sflag:s24], $0x2800  }
0xc1: {  	[sflag:s24] =	ssyncset.done $0x0  }
0xc2: {  	[sflag:s24] =	ssyncadd.s32 $0xFFFFD800  }
0xc3: {  	_ =	swait.ge [sflag:s3], $0x2800  }
0xc4: {  	[sflag:s3] =	ssyncset.done $0x0  }
0xc5: {  	s7 =	simm.s32 $0xF0;
	s8 =	sld [smem:$0x7FC];
	[sflag:s3] =	ssyncadd.s32 $0xFFFFD800  }
0xc6: {  	[tilespmem:s22], [sflag:$0x1] =	stream.indirect.gather [hbm4b:s25+s18], $0x80, s7, s18, $0xb8;
	[tilespmem:$0x1F180] =	vst v63  }
0xc7: {  	_ = 	snop  }
0xc8: {  	[tilespmem:s17], [sflag:$0x2] =	stream.linear.gather [hbm4b:s8+s5], $0x50, $0x38;
	[tilespmem:$0x1F180] =	vst v63  }
0xc9: {  	_ =	swait.ge [sflag:s2], $0x50  }
0xca: {  	[sflag:s2] =	ssyncset.done $0x0  }
0xcb: {  	[sflag:s2] =	ssyncadd.s32 $0xFFFFFFB0  }
0xcc: {  	[spmem:s26] =	stream.indirect.scatter.add.f32 [tilespmem:s31], [sflag:$0x3], $0x80, s30, s18, $0xb8;
	[tilespmem:$0x1F180] =	vst v63  }
0xcd: {  	_ =	swait.ge [sflag:s24], $0x2800  }
0xce: {  	[sflag:s24] =	ssyncset.done $0x0  }
0xcf: {  	[sflag:s24] =	ssyncadd.s32 $0xFFFFD800  }
0xd0: {  	_ =	swait.ge [sflag:s3], $0x2800  }
0xd1: {  	[sflag:s3] =	ssyncset.done $0x0  }
0xd2: {  	s7 =	simm.s32 $0x140;
	s8 =	sld [smem:$0x7FD];
	[sflag:s3] =	ssyncadd.s32 $0xFFFFD800  }
0xd3: {  	[tilespmem:s31], [sflag:$0x1] =	stream.indirect.gather [hbm4b:s25+s18], $0x80, s7, s18, $0xb8;
	[tilespmem:$0x1F180] =	vst v63  }
0xd4: {  	_ = 	snop  }
0xd5: {  	[tilespmem:s30], [sflag:$0x2] =	stream.linear.gather [hbm4b:s8+s5], $0x50, $0x38;
	[tilespmem:$0x1F180] =	vst v63  }
0xd6: {  	_ =	swait.ge [sflag:s2], $0x50  }
0xd7: {  	[sflag:s2] =	ssyncset.done $0x0  }
0xd8: {  	[sflag:s2] =	ssyncadd.s32 $0xFFFFFFB0  }
0xd9: {  	[spmem:s26] =	stream.indirect.scatter.add.f32 [tilespmem:s0], [sflag:$0x3], $0x80, s1, s18, $0xb8;
	[tilespmem:$0x1F180] =	vst v63  }
0xda: {  	_ =	swait.ge [sflag:s24], $0x2800  }
0xdb: {  	[sflag:s24] =	ssyncset.done $0x0  }
0xdc: {  	[sflag:s24] =	ssyncadd.s32 $0xFFFFD800  }
0xdd: {  	_ =	swait.ge [sflag:s3], $0x2800  }
0xde: {  	[sflag:s3] =	ssyncset.done $0x0  }
0xdf: {  	s6 =	simm.s32 $0x190;
	[sflag:s3] =	ssyncadd.s32 $0xFFFFD800  }
0xe0: {  	[tilespmem:s0], [sflag:$0x1] =	stream.indirect.gather [hbm4b:s25+s18], $0x80, s6, s18, $0xb8;
	[tilespmem:$0x1F180] =	vst v63  }
0xe1: {  	s7 =	sadd.s32 $0x0, s29  }
0xe2: {  	[tilespmem:s1], [sflag:$0x2] =	stream.linear.gather [hbm4b:s7+s20], $0x50, $0x38;
	[tilespmem:$0x1F180] =	vst v63  }
0xe3: {  	_ =	swait.ge [sflag:s2], $0x50  }
0xe4: {  	[sflag:s2] =	ssyncset.done $0x0  }
0xe5: {  	[sflag:s2] =	ssyncadd.s32 $0xFFFFFFB0  }
0xe6: {  	[spmem:s26] =	stream.indirect.scatter.add.f32 [tilespmem:s22], [sflag:$0x3], $0x80, s17, s18, $0xb8;
	[tilespmem:$0x1F180] =	vst v63  }
0xe7: {  	_ =	swait.ge [sflag:s24], $0x2800  }
0xe8: {  	[sflag:s24] =	ssyncset.done $0x0  }
0xe9: {  	[sflag:s24] =	ssyncadd.s32 $0xFFFFD800  }
0xea: {  	_ =	swait.ge [sflag:s3], $0x2800  }
0xeb: {  	[sflag:s3] =	ssyncset.done $0x0  }
0xec: {  	s8 =	simm.s32 $0x1E0;
	[sflag:s3] =	ssyncadd.s32 $0xFFFFD800  }
0xed: {  	[tilespmem:s22], [sflag:$0x1] =	stream.indirect.gather [hbm4b:s25+s18], $0x80, s8, s18, $0xb8;
	[tilespmem:$0x1F180] =	vst v63  }
0xee: {  	s6 =	sadd.s32 $0x0, s28  }
0xef: {  	[tilespmem:s17], [sflag:$0x2] =	stream.linear.gather [hbm4b:s6+s20], $0x50, $0x38;
	[tilespmem:$0x1F180] =	vst v63  }
0xf0: {  	_ =	swait.ge [sflag:s2], $0x50  }
0xf1: {  	[sflag:s2] =	ssyncset.done $0x0  }
0xf2: {  	[sflag:s2] =	ssyncadd.s32 $0xFFFFFFB0  }
0xf3: {  	[spmem:s26] =	stream.indirect.scatter.add.f32 [tilespmem:s31], [sflag:$0x3], $0x80, s30, s18, $0xb8;
	[tilespmem:$0x1F180] =	vst v63  }
0xf4: {  	_ =	swait.ge [sflag:s24], $0x2800  }
0xf5: {  	[sflag:s24] =	ssyncset.done $0x0  }
0xf6: {  	[sflag:s24] =	ssyncadd.s32 $0xFFFFD800  }
0xf7: {  	_ =	swait.ge [sflag:s3], $0x2800  }
0xf8: {  	[sflag:s3] =	ssyncset.done $0x0  }
0xf9: {  	s7 =	simm.s32 $0x230;
	[sflag:s3] =	ssyncadd.s32 $0xFFFFD800  }
0xfa: {  	[tilespmem:s31], [sflag:$0x1] =	stream.indirect.gather [hbm4b:s25+s18], $0x80, s7, s18, $0xb8;
	[tilespmem:$0x1F180] =	vst v63  }
0xfb: {  	s8 =	sadd.s32 $0x0, s23  }
0xfc: {  	[tilespmem:s30], [sflag:$0x2] =	stream.linear.gather [hbm4b:s8+s20], $0x50, $0x38;
	[tilespmem:$0x1F180] =	vst v63  }
0xfd: {  	_ =	swait.ge [sflag:s2], $0x50  }
0xfe: {  	[sflag:s2] =	ssyncset.done $0x0  }
0xff: {  	s5 =	simm.s32 $0x1E;
	s6 =	simm.s32 $0x320;
	[sflag:s2] =	ssyncadd.s32 $0xFFFFFFB0  }
.LBB2_4:
0x100: {  	[spmem:s26] =	stream.indirect.scatter.add.f32 [tilespmem:s0], [sflag:$0x3], $0x80, s1, s18, $0xb8;
	[tilespmem:$0x1F180] =	vst v63  }
0x101: {  	s7 =	smov.u32 s5  }
0x102: {  	p0 =	sne.s32 s5, $0x4B0;
	s5 =	sadd.s32 $0x1E, s5;
	_ =	swait.ge [sflag:s24], $0x2800  }
0x103: {  	[sflag:s24] =	ssyncset.done $0x0  }
0x104: {  	[sflag:s24] =	ssyncadd.s32 $0xFFFFD800  }
0x105: {  	_ =	swait.ge [sflag:s3], $0x2800  }
0x106: {  	[sflag:s3] =	ssyncset.done $0x0  }
0x107: {  	s8 =	sadd.s32 $0xFFFFFF60, s6;
	[sflag:s3] =	ssyncadd.s32 $0xFFFFD800  }
0x108: {  	[tilespmem:s0], [sflag:$0x1] =	stream.indirect.gather [hbm4b:s25+s18], $0x80, s8, s18, $0xb8;
	[tilespmem:$0x1F180] =	vst v63  }
0x109: {  	s8 =	sadd.s32 s7, s29  }
0x10a: {  	[tilespmem:s1], [sflag:$0x2] =	stream.linear.gather [hbm4b:s8+s20], $0x50, $0x38;
	[tilespmem:$0x1F180] =	vst v63  }
0x10b: {  	_ =	swait.ge [sflag:s2], $0x50  }
0x10c: {  	[sflag:s2] =	ssyncset.done $0x0  }
0x10d: {  	[sflag:s2] =	ssyncadd.s32 $0xFFFFFFB0  }
0x10e: {  	[spmem:s26] =	stream.indirect.scatter.add.f32 [tilespmem:s22], [sflag:$0x3], $0x80, s17, s18, $0xb8;
	[tilespmem:$0x1F180] =	vst v63  }
0x10f: {  	_ =	swait.ge [sflag:s24], $0x2800  }
0x110: {  	[sflag:s24] =	ssyncset.done $0x0  }
0x111: {  	[sflag:s24] =	ssyncadd.s32 $0xFFFFD800  }
0x112: {  	_ =	swait.ge [sflag:s3], $0x2800  }
0x113: {  	[sflag:s3] =	ssyncset.done $0x0  }
0x114: {  	s8 =	sadd.s32 $0xFFFFFFB0, s6;
	[sflag:s3] =	ssyncadd.s32 $0xFFFFD800  }
0x115: {  	[tilespmem:s22], [sflag:$0x1] =	stream.indirect.gather [hbm4b:s25+s18], $0x80, s8, s18, $0xb8;
	[tilespmem:$0x1F180] =	vst v63  }
0x116: {  	s8 =	sadd.s32 s7, s28  }
0x117: {  	[tilespmem:s17], [sflag:$0x2] =	stream.linear.gather [hbm4b:s8+s20], $0x50, $0x38;
	[tilespmem:$0x1F180] =	vst v63  }
0x118: {  	_ =	swait.ge [sflag:s2], $0x50  }
0x119: {  	[sflag:s2] =	ssyncset.done $0x0  }
0x11a: {  	[sflag:s2] =	ssyncadd.s32 $0xFFFFFFB0  }
0x11b: {  	[spmem:s26] =	stream.indirect.scatter.add.f32 [tilespmem:s31], [sflag:$0x3], $0x80, s30, s18, $0xb8;
	[tilespmem:$0x1F180] =	vst v63  }
0x11c: {  	_ =	swait.ge [sflag:s24], $0x2800  }
0x11d: {  	[sflag:s24] =	ssyncset.done $0x0  }
0x11e: {  	[sflag:s24] =	ssyncadd.s32 $0xFFFFD800  }
0x11f: {  	_ =	swait.ge [sflag:s3], $0x2800  }
0x120: {  	[sflag:s3] =	ssyncset.done $0x0  }
0x121: {  	[sflag:s3] =	ssyncadd.s32 $0xFFFFD800  }
0x122: {  	[tilespmem:s31], [sflag:$0x1] =	stream.indirect.gather [hbm4b:s25+s18], $0x80, s6, s18, $0xb8;
	[tilespmem:$0x1F180] =	vst v63  }
.Ltmp1:
0x123: {  	s7 =	sadd.s32 s7, s23;
	(pc) =	sbr.rel @p0 .LBB2_4-.Ltmp1, $4  }
0x124: {  	[tilespmem:s30], [sflag:$0x2] =	stream.linear.gather [hbm4b:s7+s20], $0x50, $0x38;
	[tilespmem:$0x1F180] =	vst v63  }
0x125: {  	_ =	swait.ge [sflag:s2], $0x50  }
0x126: {  	[sflag:s2] =	ssyncset.done $0x0  }
0x127: {  	s6 =	sadd.s32 $0xF0, s6;
	[sflag:s2] =	ssyncadd.s32 $0xFFFFFFB0  }
0x128: {  	[spmem:s26] =	stream.indirect.scatter.add.f32 [tilespmem:s0], [sflag:$0x3], $0x80, s1, s18, $0xb8;
	[tilespmem:$0x1F180] =	vst v63  }
0x129: {  	_ =	swait.ge [sflag:s24], $0x2800  }
0x12a: {  	[sflag:s24] =	ssyncset.done $0x0  }
0x12b: {  	[sflag:s24] =	ssyncadd.s32 $0xFFFFD800  }
0x12c: {  	_ =	swait.ge [sflag:s3], $0x2800  }
0x12d: {  	[sflag:s3] =	ssyncset.done $0x0  }
0x12e: {  	[sflag:s3] =	ssyncadd.s32 $0xFFFFD800  }
0x12f: {  	_ =	swait.ge [sflag:s2], $0x50  }
0x130: {  	[sflag:s2] =	ssyncset.done $0x0  }
0x131: {  	[sflag:s2] =	ssyncadd.s32 $0xFFFFFFB0  }
0x132: {  	[spmem:s26] =	stream.indirect.scatter.add.f32 [tilespmem:s22], [sflag:$0x3], $0x80, s17, s18, $0xb8;
	[tilespmem:$0x1F180] =	vst v63  }
0x133: {  	_ =	swait.ge [sflag:s24], $0x2800  }
0x134: {  	[sflag:s24] =	ssyncset.done $0x0  }
0x135: {  	[sflag:s24] =	ssyncadd.s32 $0xFFFFD800  }
0x136: {  	_ =	swait.ge [sflag:s3], $0x2800  }
0x137: {  	[sflag:s3] =	ssyncset.done $0x0  }
0x138: {  	[sflag:s3] =	ssyncadd.s32 $0xFFFFD800  }
0x139: {  	_ =	swait.ge [sflag:s2], $0x50  }
0x13a: {  	[sflag:s2] =	ssyncset.done $0x0  }
0x13b: {  	[sflag:s2] =	ssyncadd.s32 $0xFFFFFFB0  }
0x13c: {  	[spmem:s26] =	stream.indirect.scatter.add.f32 [tilespmem:s31], [sflag:$0x3], $0x80, s30, s18, $0xb8;
	[tilespmem:$0x1F180] =	vst v63  }
0x13d: {  	_ =	swait.ge [sflag:s3], $0x2800  }
0x13e: {  	[sflag:s3] =	ssyncset.done $0x0  }
0x13f: {  	[sflag:s3] =	ssyncadd.s32 $0xFFFFD800  }
0x140: {  	[bflag:$0x0] =	sbarrier.arrive $0xFFFF  }
0x141: {  	s5 =	rddreg [dreg:$0x19]  }
0x142: {  	[tilespmem:s19], [sflag:$0x4] =	stream.linear.gather [spmem:s5], $0x1000, $0x38;
	[tilespmem:$0x1F180] =	vst v63  }
0x143: {  	_ =	swait.ge [sflag:s21], $0x1000  }
0x144: {  	[sflag:s21] =	ssyncset.done $0x0  }
0x145: {  	s8 =	rddreg [dreg:$0x4];
	[sflag:s21] =	ssyncadd.s32 $0xFFFFF000  }
0x146: {  	[hbm4b:s8+s20] =	stream.linear.scatter [tilespmem:s19], [sflag:$0x4], $0x1000, $0x38;
	[tilespmem:$0x1F180] =	vst v63  }
0x147: {  	_ =	swait.ge [sflag:s21], $0x1000  }
0x148: {  	[sflag:s21] =	ssyncset.done $0x0  }
0x149: {  	s6 =	rddreg [dreg:$0x1a];
	[sflag:s21] =	ssyncadd.s32 $0xFFFFF000  }
0x14a: {  	[tilespmem:s19], [sflag:$0x4] =	stream.linear.gather [spmem:s6], $0x1000, $0x38;
	[tilespmem:$0x1F180] =	vst v63  }
0x14b: {  	_ =	swait.ge [sflag:s21], $0x1000  }
0x14c: {  	[sflag:s21] =	ssyncset.done $0x0  }
0x14d: {  	s7 =	rddreg [dreg:$0x5];
	[sflag:s21] =	ssyncadd.s32 $0xFFFFF000  }
0x14e: {  	[hbm4b:s7+s20] =	stream.linear.scatter [tilespmem:s19], [sflag:$0x4], $0x1000, $0x38;
	[tilespmem:$0x1F180] =	vst v63  }
0x14f: {  	_ =	swait.ge [sflag:s21], $0x1000  }
0x150: {  	[sflag:s21] =	ssyncset.done $0x0  }
0x151: {  	s8 =	rddreg [dreg:$0x1b];
	[sflag:s21] =	ssyncadd.s32 $0xFFFFF000  }
0x152: {  	[tilespmem:s19], [sflag:$0x4] =	stream.linear.gather [spmem:s8], $0x1000, $0x38;
	[tilespmem:$0x1F180] =	vst v63  }
0x153: {  	_ =	swait.ge [sflag:s21], $0x1000  }
0x154: {  	[sflag:s21] =	ssyncset.done $0x0  }
0x155: {  	s6 =	rddreg [dreg:$0x6];
	[sflag:s21] =	ssyncadd.s32 $0xFFFFF000  }
0x156: {  	[hbm4b:s6+s20] =	stream.linear.scatter [tilespmem:s19], [sflag:$0x4], $0x1000, $0x38;
	[tilespmem:$0x1F180] =	vst v63  }
0x157: {  	_ =	swait.ge [sflag:s21], $0x1000  }
0x158: {  	[sflag:s21] =	ssyncset.done $0x0  }
0x159: {  	s7 =	rddreg [dreg:$0x1c];
	[sflag:s21] =	ssyncadd.s32 $0xFFFFF000  }
0x15a: {  	[tilespmem:s19], [sflag:$0x4] =	stream.linear.gather [spmem:s7], $0x1000, $0x38;
	[tilespmem:$0x1F180] =	vst v63  }
0x15b: {  	_ =	swait.ge [sflag:s21], $0x1000  }
0x15c: {  	[sflag:s21] =	ssyncset.done $0x0  }
0x15d: {  	s8 =	rddreg [dreg:$0x7];
	[sflag:s21] =	ssyncadd.s32 $0xFFFFF000  }
0x15e: {  	[hbm4b:s8+s20] =	stream.linear.scatter [tilespmem:s19], [sflag:$0x4], $0x1000, $0x38;
	[tilespmem:$0x1F180] =	vst v63  }
0x15f: {  	_ =	swait.ge [sflag:s21], $0x1000  }
0x160: {  	[sflag:s21] =	ssyncset.done $0x0  }
0x161: {  	s6 =	rddreg [dreg:$0x1d];
	[sflag:s21] =	ssyncadd.s32 $0xFFFFF000  }
0x162: {  	[tilespmem:s19], [sflag:$0x4] =	stream.linear.gather [spmem:s6], $0x1000, $0x38;
	[tilespmem:$0x1F180] =	vst v63  }
0x163: {  	_ =	swait.ge [sflag:s21], $0x1000  }
0x164: {  	[sflag:s21] =	ssyncset.done $0x0  }
0x165: {  	s7 =	rddreg [dreg:$0x8];
	[sflag:s21] =	ssyncadd.s32 $0xFFFFF000  }
0x166: {  	[hbm4b:s7+s20] =	stream.linear.scatter [tilespmem:s19], [sflag:$0x4], $0x1000, $0x38;
	[tilespmem:$0x1F180] =	vst v63  }
0x167: {  	_ =	swait.ge [sflag:s21], $0x1000  }
0x168: {  	[sflag:s21] =	ssyncset.done $0x0  }
0x169: {  	s8 =	rddreg [dreg:$0x1e];
	[sflag:s21] =	ssyncadd.s32 $0xFFFFF000  }
0x16a: {  	[tilespmem:s19], [sflag:$0x4] =	stream.linear.gather [spmem:s8], $0x1000, $0x38;
	[tilespmem:$0x1F180] =	vst v63  }
0x16b: {  	_ =	swait.ge [sflag:s21], $0x1000  }
0x16c: {  	[sflag:s21] =	ssyncset.done $0x0  }
0x16d: {  	s6 =	rddreg [dreg:$0x9];
	[sflag:s21] =	ssyncadd.s32 $0xFFFFF000  }
0x16e: {  	[hbm4b:s6+s20] =	stream.linear.scatter [tilespmem:s19], [sflag:$0x4], $0x1000, $0x38;
	[tilespmem:$0x1F180] =	vst v63  }
0x16f: {  	_ =	swait.ge [sflag:s21], $0x1000  }
0x170: {  	[sflag:s21] =	ssyncset.done $0x0  }
0x171: {  	s7 =	rddreg [dreg:$0x1f];
	[sflag:s21] =	ssyncadd.s32 $0xFFFFF000  }
0x172: {  	[tilespmem:s19], [sflag:$0x4] =	stream.linear.gather [spmem:s7], $0x1000, $0x38;
	[tilespmem:$0x1F180] =	vst v63  }
0x173: {  	_ =	swait.ge [sflag:s21], $0x1000  }
0x174: {  	[sflag:s21] =	ssyncset.done $0x0  }
0x175: {  	s8 =	rddreg [dreg:$0xa];
	[sflag:s21] =	ssyncadd.s32 $0xFFFFF000  }
0x176: {  	[hbm4b:s8+s20] =	stream.linear.scatter [tilespmem:s19], [sflag:$0x4], $0x1000, $0x38;
	[tilespmem:$0x1F180] =	vst v63  }
0x177: {  	_ =	swait.ge [sflag:s21], $0x1000  }
0x178: {  	[sflag:s21] =	ssyncset.done $0x0  }
0x179: {  	[sflag:s21] =	ssyncadd.s32 $0xFFFFF000  }
0x17a: {  	[tilespmem:s19], [sflag:$0x4] =	stream.linear.gather [spmem:s9], $0x1000, $0x38;
	[tilespmem:$0x1F180] =	vst v63  }
0x17b: {  	_ =	swait.ge [sflag:s21], $0x1000  }
0x17c: {  	[sflag:s21] =	ssyncset.done $0x0  }
0x17d: {  	s7 =	smov.u32 s9;
	s9 =	rddreg [dreg:$0xb];
	[sflag:s21] =	ssyncadd.s32 $0xFFFFF000  }
0x17e: {  	[hbm4b:s9+s20] =	stream.linear.scatter [tilespmem:s19], [sflag:$0x4], $0x1000, $0x38;
	[tilespmem:$0x1F180] =	vst v63  }
0x17f: {  	_ =	swait.ge [sflag:s21], $0x1000  }
0x180: {  	[sflag:s21] =	ssyncset.done $0x0  }
0x181: {  	[sflag:s21] =	ssyncadd.s32 $0xFFFFF000  }
0x182: {  	[tilespmem:s19], [sflag:$0x4] =	stream.linear.gather [spmem:s10], $0x1000, $0x38;
	[tilespmem:$0x1F180] =	vst v63  }
0x183: {  	_ =	swait.ge [sflag:s21], $0x1000  }
0x184: {  	[sflag:s21] =	ssyncset.done $0x0  }
0x185: {  	s6 =	rddreg [dreg:$0xc];
	[sflag:s21] =	ssyncadd.s32 $0xFFFFF000  }
0x186: {  	[hbm4b:s6+s20] =	stream.linear.scatter [tilespmem:s19], [sflag:$0x4], $0x1000, $0x38;
	[tilespmem:$0x1F180] =	vst v63  }
0x187: {  	_ =	swait.ge [sflag:s21], $0x1000  }
0x188: {  	s9 =	sld [smem:$0x7F3]  }
0x189: {  	[sflag:s21] =	ssyncset.done $0x0  }
0x18a: {  	[sflag:s21] =	ssyncadd.s32 $0xFFFFF000  }
0x18b: {  	[tilespmem:s19], [sflag:$0x4] =	stream.linear.gather [spmem:s9], $0x1000, $0x38;
	[tilespmem:$0x1F180] =	vst v63  }
0x18c: {  	_ =	swait.ge [sflag:s21], $0x1000  }
0x18d: {  	[sflag:s21] =	ssyncset.done $0x0  }
0x18e: {  	s8 =	smov.u32 s10;
	s10 =	rddreg [dreg:$0xd];
	[sflag:s21] =	ssyncadd.s32 $0xFFFFF000  }
0x18f: {  	[hbm4b:s10+s20] =	stream.linear.scatter [tilespmem:s19], [sflag:$0x4], $0x1000, $0x38;
	[tilespmem:$0x1F180] =	vst v63  }
0x190: {  	_ =	swait.ge [sflag:s21], $0x1000  }
0x191: {  	s6 =	sld [smem:$0x7F4]  }
0x192: {  	[sflag:s21] =	ssyncset.done $0x0  }
0x193: {  	[sflag:s21] =	ssyncadd.s32 $0xFFFFF000  }
0x194: {  	[tilespmem:s19], [sflag:$0x4] =	stream.linear.gather [spmem:s6], $0x1000, $0x38;
	[tilespmem:$0x1F180] =	vst v63  }
0x195: {  	_ =	swait.ge [sflag:s21], $0x1000  }
0x196: {  	[sflag:s21] =	ssyncset.done $0x0  }
0x197: {  	s9 =	rddreg [dreg:$0xe];
	[sflag:s21] =	ssyncadd.s32 $0xFFFFF000  }
0x198: {  	[hbm4b:s9+s20] =	stream.linear.scatter [tilespmem:s19], [sflag:$0x4], $0x1000, $0x38;
	[tilespmem:$0x1F180] =	vst v63  }
0x199: {  	_ =	swait.ge [sflag:s21], $0x1000  }
0x19a: {  	s10 =	sld [smem:$0x7F5]  }
0x19b: {  	[sflag:s21] =	ssyncset.done $0x0  }
0x19c: {  	[sflag:s21] =	ssyncadd.s32 $0xFFFFF000  }
0x19d: {  	[tilespmem:s19], [sflag:$0x4] =	stream.linear.gather [spmem:s10], $0x1000, $0x38;
	[tilespmem:$0x1F180] =	vst v63  }
0x19e: {  	_ =	swait.ge [sflag:s21], $0x1000  }
0x19f: {  	[sflag:s21] =	ssyncset.done $0x0  }
0x1a0: {  	s6 =	rddreg [dreg:$0xf];
	[sflag:s21] =	ssyncadd.s32 $0xFFFFF000  }
0x1a1: {  	[hbm4b:s6+s20] =	stream.linear.scatter [tilespmem:s19], [sflag:$0x4], $0x1000, $0x38;
	[tilespmem:$0x1F180] =	vst v63  }
0x1a2: {  	_ =	swait.ge [sflag:s21], $0x1000  }
0x1a3: {  	s9 =	sld [smem:$0x7F6]  }
0x1a4: {  	[sflag:s21] =	ssyncset.done $0x0  }
0x1a5: {  	[sflag:s21] =	ssyncadd.s32 $0xFFFFF000  }
0x1a6: {  	[tilespmem:s19], [sflag:$0x4] =	stream.linear.gather [spmem:s9], $0x1000, $0x38;
	[tilespmem:$0x1F180] =	vst v63  }
0x1a7: {  	_ =	swait.ge [sflag:s21], $0x1000  }
0x1a8: {  	[sflag:s21] =	ssyncset.done $0x0  }
0x1a9: {  	s10 =	rddreg [dreg:$0x10];
	[sflag:s21] =	ssyncadd.s32 $0xFFFFF000  }
0x1aa: {  	[hbm4b:s10+s20] =	stream.linear.scatter [tilespmem:s19], [sflag:$0x4], $0x1000, $0x38;
	[tilespmem:$0x1F180] =	vst v63  }
0x1ab: {  	_ =	swait.ge [sflag:s21], $0x1000  }
0x1ac: {  	s6 =	sld [smem:$0x7F7]  }
0x1ad: {  	[sflag:s21] =	ssyncset.done $0x0  }
0x1ae: {  	[sflag:s21] =	ssyncadd.s32 $0xFFFFF000  }
0x1af: {  	[tilespmem:s19], [sflag:$0x4] =	stream.linear.gather [spmem:s6], $0x1000, $0x38;
	[tilespmem:$0x1F180] =	vst v63  }
0x1b0: {  	_ =	swait.ge [sflag:s21], $0x1000  }
0x1b1: {  	[sflag:s21] =	ssyncset.done $0x0  }
0x1b2: {  	s9 =	rddreg [dreg:$0x11];
	[sflag:s21] =	ssyncadd.s32 $0xFFFFF000  }
0x1b3: {  	[hbm4b:s9+s20] =	stream.linear.scatter [tilespmem:s19], [sflag:$0x4], $0x1000, $0x38;
	[tilespmem:$0x1F180] =	vst v63  }
0x1b4: {  	_ =	swait.ge [sflag:s21], $0x1000  }
0x1b5: {  	[sflag:s21] =	ssyncset.done $0x0  }
0x1b6: {  	[sflag:s21] =	ssyncadd.s32 $0xFFFFF000  }
0x1b7: {  	[tilespmem:s19], [sflag:$0x4] =	stream.linear.gather [spmem:s11], $0x1000, $0x38;
	[tilespmem:$0x1F180] =	vst v63  }
0x1b8: {  	_ =	swait.ge [sflag:s21], $0x1000  }
0x1b9: {  	[sflag:s21] =	ssyncset.done $0x0  }
0x1ba: {  	s10 =	rddreg [dreg:$0x12];
	[sflag:s21] =	ssyncadd.s32 $0xFFFFF000  }
0x1bb: {  	[hbm4b:s10+s20] =	stream.linear.scatter [tilespmem:s19], [sflag:$0x4], $0x1000, $0x38;
	[tilespmem:$0x1F180] =	vst v63  }
0x1bc: {  	_ =	swait.ge [sflag:s21], $0x1000  }
0x1bd: {  	[sflag:s21] =	ssyncset.done $0x0  }
0x1be: {  	[sflag:s21] =	ssyncadd.s32 $0xFFFFF000  }
0x1bf: {  	[tilespmem:s19], [sflag:$0x4] =	stream.linear.gather [spmem:s12], $0x1000, $0x38;
	[tilespmem:$0x1F180] =	vst v63  }
0x1c0: {  	_ =	swait.ge [sflag:s21], $0x1000  }
0x1c1: {  	[sflag:s21] =	ssyncset.done $0x0  }
0x1c2: {  	s6 =	rddreg [dreg:$0x13];
	[sflag:s21] =	ssyncadd.s32 $0xFFFFF000  }
0x1c3: {  	[hbm4b:s6+s20] =	stream.linear.scatter [tilespmem:s19], [sflag:$0x4], $0x1000, $0x38;
	[tilespmem:$0x1F180] =	vst v63  }
0x1c4: {  	_ =	swait.ge [sflag:s21], $0x1000  }
0x1c5: {  	[sflag:s21] =	ssyncset.done $0x0  }
0x1c6: {  	[sflag:s21] =	ssyncadd.s32 $0xFFFFF000  }
0x1c7: {  	[tilespmem:s19], [sflag:$0x4] =	stream.linear.gather [spmem:s13], $0x1000, $0x38;
	[tilespmem:$0x1F180] =	vst v63  }
0x1c8: {  	_ =	swait.ge [sflag:s21], $0x1000  }
0x1c9: {  	[sflag:s21] =	ssyncset.done $0x0  }
0x1ca: {  	s9 =	rddreg [dreg:$0x14];
	[sflag:s21] =	ssyncadd.s32 $0xFFFFF000  }
0x1cb: {  	[hbm4b:s9+s20] =	stream.linear.scatter [tilespmem:s19], [sflag:$0x4], $0x1000, $0x38;
	[tilespmem:$0x1F180] =	vst v63  }
0x1cc: {  	_ =	swait.ge [sflag:s21], $0x1000  }
0x1cd: {  	[sflag:s21] =	ssyncset.done $0x0  }
0x1ce: {  	[sflag:s21] =	ssyncadd.s32 $0xFFFFF000  }
0x1cf: {  	[tilespmem:s19], [sflag:$0x4] =	stream.linear.gather [spmem:s14], $0x1000, $0x38;
	[tilespmem:$0x1F180] =	vst v63  }
0x1d0: {  	_ =	swait.ge [sflag:s21], $0x1000  }
0x1d1: {  	[sflag:s21] =	ssyncset.done $0x0  }
0x1d2: {  	s10 =	rddreg [dreg:$0x15];
	[sflag:s21] =	ssyncadd.s32 $0xFFFFF000  }
0x1d3: {  	[hbm4b:s10+s20] =	stream.linear.scatter [tilespmem:s19], [sflag:$0x4], $0x1000, $0x38;
	[tilespmem:$0x1F180] =	vst v63  }
0x1d4: {  	_ =	swait.ge [sflag:s21], $0x1000  }
0x1d5: {  	[sflag:s21] =	ssyncset.done $0x0  }
0x1d6: {  	[sflag:s21] =	ssyncadd.s32 $0xFFFFF000  }
0x1d7: {  	[tilespmem:s19], [sflag:$0x4] =	stream.linear.gather [spmem:s15], $0x1000, $0x38;
	[tilespmem:$0x1F180] =	vst v63  }
0x1d8: {  	_ =	swait.ge [sflag:s21], $0x1000  }
0x1d9: {  	[sflag:s21] =	ssyncset.done $0x0  }
0x1da: {  	s6 =	rddreg [dreg:$0x16];
	[sflag:s21] =	ssyncadd.s32 $0xFFFFF000  }
0x1db: {  	[hbm4b:s6+s20] =	stream.linear.scatter [tilespmem:s19], [sflag:$0x4], $0x1000, $0x38;
	[tilespmem:$0x1F180] =	vst v63  }
0x1dc: {  	_ =	swait.ge [sflag:s21], $0x1000  }
0x1dd: {  	[sflag:s21] =	ssyncset.done $0x0  }
0x1de: {  	[sflag:s21] =	ssyncadd.s32 $0xFFFFF000  }
0x1df: {  	[tilespmem:s19], [sflag:$0x4] =	stream.linear.gather [spmem:s16], $0x1000, $0x38;
	[tilespmem:$0x1F180] =	vst v63  }
0x1e0: {  	_ =	swait.ge [sflag:s21], $0x1000  }
0x1e1: {  	[sflag:s21] =	ssyncset.done $0x0  }
0x1e2: {  	s9 =	rddreg [dreg:$0x17];
	[sflag:s21] =	ssyncadd.s32 $0xFFFFF000  }
0x1e3: {  	[hbm4b:s9+s20] =	stream.linear.scatter [tilespmem:s19], [sflag:$0x4], $0x1000, $0x38;
	[tilespmem:$0x1F180] =	vst v63  }
0x1e4: {  	_ =	swait.ge [sflag:s21], $0x1000  }
0x1e5: {  	s10 =	sld [smem:$0x7F9];
	_ =	sdelay $0x1  }
0x1e6: {  	s4 =	sadd.s32 $0x1, s4  }
0x1e7: {  	p0 =	sne.s32 s4, s10  }
.Ltmp2:
0x1e8: {  	_ = 	snop;
	(pc) =	sbr.rel @p0 .LBB2_1-.Ltmp2, $3  }
0x1e9: {  	_ =	sdelay $0x1  }
0x1ea: {  	[sflag:s21] =	ssyncset.done $0x0  }
0x1eb: {  	[sflag:s21] =	ssyncadd.s32 $0xFFFFF000  }
0x1ec: {  	_ =	sfence.sel $0x180000  }
0x1ed: {  	[bflag:$0x0] =	sbarrier.arrive $0xFFFF  }
0x1ee: {  	_ =	strace $0x9000004A  }
0x1ef: {  	s0 =	stileid.u32;
	[bflag:$0x2] =	sbarrier.arrive $0xFFFF  }
0x1f0: {  	p0 =	sne.s32 s0, $0x0;
	s0 =	rddreg [dreg:$0x3]  }
0x1f1: {  	s0 =	sadd.s32 @!p0 $0x100000, s0  }
0x1f2: {  	[sflag:s0] =	ssyncadd.tile.s32 @!p0 $0x1;
	_ =	shalt  }
.Lfunc_end2:
_tile_overlayer_lowered:
.L_overlay_start_2:
0x1f3: {  	(tag) =	ssettag $0x2  }
0x1f4: {  	s0 =	rddreg [dreg:$0x0];
	s2 =	stileid.u32  }
0x1f5: {  	s1 =	rddreg [dreg:$0x1];
	p0 =	sne.s32 s2, $0x0  }
0x1f6: {  	s3 =	rddreg [dreg:$0x2];
	[bflag:$0x3] =	sbarrier.arrive $0xFFFF;
	s2 =	simm.s32 @!p0 $0x1C04  }
0x1f7: {  	[timem:s3], [sflag:s2] =	dma.local @!p0 [hbm:s0], s1  }
0x1f8: {  	s0 =	simm.s32 @!p0 $0x4  }
0x1f9: {  	_ =	swait.ge @!p0 [sflag:s0], s1  }
0x1fa: {  	s1 =	ssub.s32 @!p0 $0x0, s1;
	[sflag:s0] =	ssyncset.done @!p0 $0x0  }
0x1fb: {  	[sflag:s0] =	ssyncadd.s32 @!p0 s1  }
0x1fc: {  	[bflag:$0x3] =	sbarrier.arrive $0xFFFF  }
0x1fd: {  	_ =	shalt  }

// kernel: kernel.17.cloned.1.call-start
scs
__scs_entry_jumppad:
0x0: {  	(pc) =	sbr.rel $0x88, $3  }
0x1: {  	(tag) =	ssettag $0x0;
	lr =	simm.s32 $0x1  }
0x2: {  	[smem:$0x3F97] =	sst lr;
	_ =	strace $0xD0000000  }
0x3: {  	_ = 	snop  }
0x4: {  	_ = 	snop  }
0x5: {  	_ = 	snop  }
0x6: {  	_ = 	snop  }
0x7: {  	_ = 	snop  }
__scs_overlays_trampoline_lowered:
0x8: {  	[smem:$0x3FA6] =	sst s0  }
0x9: {  	[smem:$0x3FA7] =	sst s1  }
0xa: {  	[smem:$0x3FA8] =	sst s2  }
0xb: {  	[smem:$0x3FA9] =	sst s3  }
0xc: {  	[smem:$0x3FAA] =	sst s4  }
0xd: {  	[smem:$0x3FAB] =	sst s5  }
0xe: {  	[smem:$0x3FAC] =	sst s6  }
0xf: {  	[smem:$0x3FAD] =	sst s7  }
0x10: {  	[smem:$0x3FAE] =	sst s8  }
0x11: {  	[smem:$0x3FAF] =	sst s9;
	s0 =	simm.s32 @!p0 $0x0  }
0x12: {  	s1 =	sld [smem:$0x3F95];
	s0 =	simm.s32 @p0 $0x1  }
0x13: {  	[smem:$0x3FB0] =	sst s0;
	s0 =	simm.s32 @!p1 $0x0  }
0x14: {  	s2 =	sld [smem:$0x3F94];
	s0 =	simm.s32 @p1 $0x1  }
0x15: {  	[smem:$0x3FB1] =	sst s0;
	s0 =	simm.s32 @!p2 $0x0  }
0x16: {  	s3 =	sld [smem:$0x3FDB];
	s0 =	simm.s32 @p2 $0x1  }
0x17: {  	s4 =	simm.s32 $0x1BF5;
	[smem:$0x3FB3] =	sst s0  }
0x18: {  	s0 =	sld [smem:$0x3F96];
	_ =	swait.ge [sflag:s4], $0x0  }
0x19: {  	s7 =	sld [smem:$0x3F97]  }
0x1a: {  	s8 =	sadd.s32 $0xFFFFE003, lr  }
0x1b: {  	s9 =	sadd.s32 $0xFFFFFEF7, lr;
	s5 =	simm.s32 $0xFFFFFFFF;
	p2 =	slt.u32 s8, $0xFFFFF086  }
0x1c: {  	p1 =	slt.u32 s9, $0xF7A;
	s5 =	simm.s32 @!p2 $0x0  }
0x1d: {  	s5 =	simm.s32 @p1 $0x1;
	p0 =	seq.s32 s7, s2  }
0x1e: {  	s7 =	smul.u32 @!p0 $0xF7A, s2;
	p2 =	seq.s32 @!p0 s5, $0x0  }
0x1f: {  	s9 =	smul.u32 $0xF7A, s1;
	s8 =	simm.s32 @!p0 $0x1BF5;
	p2 =	por !p2, p0  }
0x20: {  	[sflag:s8] =	ssyncset.s32 @!p0 $0xFFFFF086;
	s6 =	sadd.s32 @!p0 s3, s7;
	s7 =	simm.s32 @!p0 $0x108  }
0x21: {  	s3 =	sadd.s32 s3, s9;
	s6 =	sadd.s32 @!p0 $0x88, s6;
	s7 =	simm.s32 @p2 $0x1082  }
0x22: {  	[simem:s7], [sflag:s8] =	dma.local @!p0 [hbm:s6], $0xF7A  }
0x23: {  	s9 =	sor.u32 $0xD0000000, s2;
	s6 =	simm.s32 $0x108;
	_ =	swait.ge @!p0 [sflag:s8], $0x0  }
0x24: {  	s3 =	sadd.s32 $0x88, s3;
	s6 =	simm.s32 @!p1 $0x1082;
	[sflag:s4] =	ssyncset.s32 $0xFFFFF086  }
0x25: {  	[simem:s6], [sflag:s4] =	dma.local [hbm:s3], $0xF7A  }
0x26: {  	[smem:$0x3F97] =	sst s1;
	(tag) =	ssettag s2;
	_ =	strace s9  }
0x27: {  	s1 =	sld [smem:$0x3FA7]  }
0x28: {  	s2 =	sld [smem:$0x3FA8]  }
0x29: {  	s4 =	sld [smem:$0x3FAA]  }
0x2a: {  	p0 =	seq.s32 s5, $0x0;
	s5 =	sld [smem:$0x3FAB]  }
0x2b: {  	s6 =	sld [smem:$0x3FAC]  }
0x2c: {  	s7 =	sld [smem:$0x3FAD]  }
0x2d: {  	s3 =	simm.s32 $0x108;
	s8 =	sld [smem:$0x3FAE]  }
0x2e: {  	s3 =	simm.s32 @!p0 $0x1082;
	s9 =	sld [smem:$0x3FAF]  }
0x2f: {  	lr =	sadd.s32 s0, s3;
	s0 =	sld [smem:$0x3FA6]  }
0x30: {  	s3 =	sld [smem:$0x3FA9]  }
0x31: {  	[smem:$0x3FB2] =	sst s10  }
0x32: {  	s10 =	sld [smem:$0x3FB0];
	_ =	sdelay $0x3  }
0x33: {  	p0 =	seq.s32 s10, $0x1;
	s10 =	sld [smem:$0x3FB2];
	_ =	sdelay $0x3  }
0x34: {  	[smem:$0x3FB2] =	sst s10  }
0x35: {  	s10 =	sld [smem:$0x3FB1];
	_ =	sdelay $0x3  }
0x36: {  	p1 =	seq.s32 s10, $0x1;
	s10 =	sld [smem:$0x3FB2];
	_ =	sdelay $0x3  }
0x37: {  	[smem:$0x3FB2] =	sst s10  }
0x38: {  	s10 =	sld [smem:$0x3FB3]  }
0x39: {  	_ = 	snop;
	(pc) =	sbr.ind lr, $3  }
0x3a: {  	_ = 	snop  }
0x3b: {  	_ = 	snop  }
0x3c: {  	p2 =	seq.s32 s10, $0x1;
	s10 =	sld [smem:$0x3FB2]  }
0x3d: {  	_ =	shalt  }
0x3e: {  	_ =	shalt  }
0x3f: {  	_ =	shalt  }
0x40: {  	_ =	shalt  }
0x41: {  	_ =	shalt  }
0x42: {  	_ =	shalt  }
0x43: {  	_ =	shalt  }
0x44: {  	_ =	shalt  }
0x45: {  	_ =	shalt  }
0x46: {  	_ =	shalt  }
0x47: {  	_ =	shalt  }
0x48: {  	_ =	shalt  }
0x49: {  	_ =	shalt  }
0x4a: {  	_ =	shalt  }
0x4b: {  	_ =	shalt  }
0x4c: {  	_ =	shalt  }
0x4d: {  	_ =	shalt  }
0x4e: {  	_ =	shalt  }
0x4f: {  	_ =	shalt  }
0x50: {  	_ =	shalt  }
0x51: {  	_ =	shalt  }
0x52: {  	_ =	shalt  }
0x53: {  	_ =	shalt  }
0x54: {  	_ =	shalt  }
0x55: {  	_ =	shalt  }
0x56: {  	_ =	shalt  }
0x57: {  	_ =	shalt  }
0x58: {  	_ =	shalt  }
0x59: {  	_ =	shalt  }
0x5a: {  	_ =	shalt  }
0x5b: {  	_ =	shalt  }
0x5c: {  	_ =	shalt  }
0x5d: {  	_ =	shalt  }
0x5e: {  	_ =	shalt  }
0x5f: {  	_ =	shalt  }
0x60: {  	_ =	shalt  }
0x61: {  	_ =	shalt  }
0x62: {  	_ =	shalt  }
0x63: {  	_ =	shalt  }
0x64: {  	_ =	shalt  }
0x65: {  	_ =	shalt  }
0x66: {  	_ =	shalt  }
0x67: {  	_ =	shalt  }
0x68: {  	_ =	shalt  }
0x69: {  	_ =	shalt  }
0x6a: {  	_ =	shalt  }
0x6b: {  	_ =	shalt  }
0x6c: {  	_ =	shalt  }
0x6d: {  	_ =	shalt  }
0x6e: {  	_ =	shalt  }
0x6f: {  	_ =	shalt  }
0x70: {  	_ =	shalt  }
0x71: {  	_ =	shalt  }
0x72: {  	_ =	shalt  }
0x73: {  	_ =	shalt  }
0x74: {  	_ =	shalt  }
0x75: {  	_ =	shalt  }
0x76: {  	_ =	shalt  }
0x77: {  	_ =	shalt  }
0x78: {  	_ =	shalt  }
0x79: {  	_ =	shalt  }
0x7a: {  	_ =	shalt  }
0x7b: {  	_ =	shalt  }
0x7c: {  	_ =	shalt  }
0x7d: {  	_ =	shalt  }
0x7e: {  	_ =	shalt  }
0x7f: {  	_ =	shalt  }
0x80: {  	_ =	shalt  }
0x81: {  	_ =	shalt  }
0x82: {  	_ =	shalt  }
0x83: {  	_ =	shalt  }
0x84: {  	_ =	shalt  }
0x85: {  	_ =	shalt  }
0x86: {  	_ =	shalt  }
0x87: {  	_ =	shalt  }
.Lfunc_end0:
.L_simem_size_0:
called_computation.2_lowered:
.L_overlay_start_0:
0x88: {  	s2 =	sld [smem:$0x3FD9]  }
0x89: {  	s3 =	sld [smem:$0x3FFE];
	_ =	sdelay $0x1  }
0x8a: {  	s1 =	srdreg.scid  }
0x8b: {  	s0 =	sand.u32 $0x1, s1  }
0x8c: {  	s17 =	sshll.u32 s0, $0xA;
	s2 =	sadd.s32 s3, s2  }
0x8d: {  	s2 =	sadd.s32 s2, s17  }
0x8e: {  	[smem:$0x3FBE] =	sst s2  }
0x8f: {  	_ = 	snop  }
0x90: {  	s2 =	sld [smem:$0x3FD0];
	(tm) =	ssettm $0x1  }
0x91: {  	s18 =	sld [smem:$0x3FFB];
	_ =	sdelay $0x3  }
0x92: {  	_ =	strace s18  }
0x93: {  	s3 =	sld [smem:$0x3FFC];
	_ =	sdelay $0x3  }
0x94: {  	_ =	strace s3  }
0x95: {  	s3 =	sld [smem:$0x3FFD];
	_ =	sdelay $0x3  }
0x96: {  	_ =	strace s3  }
0x97: {  	_ =	strace $0x8FFFFFFF  }
0x98: {  	s19 =	sld [smem:$0x3FDB];
	_ =	sdelay $0x1  }
0x99: {  	s4 =	simm.s32 $_scs_section_size  }
0x9a: {  	s5 =	simm.s32 $_size__tile_overlayer_lowered;
	s6 =	simm.s32 $_tile_overlayer_lowered  }
0x9b: {  	s22 =	simm.s32 $0x1BFF;
	s21 =	sshll.u32 s6, $0x1;
	s3 =	sadd.s32 s4, s19  }
0x9c: {  	s7 =	simm.s32 $0x0;
	s20 =	sshll.u32 s5, $0x1;
	s5 =	sadd.s32 s21, s3  }
0x9d: {  	[timem:s7], [sflag:s22] =	dma.local [hbm:s5], s20  }
0x9e: {  	_ =	swait.ge [sflag:s22], s20  }
0x9f: {  	s4 =	ssub.s32 $0x0, s20;
	[sflag:s22] =	ssyncset.done $0x0  }
0xa0: {  	[sflag:s22] =	ssyncadd.s32 s4;
	_ =	sdelay $0x1  }
0xa1: {  	s23 =	simm.s32 $0x1B8B  }
0xa2: {  	_ =	swait.ge [sflag:s23], $0x1  }
0xa3: {  	[sflag:s23] =	ssyncset.done $0x0  }
0xa4: {  	s25 =	simm.s32 $0x1B8E;
	s24 =	sld [smem:$0x3FFE];
	[sflag:s23] =	ssyncadd.s32 $0xFFFFFFFF  }
0xa5: {  	s26 =	simm.s32 $execute0_lowered;
	[smem:$0x3FD2] =	sst s25  }
0xa6: {  	s5 =	sshll.u32 s26, $0x1;
	_ =	strace $0x8000004C;
	[dreg:$0x1] =	wrdreg $0xFFFFFFFF  }
0xa7: {  	s28 =	simm.s32 $_size_execute0_lowered;
	s3 =	sadd.s32 s3, s5;
	[dreg:$0x0] =	wrdreg $0x0  }
0xa8: {  	s5 =	sshll.u32 s28, $0x1;
	[dreg:$0x2] =	wrdreg s3  }
0xa9: {  	[dreg:$0x3] =	wrdreg s5  }
0xaa: {  	[dreg:$0x4] =	wrdreg $0xC0  }
0xab: {  	_ =	task [dreg:s7], $0x5FFFF  }
0xac: {  	[dreg:$0x1] =	wrdreg $0xFFFFFFFF  }
0xad: {  	[dreg:$0x0] =	wrdreg $0x60  }
0xae: {  	[dreg:$0x2] =	wrdreg s2  }
0xaf: {  	[dreg:$0x3] =	wrdreg s24  }
0xb0: {  	[dreg:$0x4] =	wrdreg $0xB1800  }
0xb1: {  	[dreg:$0x5] =	wrdreg $0x9  }
0xb2: {  	_ =	task.clear_ibuf [dreg:s7], $0x6FFFF;
	_ =	strace $0x9000004C  }
0xb3: {  	s29 =	simm.s32 $0x9;
	_ =	strace $0x8000004E  }
0xb4: {  	_ =	swait.ge [sflag:s29], $0x1  }
0xb5: {  	[sflag:s29] =	ssyncadd.s32 $0xFFFFFFFF  }
0xb6: {  	_ =	strace $0x9000004E  }
0xb7: {  	_ =	sfence  }
0xb8: {  	s30 =	sld [smem:$0x0];
	_ =	sdelay $0x2  }
0xb9: {  	s31 =	sshll.u32 s1, $0xD;
	s1 =	sshrl.u32 s1, $0x2  }
0xba: {  	s3 =	sand.u32 $0x4000, s31;
	s1 =	sadd.s32 s1, s30  }
0xbb: {  	s0 =	sor.u32 s3, s0;
	s1 =	sshll.u32 s1, $0x11  }
0xbc: {  	s0 =	sor.u32 s1, s0  }
0xbd: {  	s0 =	sadd.s32 $0x8F2B, s0  }
0xbe: {  	[sflag:s0] =	ssyncadd.remote.s32 $0x1  }
0xbf: {  	_ =	sfence.sel $0xFFFF  }
0xc0: {  	[dreg:$0x0] =	wrdreg $0xFFFFFFFF;
	(pc) =	sbr.abs _section_cstart, $3  }
0xc1: {  	[dreg:$0x1] =	wrdreg $0xFFFFFFFF  }
0xc2: {  	_ =	task.clear_ibuf [dreg:s7], $0x2FFFF;
	_ =	strace $0x9FFFFFFF  }
0xc3: {  	(tm) =	ssettm $0x7FFFFFFF  }
tec
execute0_lowered:
.L_overlay_start_1:
0x0: {  	(tag) =	ssettag $0x1  }
0x1: {  	s29 =	stileid.u32  }
0x2: {  	s0 =	srdreg.scid;
	s1 =	smul.u32 $0x2800, s29  }
0x3: {  	s22 =	rddreg [dreg:$0x1];
	s14 =	sand.u32 $0x1, s0;
	s19 =	smul.u32 $0x14000, s29  }
0x4: {  	s23 =	sadd.s32 $0x16E00, s22;
	s0 =	smul.u32 $0x28000, s14;
	s2 =	ssub.s32 $0x2, s14  }
0x5: {  	s20 =	smul.u32 $0x140000, s14;
	s24 =	sshrl.u32 s2, $0x1;
	s3 =	sor.u32 $0x3000, s19  }
0x6: {  	s4 =	sadd.s32 $0x4000, s19;
	s5 =	sadd.s32 $0x5000, s19;
	s6 =	sadd.s32 $0x6000, s19  }
0x7: {  	s7 =	sadd.s32 $0x7000, s19;
	s8 =	sadd.s32 $0x8000, s19;
	s9 =	sadd.s32 $0x9000, s19  }
0x8: {  	s10 =	sadd.s32 $0xA000, s19;
	s11 =	sadd.s32 $0xB000, s19;
	s12 =	sadd.s32 $0xC000, s19  }
0x9: {  	s13 =	sadd.s32 $0xD000, s19;
	s14 =	sadd.s32 $0xE000, s19;
	s15 =	sadd.s32 $0xF000, s19  }
0xa: {  	s16 =	sadd.s32 $0x10000, s19;
	s17 =	sadd.s32 $0x11000, s19;
	s18 =	sadd.s32 $0x12000, s19  }
0xb: {  	s21 =	sadd.s32 s1, s0;
	s0 =	ssub.s32 s2, s24;
	s24 =	sadd.s32 s19, s20  }
0xc: {  	s1 =	sor.u32 $0x1000, s19;
	s2 =	sor.u32 $0x2000, s19;
	s24 =	sshrl.u32 s24, $0x3  }
0xd: {  	s19 =	sadd.s32 $0x13000, s19;
	s25 =	sadd.s32 s20, s1;
	s24 =	sadd.s32 s23, s24  }
0xe: {  	s26 =	sadd.s32 s20, s2;
	s25 =	sshrl.u32 s25, $0x3;
	[dreg:$0x4] =	wrdreg s24  }
0xf: {  	s24 =	sadd.s32 s23, s25;
	s25 =	sshrl.u32 s26, $0x3;
	s26 =	sadd.s32 s20, s3  }
0x10: {  	[dreg:$0x5] =	wrdreg s24;
	s24 =	sadd.s32 s23, s25;
	s25 =	sshrl.u32 s26, $0x3  }
0x11: {  	s26 =	sadd.s32 s20, s4;
	[dreg:$0x6] =	wrdreg s24;
	s24 =	sadd.s32 s23, s25  }
0x12: {  	s25 =	sshrl.u32 s26, $0x3;
	s26 =	sadd.s32 s20, s5;
	[dreg:$0x7] =	wrdreg s24  }
0x13: {  	s24 =	sadd.s32 s23, s25;
	s25 =	sshrl.u32 s26, $0x3;
	s26 =	sadd.s32 s20, s6  }
0x14: {  	[dreg:$0x8] =	wrdreg s24;
	s24 =	sadd.s32 s23, s25;
	s25 =	sshrl.u32 s26, $0x3  }
0x15: {  	s26 =	sadd.s32 s20, s7;
	[dreg:$0x9] =	wrdreg s24;
	s24 =	sadd.s32 s23, s25  }
0x16: {  	s25 =	sshrl.u32 s26, $0x3;
	s26 =	sadd.s32 s20, s8;
	[dreg:$0xa] =	wrdreg s24  }
0x17: {  	s24 =	sadd.s32 s23, s25;
	s25 =	sshrl.u32 s26, $0x3;
	s26 =	sadd.s32 s20, s9  }
0x18: {  	[dreg:$0xb] =	wrdreg s24;
	s24 =	sadd.s32 s23, s25;
	s25 =	sshrl.u32 s26, $0x3  }
0x19: {  	s26 =	sadd.s32 s20, s10;
	[dreg:$0xc] =	wrdreg s24;
	s24 =	sadd.s32 s23, s25  }
0x1a: {  	s25 =	sshrl.u32 s26, $0x3;
	s26 =	sadd.s32 s20, s11;
	[dreg:$0xd] =	wrdreg s24  }
0x1b: {  	s24 =	sadd.s32 s23, s25;
	s25 =	sshrl.u32 s26, $0x3;
	s26 =	sadd.s32 s20, s12  }
0x1c: {  	[dreg:$0xe] =	wrdreg s24;
	s24 =	sadd.s32 s23, s25;
	s25 =	sshrl.u32 s26, $0x3  }
0x1d: {  	s26 =	sadd.s32 s20, s13;
	[dreg:$0xf] =	wrdreg s24;
	s24 =	sadd.s32 s23, s25  }
0x1e: {  	s25 =	sshrl.u32 s26, $0x3;
	s26 =	sadd.s32 s20, s14;
	[dreg:$0x10] =	wrdreg s24  }
0x1f: {  	s24 =	sadd.s32 s23, s25;
	s25 =	sshrl.u32 s26, $0x3;
	s26 =	sadd.s32 s20, s15  }
0x20: {  	[dreg:$0x11] =	wrdreg s24;
	s24 =	sadd.s32 s23, s25;
	s25 =	sshrl.u32 s26, $0x3  }
0x21: {  	s26 =	sadd.s32 s20, s16;
	[dreg:$0x12] =	wrdreg s24;
	s24 =	sadd.s32 s23, s25  }
0x22: {  	s25 =	sshrl.u32 s26, $0x3;
	s26 =	sadd.s32 s20, s17;
	[dreg:$0x13] =	wrdreg s24  }
0x23: {  	s24 =	sadd.s32 s23, s25;
	s25 =	sshrl.u32 s26, $0x3;
	s26 =	sadd.s32 s20, s18  }
0x24: {  	s20 =	sadd.s32 s20, s19;
	[dreg:$0x14] =	wrdreg s24;
	s24 =	sadd.s32 s23, s25  }
0x25: {  	s25 =	sshrl.u32 s26, $0x3;
	s26 =	sshrl.u32 s20, $0x3;
	s20 =	simm.s32 $0x0  }
0x26: {  	[dreg:$0x15] =	wrdreg s24;
	s24 =	sadd.s32 s23, s25;
	s23 =	sadd.s32 s23, s26  }
0x27: {  	[smem:$0x7FF] =	sst s20;
	s25 =	sshrl.u32 s21, $0x3;
	s26 =	sor.u32 $0x230, s21  }
0x28: {  	[dreg:$0x16] =	wrdreg s24;
	s24 =	sadd.s32 s25, s22;
	s22 =	sadd.s32 $0x2E00, s22  }
0x29: {  	[dreg:$0x17] =	wrdreg s23;
	s31 =	sadd.s32 s22, s25;
	s25 =	sshrl.u32 s26, $0x3  }
0x2a: {  	s26 =	sor.u32 $0x1E0, s21;
	s23 =	sadd.s32 s25, s22;
	s25 =	rddreg [dreg:$0x0]  }
0x2b: {  	s0 =	smax.u32 s0, $0x1;
	s28 =	sshrl.u32 s26, $0x3;
	s26 =	rddreg [dreg:$0x2]  }
0x2c: {  	_ =	strace $0x8000004D;
	[smem:$0x7F9] =	sst s0  }
0x2d: {  	[dreg:$0x18] =	wrdreg s31;
	s1 =	sadd.s32 s1, s26  }
0x2e: {  	s30 =	smul.u32 $0x50000, s29;
	s2 =	sadd.s32 s2, s26;
	[dreg:$0x1a] =	wrdreg s1  }
0x2f: {  	s21 =	sor.u32 $0x190, s21;
	s3 =	sadd.s32 s3, s26;
	[dreg:$0x1b] =	wrdreg s2  }
0x30: {  	s21 =	sshrl.u32 s21, $0x3;
	s4 =	sadd.s32 s4, s26;
	[dreg:$0x1c] =	wrdreg s3  }
0x31: {  	s0 =	simm.s32 $0x7980;
	s5 =	sadd.s32 s5, s26;
	[dreg:$0x1d] =	wrdreg s4  }
0x32: {  	s28 =	sadd.s32 s28, s22;
	s6 =	sadd.s32 s6, s26;
	[dreg:$0x1e] =	wrdreg s5  }
0x33: {  	s29 =	sadd.s32 s21, s22;
	s9 =	sadd.s32 s9, s26;
	[dreg:$0x1f] =	wrdreg s6  }
0x34: {  	s22 =	sshrl.u32 s30, $0x2;
	s10 =	sadd.s32 s10, s26;
	[smem:$0x7F3] =	sst s9  }
0x35: {  	s7 =	sadd.s32 s7, s26;
	s11 =	sadd.s32 s11, s26;
	[smem:$0x7F4] =	sst s10  }
0x36: {  	s8 =	sadd.s32 s8, s26;
	s12 =	sadd.s32 s12, s26;
	[smem:$0x7F5] =	sst s11  }
0x37: {  	s13 =	sadd.s32 s13, s26;
	s30 =	simm.s32 $0x2880;
	[smem:$0x7F6] =	sst s12  }
0x38: {  	s21 =	sadd.s32 s22, s26;
	[smem:$0x7F7] =	sst s13;
	s11 =	sadd.s32 s14, s26  }
0x39: {  	s12 =	sadd.s32 s15, s26;
	s13 =	sadd.s32 s16, s26;
	s14 =	sadd.s32 s17, s26  }
0x3a: {  	s15 =	sadd.s32 s18, s26;
	s16 =	sadd.s32 s19, s26;
	s18 =	sadd.s32 $0xCE00, s24  }
0x3b: {  	s19 =	sadd.s32 $0xA, s31;
	s22 =	sadd.s32 $0x1E, s31;
	[dreg:$0x19] =	wrdreg s21  }
0x3c: {  	s24 =	sadd.s32 $0x28, s31;
	s17 =	simm.s32 $0x2800;
	[smem:$0x7F8] =	sst s18  }
0x3d: {  	s1 =	simm.s32 $0x2900;
	s2 =	simm.s32 $0x2;
	[smem:$0x7FA] =	sst s19  }
0x3e: {  	s3 =	simm.s32 $0x3;
	s4 =	simm.s32 $0x0;
	[smem:$0x7FC] =	sst s22  }
0x3f: {  	s21 =	sadd.s32 $0x14, s31;
	[smem:$0x7FD] =	sst s24;
	s19 =	simm.s32 $0xA180  }
0x40: {  	s18 =	simm.s32 $0x50;
	s22 =	simm.s32 $0x2980;
	s31 =	simm.s32 $0x5180  }
0x41: {  	v0 =	vimm.f32 $0.0e+00;
	s24 =	simm.s32 $0x1;
	[smem:$0x7FB] =	sst s21;
	s21 =	simm.s32 $0x4  }
.LBB2_1:
0x42: {  	s5 =	simm.s32 $0x0;
	s6 =	simm.s32 $0x200  }
.LBB2_2:
0x43: {  	p0 =	sne.s32 s6, $0x3E00;
	[tilespmem:s5+$0xA1F0] =	vst v0  }
0x44: {  	[tilespmem:s5+$0xA180] =	vst v0  }
0x45: {  	[tilespmem:s5+$0xA190] =	vst v0  }
.Ltmp0:
0x46: {  	[tilespmem:s5+$0xA1A0] =	vst v0;
	(pc) =	sbr.rel @p0 .LBB2_2-.Ltmp0, $4  }
0x47: {  	[tilespmem:s5+$0xA1B0] =	vst v0  }
0x48: {  	[tilespmem:s5+$0xA1C0] =	vst v0  }
0x49: {  	[tilespmem:s5+$0xA1D0] =	vst v0  }
0x4a: {  	[tilespmem:s5+$0xA1E0] =	vst v0;
	s5 =	sshra.s32 s6, $0x2;
	s6 =	sadd.s32 $0x200, s6  }
0x4b: {  	[tilespmem:s5+$0xA1F0] =	vst v0  }
0x4c: {  	[tilespmem:s5+$0xA180] =	vst v0  }
0x4d: {  	[tilespmem:s5+$0xA190] =	vst v0  }
0x4e: {  	[tilespmem:s5+$0xA1A0] =	vst v0  }
0x4f: {  	[tilespmem:s5+$0xA1B0] =	vst v0  }
0x50: {  	[tilespmem:s5+$0xA1C0] =	vst v0  }
0x51: {  	[tilespmem:s5+$0xA1D0] =	vst v0  }
0x52: {  	[tilespmem:s5+$0xA1E0] =	vst v0;
	s6 =	rddreg [dreg:$0x19]  }
0x53: {  	[spmem:s6] =	stream.linear.scatter [tilespmem:s19], [sflag:$0x4], $0x1000, $0x38;
	[tilespmem:$0x1F180] =	vst v63  }
0x54: {  	_ =	swait.ge [sflag:s21], $0x1000  }
0x55: {  	[sflag:s21] =	ssyncset.done $0x0  }
0x56: {  	s9 =	rddreg [dreg:$0x1a];
	[sflag:s21] =	ssyncadd.s32 $0xFFFFF000  }
0x57: {  	[spmem:s9] =	stream.linear.scatter [tilespmem:s19], [sflag:$0x4], $0x1000, $0x38;
	[tilespmem:$0x1F180] =	vst v63  }
0x58: {  	_ =	swait.ge [sflag:s21], $0x1000  }
0x59: {  	[sflag:s21] =	ssyncset.done $0x0  }
0x5a: {  	s10 =	rddreg [dreg:$0x1b];
	[sflag:s21] =	ssyncadd.s32 $0xFFFFF000  }
0x5b: {  	[spmem:s10] =	stream.linear.scatter [tilespmem:s19], [sflag:$0x4], $0x1000, $0x38;
	[tilespmem:$0x1F180] =	vst v63  }
0x5c: {  	_ =	swait.ge [sflag:s21], $0x1000  }
0x5d: {  	[sflag:s21] =	ssyncset.done $0x0  }
0x5e: {  	s6 =	rddreg [dreg:$0x1c];
	[sflag:s21] =	ssyncadd.s32 $0xFFFFF000  }
0x5f: {  	[spmem:s6] =	stream.linear.scatter [tilespmem:s19], [sflag:$0x4], $0x1000, $0x38;
	[tilespmem:$0x1F180] =	vst v63  }
0x60: {  	_ =	swait.ge [sflag:s21], $0x1000  }
0x61: {  	[sflag:s21] =	ssyncset.done $0x0  }
0x62: {  	s9 =	rddreg [dreg:$0x1d];
	[sflag:s21] =	ssyncadd.s32 $0xFFFFF000  }
0x63: {  	[spmem:s9] =	stream.linear.scatter [tilespmem:s19], [sflag:$0x4], $0x1000, $0x38;
	[tilespmem:$0x1F180] =	vst v63  }
0x64: {  	_ =	swait.ge [sflag:s21], $0x1000  }
0x65: {  	[sflag:s21] =	ssyncset.done $0x0  }
0x66: {  	s10 =	rddreg [dreg:$0x1e];
	[sflag:s21] =	ssyncadd.s32 $0xFFFFF000  }
0x67: {  	[spmem:s10] =	stream.linear.scatter [tilespmem:s19], [sflag:$0x4], $0x1000, $0x38;
	[tilespmem:$0x1F180] =	vst v63  }
0x68: {  	_ =	swait.ge [sflag:s21], $0x1000  }
0x69: {  	[sflag:s21] =	ssyncset.done $0x0  }
0x6a: {  	s6 =	rddreg [dreg:$0x1f];
	[sflag:s21] =	ssyncadd.s32 $0xFFFFF000  }
0x6b: {  	[spmem:s6] =	stream.linear.scatter [tilespmem:s19], [sflag:$0x4], $0x1000, $0x38;
	[tilespmem:$0x1F180] =	vst v63  }
0x6c: {  	_ =	swait.ge [sflag:s21], $0x1000  }
0x6d: {  	[sflag:s21] =	ssyncset.done $0x0  }
0x6e: {  	[sflag:s21] =	ssyncadd.s32 $0xFFFFF000  }
0x6f: {  	[spmem:s7] =	stream.linear.scatter [tilespmem:s19], [sflag:$0x4], $0x1000, $0x38;
	[tilespmem:$0x1F180] =	vst v63  }
0x70: {  	_ =	swait.ge [sflag:s21], $0x1000  }
0x71: {  	[sflag:s21] =	ssyncset.done $0x0  }
0x72: {  	[sflag:s21] =	ssyncadd.s32 $0xFFFFF000  }
0x73: {  	[spmem:s8] =	stream.linear.scatter [tilespmem:s19], [sflag:$0x4], $0x1000, $0x38;
	[tilespmem:$0x1F180] =	vst v63  }
0x74: {  	_ =	swait.ge [sflag:s21], $0x1000  }
0x75: {  	s10 =	smov.u32 s8;
	s8 =	sld [smem:$0x7F3]  }
0x76: {  	[sflag:s21] =	ssyncset.done $0x0  }
0x77: {  	[sflag:s21] =	ssyncadd.s32 $0xFFFFF000  }
0x78: {  	[spmem:s8] =	stream.linear.scatter [tilespmem:s19], [sflag:$0x4], $0x1000, $0x38;
	[tilespmem:$0x1F180] =	vst v63  }
0x79: {  	_ =	swait.ge [sflag:s21], $0x1000  }
0x7a: {  	s6 =	sld [smem:$0x7F4]  }
0x7b: {  	[sflag:s21] =	ssyncset.done $0x0  }
0x7c: {  	[sflag:s21] =	ssyncadd.s32 $0xFFFFF000  }
0x7d: {  	[spmem:s6] =	stream.linear.scatter [tilespmem:s19], [sflag:$0x4], $0x1000, $0x38;
	[tilespmem:$0x1F180] =	vst v63  }
0x7e: {  	_ =	swait.ge [sflag:s21], $0x1000  }
0x7f: {  	s9 =	smov.u32 s7;
	s7 =	sld [smem:$0x7F5]  }
0x80: {  	[sflag:s21] =	ssyncset.done $0x0  }
0x81: {  	[sflag:s21] =	ssyncadd.s32 $0xFFFFF000  }
0x82: {  	[spmem:s7] =	stream.linear.scatter [tilespmem:s19], [sflag:$0x4], $0x1000, $0x38;
	[tilespmem:$0x1F180] =	vst v63  }
0x83: {  	_ =	swait.ge [sflag:s21], $0x1000  }
0x84: {  	s8 =	sld [smem:$0x7F6]  }
0x85: {  	[sflag:s21] =	ssyncset.done $0x0  }
0x86: {  	[sflag:s21] =	ssyncadd.s32 $0xFFFFF000  }
0x87: {  	[spmem:s8] =	stream.linear.scatter [tilespmem:s19], [sflag:$0x4], $0x1000, $0x38;
	[tilespmem:$0x1F180] =	vst v63  }
0x88: {  	_ =	swait.ge [sflag:s21], $0x1000  }
0x89: {  	s6 =	sld [smem:$0x7F7]  }
0x8a: {  	[sflag:s21] =	ssyncset.done $0x0  }
0x8b: {  	[sflag:s21] =	ssyncadd.s32 $0xFFFFF000  }
0x8c: {  	[spmem:s6] =	stream.linear.scatter [tilespmem:s19], [sflag:$0x4], $0x1000, $0x38;
	[tilespmem:$0x1F180] =	vst v63  }
0x8d: {  	_ =	swait.ge [sflag:s21], $0x1000  }
0x8e: {  	[sflag:s21] =	ssyncset.done $0x0  }
0x8f: {  	[sflag:s21] =	ssyncadd.s32 $0xFFFFF000  }
0x90: {  	[spmem:s11] =	stream.linear.scatter [tilespmem:s19], [sflag:$0x4], $0x1000, $0x38;
	[tilespmem:$0x1F180] =	vst v63  }
0x91: {  	_ =	swait.ge [sflag:s21], $0x1000  }
0x92: {  	[sflag:s21] =	ssyncset.done $0x0  }
0x93: {  	[sflag:s21] =	ssyncadd.s32 $0xFFFFF000  }
0x94: {  	[spmem:s12] =	stream.linear.scatter [tilespmem:s19], [sflag:$0x4], $0x1000, $0x38;
	[tilespmem:$0x1F180] =	vst v63  }
0x95: {  	_ =	swait.ge [sflag:s21], $0x1000  }
0x96: {  	[sflag:s21] =	ssyncset.done $0x0  }
0x97: {  	[sflag:s21] =	ssyncadd.s32 $0xFFFFF000  }
0x98: {  	[spmem:s13] =	stream.linear.scatter [tilespmem:s19], [sflag:$0x4], $0x1000, $0x38;
	[tilespmem:$0x1F180] =	vst v63  }
0x99: {  	_ =	swait.ge [sflag:s21], $0x1000  }
0x9a: {  	[sflag:s21] =	ssyncset.done $0x0  }
0x9b: {  	[sflag:s21] =	ssyncadd.s32 $0xFFFFF000  }
0x9c: {  	[spmem:s14] =	stream.linear.scatter [tilespmem:s19], [sflag:$0x4], $0x1000, $0x38;
	[tilespmem:$0x1F180] =	vst v63  }
0x9d: {  	_ =	swait.ge [sflag:s21], $0x1000  }
0x9e: {  	[sflag:s21] =	ssyncset.done $0x0  }
0x9f: {  	[sflag:s21] =	ssyncadd.s32 $0xFFFFF000  }
0xa0: {  	[spmem:s15] =	stream.linear.scatter [tilespmem:s19], [sflag:$0x4], $0x1000, $0x38;
	[tilespmem:$0x1F180] =	vst v63  }
0xa1: {  	_ =	swait.ge [sflag:s21], $0x1000  }
0xa2: {  	[sflag:s21] =	ssyncset.done $0x0  }
0xa3: {  	[sflag:s21] =	ssyncadd.s32 $0xFFFFF000  }
0xa4: {  	[spmem:s16] =	stream.linear.scatter [tilespmem:s19], [sflag:$0x4], $0x1000, $0x38;
	[tilespmem:$0x1F180] =	vst v63  }
0xa5: {  	_ =	swait.ge [sflag:s21], $0x1000  }
0xa6: {  	s6 =	sld [smem:$0x7F8]  }
0xa7: {  	[sflag:s21] =	ssyncset.done $0x0  }
0xa8: {  	s5 =	simm.s32 $0x0;
	[sflag:s21] =	ssyncadd.s32 $0xFFFFF000  }
0xa9: {  	[tilespmem:s5], [sflag:$0x4] =	stream.linear.gather [hbm4b:s6+s5], $0x2800, $0x38;
	[tilespmem:$0x1F180] =	vst v63  }
0xaa: {  	_ =	swait.ge [sflag:s21], $0x2800  }
0xab: {  	[sflag:s21] =	ssyncset.done $0x0  }
0xac: {  	[sflag:s21] =	ssyncadd.s32 $0xFFFFD800  }
0xad: {  	[bflag:$0x0] =	sbarrier.arrive $0xFFFF  }
0xae: {  	s7 =	rddreg [dreg:$0x18]  }
0xaf: {  	[tilespmem:s17], [sflag:$0x2] =	stream.linear.gather [hbm4b:s7+s5], $0x50, $0x38;
	[tilespmem:$0x1F180] =	vst v63  }
0xb0: {  	s8 =	sld [smem:$0x7FA]  }
0xb1: {  	[tilespmem:s22], [sflag:$0x1] =	stream.indirect.gather [hbm4b:s25+s18], $0x80, s5, s18, $0xb8;
	[tilespmem:$0x1F180] =	vst v63  }
0xb2: {  	_ = 	snop  }
0xb3: {  	[tilespmem:s30], [sflag:$0x2] =	stream.linear.gather [hbm4b:s8+s5], $0x50, $0x38;
	[tilespmem:$0x1F180] =	vst v63  }
0xb4: {  	_ = 	snop  }
0xb5: {  	[tilespmem:s31], [sflag:$0x1] =	stream.indirect.gather [hbm4b:s25+s18], $0x80, s18, s18, $0xb8;
	[tilespmem:$0x1F180] =	vst v63  }
0xb6: {  	_ =	swait.ge [sflag:s24], $0x2800  }
0xb7: {  	[sflag:s24] =	ssyncset.done $0x0  }
0xb8: {  	s7 =	simm.s32 $0xA0;
	s8 =	sld [smem:$0x7FB];
	[sflag:s24] =	ssyncadd.s32 $0xFFFFD800  }
0xb9: {  	[tilespmem:s0], [sflag:$0x1] =	stream.indirect.gather [hbm4b:s25+s18], $0x80, s7, s18, $0xb8;
	[tilespmem:$0x1F180] =	vst v63  }
0xba: {  	_ = 	snop  }
0xbb: {  	[tilespmem:s1], [sflag:$0x2] =	stream.linear.gather [hbm4b:s8+s5], $0x50, $0x38;
	[tilespmem:$0x1F180] =	vst v63  }
0xbc: {  	_ =	swait.ge [sflag:s2], $0x50  }
0xbd: {  	[sflag:s2] =	ssyncset.done $0x0  }
0xbe: {  	[sflag:s2] =	ssyncadd.s32 $0xFFFFFFB0  }
0xbf: {  	[spmem:s26] =	stream.indirect.scatter.add.f32 [tilespmem:s22], [sflag:$0x3], $0x80, s17, s18, $0xb8;
	[tilespmem:$0x1F180] =	vst v63  }
0xc0: {  	_ =	swait.ge [sflag:s24], $0x2800  }
0xc1: {  	[sflag:s24] =	ssyncset.done $0x0  }
0xc2: {  	[sflag:s24] =	ssyncadd.s32 $0xFFFFD800  }
0xc3: {  	_ =	swait.ge [sflag:s3], $0x2800  }
0xc4: {  	[sflag:s3] =	ssyncset.done $0x0  }
0xc5: {  	s7 =	simm.s32 $0xF0;
	s8 =	sld [smem:$0x7FC];
	[sflag:s3] =	ssyncadd.s32 $0xFFFFD800  }
0xc6: {  	[tilespmem:s22], [sflag:$0x1] =	stream.indirect.gather [hbm4b:s25+s18], $0x80, s7, s18, $0xb8;
	[tilespmem:$0x1F180] =	vst v63  }
0xc7: {  	_ = 	snop  }
0xc8: {  	[tilespmem:s17], [sflag:$0x2] =	stream.linear.gather [hbm4b:s8+s5], $0x50, $0x38;
	[tilespmem:$0x1F180] =	vst v63  }
0xc9: {  	_ =	swait.ge [sflag:s2], $0x50  }
0xca: {  	[sflag:s2] =	ssyncset.done $0x0  }
0xcb: {  	[sflag:s2] =	ssyncadd.s32 $0xFFFFFFB0  }
0xcc: {  	[spmem:s26] =	stream.indirect.scatter.add.f32 [tilespmem:s31], [sflag:$0x3], $0x80, s30, s18, $0xb8;
	[tilespmem:$0x1F180] =	vst v63  }
0xcd: {  	_ =	swait.ge [sflag:s24], $0x2800  }
0xce: {  	[sflag:s24] =	ssyncset.done $0x0  }
0xcf: {  	[sflag:s24] =	ssyncadd.s32 $0xFFFFD800  }
0xd0: {  	_ =	swait.ge [sflag:s3], $0x2800  }
0xd1: {  	[sflag:s3] =	ssyncset.done $0x0  }
0xd2: {  	s7 =	simm.s32 $0x140;
	s8 =	sld [smem:$0x7FD];
	[sflag:s3] =	ssyncadd.s32 $0xFFFFD800  }
0xd3: {  	[tilespmem:s31], [sflag:$0x1] =	stream.indirect.gather [hbm4b:s25+s18], $0x80, s7, s18, $0xb8;
	[tilespmem:$0x1F180] =	vst v63  }
0xd4: {  	_ = 	snop  }
0xd5: {  	[tilespmem:s30], [sflag:$0x2] =	stream.linear.gather [hbm4b:s8+s5], $0x50, $0x38;
	[tilespmem:$0x1F180] =	vst v63  }
0xd6: {  	_ =	swait.ge [sflag:s2], $0x50  }
0xd7: {  	[sflag:s2] =	ssyncset.done $0x0  }
0xd8: {  	[sflag:s2] =	ssyncadd.s32 $0xFFFFFFB0  }
0xd9: {  	[spmem:s26] =	stream.indirect.scatter.add.f32 [tilespmem:s0], [sflag:$0x3], $0x80, s1, s18, $0xb8;
	[tilespmem:$0x1F180] =	vst v63  }
0xda: {  	_ =	swait.ge [sflag:s24], $0x2800  }
0xdb: {  	[sflag:s24] =	ssyncset.done $0x0  }
0xdc: {  	[sflag:s24] =	ssyncadd.s32 $0xFFFFD800  }
0xdd: {  	_ =	swait.ge [sflag:s3], $0x2800  }
0xde: {  	[sflag:s3] =	ssyncset.done $0x0  }
0xdf: {  	s6 =	simm.s32 $0x190;
	[sflag:s3] =	ssyncadd.s32 $0xFFFFD800  }
0xe0: {  	[tilespmem:s0], [sflag:$0x1] =	stream.indirect.gather [hbm4b:s25+s18], $0x80, s6, s18, $0xb8;
	[tilespmem:$0x1F180] =	vst v63  }
0xe1: {  	s7 =	sadd.s32 $0x0, s29  }
0xe2: {  	[tilespmem:s1], [sflag:$0x2] =	stream.linear.gather [hbm4b:s7+s20], $0x50, $0x38;
	[tilespmem:$0x1F180] =	vst v63  }
0xe3: {  	_ =	swait.ge [sflag:s2], $0x50  }
0xe4: {  	[sflag:s2] =	ssyncset.done $0x0  }
0xe5: {  	[sflag:s2] =	ssyncadd.s32 $0xFFFFFFB0  }
0xe6: {  	[spmem:s26] =	stream.indirect.scatter.add.f32 [tilespmem:s22], [sflag:$0x3], $0x80, s17, s18, $0xb8;
	[tilespmem:$0x1F180] =	vst v63  }
0xe7: {  	_ =	swait.ge [sflag:s24], $0x2800  }
0xe8: {  	[sflag:s24] =	ssyncset.done $0x0  }
0xe9: {  	[sflag:s24] =	ssyncadd.s32 $0xFFFFD800  }
0xea: {  	_ =	swait.ge [sflag:s3], $0x2800  }
0xeb: {  	[sflag:s3] =	ssyncset.done $0x0  }
0xec: {  	s8 =	simm.s32 $0x1E0;
	[sflag:s3] =	ssyncadd.s32 $0xFFFFD800  }
0xed: {  	[tilespmem:s22], [sflag:$0x1] =	stream.indirect.gather [hbm4b:s25+s18], $0x80, s8, s18, $0xb8;
	[tilespmem:$0x1F180] =	vst v63  }
0xee: {  	s6 =	sadd.s32 $0x0, s28  }
0xef: {  	[tilespmem:s17], [sflag:$0x2] =	stream.linear.gather [hbm4b:s6+s20], $0x50, $0x38;
	[tilespmem:$0x1F180] =	vst v63  }
0xf0: {  	_ =	swait.ge [sflag:s2], $0x50  }
0xf1: {  	[sflag:s2] =	ssyncset.done $0x0  }
0xf2: {  	[sflag:s2] =	ssyncadd.s32 $0xFFFFFFB0  }
0xf3: {  	[spmem:s26] =	stream.indirect.scatter.add.f32 [tilespmem:s31], [sflag:$0x3], $0x80, s30, s18, $0xb8;
	[tilespmem:$0x1F180] =	vst v63  }
0xf4: {  	_ =	swait.ge [sflag:s24], $0x2800  }
0xf5: {  	[sflag:s24] =	ssyncset.done $0x0  }
0xf6: {  	[sflag:s24] =	ssyncadd.s32 $0xFFFFD800  }
0xf7: {  	_ =	swait.ge [sflag:s3], $0x2800  }
0xf8: {  	[sflag:s3] =	ssyncset.done $0x0  }
0xf9: {  	s7 =	simm.s32 $0x230;
	[sflag:s3] =	ssyncadd.s32 $0xFFFFD800  }
0xfa: {  	[tilespmem:s31], [sflag:$0x1] =	stream.indirect.gather [hbm4b:s25+s18], $0x80, s7, s18, $0xb8;
	[tilespmem:$0x1F180] =	vst v63  }
0xfb: {  	s8 =	sadd.s32 $0x0, s23  }
0xfc: {  	[tilespmem:s30], [sflag:$0x2] =	stream.linear.gather [hbm4b:s8+s20], $0x50, $0x38;
	[tilespmem:$0x1F180] =	vst v63  }
0xfd: {  	_ =	swait.ge [sflag:s2], $0x50  }
0xfe: {  	[sflag:s2] =	ssyncset.done $0x0  }
0xff: {  	s5 =	simm.s32 $0x1E;
	s6 =	simm.s32 $0x320;
	[sflag:s2] =	ssyncadd.s32 $0xFFFFFFB0  }
.LBB2_4:
0x100: {  	[spmem:s26] =	stream.indirect.scatter.add.f32 [tilespmem:s0], [sflag:$0x3], $0x80, s1, s18, $0xb8;
	[tilespmem:$0x1F180] =	vst v63  }
0x101: {  	s7 =	smov.u32 s5  }
0x102: {  	p0 =	sne.s32 s5, $0x4B0;
	s5 =	sadd.s32 $0x1E, s5;
	_ =	swait.ge [sflag:s24], $0x2800  }
0x103: {  	[sflag:s24] =	ssyncset.done $0x0  }
0x104: {  	[sflag:s24] =	ssyncadd.s32 $0xFFFFD800  }
0x105: {  	_ =	swait.ge [sflag:s3], $0x2800  }
0x106: {  	[sflag:s3] =	ssyncset.done $0x0  }
0x107: {  	s8 =	sadd.s32 $0xFFFFFF60, s6;
	[sflag:s3] =	ssyncadd.s32 $0xFFFFD800  }
0x108: {  	[tilespmem:s0], [sflag:$0x1] =	stream.indirect.gather [hbm4b:s25+s18], $0x80, s8, s18, $0xb8;
	[tilespmem:$0x1F180] =	vst v63  }
0x109: {  	s8 =	sadd.s32 s7, s29  }
0x10a: {  	[tilespmem:s1], [sflag:$0x2] =	stream.linear.gather [hbm4b:s8+s20], $0x50, $0x38;
	[tilespmem:$0x1F180] =	vst v63  }
0x10b: {  	_ =	swait.ge [sflag:s2], $0x50  }
0x10c: {  	[sflag:s2] =	ssyncset.done $0x0  }
0x10d: {  	[sflag:s2] =	ssyncadd.s32 $0xFFFFFFB0  }
0x10e: {  	[spmem:s26] =	stream.indirect.scatter.add.f32 [tilespmem:s22], [sflag:$0x3], $0x80, s17, s18, $0xb8;
	[tilespmem:$0x1F180] =	vst v63  }
0x10f: {  	_ =	swait.ge [sflag:s24], $0x2800  }
0x110: {  	[sflag:s24] =	ssyncset.done $0x0  }
0x111: {  	[sflag:s24] =	ssyncadd.s32 $0xFFFFD800  }
0x112: {  	_ =	swait.ge [sflag:s3], $0x2800  }
0x113: {  	[sflag:s3] =	ssyncset.done $0x0  }
0x114: {  	s8 =	sadd.s32 $0xFFFFFFB0, s6;
	[sflag:s3] =	ssyncadd.s32 $0xFFFFD800  }
0x115: {  	[tilespmem:s22], [sflag:$0x1] =	stream.indirect.gather [hbm4b:s25+s18], $0x80, s8, s18, $0xb8;
	[tilespmem:$0x1F180] =	vst v63  }
0x116: {  	s8 =	sadd.s32 s7, s28  }
0x117: {  	[tilespmem:s17], [sflag:$0x2] =	stream.linear.gather [hbm4b:s8+s20], $0x50, $0x38;
	[tilespmem:$0x1F180] =	vst v63  }
0x118: {  	_ =	swait.ge [sflag:s2], $0x50  }
0x119: {  	[sflag:s2] =	ssyncset.done $0x0  }
0x11a: {  	[sflag:s2] =	ssyncadd.s32 $0xFFFFFFB0  }
0x11b: {  	[spmem:s26] =	stream.indirect.scatter.add.f32 [tilespmem:s31], [sflag:$0x3], $0x80, s30, s18, $0xb8;
	[tilespmem:$0x1F180] =	vst v63  }
0x11c: {  	_ =	swait.ge [sflag:s24], $0x2800  }
0x11d: {  	[sflag:s24] =	ssyncset.done $0x0  }
0x11e: {  	[sflag:s24] =	ssyncadd.s32 $0xFFFFD800  }
0x11f: {  	_ =	swait.ge [sflag:s3], $0x2800  }
0x120: {  	[sflag:s3] =	ssyncset.done $0x0  }
0x121: {  	[sflag:s3] =	ssyncadd.s32 $0xFFFFD800  }
0x122: {  	[tilespmem:s31], [sflag:$0x1] =	stream.indirect.gather [hbm4b:s25+s18], $0x80, s6, s18, $0xb8;
	[tilespmem:$0x1F180] =	vst v63  }
.Ltmp1:
0x123: {  	s7 =	sadd.s32 s7, s23;
	(pc) =	sbr.rel @p0 .LBB2_4-.Ltmp1, $4  }
0x124: {  	[tilespmem:s30], [sflag:$0x2] =	stream.linear.gather [hbm4b:s7+s20], $0x50, $0x38;
	[tilespmem:$0x1F180] =	vst v63  }
0x125: {  	_ =	swait.ge [sflag:s2], $0x50  }
0x126: {  	[sflag:s2] =	ssyncset.done $0x0  }
0x127: {  	s6 =	sadd.s32 $0xF0, s6;
	[sflag:s2] =	ssyncadd.s32 $0xFFFFFFB0  }
0x128: {  	[spmem:s26] =	stream.indirect.scatter.add.f32 [tilespmem:s0], [sflag:$0x3], $0x80, s1, s18, $0xb8;
	[tilespmem:$0x1F180] =	vst v63  }
0x129: {  	_ =	swait.ge [sflag:s24], $0x2800  }
0x12a: {  	[sflag:s24] =	ssyncset.done $0x0  }
0x12b: {  	[sflag:s24] =	ssyncadd.s32 $0xFFFFD800  }
0x12c: {  	_ =	swait.ge [sflag:s3], $0x2800  }
0x12d: {  	[sflag:s3] =	ssyncset.done $0x0  }
0x12e: {  	[sflag:s3] =	ssyncadd.s32 $0xFFFFD800  }
0x12f: {  	_ =	swait.ge [sflag:s2], $0x50  }
0x130: {  	[sflag:s2] =	ssyncset.done $0x0  }
0x131: {  	[sflag:s2] =	ssyncadd.s32 $0xFFFFFFB0  }
0x132: {  	[spmem:s26] =	stream.indirect.scatter.add.f32 [tilespmem:s22], [sflag:$0x3], $0x80, s17, s18, $0xb8;
	[tilespmem:$0x1F180] =	vst v63  }
0x133: {  	_ =	swait.ge [sflag:s24], $0x2800  }
0x134: {  	[sflag:s24] =	ssyncset.done $0x0  }
0x135: {  	[sflag:s24] =	ssyncadd.s32 $0xFFFFD800  }
0x136: {  	_ =	swait.ge [sflag:s3], $0x2800  }
0x137: {  	[sflag:s3] =	ssyncset.done $0x0  }
0x138: {  	[sflag:s3] =	ssyncadd.s32 $0xFFFFD800  }
0x139: {  	_ =	swait.ge [sflag:s2], $0x50  }
0x13a: {  	[sflag:s2] =	ssyncset.done $0x0  }
0x13b: {  	[sflag:s2] =	ssyncadd.s32 $0xFFFFFFB0  }
0x13c: {  	[spmem:s26] =	stream.indirect.scatter.add.f32 [tilespmem:s31], [sflag:$0x3], $0x80, s30, s18, $0xb8;
	[tilespmem:$0x1F180] =	vst v63  }
0x13d: {  	_ =	swait.ge [sflag:s3], $0x2800  }
0x13e: {  	[sflag:s3] =	ssyncset.done $0x0  }
0x13f: {  	[sflag:s3] =	ssyncadd.s32 $0xFFFFD800  }
0x140: {  	[bflag:$0x0] =	sbarrier.arrive $0xFFFF  }
0x141: {  	s5 =	rddreg [dreg:$0x19]  }
0x142: {  	[tilespmem:s19], [sflag:$0x4] =	stream.linear.gather [spmem:s5], $0x1000, $0x38;
	[tilespmem:$0x1F180] =	vst v63  }
0x143: {  	_ =	swait.ge [sflag:s21], $0x1000  }
0x144: {  	[sflag:s21] =	ssyncset.done $0x0  }
0x145: {  	s8 =	rddreg [dreg:$0x4];
	[sflag:s21] =	ssyncadd.s32 $0xFFFFF000  }
0x146: {  	[hbm4b:s8+s20] =	stream.linear.scatter [tilespmem:s19], [sflag:$0x4], $0x1000, $0x38;
	[tilespmem:$0x1F180] =	vst v63  }
0x147: {  	_ =	swait.ge [sflag:s21], $0x1000  }
0x148: {  	[sflag:s21] =	ssyncset.done $0x0  }
0x149: {  	s6 =	rddreg [dreg:$0x1a];
	[sflag:s21] =	ssyncadd.s32 $0xFFFFF000  }
0x14a: {  	[tilespmem:s19], [sflag:$0x4] =	stream.linear.gather [spmem:s6], $0x1000, $0x38;
	[tilespmem:$0x1F180] =	vst v63  }
0x14b: {  	_ =	swait.ge [sflag:s21], $0x1000  }
0x14c: {  	[sflag:s21] =	ssyncset.done $0x0  }
0x14d: {  	s7 =	rddreg [dreg:$0x5];
	[sflag:s21] =	ssyncadd.s32 $0xFFFFF000  }
0x14e: {  	[hbm4b:s7+s20] =	stream.linear.scatter [tilespmem:s19], [sflag:$0x4], $0x1000, $0x38;
	[tilespmem:$0x1F180] =	vst v63  }
0x14f: {  	_ =	swait.ge [sflag:s21], $0x1000  }
0x150: {  	[sflag:s21] =	ssyncset.done $0x0  }
0x151: {  	s8 =	rddreg [dreg:$0x1b];
	[sflag:s21] =	ssyncadd.s32 $0xFFFFF000  }
0x152: {  	[tilespmem:s19], [sflag:$0x4] =	stream.linear.gather [spmem:s8], $0x1000, $0x38;
	[tilespmem:$0x1F180] =	vst v63  }
0x153: {  	_ =	swait.ge [sflag:s21], $0x1000  }
0x154: {  	[sflag:s21] =	ssyncset.done $0x0  }
0x155: {  	s6 =	rddreg [dreg:$0x6];
	[sflag:s21] =	ssyncadd.s32 $0xFFFFF000  }
0x156: {  	[hbm4b:s6+s20] =	stream.linear.scatter [tilespmem:s19], [sflag:$0x4], $0x1000, $0x38;
	[tilespmem:$0x1F180] =	vst v63  }
0x157: {  	_ =	swait.ge [sflag:s21], $0x1000  }
0x158: {  	[sflag:s21] =	ssyncset.done $0x0  }
0x159: {  	s7 =	rddreg [dreg:$0x1c];
	[sflag:s21] =	ssyncadd.s32 $0xFFFFF000  }
0x15a: {  	[tilespmem:s19], [sflag:$0x4] =	stream.linear.gather [spmem:s7], $0x1000, $0x38;
	[tilespmem:$0x1F180] =	vst v63  }
0x15b: {  	_ =	swait.ge [sflag:s21], $0x1000  }
0x15c: {  	[sflag:s21] =	ssyncset.done $0x0  }
0x15d: {  	s8 =	rddreg [dreg:$0x7];
	[sflag:s21] =	ssyncadd.s32 $0xFFFFF000  }
0x15e: {  	[hbm4b:s8+s20] =	stream.linear.scatter [tilespmem:s19], [sflag:$0x4], $0x1000, $0x38;
	[tilespmem:$0x1F180] =	vst v63  }
0x15f: {  	_ =	swait.ge [sflag:s21], $0x1000  }
0x160: {  	[sflag:s21] =	ssyncset.done $0x0  }
0x161: {  	s6 =	rddreg [dreg:$0x1d];
	[sflag:s21] =	ssyncadd.s32 $0xFFFFF000  }
0x162: {  	[tilespmem:s19], [sflag:$0x4] =	stream.linear.gather [spmem:s6], $0x1000, $0x38;
	[tilespmem:$0x1F180] =	vst v63  }
0x163: {  	_ =	swait.ge [sflag:s21], $0x1000  }
0x164: {  	[sflag:s21] =	ssyncset.done $0x0  }
0x165: {  	s7 =	rddreg [dreg:$0x8];
	[sflag:s21] =	ssyncadd.s32 $0xFFFFF000  }
0x166: {  	[hbm4b:s7+s20] =	stream.linear.scatter [tilespmem:s19], [sflag:$0x4], $0x1000, $0x38;
	[tilespmem:$0x1F180] =	vst v63  }
0x167: {  	_ =	swait.ge [sflag:s21], $0x1000  }
0x168: {  	[sflag:s21] =	ssyncset.done $0x0  }
0x169: {  	s8 =	rddreg [dreg:$0x1e];
	[sflag:s21] =	ssyncadd.s32 $0xFFFFF000  }
0x16a: {  	[tilespmem:s19], [sflag:$0x4] =	stream.linear.gather [spmem:s8], $0x1000, $0x38;
	[tilespmem:$0x1F180] =	vst v63  }
0x16b: {  	_ =	swait.ge [sflag:s21], $0x1000  }
0x16c: {  	[sflag:s21] =	ssyncset.done $0x0  }
0x16d: {  	s6 =	rddreg [dreg:$0x9];
	[sflag:s21] =	ssyncadd.s32 $0xFFFFF000  }
0x16e: {  	[hbm4b:s6+s20] =	stream.linear.scatter [tilespmem:s19], [sflag:$0x4], $0x1000, $0x38;
	[tilespmem:$0x1F180] =	vst v63  }
0x16f: {  	_ =	swait.ge [sflag:s21], $0x1000  }
0x170: {  	[sflag:s21] =	ssyncset.done $0x0  }
0x171: {  	s7 =	rddreg [dreg:$0x1f];
	[sflag:s21] =	ssyncadd.s32 $0xFFFFF000  }
0x172: {  	[tilespmem:s19], [sflag:$0x4] =	stream.linear.gather [spmem:s7], $0x1000, $0x38;
	[tilespmem:$0x1F180] =	vst v63  }
0x173: {  	_ =	swait.ge [sflag:s21], $0x1000  }
0x174: {  	[sflag:s21] =	ssyncset.done $0x0  }
0x175: {  	s8 =	rddreg [dreg:$0xa];
	[sflag:s21] =	ssyncadd.s32 $0xFFFFF000  }
0x176: {  	[hbm4b:s8+s20] =	stream.linear.scatter [tilespmem:s19], [sflag:$0x4], $0x1000, $0x38;
	[tilespmem:$0x1F180] =	vst v63  }
0x177: {  	_ =	swait.ge [sflag:s21], $0x1000  }
0x178: {  	[sflag:s21] =	ssyncset.done $0x0  }
0x179: {  	[sflag:s21] =	ssyncadd.s32 $0xFFFFF000  }
0x17a: {  	[tilespmem:s19], [sflag:$0x4] =	stream.linear.gather [spmem:s9], $0x1000, $0x38;
	[tilespmem:$0x1F180] =	vst v63  }
0x17b: {  	_ =	swait.ge [sflag:s21], $0x1000  }
0x17c: {  	[sflag:s21] =	ssyncset.done $0x0  }
0x17d: {  	s7 =	smov.u32 s9;
	s9 =	rddreg [dreg:$0xb];
	[sflag:s21] =	ssyncadd.s32 $0xFFFFF000  }
0x17e: {  	[hbm4b:s9+s20] =	stream.linear.scatter [tilespmem:s19], [sflag:$0x4], $0x1000, $0x38;
	[tilespmem:$0x1F180] =	vst v63  }
0x17f: {  	_ =	swait.ge [sflag:s21], $0x1000  }
0x180: {  	[sflag:s21] =	ssyncset.done $0x0  }
0x181: {  	[sflag:s21] =	ssyncadd.s32 $0xFFFFF000  }
0x182: {  	[tilespmem:s19], [sflag:$0x4] =	stream.linear.gather [spmem:s10], $0x1000, $0x38;
	[tilespmem:$0x1F180] =	vst v63  }
0x183: {  	_ =	swait.ge [sflag:s21], $0x1000  }
0x184: {  	[sflag:s21] =	ssyncset.done $0x0  }
0x185: {  	s6 =	rddreg [dreg:$0xc];
	[sflag:s21] =	ssyncadd.s32 $0xFFFFF000  }
0x186: {  	[hbm4b:s6+s20] =	stream.linear.scatter [tilespmem:s19], [sflag:$0x4], $0x1000, $0x38;
	[tilespmem:$0x1F180] =	vst v63  }
0x187: {  	_ =	swait.ge [sflag:s21], $0x1000  }
0x188: {  	s9 =	sld [smem:$0x7F3]  }
0x189: {  	[sflag:s21] =	ssyncset.done $0x0  }
0x18a: {  	[sflag:s21] =	ssyncadd.s32 $0xFFFFF000  }
0x18b: {  	[tilespmem:s19], [sflag:$0x4] =	stream.linear.gather [spmem:s9], $0x1000, $0x38;
	[tilespmem:$0x1F180] =	vst v63  }
0x18c: {  	_ =	swait.ge [sflag:s21], $0x1000  }
0x18d: {  	[sflag:s21] =	ssyncset.done $0x0  }
0x18e: {  	s8 =	smov.u32 s10;
	s10 =	rddreg [dreg:$0xd];
	[sflag:s21] =	ssyncadd.s32 $0xFFFFF000  }
0x18f: {  	[hbm4b:s10+s20] =	stream.linear.scatter [tilespmem:s19], [sflag:$0x4], $0x1000, $0x38;
	[tilespmem:$0x1F180] =	vst v63  }
0x190: {  	_ =	swait.ge [sflag:s21], $0x1000  }
0x191: {  	s6 =	sld [smem:$0x7F4]  }
0x192: {  	[sflag:s21] =	ssyncset.done $0x0  }
0x193: {  	[sflag:s21] =	ssyncadd.s32 $0xFFFFF000  }
0x194: {  	[tilespmem:s19], [sflag:$0x4] =	stream.linear.gather [spmem:s6], $0x1000, $0x38;
	[tilespmem:$0x1F180] =	vst v63  }
0x195: {  	_ =	swait.ge [sflag:s21], $0x1000  }
0x196: {  	[sflag:s21] =	ssyncset.done $0x0  }
0x197: {  	s9 =	rddreg [dreg:$0xe];
	[sflag:s21] =	ssyncadd.s32 $0xFFFFF000  }
0x198: {  	[hbm4b:s9+s20] =	stream.linear.scatter [tilespmem:s19], [sflag:$0x4], $0x1000, $0x38;
	[tilespmem:$0x1F180] =	vst v63  }
0x199: {  	_ =	swait.ge [sflag:s21], $0x1000  }
0x19a: {  	s10 =	sld [smem:$0x7F5]  }
0x19b: {  	[sflag:s21] =	ssyncset.done $0x0  }
0x19c: {  	[sflag:s21] =	ssyncadd.s32 $0xFFFFF000  }
0x19d: {  	[tilespmem:s19], [sflag:$0x4] =	stream.linear.gather [spmem:s10], $0x1000, $0x38;
	[tilespmem:$0x1F180] =	vst v63  }
0x19e: {  	_ =	swait.ge [sflag:s21], $0x1000  }
0x19f: {  	[sflag:s21] =	ssyncset.done $0x0  }
0x1a0: {  	s6 =	rddreg [dreg:$0xf];
	[sflag:s21] =	ssyncadd.s32 $0xFFFFF000  }
0x1a1: {  	[hbm4b:s6+s20] =	stream.linear.scatter [tilespmem:s19], [sflag:$0x4], $0x1000, $0x38;
	[tilespmem:$0x1F180] =	vst v63  }
0x1a2: {  	_ =	swait.ge [sflag:s21], $0x1000  }
0x1a3: {  	s9 =	sld [smem:$0x7F6]  }
0x1a4: {  	[sflag:s21] =	ssyncset.done $0x0  }
0x1a5: {  	[sflag:s21] =	ssyncadd.s32 $0xFFFFF000  }
0x1a6: {  	[tilespmem:s19], [sflag:$0x4] =	stream.linear.gather [spmem:s9], $0x1000, $0x38;
	[tilespmem:$0x1F180] =	vst v63  }
0x1a7: {  	_ =	swait.ge [sflag:s21], $0x1000  }
0x1a8: {  	[sflag:s21] =	ssyncset.done $0x0  }
0x1a9: {  	s10 =	rddreg [dreg:$0x10];
	[sflag:s21] =	ssyncadd.s32 $0xFFFFF000  }
0x1aa: {  	[hbm4b:s10+s20] =	stream.linear.scatter [tilespmem:s19], [sflag:$0x4], $0x1000, $0x38;
	[tilespmem:$0x1F180] =	vst v63  }
0x1ab: {  	_ =	swait.ge [sflag:s21], $0x1000  }
0x1ac: {  	s6 =	sld [smem:$0x7F7]  }
0x1ad: {  	[sflag:s21] =	ssyncset.done $0x0  }
0x1ae: {  	[sflag:s21] =	ssyncadd.s32 $0xFFFFF000  }
0x1af: {  	[tilespmem:s19], [sflag:$0x4] =	stream.linear.gather [spmem:s6], $0x1000, $0x38;
	[tilespmem:$0x1F180] =	vst v63  }
0x1b0: {  	_ =	swait.ge [sflag:s21], $0x1000  }
0x1b1: {  	[sflag:s21] =	ssyncset.done $0x0  }
0x1b2: {  	s9 =	rddreg [dreg:$0x11];
	[sflag:s21] =	ssyncadd.s32 $0xFFFFF000  }
0x1b3: {  	[hbm4b:s9+s20] =	stream.linear.scatter [tilespmem:s19], [sflag:$0x4], $0x1000, $0x38;
	[tilespmem:$0x1F180] =	vst v63  }
0x1b4: {  	_ =	swait.ge [sflag:s21], $0x1000  }
0x1b5: {  	[sflag:s21] =	ssyncset.done $0x0  }
0x1b6: {  	[sflag:s21] =	ssyncadd.s32 $0xFFFFF000  }
0x1b7: {  	[tilespmem:s19], [sflag:$0x4] =	stream.linear.gather [spmem:s11], $0x1000, $0x38;
	[tilespmem:$0x1F180] =	vst v63  }
0x1b8: {  	_ =	swait.ge [sflag:s21], $0x1000  }
0x1b9: {  	[sflag:s21] =	ssyncset.done $0x0  }
0x1ba: {  	s10 =	rddreg [dreg:$0x12];
	[sflag:s21] =	ssyncadd.s32 $0xFFFFF000  }
0x1bb: {  	[hbm4b:s10+s20] =	stream.linear.scatter [tilespmem:s19], [sflag:$0x4], $0x1000, $0x38;
	[tilespmem:$0x1F180] =	vst v63  }
0x1bc: {  	_ =	swait.ge [sflag:s21], $0x1000  }
0x1bd: {  	[sflag:s21] =	ssyncset.done $0x0  }
0x1be: {  	[sflag:s21] =	ssyncadd.s32 $0xFFFFF000  }
0x1bf: {  	[tilespmem:s19], [sflag:$0x4] =	stream.linear.gather [spmem:s12], $0x1000, $0x38;
	[tilespmem:$0x1F180] =	vst v63  }
0x1c0: {  	_ =	swait.ge [sflag:s21], $0x1000  }
0x1c1: {  	[sflag:s21] =	ssyncset.done $0x0  }
0x1c2: {  	s6 =	rddreg [dreg:$0x13];
	[sflag:s21] =	ssyncadd.s32 $0xFFFFF000  }
0x1c3: {  	[hbm4b:s6+s20] =	stream.linear.scatter [tilespmem:s19], [sflag:$0x4], $0x1000, $0x38;
	[tilespmem:$0x1F180] =	vst v63  }
0x1c4: {  	_ =	swait.ge [sflag:s21], $0x1000  }
0x1c5: {  	[sflag:s21] =	ssyncset.done $0x0  }
0x1c6: {  	[sflag:s21] =	ssyncadd.s32 $0xFFFFF000  }
0x1c7: {  	[tilespmem:s19], [sflag:$0x4] =	stream.linear.gather [spmem:s13], $0x1000, $0x38;
	[tilespmem:$0x1F180] =	vst v63  }
0x1c8: {  	_ =	swait.ge [sflag:s21], $0x1000  }
0x1c9: {  	[sflag:s21] =	ssyncset.done $0x0  }
0x1ca: {  	s9 =	rddreg [dreg:$0x14];
	[sflag:s21] =	ssyncadd.s32 $0xFFFFF000  }
0x1cb: {  	[hbm4b:s9+s20] =	stream.linear.scatter [tilespmem:s19], [sflag:$0x4], $0x1000, $0x38;
	[tilespmem:$0x1F180] =	vst v63  }
0x1cc: {  	_ =	swait.ge [sflag:s21], $0x1000  }
0x1cd: {  	[sflag:s21] =	ssyncset.done $0x0  }
0x1ce: {  	[sflag:s21] =	ssyncadd.s32 $0xFFFFF000  }
0x1cf: {  	[tilespmem:s19], [sflag:$0x4] =	stream.linear.gather [spmem:s14], $0x1000, $0x38;
	[tilespmem:$0x1F180] =	vst v63  }
0x1d0: {  	_ =	swait.ge [sflag:s21], $0x1000  }
0x1d1: {  	[sflag:s21] =	ssyncset.done $0x0  }
0x1d2: {  	s10 =	rddreg [dreg:$0x15];
	[sflag:s21] =	ssyncadd.s32 $0xFFFFF000  }
0x1d3: {  	[hbm4b:s10+s20] =	stream.linear.scatter [tilespmem:s19], [sflag:$0x4], $0x1000, $0x38;
	[tilespmem:$0x1F180] =	vst v63  }
0x1d4: {  	_ =	swait.ge [sflag:s21], $0x1000  }
0x1d5: {  	[sflag:s21] =	ssyncset.done $0x0  }
0x1d6: {  	[sflag:s21] =	ssyncadd.s32 $0xFFFFF000  }
0x1d7: {  	[tilespmem:s19], [sflag:$0x4] =	stream.linear.gather [spmem:s15], $0x1000, $0x38;
	[tilespmem:$0x1F180] =	vst v63  }
0x1d8: {  	_ =	swait.ge [sflag:s21], $0x1000  }
0x1d9: {  	[sflag:s21] =	ssyncset.done $0x0  }
0x1da: {  	s6 =	rddreg [dreg:$0x16];
	[sflag:s21] =	ssyncadd.s32 $0xFFFFF000  }
0x1db: {  	[hbm4b:s6+s20] =	stream.linear.scatter [tilespmem:s19], [sflag:$0x4], $0x1000, $0x38;
	[tilespmem:$0x1F180] =	vst v63  }
0x1dc: {  	_ =	swait.ge [sflag:s21], $0x1000  }
0x1dd: {  	[sflag:s21] =	ssyncset.done $0x0  }
0x1de: {  	[sflag:s21] =	ssyncadd.s32 $0xFFFFF000  }
0x1df: {  	[tilespmem:s19], [sflag:$0x4] =	stream.linear.gather [spmem:s16], $0x1000, $0x38;
	[tilespmem:$0x1F180] =	vst v63  }
0x1e0: {  	_ =	swait.ge [sflag:s21], $0x1000  }
0x1e1: {  	[sflag:s21] =	ssyncset.done $0x0  }
0x1e2: {  	s9 =	rddreg [dreg:$0x17];
	[sflag:s21] =	ssyncadd.s32 $0xFFFFF000  }
0x1e3: {  	[hbm4b:s9+s20] =	stream.linear.scatter [tilespmem:s19], [sflag:$0x4], $0x1000, $0x38;
	[tilespmem:$0x1F180] =	vst v63  }
0x1e4: {  	_ =	swait.ge [sflag:s21], $0x1000  }
0x1e5: {  	s10 =	sld [smem:$0x7F9];
	_ =	sdelay $0x1  }
0x1e6: {  	s4 =	sadd.s32 $0x1, s4  }
0x1e7: {  	p0 =	sne.s32 s4, s10  }
.Ltmp2:
0x1e8: {  	_ = 	snop;
	(pc) =	sbr.rel @p0 .LBB2_1-.Ltmp2, $3  }
0x1e9: {  	_ =	sdelay $0x1  }
0x1ea: {  	[sflag:s21] =	ssyncset.done $0x0  }
0x1eb: {  	[sflag:s21] =	ssyncadd.s32 $0xFFFFF000  }
0x1ec: {  	_ =	sfence.sel $0x180000  }
0x1ed: {  	[bflag:$0x0] =	sbarrier.arrive $0xFFFF  }
0x1ee: {  	_ =	strace $0x9000004D  }
0x1ef: {  	s0 =	stileid.u32;
	[bflag:$0x2] =	sbarrier.arrive $0xFFFF  }
0x1f0: {  	p0 =	sne.s32 s0, $0x0;
	s0 =	rddreg [dreg:$0x3]  }
0x1f1: {  	s0 =	sadd.s32 @!p0 $0x100000, s0  }
0x1f2: {  	[sflag:s0] =	ssyncadd.tile.s32 @!p0 $0x1;
	_ =	shalt  }
.Lfunc_end2:
_tile_overlayer_lowered:
.L_overlay_start_2:
0x1f3: {  	(tag) =	ssettag $0x2  }
0x1f4: {  	s0 =	rddreg [dreg:$0x0];
	s2 =	stileid.u32  }
0x1f5: {  	s1 =	rddreg [dreg:$0x1];
	p0 =	sne.s32 s2, $0x0  }
0x1f6: {  	s3 =	rddreg [dreg:$0x2];
	[bflag:$0x3] =	sbarrier.arrive $0xFFFF;
	s2 =	simm.s32 @!p0 $0x1C04  }
0x1f7: {  	[timem:s3], [sflag:s2] =	dma.local @!p0 [hbm:s0], s1  }
0x1f8: {  	s0 =	simm.s32 @!p0 $0x4  }
0x1f9: {  	_ =	swait.ge @!p0 [sflag:s0], s1  }
0x1fa: {  	s1 =	ssub.s32 @!p0 $0x0, s1;
	[sflag:s0] =	ssyncset.done @!p0 $0x0  }
0x1fb: {  	[sflag:s0] =	ssyncadd.s32 @!p0 s1  }
0x1fc: {  	[bflag:$0x3] =	sbarrier.arrive $0xFFFF  }
0x1fd: {  	_ =	shalt  }

</sc_bundles>
